<compile_context>
chip_gen: v7x
topology: tpu7x:2x2x1
jax: 0.10.2.dev20260603
libtpu: 0.0.44.dev20260713+nightly
codegen_flags: <defaults>
</compile_context>

<pallas_src>
import functools
import jax
import jax.numpy as jnp
from jax import lax
from jax.experimental import pallas as pl
from jax.experimental.pallas import tpu as pltpu
from jax.experimental.pallas import tpu_sc as plsc

N = 10000
E = 320000
H = 128
NC = 2
NS = 16
NW = NC * NS
K = 80
NCHUNK = (E // NW) // K
NACC = 10240
SLICE = NACC // NS

_SC_MESH = plsc.VectorSubcoreMesh(
    core_axis_name="c", subcore_axis_name="s", num_cores=NC, num_subcores=NS)


def _wid():
    return lax.axis_index("s") * NC + lax.axis_index("c")


def _fill_value(ref, rows, value):
    vals = jnp.full((16,), value, jnp.float32)
    def body(i, _):
        r = i // 8
        h = i % 8
        ref[r, pl.ds(h * 16, 16)] = vals
        return 0
    lax.fori_loop(0, rows * 8, body, 0)


def _zero_acc_slice(acc_sh, zbuf):
    sid = lax.axis_index("s")
    zrows = zbuf.shape[0]
    _fill_value(zbuf, zrows, 0.0)
    base = pl.multiple_of(sid * SLICE, 8)
    for j in range(SLICE // zrows):
        pltpu.sync_copy(zbuf, acc_sh.at[pl.ds(base + j * zrows, zrows)])


def _dump_acc_slice(acc_sh, dbuf, out_hbm):
    cid = lax.axis_index("c")
    sid = lax.axis_index("s")
    drows = dbuf.shape[0]
    base = pl.multiple_of(sid * SLICE, 8)
    obase = pl.multiple_of(cid * NACC + base, 8)
    for j in range(SLICE // drows):
        pltpu.sync_copy(acc_sh.at[pl.ds(base + j * drows, drows)], dbuf)
        pltpu.sync_copy(dbuf, out_hbm.at[pl.ds(obase + j * drows, drows)])


def _make_deg_kernel():
    @functools.partial(
        pl.kernel,
        out_type=jax.ShapeDtypeStruct((NC * NACC, 128), jnp.float32),
        mesh=_SC_MESH,
        scratch_types=[
            pltpu.VMEM((2, K), jnp.int32),
            pltpu.VMEM((K, 128), jnp.float32),
            pltpu.VMEM((64, 128), jnp.float32),
            pltpu.VMEM_SHARED((NACC, 128), jnp.float32),
        ],
    )
    def deg_kernel(ei_hbm, degp_hbm, idx_v, ones_v, zbuf, acc_sh):
        w = _wid()
        _zero_acc_slice(acc_sh, zbuf)
        _fill_value(ones_v, K, 1.0)
        plsc.subcore_barrier()

        def chunk(c, _):
            ebase = pl.multiple_of(w * (E // NW) + c * K, 8)
            pltpu.sync_copy(ei_hbm.at[pl.ds(ebase, K)], idx_v.at[0])
            pltpu.sync_copy(ei_hbm.at[pl.ds(E + ebase, K)], idx_v.at[1])
            pltpu.sync_copy(ones_v, acc_sh.at[idx_v.at[0]], add=True)
            pltpu.sync_copy(ones_v, acc_sh.at[idx_v.at[1]], add=True)
            return 0
        lax.fori_loop(0, NCHUNK, chunk, 0)

        plsc.subcore_barrier()
        _dump_acc_slice(acc_sh, zbuf, degp_hbm)

    return deg_kernel


def _make_nbr_kernel():
    @functools.partial(
        pl.kernel,
        out_type=jax.ShapeDtypeStruct((NC * NACC, 128), jnp.float32),
        mesh=_SC_MESH,
        scratch_types=[
            pltpu.VMEM((2, K), jnp.int32),
            pltpu.VMEM((K, 128), jnp.float32),
            pltpu.VMEM((K, 128), jnp.float32),
            pltpu.VMEM((64, 128), jnp.float32),
            pltpu.VMEM_SHARED((NACC, 128), jnp.float32),
            pltpu.SemaphoreType.DMA,
        ],
    )
    def nbr_kernel(ei_hbm, r1_hbm, accp_hbm, idx_v, rows0, rows1, zbuf,
                   acc_sh, sem):
        w = _wid()
        _zero_acc_slice(acc_sh, zbuf)
        plsc.subcore_barrier()

        def chunk(c, _):
            ebase = pl.multiple_of(w * (E // NW) + c * K, 8)
            pltpu.sync_copy(ei_hbm.at[pl.ds(ebase, K)], idx_v.at[0])
            pltpu.sync_copy(ei_hbm.at[pl.ds(E + ebase, K)], idx_v.at[1])
            cp0 = pltpu.async_copy(r1_hbm.at[idx_v.at[1]], rows0, sem)
            cp1 = pltpu.async_copy(r1_hbm.at[idx_v.at[0]], rows1, sem)
            cp0.wait()
            pltpu.sync_copy(rows0, acc_sh.at[idx_v.at[0]], add=True)
            cp1.wait()
            pltpu.sync_copy(rows1, acc_sh.at[idx_v.at[1]], add=True)
            return 0
        lax.fori_loop(0, NCHUNK, chunk, 0)

        plsc.subcore_barrier()
        _dump_acc_slice(acc_sh, zbuf, accp_hbm)

    return nbr_kernel


def _make_a3scat_kernel():
    @functools.partial(
        pl.kernel,
        out_type=jax.ShapeDtypeStruct((NC * NACC, 128), jnp.float32),
        mesh=_SC_MESH,
        scratch_types=[
            pltpu.VMEM((2, K), jnp.int32),
            pltpu.VMEM((K, 128), jnp.float32),
            pltpu.VMEM((64, 128), jnp.float32),
            pltpu.VMEM_SHARED((NACC, 128), jnp.float32),
        ],
    )
    def a3scat_kernel(ei_hbm, a3_hbm, zp_hbm, idx_v, rows, zbuf, acc_sh):
        w = _wid()
        _zero_acc_slice(acc_sh, zbuf)
        plsc.subcore_barrier()

        def chunk(c, _):
            ebase = pl.multiple_of(w * (E // NW) + c * K, 8)
            pltpu.sync_copy(ei_hbm.at[pl.ds(ebase, K)], idx_v.at[0])
            pltpu.sync_copy(ei_hbm.at[pl.ds(E + ebase, K)], idx_v.at[1])
            pltpu.sync_copy(a3_hbm.at[pl.ds(ebase, K)], rows)
            pltpu.sync_copy(rows, acc_sh.at[idx_v.at[0]], add=True)
            pltpu.sync_copy(rows, acc_sh.at[idx_v.at[1]], add=True)
            return 0
        lax.fori_loop(0, NCHUNK, chunk, 0)

        plsc.subcore_barrier()
        _dump_acc_slice(acc_sh, zbuf, zp_hbm)

    return a3scat_kernel


def _make_gath2_kernel():
    @functools.partial(
        pl.kernel,
        out_type=[jax.ShapeDtypeStruct((E, 128), jnp.float32),
                  jax.ShapeDtypeStruct((E, 128), jnp.float32)],
        mesh=_SC_MESH,
        scratch_types=[
            pltpu.VMEM((2, K), jnp.int32),
            pltpu.VMEM((K, 128), jnp.float32),
            pltpu.VMEM((K, 128), jnp.float32),
            pltpu.SemaphoreType.DMA,
        ],
    )
    def gath2_kernel(ei_hbm, t_hbm, outs_hbm, outd_hbm, idx_v, buf0, buf1,
                     sem):
        w = _wid()

        def chunk(c, _):
            ebase = pl.multiple_of(w * (E // NW) + c * K, 8)
            pltpu.sync_copy(ei_hbm.at[pl.ds(ebase, K)], idx_v.at[0])
            pltpu.sync_copy(ei_hbm.at[pl.ds(E + ebase, K)], idx_v.at[1])
            cp0 = pltpu.async_copy(t_hbm.at[idx_v.at[0]], buf0, sem)
            cp1 = pltpu.async_copy(t_hbm.at[idx_v.at[1]], buf1, sem)
            cp0.wait()
            pltpu.sync_copy(buf0, outs_hbm.at[pl.ds(ebase, K)])
            cp1.wait()
            pltpu.sync_copy(buf1, outd_hbm.at[pl.ds(ebase, K)])
            return 0
        lax.fori_loop(0, NCHUNK, chunk, 0)

    return gath2_kernel


KP = 80
NCHUNKP = (E // NW) // KP


def _make_gathp_kernel():
    @functools.partial(
        pl.kernel,
        out_type=[jax.ShapeDtypeStruct((E, 384), jnp.float32),
                  jax.ShapeDtypeStruct((E, 384), jnp.float32)],
        mesh=_SC_MESH,
        scratch_types=[
            pltpu.VMEM((2, KP), jnp.int32),
            pltpu.VMEM((KP, 384), jnp.float32),
            pltpu.VMEM((KP, 384), jnp.float32),
            pltpu.SemaphoreType.DMA,
        ],
    )
    def gathp_kernel(ei_hbm, t_hbm, outs_hbm, outd_hbm, idx_v, buf0, buf1,
                     sem):
        w = _wid()

        def chunk(c, _):
            ebase = pl.multiple_of(w * (E // NW) + c * KP, 8)
            pltpu.sync_copy(ei_hbm.at[pl.ds(ebase, KP)], idx_v.at[0])
            pltpu.sync_copy(ei_hbm.at[pl.ds(E + ebase, KP)], idx_v.at[1])
            cp0 = pltpu.async_copy(t_hbm.at[idx_v.at[0]], buf0, sem)
            cp1 = pltpu.async_copy(t_hbm.at[idx_v.at[1]], buf1, sem)
            cp0.wait()
            pltpu.sync_copy(buf0, outs_hbm.at[pl.ds(ebase, KP)])
            cp1.wait()
            pltpu.sync_copy(buf1, outd_hbm.at[pl.ds(ebase, KP)])
            return 0
        lax.fori_loop(0, NCHUNKP, chunk, 0)

    return gathp_kernel


def _make_gath6_kernel():
    @functools.partial(
        pl.kernel,
        out_type=[jax.ShapeDtypeStruct((E, 128), jnp.float32)
                  for _ in range(6)],
        mesh=_SC_MESH,
        scratch_types=[
            pltpu.VMEM((2, K), jnp.int32),
            pltpu.VMEM((K, 128), jnp.float32),
            pltpu.VMEM((K, 128), jnp.float32),
            pltpu.SemaphoreType.DMA,
        ],
    )
    def gath6_kernel(ei_hbm, ta_hbm, tb_hbm, tc_hbm, as_hbm, ad_hbm, bs_hbm,
                     bd_hbm, cs_hbm, cd_hbm, idx_v, buf0, buf1, sem):
        w = _wid()

        def chunk(c, _):
            ebase = pl.multiple_of(w * (E // NW) + c * K, 8)
            pltpu.sync_copy(ei_hbm.at[pl.ds(ebase, K)], idx_v.at[0])
            pltpu.sync_copy(ei_hbm.at[pl.ds(E + ebase, K)], idx_v.at[1])
            for t_hbm, os_hbm, od_hbm in ((ta_hbm, as_hbm, ad_hbm),
                                          (tb_hbm, bs_hbm, bd_hbm),
                                          (tc_hbm, cs_hbm, cd_hbm)):
                cp0 = pltpu.async_copy(t_hbm.at[idx_v.at[0]], buf0, sem)
                cp1 = pltpu.async_copy(t_hbm.at[idx_v.at[1]], buf1, sem)
                cp0.wait()
                pltpu.sync_copy(buf0, os_hbm.at[pl.ds(ebase, K)])
                cp1.wait()
                pltpu.sync_copy(buf1, od_hbm.at[pl.ds(ebase, K)])
            return 0
        lax.fori_loop(0, NCHUNK, chunk, 0)

    return gath6_kernel


def _node_mm_kernel(x_ref, won_ref, bon_ref, woff_ref, boff_ref, u_ref, v_ref):
    x = x_ref[...]
    u_ref[...] = x @ won_ref[...] + bon_ref[...]
    v_ref[...] = x @ woff_ref[...] + boff_ref[...]


def _dual_matmul(x, w_on, b_on, w_off, b_off, tile=1000):
    n = x.shape[0]
    d = x.shape[1]
    h = w_on.shape[1]
    grid = (n // tile,)
    return pl.pallas_call(
        _node_mm_kernel,
        grid=grid,
        in_specs=[
            pl.BlockSpec((tile, d), lambda i: (i, 0)),
            pl.BlockSpec((d, h), lambda i: (0, 0)),
            pl.BlockSpec((1, h), lambda i: (0, 0)),
            pl.BlockSpec((d, h), lambda i: (0, 0)),
            pl.BlockSpec((1, h), lambda i: (0, 0)),
        ],
        out_specs=[
            pl.BlockSpec((tile, h), lambda i: (i, 0)),
            pl.BlockSpec((tile, h), lambda i: (i, 0)),
        ],
        out_shape=[
            jax.ShapeDtypeStruct((n, h), jnp.float32),
            jax.ShapeDtypeStruct((n, h), jnp.float32),
        ],
    )(x, w_on, b_on[None, :], w_off, b_off[None, :])


def _p1q1r1_kernel(u_ref, v_ref, invdeg_ref, w2on_ref, w2off_ref,
                   q1h_ref, r1_ref):
    p1 = jax.nn.relu(u_ref[...] * invdeg_ref[...] + v_ref[...])
    q1h_ref[...] = (p1 @ w2on_ref[...]) * 0.5
    r1_ref[...] = p1 @ w2off_ref[...]


def _p1q1r1(u, v, invdeg, w2_on, w2_off, tile=1000):
    n, h = u.shape
    grid = (n // tile,)
    return pl.pallas_call(
        _p1q1r1_kernel,
        grid=grid,
        in_specs=[
            pl.BlockSpec((tile, h), lambda i: (i, 0)),
            pl.BlockSpec((tile, h), lambda i: (i, 0)),
            pl.BlockSpec((tile, h), lambda i: (i, 0)),
            pl.BlockSpec((h, h), lambda i: (0, 0)),
            pl.BlockSpec((h, h), lambda i: (0, 0)),
        ],
        out_specs=[
            pl.BlockSpec((tile, h), lambda i: (i, 0)),
            pl.BlockSpec((tile, h), lambda i: (i, 0)),
        ],
        out_shape=[
            jax.ShapeDtypeStruct((n, h), jnp.float32),
            jax.ShapeDtypeStruct((n, h), jnp.float32),
        ],
    )(u, v, invdeg, w2_on, w2_off)


def _stage2_kernel(gs_ref, gd_ref, b2on_ref, w3on_ref, b3on_ref, w3off_ref,
                   a3_ref, b3_ref):
    gs = gs_ref[...]
    gd = gd_ref[...]
    m = gs[:, 0:128] + gd[:, 0:128] + b2on_ref[...]
    u0 = (m + gs[:, 128:256]) * gs[:, 256:384]
    u1 = (m + gd[:, 128:256]) * gd[:, 256:384]
    g2 = (jax.nn.relu(u0) + jax.nn.relu(u1)) * 0.5
    a3_ref[...] = g2 @ w3off_ref[...]
    b3_ref[...] = g2 @ w3on_ref[...] + b3on_ref[...]


def _stage2(gs, gd, b2_on, w3_on, b3_on, w3_off, tile=2560):
    e = gs.shape[0]
    h = 128
    grid = (e // tile,)
    row = lambda i: (i, 0)
    fixed = lambda i: (0, 0)
    return pl.pallas_call(
        _stage2_kernel,
        grid=grid,
        in_specs=[
            pl.BlockSpec((tile, 384), row),
            pl.BlockSpec((tile, 384), row),
            pl.BlockSpec((1, h), fixed),
            pl.BlockSpec((h, h), fixed),
            pl.BlockSpec((1, h), fixed),
            pl.BlockSpec((h, h), fixed),
        ],
        out_specs=[
            pl.BlockSpec((tile, h), row),
            pl.BlockSpec((tile, h), row),
        ],
        out_shape=[
            jax.ShapeDtypeStruct((e, h), jnp.float32),
            jax.ShapeDtypeStruct((e, h), jnp.float32),
        ],
    )(gs, gd, b2_on[None, :], w3_on, b3_on[None, :], w3_off)


def _stage3_kernel(b3_ref, z3s_ref, z3d_ref, ws_ref, wd_ref, part_ref):
    i = pl.program_id(0)
    b3 = b3_ref[...]
    ws = ws_ref[...]
    wd = wd_ref[...]
    v0 = (b3 + z3s_ref[...]) * ws
    v1 = (b3 + z3d_ref[...]) * wd
    g3w = (jax.nn.relu(v0) + jax.nn.relu(v1)) * ((ws + wd) * 0.5)
    psum = jnp.sum(g3w.reshape(-1, 8, 128), axis=0)

    @pl.when(i == 0)
    def _():
        part_ref[...] = jnp.zeros_like(part_ref)
    part_ref[...] += psum


def _stage3(b3, z3s, z3d, gs, gd, tile=2560):
    e, h = b3.shape
    grid = (e // tile,)
    row = lambda i: (i, 0)
    wcol = lambda i: (i, 2)
    return pl.pallas_call(
        _stage3_kernel,
        grid=grid,
        in_specs=[
            pl.BlockSpec((tile, h), row),
            pl.BlockSpec((tile, h), row),
            pl.BlockSpec((tile, h), row),
            pl.BlockSpec((tile, h), wcol),
            pl.BlockSpec((tile, h), wcol),
        ],
        out_specs=pl.BlockSpec((8, h), lambda i: (0, 0)),
        out_shape=jax.ShapeDtypeStruct((8, h), jnp.float32),
    )(b3, z3s, z3d, gs, gd)


def kernel(x, edge_index, batch, w1_on, b1_on, w1_off, b1_off, w2_on, b2_on,
           w2_off, b2_off, w3_on, b3_on, w3_off, b3_off, wl1, bl1, wl2, bl2):
    n = x.shape[0]

    ei_flat = edge_index.reshape(-1)
    degp = _make_deg_kernel()(ei_flat)
    deg = degp[:N] + degp[NACC:NACC + N]
    invdeg = 1.0 / jnp.maximum(deg, 1.0)

    U, V = _dual_matmul(x, w1_on, b1_on, w1_off, b1_off)
    Q1h, R1 = _p1q1r1(U, V, invdeg, w2_on, w2_off)

    accp = _make_nbr_kernel()(ei_flat, R1)
    acc = accp[:N] + accp[NACC:NACC + N]
    z2 = deg * b2_off + (deg * R1 + acc) * 0.5

    packed = jnp.concatenate([Q1h, z2, invdeg], axis=1)
    Gs, Gd = _make_gathp_kernel()(ei_flat, packed)
    A3, B3 = _stage2(Gs, Gd, b2_on, w3_on, b3_on, w3_off)

    z3p = _make_a3scat_kernel()(ei_flat, A3)
    z3 = z3p[:N] + z3p[NACC:NACC + N] + deg * b3_off
    z3s, z3d = _make_gath2_kernel()(ei_flat, z3)

    parts = _stage3(B3, z3s, z3d, Gs, Gd)
    total = jnp.sum(parts, axis=0)
    g = (total / n)[None, :]

    h1 = jax.nn.relu(g @ wl1 + bl1)
    logits = h1 @ wl2 + bl2
    return jax.nn.log_softmax(logits, axis=-1)

# --- scband reference (transcript-rebuilt; emitter-appended) ---
"""Pipeline reference for scband-graph-conv-net-39642548142111 (READ-ONLY COPY).

The authoritative reference and input builder live on the scoring server;
editing this copy changes nothing except your own understanding.
"""

import jax, jax.numpy as jnp
import numpy as np

N = 10000
E = 320000
DF = 128
H = 128
C = 10


def _graph_conv(x3, edge_index, w_on, b_on, w_off, b_off, n):
    e = edge_index.shape[1]
    oc = w_on.shape[1]
    x_on = x3 @ w_on + b_on
    x_off = x3 @ w_off + b_off
    idx = edge_index.reshape(-1)
    z = jax.ops.segment_sum(x_off.reshape(-1, oc), idx, num_segments=n)
    deg = jax.ops.segment_sum(jnp.ones((2 * e,), jnp.float32), idx, num_segments=n)
    x_off_g = z[edge_index]
    deg_e = deg[edge_index]
    return (x_on + x_off_g) / deg_e[..., None]


def _propagate_mean(x3):
    return (x3 + x3[::-1]) / 2.0


def setup_inputs(seed: int = 0):
    key = jax.random.key(seed)
    ks = jax.random.split(key, 20)
    s = 0.05
    inp = {}
    inp['x'] = jax.random.normal(ks[0], (N, DF), dtype=jnp.float32)
    inp['edge_index'] = jax.random.randint(ks[1], (2, E), 0, N, dtype=jnp.int32)
    inp['batch'] = jnp.zeros((N,), dtype=jnp.int32)
    dims = [(DF, H), (H, H), (H, H)]
    for i, (di, do) in enumerate(dims, start=1):
        inp[f'w{i}_on'] = jax.random.normal(ks[2 + 4 * i], (di, do), dtype=jnp.float32) * s
        inp[f'b{i}_on'] = jnp.zeros((do,), dtype=jnp.float32)
        inp[f'w{i}_off'] = jax.random.normal(ks[3 + 4 * i], (di, do), dtype=jnp.float32) * s
        inp[f'b{i}_off'] = jnp.zeros((do,), dtype=jnp.float32)
    inp['wl1'] = jax.random.normal(ks[16], (H, H), dtype=jnp.float32) * s
    inp['bl1'] = jnp.zeros((H,), dtype=jnp.float32)
    inp['wl2'] = jax.random.normal(ks[17], (H, C), dtype=jnp.float32) * s
    inp['bl2'] = jnp.zeros((C,), dtype=jnp.float32)
    return inp


def reference(x, edge_index, batch, w1_on, b1_on, w1_off, b1_off, w2_on, b2_on, w2_off, b2_off, w3_on, b3_on, w3_off, b3_off, wl1, bl1, wl2, bl2):
    n = x.shape[0]
    h = x[edge_index]
    h = _graph_conv(h, edge_index, w1_on, b1_on, w1_off, b1_off, n)
    h = jax.nn.relu(h)
    h = _propagate_mean(h)
    for (wo, bo, wf, bf) in ((w2_on, b2_on, w2_off, b2_off), (w3_on, b3_on, w3_off, b3_off)):
        h = _graph_conv(h, edge_index, wo, bo, wf, bf, n)
        h = jax.nn.relu(h)
        h = _propagate_mean(h)
    d = h.shape[2]
    idx = edge_index.reshape(-1)
    ssum = jax.ops.segment_sum(h.reshape(-1, d), idx, num_segments=n)
    cnt = jax.ops.segment_sum(jnp.ones((idx.shape[0],), jnp.float32), idx, num_segments=n)
    xn = ssum / jnp.maximum(cnt, 1.0)[:, None]
    nb = 1
    gsum = jax.ops.segment_sum(xn, batch, num_segments=nb)
    gcnt = jax.ops.segment_sum(jnp.ones((n,), jnp.float32), batch, num_segments=nb)
    g = gsum / jnp.maximum(gcnt, 1.0)[:, None]
    h1 = jax.nn.relu(g @ wl1 + bl1)
    logits = h1 @ wl2 + bl2
    return jax.nn.log_softmax(logits, axis=-1)

if __name__ == "__main__":
    import jax
    _d = setup_inputs()
    print(jax.jit(kernel)(*tuple(_d.values())))

</pallas_src>

<mosaic_0001>
#map = affine_map<(d0, d1) -> (0)>
#map1 = affine_map<(d0, d1) -> (0, 0)>
module attributes {stable_mosaic.version = 14 : i64} {
  func.func @nbr_kernel(%arg0: i32, %arg1: i32, %arg2: memref<640000xi32, #tpu.memory_space<hbm>>, %arg3: memref<10000x128xf32, #tpu.memory_space<hbm>>, %arg4: memref<20480x128xf32, #tpu.memory_space<hbm>>, %arg5: memref<2x80xi32, #tpu.memory_space<vmem>>, %arg6: memref<80x128xf32, #tpu.memory_space<vmem>>, %arg7: memref<80x128xf32, #tpu.memory_space<vmem>>, %arg8: memref<64x128xf32, #tpu.memory_space<vmem>>, %arg9: memref<10240x128xf32, #tpu.memory_space<vmem_shared>>, %arg10: memref<!tpu.dma_semaphore, #tpu.memory_space<semaphore_mem>>) attributes {dimension_semantics = [#tpu.dimension_semantics<core_parallel>, #tpu.dimension_semantics<subcore_parallel>], iteration_bounds = array<i64: 2, 16>, scalar_prefetch = 0 : i64, scratch_operands = 6 : i64, tpu.core_type = #tpu.core_type<sc_vector_subcore>, window_params = [{transform_indices = #map}, {transform_indices = #map1}, {transform_indices = #map1}]} {
    %mul3A = arith.constant 2 : i32
    %mul3A_0 = arith.muli %arg1, %mul3A : i32
    %add3A = arith.addi %mul3A_0, %arg0 : i32
    %broadcast_in_dim3A = arith.constant 0.000000e+00 : f32
    %broadcast_in_dim3A_1 = vector.broadcast %broadcast_in_dim3A : f32 to vector<16xf32>
    %scan3A = arith.constant 0 : i32
    %scan3A_2 = arith.constant 0 : i32
    %scan3A_3 = arith.constant 512 : i32
    %scan3A_4 = arith.addi %scan3A_2, %scan3A_3 : i32
    %scan3A_5 = arith.constant 1 : i32
    %scan3A_6 = scf.for %scan3A_85 = %scan3A_2 to %scan3A_4 step %scan3A_5 iter_args(%scan3A_86 = %scan3A) -> (i32)  : i32 {
      %jit3A = arith.constant 8 : i32
      %div3A = arith.divsi %scan3A_85, %jit3A : i32
      %sign3A = arith.constant 0 : i32
      %sign3A_87 = arith.cmpi sgt, %scan3A_85, %sign3A : i32
      %sign3A_88 = arith.extui %sign3A_87 : i1 to i32
      %sign3A_89 = arith.constant 0 : i32
      %sign3A_90 = arith.cmpi slt, %scan3A_85, %sign3A_89 : i32
      %sign3A_91 = arith.extui %sign3A_90 : i1 to i32
      %sign3A_92 = arith.subi %sign3A_88, %sign3A_91 : i32
      %sign3A_93 = arith.constant 0 : i32
      %sign3A_94 = arith.cmpi sgt, %jit3A, %sign3A_93 : i32
      %sign3A_95 = arith.extui %sign3A_94 : i1 to i32
      %sign3A_96 = arith.constant 0 : i32
      %sign3A_97 = arith.cmpi slt, %jit3A, %sign3A_96 : i32
      %sign3A_98 = arith.extui %sign3A_97 : i1 to i32
      %sign3A_99 = arith.subi %sign3A_95, %sign3A_98 : i32
      %ne3A = arith.cmpi ne, %sign3A_92, %sign3A_99 : i32
      %rem3A = arith.remsi %scan3A_85, %jit3A : i32
      %ne3A_100 = arith.constant 0 : i32
      %ne3A_101 = arith.cmpi ne, %rem3A, %ne3A_100 : i32
      %and3A = arith.andi %ne3A, %ne3A_101 : i1
      %sub3A = arith.constant 1 : i32
      %sub3A_102 = arith.subi %div3A, %sub3A : i32
      %select_n3A = arith.select %and3A, %sub3A_102, %div3A : i32
      %jit3A_103 = arith.constant 8 : i32
      %eq3A = arith.constant 0 : i32
      %eq3A_104 = arith.cmpi eq, %jit3A_103, %eq3A : i32
      %jit3A_105 = arith.constant 1 : i32
      %select_n3A_106 = arith.select %eq3A_104, %jit3A_105, %jit3A_103 : i32
      %rem3A_107 = arith.remsi %scan3A_85, %select_n3A_106 : i32
      %ne3A_108 = arith.constant 0 : i32
      %ne3A_109 = arith.cmpi ne, %rem3A_107, %ne3A_108 : i32
      %lt3A = arith.constant 0 : i32
      %lt3A_110 = arith.cmpi slt, %rem3A_107, %lt3A : i32
      %lt3A_111 = arith.constant 0 : i32
      %lt3A_112 = arith.cmpi slt, %select_n3A_106, %lt3A_111 : i32
      %ne3A_113 = arith.xori %lt3A_110, %lt3A_112 : i1
      %and3A_114 = arith.andi %ne3A_113, %ne3A_109 : i1
      %add3A_115 = arith.addi %rem3A_107, %select_n3A_106 : i32
      %select_n3A_116 = arith.select %and3A_114, %add3A_115, %rem3A_107 : i32
      %mul3A_117 = arith.constant 16 : i32
      %mul3A_118 = arith.muli %select_n3A_116, %mul3A_117 : i32
      %swap3A = arith.index_cast %select_n3A : i32 to index
      %swap3A_119 = arith.index_cast %mul3A_118 : i32 to index
      %swap3A_120 = tpu.vector_load %arg8[%swap3A, %swap3A_119] {strides = array<i32>} : memref<64x128xf32, #tpu.memory_space<vmem>>, vector<1x16xf32>,
      %swap3A_121 = vector.shape_cast %swap3A_120 : vector<1x16xf32> to vector<16xf32>
      %swap3A_122 = vector.shape_cast %broadcast_in_dim3A_1 : vector<16xf32> to vector<1x16xf32>
      tpu.vector_store %arg8[%swap3A, %swap3A_119], %swap3A_122 {strides = array<i32>} : memref<64x128xf32, #tpu.memory_space<vmem>>, vector<1x16xf32>,
      %scan3A_123 = arith.constant 0 : i32
      scf.yield %scan3A_123 : i32
    }
    %scan3A_7 = arith.constant 512 : i32
    %mul3A_8 = arith.constant 640 : i32
    %mul3A_9 = arith.muli %arg1, %mul3A_8 : i32
    %multiple_of3A = tpu.assume_multiple %mul3A_9, 8 : i32
    %add3A_10 = arith.constant 0 : i32
    %add3A_11 = arith.addi %multiple_of3A, %add3A_10 : i32
    "tpu.region"() ({
      %run_scoped3A = tpu.sem_alloc : memref<!tpu.dma_semaphore, #tpu.memory_space<semaphore_mem>>
      %dma_start3A = arith.constant 0 : i32
      %dma_start3A_85 = tpu.memref_slice %arg9[%add3A_11, %dma_start3A] : memref<10240x128xf32, #tpu.memory_space<vmem_shared>> -> memref<64x128xf32, #tpu.memory_space<vmem_shared>>
      %dma_start3A_86 = arith.constant 0 : i32
      %dma_start3A_87 = tpu.memref_slice %arg9[%add3A_11, %dma_start3A_86] : memref<10240x128xf32, #tpu.memory_space<vmem_shared>> -> memref<64x128xf32, #tpu.memory_space<vmem_shared>>
      tpu.enqueue_dma source(%arg8 : memref<64x128xf32, #tpu.memory_space<vmem>>) target(%dma_start3A_87 : memref<64x128xf32, #tpu.memory_space<vmem_shared>>) target_semaphore(%run_scoped3A : memref<!tpu.dma_semaphore, #tpu.memory_space<semaphore_mem>>)
      %dma_wait3A = arith.constant 0 : i32
      %dma_wait3A_88 = tpu.memref_slice %arg9[%add3A_11, %dma_wait3A] : memref<10240x128xf32, #tpu.memory_space<vmem_shared>> -> memref<64x128xf32, #tpu.memory_space<vmem_shared>>
      %dma_wait3A_89 = arith.constant 0 : i32
      %dma_wait3A_90 = tpu.memref_slice %arg9[%add3A_11, %dma_wait3A_89] : memref<10240x128xf32, #tpu.memory_space<vmem_shared>> -> memref<64x128xf32, #tpu.memory_space<vmem_shared>>
      tpu.wait_dma2 semaphore(%run_scoped3A : memref<!tpu.dma_semaphore, #tpu.memory_space<semaphore_mem>>) src(%arg8 : memref<64x128xf32, #tpu.memory_space<vmem>>) dst(%dma_wait3A_90 : memref<64x128xf32, #tpu.memory_space<vmem_shared>>)
      tpu.yield
    }) : () -> ()
    %add3A_12 = arith.constant 64 : i32
    %add3A_13 = arith.addi %multiple_of3A, %add3A_12 : i32
    "tpu.region"() ({
      %run_scoped3A = tpu.sem_alloc : memref<!tpu.dma_semaphore, #tpu.memory_space<semaphore_mem>>
      %dma_start3A = arith.constant 0 : i32
      %dma_start3A_85 = tpu.memref_slice %arg9[%add3A_13, %dma_start3A] : memref<10240x128xf32, #tpu.memory_space<vmem_shared>> -> memref<64x128xf32, #tpu.memory_space<vmem_shared>>
      %dma_start3A_86 = arith.constant 0 : i32
      %dma_start3A_87 = tpu.memref_slice %arg9[%add3A_13, %dma_start3A_86] : memref<10240x128xf32, #tpu.memory_space<vmem_shared>> -> memref<64x128xf32, #tpu.memory_space<vmem_shared>>
      tpu.enqueue_dma source(%arg8 : memref<64x128xf32, #tpu.memory_space<vmem>>) target(%dma_start3A_87 : memref<64x128xf32, #tpu.memory_space<vmem_shared>>) target_semaphore(%run_scoped3A : memref<!tpu.dma_semaphore, #tpu.memory_space<semaphore_mem>>)
      %dma_wait3A = arith.constant 0 : i32
      %dma_wait3A_88 = tpu.memref_slice %arg9[%add3A_13, %dma_wait3A] : memref<10240x128xf32, #tpu.memory_space<vmem_shared>> -> memref<64x128xf32, #tpu.memory_space<vmem_shared>>
      %dma_wait3A_89 = arith.constant 0 : i32
      %dma_wait3A_90 = tpu.memref_slice %arg9[%add3A_13, %dma_wait3A_89] : memref<10240x128xf32, #tpu.memory_space<vmem_shared>> -> memref<64x128xf32, #tpu.memory_space<vmem_shared>>
      tpu.wait_dma2 semaphore(%run_scoped3A : memref<!tpu.dma_semaphore, #tpu.memory_space<semaphore_mem>>) src(%arg8 : memref<64x128xf32, #tpu.memory_space<vmem>>) dst(%dma_wait3A_90 : memref<64x128xf32, #tpu.memory_space<vmem_shared>>)
      tpu.yield
    }) : () -> ()
    %add3A_14 = arith.constant 128 : i32
    %add3A_15 = arith.addi %multiple_of3A, %add3A_14 : i32
    "tpu.region"() ({
      %run_scoped3A = tpu.sem_alloc : memref<!tpu.dma_semaphore, #tpu.memory_space<semaphore_mem>>
      %dma_start3A = arith.constant 0 : i32
      %dma_start3A_85 = tpu.memref_slice %arg9[%add3A_15, %dma_start3A] : memref<10240x128xf32, #tpu.memory_space<vmem_shared>> -> memref<64x128xf32, #tpu.memory_space<vmem_shared>>
      %dma_start3A_86 = arith.constant 0 : i32
      %dma_start3A_87 = tpu.memref_slice %arg9[%add3A_15, %dma_start3A_86] : memref<10240x128xf32, #tpu.memory_space<vmem_shared>> -> memref<64x128xf32, #tpu.memory_space<vmem_shared>>
      tpu.enqueue_dma source(%arg8 : memref<64x128xf32, #tpu.memory_space<vmem>>) target(%dma_start3A_87 : memref<64x128xf32, #tpu.memory_space<vmem_shared>>) target_semaphore(%run_scoped3A : memref<!tpu.dma_semaphore, #tpu.memory_space<semaphore_mem>>)
      %dma_wait3A = arith.constant 0 : i32
      %dma_wait3A_88 = tpu.memref_slice %arg9[%add3A_15, %dma_wait3A] : memref<10240x128xf32, #tpu.memory_space<vmem_shared>> -> memref<64x128xf32, #tpu.memory_space<vmem_shared>>
      %dma_wait3A_89 = arith.constant 0 : i32
      %dma_wait3A_90 = tpu.memref_slice %arg9[%add3A_15, %dma_wait3A_89] : memref<10240x128xf32, #tpu.memory_space<vmem_shared>> -> memref<64x128xf32, #tpu.memory_space<vmem_shared>>
      tpu.wait_dma2 semaphore(%run_scoped3A : memref<!tpu.dma_semaphore, #tpu.memory_space<semaphore_mem>>) src(%arg8 : memref<64x128xf32, #tpu.memory_space<vmem>>) dst(%dma_wait3A_90 : memref<64x128xf32, #tpu.memory_space<vmem_shared>>)
      tpu.yield
    }) : () -> ()
    %add3A_16 = arith.constant 192 : i32
    %add3A_17 = arith.addi %multiple_of3A, %add3A_16 : i32
    "tpu.region"() ({
      %run_scoped3A = tpu.sem_alloc : memref<!tpu.dma_semaphore, #tpu.memory_space<semaphore_mem>>
      %dma_start3A = arith.constant 0 : i32
      %dma_start3A_85 = tpu.memref_slice %arg9[%add3A_17, %dma_start3A] : memref<10240x128xf32, #tpu.memory_space<vmem_shared>> -> memref<64x128xf32, #tpu.memory_space<vmem_shared>>
      %dma_start3A_86 = arith.constant 0 : i32
      %dma_start3A_87 = tpu.memref_slice %arg9[%add3A_17, %dma_start3A_86] : memref<10240x128xf32, #tpu.memory_space<vmem_shared>> -> memref<64x128xf32, #tpu.memory_space<vmem_shared>>
      tpu.enqueue_dma source(%arg8 : memref<64x128xf32, #tpu.memory_space<vmem>>) target(%dma_start3A_87 : memref<64x128xf32, #tpu.memory_space<vmem_shared>>) target_semaphore(%run_scoped3A : memref<!tpu.dma_semaphore, #tpu.memory_space<semaphore_mem>>)
      %dma_wait3A = arith.constant 0 : i32
      %dma_wait3A_88 = tpu.memref_slice %arg9[%add3A_17, %dma_wait3A] : memref<10240x128xf32, #tpu.memory_space<vmem_shared>> -> memref<64x128xf32, #tpu.memory_space<vmem_shared>>
      %dma_wait3A_89 = arith.constant 0 : i32
      %dma_wait3A_90 = tpu.memref_slice %arg9[%add3A_17, %dma_wait3A_89] : memref<10240x128xf32, #tpu.memory_space<vmem_shared>> -> memref<64x128xf32, #tpu.memory_space<vmem_shared>>
      tpu.wait_dma2 semaphore(%run_scoped3A : memref<!tpu.dma_semaphore, #tpu.memory_space<semaphore_mem>>) src(%arg8 : memref<64x128xf32, #tpu.memory_space<vmem>>) dst(%dma_wait3A_90 : memref<64x128xf32, #tpu.memory_space<vmem_shared>>)
      tpu.yield
    }) : () -> ()
    %add3A_18 = arith.constant 256 : i32
    %add3A_19 = arith.addi %multiple_of3A, %add3A_18 : i32
    "tpu.region"() ({
      %run_scoped3A = tpu.sem_alloc : memref<!tpu.dma_semaphore, #tpu.memory_space<semaphore_mem>>
      %dma_start3A = arith.constant 0 : i32
      %dma_start3A_85 = tpu.memref_slice %arg9[%add3A_19, %dma_start3A] : memref<10240x128xf32, #tpu.memory_space<vmem_shared>> -> memref<64x128xf32, #tpu.memory_space<vmem_shared>>
      %dma_start3A_86 = arith.constant 0 : i32
      %dma_start3A_87 = tpu.memref_slice %arg9[%add3A_19, %dma_start3A_86] : memref<10240x128xf32, #tpu.memory_space<vmem_shared>> -> memref<64x128xf32, #tpu.memory_space<vmem_shared>>
      tpu.enqueue_dma source(%arg8 : memref<64x128xf32, #tpu.memory_space<vmem>>) target(%dma_start3A_87 : memref<64x128xf32, #tpu.memory_space<vmem_shared>>) target_semaphore(%run_scoped3A : memref<!tpu.dma_semaphore, #tpu.memory_space<semaphore_mem>>)
      %dma_wait3A = arith.constant 0 : i32
      %dma_wait3A_88 = tpu.memref_slice %arg9[%add3A_19, %dma_wait3A] : memref<10240x128xf32, #tpu.memory_space<vmem_shared>> -> memref<64x128xf32, #tpu.memory_space<vmem_shared>>
      %dma_wait3A_89 = arith.constant 0 : i32
      %dma_wait3A_90 = tpu.memref_slice %arg9[%add3A_19, %dma_wait3A_89] : memref<10240x128xf32, #tpu.memory_space<vmem_shared>> -> memref<64x128xf32, #tpu.memory_space<vmem_shared>>
      tpu.wait_dma2 semaphore(%run_scoped3A : memref<!tpu.dma_semaphore, #tpu.memory_space<semaphore_mem>>) src(%arg8 : memref<64x128xf32, #tpu.memory_space<vmem>>) dst(%dma_wait3A_90 : memref<64x128xf32, #tpu.memory_space<vmem_shared>>)
      tpu.yield
    }) : () -> ()
    %add3A_20 = arith.constant 320 : i32
    %add3A_21 = arith.addi %multiple_of3A, %add3A_20 : i32
    "tpu.region"() ({
      %run_scoped3A = tpu.sem_alloc : memref<!tpu.dma_semaphore, #tpu.memory_space<semaphore_mem>>
      %dma_start3A = arith.constant 0 : i32
      %dma_start3A_85 = tpu.memref_slice %arg9[%add3A_21, %dma_start3A] : memref<10240x128xf32, #tpu.memory_space<vmem_shared>> -> memref<64x128xf32, #tpu.memory_space<vmem_shared>>
      %dma_start3A_86 = arith.constant 0 : i32
      %dma_start3A_87 = tpu.memref_slice %arg9[%add3A_21, %dma_start3A_86] : memref<10240x128xf32, #tpu.memory_space<vmem_shared>> -> memref<64x128xf32, #tpu.memory_space<vmem_shared>>
      tpu.enqueue_dma source(%arg8 : memref<64x128xf32, #tpu.memory_space<vmem>>) target(%dma_start3A_87 : memref<64x128xf32, #tpu.memory_space<vmem_shared>>) target_semaphore(%run_scoped3A : memref<!tpu.dma_semaphore, #tpu.memory_space<semaphore_mem>>)
      %dma_wait3A = arith.constant 0 : i32
      %dma_wait3A_88 = tpu.memref_slice %arg9[%add3A_21, %dma_wait3A] : memref<10240x128xf32, #tpu.memory_space<vmem_shared>> -> memref<64x128xf32, #tpu.memory_space<vmem_shared>>
      %dma_wait3A_89 = arith.constant 0 : i32
      %dma_wait3A_90 = tpu.memref_slice %arg9[%add3A_21, %dma_wait3A_89] : memref<10240x128xf32, #tpu.memory_space<vmem_shared>> -> memref<64x128xf32, #tpu.memory_space<vmem_shared>>
      tpu.wait_dma2 semaphore(%run_scoped3A : memref<!tpu.dma_semaphore, #tpu.memory_space<semaphore_mem>>) src(%arg8 : memref<64x128xf32, #tpu.memory_space<vmem>>) dst(%dma_wait3A_90 : memref<64x128xf32, #tpu.memory_space<vmem_shared>>)
      tpu.yield
    }) : () -> ()
    %add3A_22 = arith.constant 384 : i32
    %add3A_23 = arith.addi %multiple_of3A, %add3A_22 : i32
    "tpu.region"() ({
      %run_scoped3A = tpu.sem_alloc : memref<!tpu.dma_semaphore, #tpu.memory_space<semaphore_mem>>
      %dma_start3A = arith.constant 0 : i32
      %dma_start3A_85 = tpu.memref_slice %arg9[%add3A_23, %dma_start3A] : memref<10240x128xf32, #tpu.memory_space<vmem_shared>> -> memref<64x128xf32, #tpu.memory_space<vmem_shared>>
      %dma_start3A_86 = arith.constant 0 : i32
      %dma_start3A_87 = tpu.memref_slice %arg9[%add3A_23, %dma_start3A_86] : memref<10240x128xf32, #tpu.memory_space<vmem_shared>> -> memref<64x128xf32, #tpu.memory_space<vmem_shared>>
      tpu.enqueue_dma source(%arg8 : memref<64x128xf32, #tpu.memory_space<vmem>>) target(%dma_start3A_87 : memref<64x128xf32, #tpu.memory_space<vmem_shared>>) target_semaphore(%run_scoped3A : memref<!tpu.dma_semaphore, #tpu.memory_space<semaphore_mem>>)
      %dma_wait3A = arith.constant 0 : i32
      %dma_wait3A_88 = tpu.memref_slice %arg9[%add3A_23, %dma_wait3A] : memref<10240x128xf32, #tpu.memory_space<vmem_shared>> -> memref<64x128xf32, #tpu.memory_space<vmem_shared>>
      %dma_wait3A_89 = arith.constant 0 : i32
      %dma_wait3A_90 = tpu.memref_slice %arg9[%add3A_23, %dma_wait3A_89] : memref<10240x128xf32, #tpu.memory_space<vmem_shared>> -> memref<64x128xf32, #tpu.memory_space<vmem_shared>>
      tpu.wait_dma2 semaphore(%run_scoped3A : memref<!tpu.dma_semaphore, #tpu.memory_space<semaphore_mem>>) src(%arg8 : memref<64x128xf32, #tpu.memory_space<vmem>>) dst(%dma_wait3A_90 : memref<64x128xf32, #tpu.memory_space<vmem_shared>>)
      tpu.yield
    }) : () -> ()
    %add3A_24 = arith.constant 448 : i32
    %add3A_25 = arith.addi %multiple_of3A, %add3A_24 : i32
    "tpu.region"() ({
      %run_scoped3A = tpu.sem_alloc : memref<!tpu.dma_semaphore, #tpu.memory_space<semaphore_mem>>
      %dma_start3A = arith.constant 0 : i32
      %dma_start3A_85 = tpu.memref_slice %arg9[%add3A_25, %dma_start3A] : memref<10240x128xf32, #tpu.memory_space<vmem_shared>> -> memref<64x128xf32, #tpu.memory_space<vmem_shared>>
      %dma_start3A_86 = arith.constant 0 : i32
      %dma_start3A_87 = tpu.memref_slice %arg9[%add3A_25, %dma_start3A_86] : memref<10240x128xf32, #tpu.memory_space<vmem_shared>> -> memref<64x128xf32, #tpu.memory_space<vmem_shared>>
      tpu.enqueue_dma source(%arg8 : memref<64x128xf32, #tpu.memory_space<vmem>>) target(%dma_start3A_87 : memref<64x128xf32, #tpu.memory_space<vmem_shared>>) target_semaphore(%run_scoped3A : memref<!tpu.dma_semaphore, #tpu.memory_space<semaphore_mem>>)
      %dma_wait3A = arith.constant 0 : i32
      %dma_wait3A_88 = tpu.memref_slice %arg9[%add3A_25, %dma_wait3A] : memref<10240x128xf32, #tpu.memory_space<vmem_shared>> -> memref<64x128xf32, #tpu.memory_space<vmem_shared>>
      %dma_wait3A_89 = arith.constant 0 : i32
      %dma_wait3A_90 = tpu.memref_slice %arg9[%add3A_25, %dma_wait3A_89] : memref<10240x128xf32, #tpu.memory_space<vmem_shared>> -> memref<64x128xf32, #tpu.memory_space<vmem_shared>>
      tpu.wait_dma2 semaphore(%run_scoped3A : memref<!tpu.dma_semaphore, #tpu.memory_space<semaphore_mem>>) src(%arg8 : memref<64x128xf32, #tpu.memory_space<vmem>>) dst(%dma_wait3A_90 : memref<64x128xf32, #tpu.memory_space<vmem_shared>>)
      tpu.yield
    }) : () -> ()
    %add3A_26 = arith.constant 512 : i32
    %add3A_27 = arith.addi %multiple_of3A, %add3A_26 : i32
    "tpu.region"() ({
      %run_scoped3A = tpu.sem_alloc : memref<!tpu.dma_semaphore, #tpu.memory_space<semaphore_mem>>
      %dma_start3A = arith.constant 0 : i32
      %dma_start3A_85 = tpu.memref_slice %arg9[%add3A_27, %dma_start3A] : memref<10240x128xf32, #tpu.memory_space<vmem_shared>> -> memref<64x128xf32, #tpu.memory_space<vmem_shared>>
      %dma_start3A_86 = arith.constant 0 : i32
      %dma_start3A_87 = tpu.memref_slice %arg9[%add3A_27, %dma_start3A_86] : memref<10240x128xf32, #tpu.memory_space<vmem_shared>> -> memref<64x128xf32, #tpu.memory_space<vmem_shared>>
      tpu.enqueue_dma source(%arg8 : memref<64x128xf32, #tpu.memory_space<vmem>>) target(%dma_start3A_87 : memref<64x128xf32, #tpu.memory_space<vmem_shared>>) target_semaphore(%run_scoped3A : memref<!tpu.dma_semaphore, #tpu.memory_space<semaphore_mem>>)
      %dma_wait3A = arith.constant 0 : i32
      %dma_wait3A_88 = tpu.memref_slice %arg9[%add3A_27, %dma_wait3A] : memref<10240x128xf32, #tpu.memory_space<vmem_shared>> -> memref<64x128xf32, #tpu.memory_space<vmem_shared>>
      %dma_wait3A_89 = arith.constant 0 : i32
      %dma_wait3A_90 = tpu.memref_slice %arg9[%add3A_27, %dma_wait3A_89] : memref<10240x128xf32, #tpu.memory_space<vmem_shared>> -> memref<64x128xf32, #tpu.memory_space<vmem_shared>>
      tpu.wait_dma2 semaphore(%run_scoped3A : memref<!tpu.dma_semaphore, #tpu.memory_space<semaphore_mem>>) src(%arg8 : memref<64x128xf32, #tpu.memory_space<vmem>>) dst(%dma_wait3A_90 : memref<64x128xf32, #tpu.memory_space<vmem_shared>>)
      tpu.yield
    }) : () -> ()
    %add3A_28 = arith.constant 576 : i32
    %add3A_29 = arith.addi %multiple_of3A, %add3A_28 : i32
    "tpu.region"() ({
      %run_scoped3A = tpu.sem_alloc : memref<!tpu.dma_semaphore, #tpu.memory_space<semaphore_mem>>
      %dma_start3A = arith.constant 0 : i32
      %dma_start3A_85 = tpu.memref_slice %arg9[%add3A_29, %dma_start3A] : memref<10240x128xf32, #tpu.memory_space<vmem_shared>> -> memref<64x128xf32, #tpu.memory_space<vmem_shared>>
      %dma_start3A_86 = arith.constant 0 : i32
      %dma_start3A_87 = tpu.memref_slice %arg9[%add3A_29, %dma_start3A_86] : memref<10240x128xf32, #tpu.memory_space<vmem_shared>> -> memref<64x128xf32, #tpu.memory_space<vmem_shared>>
      tpu.enqueue_dma source(%arg8 : memref<64x128xf32, #tpu.memory_space<vmem>>) target(%dma_start3A_87 : memref<64x128xf32, #tpu.memory_space<vmem_shared>>) target_semaphore(%run_scoped3A : memref<!tpu.dma_semaphore, #tpu.memory_space<semaphore_mem>>)
      %dma_wait3A = arith.constant 0 : i32
      %dma_wait3A_88 = tpu.memref_slice %arg9[%add3A_29, %dma_wait3A] : memref<10240x128xf32, #tpu.memory_space<vmem_shared>> -> memref<64x128xf32, #tpu.memory_space<vmem_shared>>
      %dma_wait3A_89 = arith.constant 0 : i32
      %dma_wait3A_90 = tpu.memref_slice %arg9[%add3A_29, %dma_wait3A_89] : memref<10240x128xf32, #tpu.memory_space<vmem_shared>> -> memref<64x128xf32, #tpu.memory_space<vmem_shared>>
      tpu.wait_dma2 semaphore(%run_scoped3A : memref<!tpu.dma_semaphore, #tpu.memory_space<semaphore_mem>>) src(%arg8 : memref<64x128xf32, #tpu.memory_space<vmem>>) dst(%dma_wait3A_90 : memref<64x128xf32, #tpu.memory_space<vmem_shared>>)
      tpu.yield
    }) : () -> ()
    %barrier3A = arith.constant 0 : index
    tpu.barrier barrier_id(%barrier3A)
    %scan3A_30 = arith.constant 0 : i32
    %scan3A_31 = arith.constant 0 : i32
    %scan3A_32 = arith.constant 125 : i32
    %scan3A_33 = arith.addi %scan3A_31, %scan3A_32 : i32
    %scan3A_34 = arith.constant 1 : i32
    %scan3A_35 = scf.for %scan3A_85 = %scan3A_31 to %scan3A_33 step %scan3A_34 iter_args(%scan3A_86 = %scan3A_30) -> (i32)  : i32 {
      %mul3A_87 = arith.constant 10000 : i32
      %mul3A_88 = arith.muli %add3A, %mul3A_87 : i32
      %mul3A_89 = arith.constant 80 : i32
      %mul3A_90 = arith.muli %scan3A_85, %mul3A_89 : i32
      %add3A_91 = arith.addi %mul3A_88, %mul3A_90 : i32
      %multiple_of3A_92 = tpu.assume_multiple %add3A_91, 8 : i32
      %run_scoped3A = arith.constant 0 : i32
      "tpu.region"() ({
        %run_scoped3A_125 = tpu.sem_alloc : memref<!tpu.dma_semaphore, #tpu.memory_space<semaphore_mem>>
        %dma_start3A_126 = arith.constant 0 : i32
        %dma_start3A_127 = tpu.memref_slice %arg5[%run_scoped3A, %dma_start3A_126] : memref<2x80xi32, #tpu.memory_space<vmem>> -> memref<1x80xi32, #tpu.memory_space<vmem>>
        %dma_start3A_128 = tpu.memref_squeeze %dma_start3A_127 : memref<1x80xi32, #tpu.memory_space<vmem>> -> memref<80xi32, #tpu.memory_space<vmem>>
        %dma_start3A_129 = tpu.memref_slice %arg2[%multiple_of3A_92] : memref<640000xi32, #tpu.memory_space<hbm>> -> memref<80xi32, #tpu.memory_space<hbm>>
        %dma_start3A_130 = arith.constant 0 : i32
        %dma_start3A_131 = tpu.memref_slice %arg5[%run_scoped3A, %dma_start3A_130] : memref<2x80xi32, #tpu.memory_space<vmem>> -> memref<1x80xi32, #tpu.memory_space<vmem>>
        %dma_start3A_132 = tpu.memref_squeeze %dma_start3A_131 : memref<1x80xi32, #tpu.memory_space<vmem>> -> memref<80xi32, #tpu.memory_space<vmem>>
        %dma_start3A_133 = tpu.memref_slice %arg2[%multiple_of3A_92] : memref<640000xi32, #tpu.memory_space<hbm>> -> memref<80xi32, #tpu.memory_space<hbm>>
        tpu.enqueue_dma source(%dma_start3A_133 : memref<80xi32, #tpu.memory_space<hbm>>) target(%dma_start3A_132 : memref<80xi32, #tpu.memory_space<vmem>>) target_semaphore(%run_scoped3A_125 : memref<!tpu.dma_semaphore, #tpu.memory_space<semaphore_mem>>)
        %dma_wait3A_134 = arith.constant 0 : i32
        %dma_wait3A_135 = tpu.memref_slice %arg5[%run_scoped3A, %dma_wait3A_134] : memref<2x80xi32, #tpu.memory_space<vmem>> -> memref<1x80xi32, #tpu.memory_space<vmem>>
        %dma_wait3A_136 = tpu.memref_squeeze %dma_wait3A_135 : memref<1x80xi32, #tpu.memory_space<vmem>> -> memref<80xi32, #tpu.memory_space<vmem>>
        %dma_wait3A_137 = tpu.memref_slice %arg2[%multiple_of3A_92] : memref<640000xi32, #tpu.memory_space<hbm>> -> memref<80xi32, #tpu.memory_space<hbm>>
        %dma_wait3A_138 = arith.constant 0 : i32
        %dma_wait3A_139 = tpu.memref_slice %arg5[%run_scoped3A, %dma_wait3A_138] : memref<2x80xi32, #tpu.memory_space<vmem>> -> memref<1x80xi32, #tpu.memory_space<vmem>>
        %dma_wait3A_140 = tpu.memref_squeeze %dma_wait3A_139 : memref<1x80xi32, #tpu.memory_space<vmem>> -> memref<80xi32, #tpu.memory_space<vmem>>
        %dma_wait3A_141 = tpu.memref_slice %arg2[%multiple_of3A_92] : memref<640000xi32, #tpu.memory_space<hbm>> -> memref<80xi32, #tpu.memory_space<hbm>>
        tpu.wait_dma2 semaphore(%run_scoped3A_125 : memref<!tpu.dma_semaphore, #tpu.memory_space<semaphore_mem>>) src(%dma_wait3A_141 : memref<80xi32, #tpu.memory_space<hbm>>) dst(%dma_wait3A_140 : memref<80xi32, #tpu.memory_space<vmem>>)
        tpu.yield
      }) : () -> ()
      %add3A_93 = arith.constant 320000 : i32
      %add3A_94 = arith.addi %add3A_93, %multiple_of3A_92 : i32
      %run_scoped3A_95 = arith.constant 1 : i32
      "tpu.region"() ({
        %run_scoped3A_125 = tpu.sem_alloc : memref<!tpu.dma_semaphore, #tpu.memory_space<semaphore_mem>>
        %dma_start3A_126 = arith.constant 0 : i32
        %dma_start3A_127 = tpu.memref_slice %arg5[%run_scoped3A_95, %dma_start3A_126] : memref<2x80xi32, #tpu.memory_space<vmem>> -> memref<1x80xi32, #tpu.memory_space<vmem>>
        %dma_start3A_128 = tpu.memref_squeeze %dma_start3A_127 : memref<1x80xi32, #tpu.memory_space<vmem>> -> memref<80xi32, #tpu.memory_space<vmem>>
        %dma_start3A_129 = tpu.memref_slice %arg2[%add3A_94] : memref<640000xi32, #tpu.memory_space<hbm>> -> memref<80xi32, #tpu.memory_space<hbm>>
        %dma_start3A_130 = arith.constant 0 : i32
        %dma_start3A_131 = tpu.memref_slice %arg5[%run_scoped3A_95, %dma_start3A_130] : memref<2x80xi32, #tpu.memory_space<vmem>> -> memref<1x80xi32, #tpu.memory_space<vmem>>
        %dma_start3A_132 = tpu.memref_squeeze %dma_start3A_131 : memref<1x80xi32, #tpu.memory_space<vmem>> -> memref<80xi32, #tpu.memory_space<vmem>>
        %dma_start3A_133 = tpu.memref_slice %arg2[%add3A_94] : memref<640000xi32, #tpu.memory_space<hbm>> -> memref<80xi32, #tpu.memory_space<hbm>>
        tpu.enqueue_dma source(%dma_start3A_133 : memref<80xi32, #tpu.memory_space<hbm>>) target(%dma_start3A_132 : memref<80xi32, #tpu.memory_space<vmem>>) target_semaphore(%run_scoped3A_125 : memref<!tpu.dma_semaphore, #tpu.memory_space<semaphore_mem>>)
        %dma_wait3A_134 = arith.constant 0 : i32
        %dma_wait3A_135 = tpu.memref_slice %arg5[%run_scoped3A_95, %dma_wait3A_134] : memref<2x80xi32, #tpu.memory_space<vmem>> -> memref<1x80xi32, #tpu.memory_space<vmem>>
        %dma_wait3A_136 = tpu.memref_squeeze %dma_wait3A_135 : memref<1x80xi32, #tpu.memory_space<vmem>> -> memref<80xi32, #tpu.memory_space<vmem>>
        %dma_wait3A_137 = tpu.memref_slice %arg2[%add3A_94] : memref<640000xi32, #tpu.memory_space<hbm>> -> memref<80xi32, #tpu.memory_space<hbm>>
        %dma_wait3A_138 = arith.constant 0 : i32
        %dma_wait3A_139 = tpu.memref_slice %arg5[%run_scoped3A_95, %dma_wait3A_138] : memref<2x80xi32, #tpu.memory_space<vmem>> -> memref<1x80xi32, #tpu.memory_space<vmem>>
        %dma_wait3A_140 = tpu.memref_squeeze %dma_wait3A_139 : memref<1x80xi32, #tpu.memory_space<vmem>> -> memref<80xi32, #tpu.memory_space<vmem>>
        %dma_wait3A_141 = tpu.memref_slice %arg2[%add3A_94] : memref<640000xi32, #tpu.memory_space<hbm>> -> memref<80xi32, #tpu.memory_space<hbm>>
        tpu.wait_dma2 semaphore(%run_scoped3A_125 : memref<!tpu.dma_semaphore, #tpu.memory_space<semaphore_mem>>) src(%dma_wait3A_141 : memref<80xi32, #tpu.memory_space<hbm>>) dst(%dma_wait3A_140 : memref<80xi32, #tpu.memory_space<vmem>>)
        tpu.yield
      }) : () -> ()
      %dma_start3A = arith.constant 1 : i32
      %dma_start3A_96 = arith.constant 0 : i32
      %dma_start3A_97 = tpu.memref_slice %arg5[%dma_start3A, %dma_start3A_96] : memref<2x80xi32, #tpu.memory_space<vmem>> -> memref<1x80xi32, #tpu.memory_space<vmem>>
      %dma_start3A_98 = tpu.memref_squeeze %dma_start3A_97 : memref<1x80xi32, #tpu.memory_space<vmem>> -> memref<80xi32, #tpu.memory_space<vmem>>
      %dma_start3A_99 = arith.constant 0 : i32
      %dma_start3A_100 = arith.constant 0 : i32
      %dma_start3A_101 = tpu.memref_slice %arg3[%dma_start3A_99, %dma_start3A_100] : memref<10000x128xf32, #tpu.memory_space<hbm>> -> memref<10000x128xf32, #tpu.memory_space<hbm>>
      tpu.enqueue_indirect_dma source(%dma_start3A_101 : memref<10000x128xf32, #tpu.memory_space<hbm>>) target(%arg6 : memref<80x128xf32, #tpu.memory_space<vmem>>) offsets(%dma_start3A_98 : memref<80xi32, #tpu.memory_space<vmem>>) semaphore(%arg10 : memref<!tpu.dma_semaphore, #tpu.memory_space<semaphore_mem>>)
      %dma_start3A_102 = arith.constant 0 : i32
      %dma_start3A_103 = arith.constant 0 : i32
      %dma_start3A_104 = tpu.memref_slice %arg5[%dma_start3A_102, %dma_start3A_103] : memref<2x80xi32, #tpu.memory_space<vmem>> -> memref<1x80xi32, #tpu.memory_space<vmem>>
      %dma_start3A_105 = tpu.memref_squeeze %dma_start3A_104 : memref<1x80xi32, #tpu.memory_space<vmem>> -> memref<80xi32, #tpu.memory_space<vmem>>
      %dma_start3A_106 = arith.constant 0 : i32
      %dma_start3A_107 = arith.constant 0 : i32
      %dma_start3A_108 = tpu.memref_slice %arg3[%dma_start3A_106, %dma_start3A_107] : memref<10000x128xf32, #tpu.memory_space<hbm>> -> memref<10000x128xf32, #tpu.memory_space<hbm>>
      tpu.enqueue_indirect_dma source(%dma_start3A_108 : memref<10000x128xf32, #tpu.memory_space<hbm>>) target(%arg7 : memref<80x128xf32, #tpu.memory_space<vmem>>) offsets(%dma_start3A_105 : memref<80xi32, #tpu.memory_space<vmem>>) semaphore(%arg10 : memref<!tpu.dma_semaphore, #tpu.memory_space<semaphore_mem>>)
      %dma_wait3A = arith.constant 1 : i32
      %dma_wait3A_109 = arith.constant 0 : i32
      %dma_wait3A_110 = tpu.memref_slice %arg5[%dma_wait3A, %dma_wait3A_109] : memref<2x80xi32, #tpu.memory_space<vmem>> -> memref<1x80xi32, #tpu.memory_space<vmem>>
      %dma_wait3A_111 = tpu.memref_squeeze %dma_wait3A_110 : memref<1x80xi32, #tpu.memory_space<vmem>> -> memref<80xi32, #tpu.memory_space<vmem>>
      %dma_wait3A_112 = arith.constant 0 : i32
      %dma_wait3A_113 = arith.constant 0 : i32
      %dma_wait3A_114 = tpu.memref_slice %arg3[%dma_wait3A_112, %dma_wait3A_113] : memref<10000x128xf32, #tpu.memory_space<hbm>> -> memref<10000x128xf32, #tpu.memory_space<hbm>>
      tpu.wait_indirect_dma semaphore(%arg10 : memref<!tpu.dma_semaphore, #tpu.memory_space<semaphore_mem>>) src(%dma_wait3A_114 : memref<10000x128xf32, #tpu.memory_space<hbm>>) dst(%arg6 : memref<80x128xf32, #tpu.memory_space<vmem>>)
      %run_scoped3A_115 = arith.constant 0 : i32
      "tpu.region"() ({
        %run_scoped3A_125 = tpu.sem_alloc : memref<!tpu.dma_semaphore, #tpu.memory_space<semaphore_mem>>
        %dma_start3A_126 = arith.constant 0 : i32
        %dma_start3A_127 = tpu.memref_slice %arg5[%run_scoped3A_115, %dma_start3A_126] : memref<2x80xi32, #tpu.memory_space<vmem>> -> memref<1x80xi32, #tpu.memory_space<vmem>>
        %dma_start3A_128 = tpu.memref_squeeze %dma_start3A_127 : memref<1x80xi32, #tpu.memory_space<vmem>> -> memref<80xi32, #tpu.memory_space<vmem>>
        %dma_start3A_129 = arith.constant 0 : i32
        %dma_start3A_130 = arith.constant 0 : i32
        %dma_start3A_131 = tpu.memref_slice %arg9[%dma_start3A_129, %dma_start3A_130] : memref<10240x128xf32, #tpu.memory_space<vmem_shared>> -> memref<10240x128xf32, #tpu.memory_space<vmem_shared>>
        tpu.enqueue_indirect_dma source(%arg6 : memref<80x128xf32, #tpu.memory_space<vmem>>) target(%dma_start3A_131 : memref<10240x128xf32, #tpu.memory_space<vmem_shared>>) offsets(%dma_start3A_128 : memref<80xi32, #tpu.memory_space<vmem>>) semaphore(%run_scoped3A_125 : memref<!tpu.dma_semaphore, #tpu.memory_space<semaphore_mem>>) {add = true}
        %dma_wait3A_132 = arith.constant 0 : i32
        %dma_wait3A_133 = tpu.memref_slice %arg5[%run_scoped3A_115, %dma_wait3A_132] : memref<2x80xi32, #tpu.memory_space<vmem>> -> memref<1x80xi32, #tpu.memory_space<vmem>>
        %dma_wait3A_134 = tpu.memref_squeeze %dma_wait3A_133 : memref<1x80xi32, #tpu.memory_space<vmem>> -> memref<80xi32, #tpu.memory_space<vmem>>
        %dma_wait3A_135 = arith.constant 0 : i32
        %dma_wait3A_136 = arith.constant 0 : i32
        %dma_wait3A_137 = tpu.memref_slice %arg9[%dma_wait3A_135, %dma_wait3A_136] : memref<10240x128xf32, #tpu.memory_space<vmem_shared>> -> memref<10240x128xf32, #tpu.memory_space<vmem_shared>>
        tpu.wait_indirect_dma semaphore(%run_scoped3A_125 : memref<!tpu.dma_semaphore, #tpu.memory_space<semaphore_mem>>) src(%arg6 : memref<80x128xf32, #tpu.memory_space<vmem>>) dst(%dma_wait3A_137 : memref<10240x128xf32, #tpu.memory_space<vmem_shared>>)
        tpu.yield
      }) : () -> ()
      %dma_wait3A_116 = arith.constant 0 : i32
      %dma_wait3A_117 = arith.constant 0 : i32
      %dma_wait3A_118 = tpu.memref_slice %arg5[%dma_wait3A_116, %dma_wait3A_117] : memref<2x80xi32, #tpu.memory_space<vmem>> -> memref<1x80xi32, #tpu.memory_space<vmem>>
      %dma_wait3A_119 = tpu.memref_squeeze %dma_wait3A_118 : memref<1x80xi32, #tpu.memory_space<vmem>> -> memref<80xi32, #tpu.memory_space<vmem>>
      %dma_wait3A_120 = arith.constant 0 : i32
      %dma_wait3A_121 = arith.constant 0 : i32
      %dma_wait3A_122 = tpu.memref_slice %arg3[%dma_wait3A_120, %dma_wait3A_121] : memref<10000x128xf32, #tpu.memory_space<hbm>> -> memref<10000x128xf32, #tpu.memory_space<hbm>>
      tpu.wait_indirect_dma semaphore(%arg10 : memref<!tpu.dma_semaphore, #tpu.memory_space<semaphore_mem>>) src(%dma_wait3A_122 : memref<10000x128xf32, #tpu.memory_space<hbm>>) dst(%arg7 : memref<80x128xf32, #tpu.memory_space<vmem>>)
      %run_scoped3A_123 = arith.constant 1 : i32
      "tpu.region"() ({
        %run_scoped3A_125 = tpu.sem_alloc : memref<!tpu.dma_semaphore, #tpu.memory_space<semaphore_mem>>
        %dma_start3A_126 = arith.constant 0 : i32
        %dma_start3A_127 = tpu.memref_slice %arg5[%run_scoped3A_123, %dma_start3A_126] : memref<2x80xi32, #tpu.memory_space<vmem>> -> memref<1x80xi32, #tpu.memory_space<vmem>>
        %dma_start3A_128 = tpu.memref_squeeze %dma_start3A_127 : memref<1x80xi32, #tpu.memory_space<vmem>> -> memref<80xi32, #tpu.memory_space<vmem>>
        %dma_start3A_129 = arith.constant 0 : i32
        %dma_start3A_130 = arith.constant 0 : i32
        %dma_start3A_131 = tpu.memref_slice %arg9[%dma_start3A_129, %dma_start3A_130] : memref<10240x128xf32, #tpu.memory_space<vmem_shared>> -> memref<10240x128xf32, #tpu.memory_space<vmem_shared>>
        tpu.enqueue_indirect_dma source(%arg7 : memref<80x128xf32, #tpu.memory_space<vmem>>) target(%dma_start3A_131 : memref<10240x128xf32, #tpu.memory_space<vmem_shared>>) offsets(%dma_start3A_128 : memref<80xi32, #tpu.memory_space<vmem>>) semaphore(%run_scoped3A_125 : memref<!tpu.dma_semaphore, #tpu.memory_space<semaphore_mem>>) {add = true}
        %dma_wait3A_132 = arith.constant 0 : i32
        %dma_wait3A_133 = tpu.memref_slice %arg5[%run_scoped3A_123, %dma_wait3A_132] : memref<2x80xi32, #tpu.memory_space<vmem>> -> memref<1x80xi32, #tpu.memory_space<vmem>>
        %dma_wait3A_134 = tpu.memref_squeeze %dma_wait3A_133 : memref<1x80xi32, #tpu.memory_space<vmem>> -> memref<80xi32, #tpu.memory_space<vmem>>
        %dma_wait3A_135 = arith.constant 0 : i32
        %dma_wait3A_136 = arith.constant 0 : i32
        %dma_wait3A_137 = tpu.memref_slice %arg9[%dma_wait3A_135, %dma_wait3A_136] : memref<10240x128xf32, #tpu.memory_space<vmem_shared>> -> memref<10240x128xf32, #tpu.memory_space<vmem_shared>>
        tpu.wait_indirect_dma semaphore(%run_scoped3A_125 : memref<!tpu.dma_semaphore, #tpu.memory_space<semaphore_mem>>) src(%arg7 : memref<80x128xf32, #tpu.memory_space<vmem>>) dst(%dma_wait3A_137 : memref<10240x128xf32, #tpu.memory_space<vmem_shared>>)
        tpu.yield
      }) : () -> ()
      %scan3A_124 = arith.constant 0 : i32
      scf.yield %scan3A_124 : i32
    }
    %scan3A_36 = arith.constant 125 : i32
    %barrier3A_37 = arith.constant 0 : index
    tpu.barrier barrier_id(%barrier3A_37)
    %mul3A_38 = arith.constant 640 : i32
    %mul3A_39 = arith.muli %arg1, %mul3A_38 : i32
    %multiple_of3A_40 = tpu.assume_multiple %mul3A_39, 8 : i32
    %mul3A_41 = arith.constant 10240 : i32
    %mul3A_42 = arith.muli %arg0, %mul3A_41 : i32
    %add3A_43 = arith.addi %mul3A_42, %multiple_of3A_40 : i32
    %multiple_of3A_44 = tpu.assume_multiple %add3A_43, 8 : i32
    %add3A_45 = arith.constant 0 : i32
    %add3A_46 = arith.addi %multiple_of3A_40, %add3A_45 : i32
    "tpu.region"() ({
      %run_scoped3A = tpu.sem_alloc : memref<!tpu.dma_semaphore, #tpu.memory_space<semaphore_mem>>
      %dma_start3A = arith.constant 0 : i32
      %dma_start3A_85 = tpu.memref_slice %arg9[%add3A_46, %dma_start3A] : memref<10240x128xf32, #tpu.memory_space<vmem_shared>> -> memref<64x128xf32, #tpu.memory_space<vmem_shared>>
      %dma_start3A_86 = arith.constant 0 : i32
      %dma_start3A_87 = tpu.memref_slice %arg9[%add3A_46, %dma_start3A_86] : memref<10240x128xf32, #tpu.memory_space<vmem_shared>> -> memref<64x128xf32, #tpu.memory_space<vmem_shared>>
      tpu.enqueue_dma source(%dma_start3A_87 : memref<64x128xf32, #tpu.memory_space<vmem_shared>>) target(%arg8 : memref<64x128xf32, #tpu.memory_space<vmem>>) target_semaphore(%run_scoped3A : memref<!tpu.dma_semaphore, #tpu.memory_space<semaphore_mem>>)
      %dma_wait3A = arith.constant 0 : i32
      %dma_wait3A_88 = tpu.memref_slice %arg9[%add3A_46, %dma_wait3A] : memref<10240x128xf32, #tpu.memory_space<vmem_shared>> -> memref<64x128xf32, #tpu.memory_space<vmem_shared>>
      %dma_wait3A_89 = arith.constant 0 : i32
      %dma_wait3A_90 = tpu.memref_slice %arg9[%add3A_46, %dma_wait3A_89] : memref<10240x128xf32, #tpu.memory_space<vmem_shared>> -> memref<64x128xf32, #tpu.memory_space<vmem_shared>>
      tpu.wait_dma2 semaphore(%run_scoped3A : memref<!tpu.dma_semaphore, #tpu.memory_space<semaphore_mem>>) src(%dma_wait3A_90 : memref<64x128xf32, #tpu.memory_space<vmem_shared>>) dst(%arg8 : memref<64x128xf32, #tpu.memory_space<vmem>>)
      tpu.yield
    }) : () -> ()
    %add3A_47 = arith.constant 0 : i32
    %add3A_48 = arith.addi %multiple_of3A_44, %add3A_47 : i32
    "tpu.region"() ({
      %run_scoped3A = tpu.sem_alloc : memref<!tpu.dma_semaphore, #tpu.memory_space<semaphore_mem>>
      %dma_start3A = arith.constant 0 : i32
      %dma_start3A_85 = tpu.memref_slice %arg4[%add3A_48, %dma_start3A] : memref<20480x128xf32, #tpu.memory_space<hbm>> -> memref<64x128xf32, #tpu.memory_space<hbm>>
      %dma_start3A_86 = arith.constant 0 : i32
      %dma_start3A_87 = tpu.memref_slice %arg4[%add3A_48, %dma_start3A_86] : memref<20480x128xf32, #tpu.memory_space<hbm>> -> memref<64x128xf32, #tpu.memory_space<hbm>>
      tpu.enqueue_dma source(%arg8 : memref<64x128xf32, #tpu.memory_space<vmem>>) target(%dma_start3A_87 : memref<64x128xf32, #tpu.memory_space<hbm>>) target_semaphore(%run_scoped3A : memref<!tpu.dma_semaphore, #tpu.memory_space<semaphore_mem>>)
      %dma_wait3A = arith.constant 0 : i32
      %dma_wait3A_88 = tpu.memref_slice %arg4[%add3A_48, %dma_wait3A] : memref<20480x128xf32, #tpu.memory_space<hbm>> -> memref<64x128xf32, #tpu.memory_space<hbm>>
      %dma_wait3A_89 = arith.constant 0 : i32
      %dma_wait3A_90 = tpu.memref_slice %arg4[%add3A_48, %dma_wait3A_89] : memref<20480x128xf32, #tpu.memory_space<hbm>> -> memref<64x128xf32, #tpu.memory_space<hbm>>
      tpu.wait_dma2 semaphore(%run_scoped3A : memref<!tpu.dma_semaphore, #tpu.memory_space<semaphore_mem>>) src(%arg8 : memref<64x128xf32, #tpu.memory_space<vmem>>) dst(%dma_wait3A_90 : memref<64x128xf32, #tpu.memory_space<hbm>>)
      tpu.yield
    }) : () -> ()
    %add3A_49 = arith.constant 64 : i32
    %add3A_50 = arith.addi %multiple_of3A_40, %add3A_49 : i32
    "tpu.region"() ({
      %run_scoped3A = tpu.sem_alloc : memref<!tpu.dma_semaphore, #tpu.memory_space<semaphore_mem>>
      %dma_start3A = arith.constant 0 : i32
      %dma_start3A_85 = tpu.memref_slice %arg9[%add3A_50, %dma_start3A] : memref<10240x128xf32, #tpu.memory_space<vmem_shared>> -> memref<64x128xf32, #tpu.memory_space<vmem_shared>>
      %dma_start3A_86 = arith.constant 0 : i32
      %dma_start3A_87 = tpu.memref_slice %arg9[%add3A_50, %dma_start3A_86] : memref<10240x128xf32, #tpu.memory_space<vmem_shared>> -> memref<64x128xf32, #tpu.memory_space<vmem_shared>>
      tpu.enqueue_dma source(%dma_start3A_87 : memref<64x128xf32, #tpu.memory_space<vmem_shared>>) target(%arg8 : memref<64x128xf32, #tpu.memory_space<vmem>>) target_semaphore(%run_scoped3A : memref<!tpu.dma_semaphore, #tpu.memory_space<semaphore_mem>>)
      %dma_wait3A = arith.constant 0 : i32
      %dma_wait3A_88 = tpu.memref_slice %arg9[%add3A_50, %dma_wait3A] : memref<10240x128xf32, #tpu.memory_space<vmem_shared>> -> memref<64x128xf32, #tpu.memory_space<vmem_shared>>
      %dma_wait3A_89 = arith.constant 0 : i32
      %dma_wait3A_90 = tpu.memref_slice %arg9[%add3A_50, %dma_wait3A_89] : memref<10240x128xf32, #tpu.memory_space<vmem_shared>> -> memref<64x128xf32, #tpu.memory_space<vmem_shared>>
      tpu.wait_dma2 semaphore(%run_scoped3A : memref<!tpu.dma_semaphore, #tpu.memory_space<semaphore_mem>>) src(%dma_wait3A_90 : memref<64x128xf32, #tpu.memory_space<vmem_shared>>) dst(%arg8 : memref<64x128xf32, #tpu.memory_space<vmem>>)
      tpu.yield
    }) : () -> ()
    %add3A_51 = arith.constant 64 : i32
    %add3A_52 = arith.addi %multiple_of3A_44, %add3A_51 : i32
    "tpu.region"() ({
      %run_scoped3A = tpu.sem_alloc : memref<!tpu.dma_semaphore, #tpu.memory_space<semaphore_mem>>
      %dma_start3A = arith.constant 0 : i32
      %dma_start3A_85 = tpu.memref_slice %arg4[%add3A_52, %dma_start3A] : memref<20480x128xf32, #tpu.memory_space<hbm>> -> memref<64x128xf32, #tpu.memory_space<hbm>>
      %dma_start3A_86 = arith.constant 0 : i32
      %dma_start3A_87 = tpu.memref_slice %arg4[%add3A_52, %dma_start3A_86] : memref<20480x128xf32, #tpu.memory_space<hbm>> -> memref<64x128xf32, #tpu.memory_space<hbm>>
      tpu.enqueue_dma source(%arg8 : memref<64x128xf32, #tpu.memory_space<vmem>>) target(%dma_start3A_87 : memref<64x128xf32, #tpu.memory_space<hbm>>) target_semaphore(%run_scoped3A : memref<!tpu.dma_semaphore, #tpu.memory_space<semaphore_mem>>)
      %dma_wait3A = arith.constant 0 : i32
      %dma_wait3A_88 = tpu.memref_slice %arg4[%add3A_52, %dma_wait3A] : memref<20480x128xf32, #tpu.memory_space<hbm>> -> memref<64x128xf32, #tpu.memory_space<hbm>>
      %dma_wait3A_89 = arith.constant 0 : i32
      %dma_wait3A_90 = tpu.memref_slice %arg4[%add3A_52, %dma_wait3A_89] : memref<20480x128xf32, #tpu.memory_space<hbm>> -> memref<64x128xf32, #tpu.memory_space<hbm>>
      tpu.wait_dma2 semaphore(%run_scoped3A : memref<!tpu.dma_semaphore, #tpu.memory_space<semaphore_mem>>) src(%arg8 : memref<64x128xf32, #tpu.memory_space<vmem>>) dst(%dma_wait3A_90 : memref<64x128xf32, #tpu.memory_space<hbm>>)
      tpu.yield
    }) : () -> ()
    %add3A_53 = arith.constant 128 : i32
    %add3A_54 = arith.addi %multiple_of3A_40, %add3A_53 : i32
    "tpu.region"() ({
      %run_scoped3A = tpu.sem_alloc : memref<!tpu.dma_semaphore, #tpu.memory_space<semaphore_mem>>
      %dma_start3A = arith.constant 0 : i32
      %dma_start3A_85 = tpu.memref_slice %arg9[%add3A_54, %dma_start3A] : memref<10240x128xf32, #tpu.memory_space<vmem_shared>> -> memref<64x128xf32, #tpu.memory_space<vmem_shared>>
      %dma_start3A_86 = arith.constant 0 : i32
      %dma_start3A_87 = tpu.memref_slice %arg9[%add3A_54, %dma_start3A_86] : memref<10240x128xf32, #tpu.memory_space<vmem_shared>> -> memref<64x128xf32, #tpu.memory_space<vmem_shared>>
      tpu.enqueue_dma source(%dma_start3A_87 : memref<64x128xf32, #tpu.memory_space<vmem_shared>>) target(%arg8 : memref<64x128xf32, #tpu.memory_space<vmem>>) target_semaphore(%run_scoped3A : memref<!tpu.dma_semaphore, #tpu.memory_space<semaphore_mem>>)
      %dma_wait3A = arith.constant 0 : i32
      %dma_wait3A_88 = tpu.memref_slice %arg9[%add3A_54, %dma_wait3A] : memref<10240x128xf32, #tpu.memory_space<vmem_shared>> -> memref<64x128xf32, #tpu.memory_space<vmem_shared>>
      %dma_wait3A_89 = arith.constant 0 : i32
      %dma_wait3A_90 = tpu.memref_slice %arg9[%add3A_54, %dma_wait3A_89] : memref<10240x128xf32, #tpu.memory_space<vmem_shared>> -> memref<64x128xf32, #tpu.memory_space<vmem_shared>>
      tpu.wait_dma2 semaphore(%run_scoped3A : memref<!tpu.dma_semaphore, #tpu.memory_space<semaphore_mem>>) src(%dma_wait3A_90 : memref<64x128xf32, #tpu.memory_space<vmem_shared>>) dst(%arg8 : memref<64x128xf32, #tpu.memory_space<vmem>>)
      tpu.yield
    }) : () -> ()
    %add3A_55 = arith.constant 128 : i32
    %add3A_56 = arith.addi %multiple_of3A_44, %add3A_55 : i32
    "tpu.region"() ({
      %run_scoped3A = tpu.sem_alloc : memref<!tpu.dma_semaphore, #tpu.memory_space<semaphore_mem>>
      %dma_start3A = arith.constant 0 : i32
      %dma_start3A_85 = tpu.memref_slice %arg4[%add3A_56, %dma_start3A] : memref<20480x128xf32, #tpu.memory_space<hbm>> -> memref<64x128xf32, #tpu.memory_space<hbm>>
      %dma_start3A_86 = arith.constant 0 : i32
      %dma_start3A_87 = tpu.memref_slice %arg4[%add3A_56, %dma_start3A_86] : memref<20480x128xf32, #tpu.memory_space<hbm>> -> memref<64x128xf32, #tpu.memory_space<hbm>>
      tpu.enqueue_dma source(%arg8 : memref<64x128xf32, #tpu.memory_space<vmem>>) target(%dma_start3A_87 : memref<64x128xf32, #tpu.memory_space<hbm>>) target_semaphore(%run_scoped3A : memref<!tpu.dma_semaphore, #tpu.memory_space<semaphore_mem>>)
      %dma_wait3A = arith.constant 0 : i32
      %dma_wait3A_88 = tpu.memref_slice %arg4[%add3A_56, %dma_wait3A] : memref<20480x128xf32, #tpu.memory_space<hbm>> -> memref<64x128xf32, #tpu.memory_space<hbm>>
      %dma_wait3A_89 = arith.constant 0 : i32
      %dma_wait3A_90 = tpu.memref_slice %arg4[%add3A_56, %dma_wait3A_89] : memref<20480x128xf32, #tpu.memory_space<hbm>> -> memref<64x128xf32, #tpu.memory_space<hbm>>
      tpu.wait_dma2 semaphore(%run_scoped3A : memref<!tpu.dma_semaphore, #tpu.memory_space<semaphore_mem>>) src(%arg8 : memref<64x128xf32, #tpu.memory_space<vmem>>) dst(%dma_wait3A_90 : memref<64x128xf32, #tpu.memory_space<hbm>>)
      tpu.yield
    }) : () -> ()
    %add3A_57 = arith.constant 192 : i32
    %add3A_58 = arith.addi %multiple_of3A_40, %add3A_57 : i32
    "tpu.region"() ({
      %run_scoped3A = tpu.sem_alloc : memref<!tpu.dma_semaphore, #tpu.memory_space<semaphore_mem>>
      %dma_start3A = arith.constant 0 : i32
      %dma_start3A_85 = tpu.memref_slice %arg9[%add3A_58, %dma_start3A] : memref<10240x128xf32, #tpu.memory_space<vmem_shared>> -> memref<64x128xf32, #tpu.memory_space<vmem_shared>>
      %dma_start3A_86 = arith.constant 0 : i32
      %dma_start3A_87 = tpu.memref_slice %arg9[%add3A_58, %dma_start3A_86] : memref<10240x128xf32, #tpu.memory_space<vmem_shared>> -> memref<64x128xf32, #tpu.memory_space<vmem_shared>>
      tpu.enqueue_dma source(%dma_start3A_87 : memref<64x128xf32, #tpu.memory_space<vmem_shared>>) target(%arg8 : memref<64x128xf32, #tpu.memory_space<vmem>>) target_semaphore(%run_scoped3A : memref<!tpu.dma_semaphore, #tpu.memory_space<semaphore_mem>>)
      %dma_wait3A = arith.constant 0 : i32
      %dma_wait3A_88 = tpu.memref_slice %arg9[%add3A_58, %dma_wait3A] : memref<10240x128xf32, #tpu.memory_space<vmem_shared>> -> memref<64x128xf32, #tpu.memory_space<vmem_shared>>
      %dma_wait3A_89 = arith.constant 0 : i32
      %dma_wait3A_90 = tpu.memref_slice %arg9[%add3A_58, %dma_wait3A_89] : memref<10240x128xf32, #tpu.memory_space<vmem_shared>> -> memref<64x128xf32, #tpu.memory_space<vmem_shared>>
      tpu.wait_dma2 semaphore(%run_scoped3A : memref<!tpu.dma_semaphore, #tpu.memory_space<semaphore_mem>>) src(%dma_wait3A_90 : memref<64x128xf32, #tpu.memory_space<vmem_shared>>) dst(%arg8 : memref<64x128xf32, #tpu.memory_space<vmem>>)
      tpu.yield
    }) : () -> ()
    %add3A_59 = arith.constant 192 : i32
    %add3A_60 = arith.addi %multiple_of3A_44, %add3A_59 : i32
    "tpu.region"() ({
      %run_scoped3A = tpu.sem_alloc : memref<!tpu.dma_semaphore, #tpu.memory_space<semaphore_mem>>
      %dma_start3A = arith.constant 0 : i32
      %dma_start3A_85 = tpu.memref_slice %arg4[%add3A_60, %dma_start3A] : memref<20480x128xf32, #tpu.memory_space<hbm>> -> memref<64x128xf32, #tpu.memory_space<hbm>>
      %dma_start3A_86 = arith.constant 0 : i32
      %dma_start3A_87 = tpu.memref_slice %arg4[%add3A_60, %dma_start3A_86] : memref<20480x128xf32, #tpu.memory_space<hbm>> -> memref<64x128xf32, #tpu.memory_space<hbm>>
      tpu.enqueue_dma source(%arg8 : memref<64x128xf32, #tpu.memory_space<vmem>>) target(%dma_start3A_87 : memref<64x128xf32, #tpu.memory_space<hbm>>) target_semaphore(%run_scoped3A : memref<!tpu.dma_semaphore, #tpu.memory_space<semaphore_mem>>)
      %dma_wait3A = arith.constant 0 : i32
      %dma_wait3A_88 = tpu.memref_slice %arg4[%add3A_60, %dma_wait3A] : memref<20480x128xf32, #tpu.memory_space<hbm>> -> memref<64x128xf32, #tpu.memory_space<hbm>>
      %dma_wait3A_89 = arith.constant 0 : i32
      %dma_wait3A_90 = tpu.memref_slice %arg4[%add3A_60, %dma_wait3A_89] : memref<20480x128xf32, #tpu.memory_space<hbm>> -> memref<64x128xf32, #tpu.memory_space<hbm>>
      tpu.wait_dma2 semaphore(%run_scoped3A : memref<!tpu.dma_semaphore, #tpu.memory_space<semaphore_mem>>) src(%arg8 : memref<64x128xf32, #tpu.memory_space<vmem>>) dst(%dma_wait3A_90 : memref<64x128xf32, #tpu.memory_space<hbm>>)
      tpu.yield
    }) : () -> ()
    %add3A_61 = arith.constant 256 : i32
    %add3A_62 = arith.addi %multiple_of3A_40, %add3A_61 : i32
    "tpu.region"() ({
      %run_scoped3A = tpu.sem_alloc : memref<!tpu.dma_semaphore, #tpu.memory_space<semaphore_mem>>
      %dma_start3A = arith.constant 0 : i32
      %dma_start3A_85 = tpu.memref_slice %arg9[%add3A_62, %dma_start3A] : memref<10240x128xf32, #tpu.memory_space<vmem_shared>> -> memref<64x128xf32, #tpu.memory_space<vmem_shared>>
      %dma_start3A_86 = arith.constant 0 : i32
      %dma_start3A_87 = tpu.memref_slice %arg9[%add3A_62, %dma_start3A_86] : memref<10240x128xf32, #tpu.memory_space<vmem_shared>> -> memref<64x128xf32, #tpu.memory_space<vmem_shared>>
      tpu.enqueue_dma source(%dma_start3A_87 : memref<64x128xf32, #tpu.memory_space<vmem_shared>>) target(%arg8 : memref<64x128xf32, #tpu.memory_space<vmem>>) target_semaphore(%run_scoped3A : memref<!tpu.dma_semaphore, #tpu.memory_space<semaphore_mem>>)
      %dma_wait3A = arith.constant 0 : i32
      %dma_wait3A_88 = tpu.memref_slice %arg9[%add3A_62, %dma_wait3A] : memref<10240x128xf32, #tpu.memory_space<vmem_shared>> -> memref<64x128xf32, #tpu.memory_space<vmem_shared>>
      %dma_wait3A_89 = arith.constant 0 : i32
      %dma_wait3A_90 = tpu.memref_slice %arg9[%add3A_62, %dma_wait3A_89] : memref<10240x128xf32, #tpu.memory_space<vmem_shared>> -> memref<64x128xf32, #tpu.memory_space<vmem_shared>>
      tpu.wait_dma2 semaphore(%run_scoped3A : memref<!tpu.dma_semaphore, #tpu.memory_space<semaphore_mem>>) src(%dma_wait3A_90 : memref<64x128xf32, #tpu.memory_space<vmem_shared>>) dst(%arg8 : memref<64x128xf32, #tpu.memory_space<vmem>>)
      tpu.yield
    }) : () -> ()
    %add3A_63 = arith.constant 256 : i32
    %add3A_64 = arith.addi %multiple_of3A_44, %add3A_63 : i32
    "tpu.region"() ({
      %run_scoped3A = tpu.sem_alloc : memref<!tpu.dma_semaphore, #tpu.memory_space<semaphore_mem>>
      %dma_start3A = arith.constant 0 : i32
      %dma_start3A_85 = tpu.memref_slice %arg4[%add3A_64, %dma_start3A] : memref<20480x128xf32, #tpu.memory_space<hbm>> -> memref<64x128xf32, #tpu.memory_space<hbm>>
      %dma_start3A_86 = arith.constant 0 : i32
      %dma_start3A_87 = tpu.memref_slice %arg4[%add3A_64, %dma_start3A_86] : memref<20480x128xf32, #tpu.memory_space<hbm>> -> memref<64x128xf32, #tpu.memory_space<hbm>>
      tpu.enqueue_dma source(%arg8 : memref<64x128xf32, #tpu.memory_space<vmem>>) target(%dma_start3A_87 : memref<64x128xf32, #tpu.memory_space<hbm>>) target_semaphore(%run_scoped3A : memref<!tpu.dma_semaphore, #tpu.memory_space<semaphore_mem>>)
      %dma_wait3A = arith.constant 0 : i32
      %dma_wait3A_88 = tpu.memref_slice %arg4[%add3A_64, %dma_wait3A] : memref<20480x128xf32, #tpu.memory_space<hbm>> -> memref<64x128xf32, #tpu.memory_space<hbm>>
      %dma_wait3A_89 = arith.constant 0 : i32
      %dma_wait3A_90 = tpu.memref_slice %arg4[%add3A_64, %dma_wait3A_89] : memref<20480x128xf32, #tpu.memory_space<hbm>> -> memref<64x128xf32, #tpu.memory_space<hbm>>
      tpu.wait_dma2 semaphore(%run_scoped3A : memref<!tpu.dma_semaphore, #tpu.memory_space<semaphore_mem>>) src(%arg8 : memref<64x128xf32, #tpu.memory_space<vmem>>) dst(%dma_wait3A_90 : memref<64x128xf32, #tpu.memory_space<hbm>>)
      tpu.yield
    }) : () -> ()
    %add3A_65 = arith.constant 320 : i32
    %add3A_66 = arith.addi %multiple_of3A_40, %add3A_65 : i32
    "tpu.region"() ({
      %run_scoped3A = tpu.sem_alloc : memref<!tpu.dma_semaphore, #tpu.memory_space<semaphore_mem>>
      %dma_start3A = arith.constant 0 : i32
      %dma_start3A_85 = tpu.memref_slice %arg9[%add3A_66, %dma_start3A] : memref<10240x128xf32, #tpu.memory_space<vmem_shared>> -> memref<64x128xf32, #tpu.memory_space<vmem_shared>>
      %dma_start3A_86 = arith.constant 0 : i32
      %dma_start3A_87 = tpu.memref_slice %arg9[%add3A_66, %dma_start3A_86] : memref<10240x128xf32, #tpu.memory_space<vmem_shared>> -> memref<64x128xf32, #tpu.memory_space<vmem_shared>>
      tpu.enqueue_dma source(%dma_start3A_87 : memref<64x128xf32, #tpu.memory_space<vmem_shared>>) target(%arg8 : memref<64x128xf32, #tpu.memory_space<vmem>>) target_semaphore(%run_scoped3A : memref<!tpu.dma_semaphore, #tpu.memory_space<semaphore_mem>>)
      %dma_wait3A = arith.constant 0 : i32
      %dma_wait3A_88 = tpu.memref_slice %arg9[%add3A_66, %dma_wait3A] : memref<10240x128xf32, #tpu.memory_space<vmem_shared>> -> memref<64x128xf32, #tpu.memory_space<vmem_shared>>
      %dma_wait3A_89 = arith.constant 0 : i32
      %dma_wait3A_90 = tpu.memref_slice %arg9[%add3A_66, %dma_wait3A_89] : memref<10240x128xf32, #tpu.memory_space<vmem_shared>> -> memref<64x128xf32, #tpu.memory_space<vmem_shared>>
      tpu.wait_dma2 semaphore(%run_scoped3A : memref<!tpu.dma_semaphore, #tpu.memory_space<semaphore_mem>>) src(%dma_wait3A_90 : memref<64x128xf32, #tpu.memory_space<vmem_shared>>) dst(%arg8 : memref<64x128xf32, #tpu.memory_space<vmem>>)
      tpu.yield
    }) : () -> ()
    %add3A_67 = arith.constant 320 : i32
    %add3A_68 = arith.addi %multiple_of3A_44, %add3A_67 : i32
    "tpu.region"() ({
      %run_scoped3A = tpu.sem_alloc : memref<!tpu.dma_semaphore, #tpu.memory_space<semaphore_mem>>
      %dma_start3A = arith.constant 0 : i32
      %dma_start3A_85 = tpu.memref_slice %arg4[%add3A_68, %dma_start3A] : memref<20480x128xf32, #tpu.memory_space<hbm>> -> memref<64x128xf32, #tpu.memory_space<hbm>>
      %dma_start3A_86 = arith.constant 0 : i32
      %dma_start3A_87 = tpu.memref_slice %arg4[%add3A_68, %dma_start3A_86] : memref<20480x128xf32, #tpu.memory_space<hbm>> -> memref<64x128xf32, #tpu.memory_space<hbm>>
      tpu.enqueue_dma source(%arg8 : memref<64x128xf32, #tpu.memory_space<vmem>>) target(%dma_start3A_87 : memref<64x128xf32, #tpu.memory_space<hbm>>) target_semaphore(%run_scoped3A : memref<!tpu.dma_semaphore, #tpu.memory_space<semaphore_mem>>)
      %dma_wait3A = arith.constant 0 : i32
      %dma_wait3A_88 = tpu.memref_slice %arg4[%add3A_68, %dma_wait3A] : memref<20480x128xf32, #tpu.memory_space<hbm>> -> memref<64x128xf32, #tpu.memory_space<hbm>>
      %dma_wait3A_89 = arith.constant 0 : i32
      %dma_wait3A_90 = tpu.memref_slice %arg4[%add3A_68, %dma_wait3A_89] : memref<20480x128xf32, #tpu.memory_space<hbm>> -> memref<64x128xf32, #tpu.memory_space<hbm>>
      tpu.wait_dma2 semaphore(%run_scoped3A : memref<!tpu.dma_semaphore, #tpu.memory_space<semaphore_mem>>) src(%arg8 : memref<64x128xf32, #tpu.memory_space<vmem>>) dst(%dma_wait3A_90 : memref<64x128xf32, #tpu.memory_space<hbm>>)
      tpu.yield
    }) : () -> ()
    %add3A_69 = arith.constant 384 : i32
    %add3A_70 = arith.addi %multiple_of3A_40, %add3A_69 : i32
    "tpu.region"() ({
      %run_scoped3A = tpu.sem_alloc : memref<!tpu.dma_semaphore, #tpu.memory_space<semaphore_mem>>
      %dma_start3A = arith.constant 0 : i32
      %dma_start3A_85 = tpu.memref_slice %arg9[%add3A_70, %dma_start3A] : memref<10240x128xf32, #tpu.memory_space<vmem_shared>> -> memref<64x128xf32, #tpu.memory_space<vmem_shared>>
      %dma_start3A_86 = arith.constant 0 : i32
      %dma_start3A_87 = tpu.memref_slice %arg9[%add3A_70, %dma_start3A_86] : memref<10240x128xf32, #tpu.memory_space<vmem_shared>> -> memref<64x128xf32, #tpu.memory_space<vmem_shared>>
      tpu.enqueue_dma source(%dma_start3A_87 : memref<64x128xf32, #tpu.memory_space<vmem_shared>>) target(%arg8 : memref<64x128xf32, #tpu.memory_space<vmem>>) target_semaphore(%run_scoped3A : memref<!tpu.dma_semaphore, #tpu.memory_space<semaphore_mem>>)
      %dma_wait3A = arith.constant 0 : i32
      %dma_wait3A_88 = tpu.memref_slice %arg9[%add3A_70, %dma_wait3A] : memref<10240x128xf32, #tpu.memory_space<vmem_shared>> -> memref<64x128xf32, #tpu.memory_space<vmem_shared>>
      %dma_wait3A_89 = arith.constant 0 : i32
      %dma_wait3A_90 = tpu.memref_slice %arg9[%add3A_70, %dma_wait3A_89] : memref<10240x128xf32, #tpu.memory_space<vmem_shared>> -> memref<64x128xf32, #tpu.memory_space<vmem_shared>>
      tpu.wait_dma2 semaphore(%run_scoped3A : memref<!tpu.dma_semaphore, #tpu.memory_space<semaphore_mem>>) src(%dma_wait3A_90 : memref<64x128xf32, #tpu.memory_space<vmem_shared>>) dst(%arg8 : memref<64x128xf32, #tpu.memory_space<vmem>>)
      tpu.yield
    }) : () -> ()
    %add3A_71 = arith.constant 384 : i32
    %add3A_72 = arith.addi %multiple_of3A_44, %add3A_71 : i32
    "tpu.region"() ({
      %run_scoped3A = tpu.sem_alloc : memref<!tpu.dma_semaphore, #tpu.memory_space<semaphore_mem>>
      %dma_start3A = arith.constant 0 : i32
      %dma_start3A_85 = tpu.memref_slice %arg4[%add3A_72, %dma_start3A] : memref<20480x128xf32, #tpu.memory_space<hbm>> -> memref<64x128xf32, #tpu.memory_space<hbm>>
      %dma_start3A_86 = arith.constant 0 : i32
      %dma_start3A_87 = tpu.memref_slice %arg4[%add3A_72, %dma_start3A_86] : memref<20480x128xf32, #tpu.memory_space<hbm>> -> memref<64x128xf32, #tpu.memory_space<hbm>>
      tpu.enqueue_dma source(%arg8 : memref<64x128xf32, #tpu.memory_space<vmem>>) target(%dma_start3A_87 : memref<64x128xf32, #tpu.memory_space<hbm>>) target_semaphore(%run_scoped3A : memref<!tpu.dma_semaphore, #tpu.memory_space<semaphore_mem>>)
      %dma_wait3A = arith.constant 0 : i32
      %dma_wait3A_88 = tpu.memref_slice %arg4[%add3A_72, %dma_wait3A] : memref<20480x128xf32, #tpu.memory_space<hbm>> -> memref<64x128xf32, #tpu.memory_space<hbm>>
      %dma_wait3A_89 = arith.constant 0 : i32
      %dma_wait3A_90 = tpu.memref_slice %arg4[%add3A_72, %dma_wait3A_89] : memref<20480x128xf32, #tpu.memory_space<hbm>> -> memref<64x128xf32, #tpu.memory_space<hbm>>
      tpu.wait_dma2 semaphore(%run_scoped3A : memref<!tpu.dma_semaphore, #tpu.memory_space<semaphore_mem>>) src(%arg8 : memref<64x128xf32, #tpu.memory_space<vmem>>) dst(%dma_wait3A_90 : memref<64x128xf32, #tpu.memory_space<hbm>>)
      tpu.yield
    }) : () -> ()
    %add3A_73 = arith.constant 448 : i32
    %add3A_74 = arith.addi %multiple_of3A_40, %add3A_73 : i32
    "tpu.region"() ({
      %run_scoped3A = tpu.sem_alloc : memref<!tpu.dma_semaphore, #tpu.memory_space<semaphore_mem>>
      %dma_start3A = arith.constant 0 : i32
      %dma_start3A_85 = tpu.memref_slice %arg9[%add3A_74, %dma_start3A] : memref<10240x128xf32, #tpu.memory_space<vmem_shared>> -> memref<64x128xf32, #tpu.memory_space<vmem_shared>>
      %dma_start3A_86 = arith.constant 0 : i32
      %dma_start3A_87 = tpu.memref_slice %arg9[%add3A_74, %dma_start3A_86] : memref<10240x128xf32, #tpu.memory_space<vmem_shared>> -> memref<64x128xf32, #tpu.memory_space<vmem_shared>>
      tpu.enqueue_dma source(%dma_start3A_87 : memref<64x128xf32, #tpu.memory_space<vmem_shared>>) target(%arg8 : memref<64x128xf32, #tpu.memory_space<vmem>>) target_semaphore(%run_scoped3A : memref<!tpu.dma_semaphore, #tpu.memory_space<semaphore_mem>>)
      %dma_wait3A = arith.constant 0 : i32
      %dma_wait3A_88 = tpu.memref_slice %arg9[%add3A_74, %dma_wait3A] : memref<10240x128xf32, #tpu.memory_space<vmem_shared>> -> memref<64x128xf32, #tpu.memory_space<vmem_shared>>
      %dma_wait3A_89 = arith.constant 0 : i32
      %dma_wait3A_90 = tpu.memref_slice %arg9[%add3A_74, %dma_wait3A_89] : memref<10240x128xf32, #tpu.memory_space<vmem_shared>> -> memref<64x128xf32, #tpu.memory_space<vmem_shared>>
      tpu.wait_dma2 semaphore(%run_scoped3A : memref<!tpu.dma_semaphore, #tpu.memory_space<semaphore_mem>>) src(%dma_wait3A_90 : memref<64x128xf32, #tpu.memory_space<vmem_shared>>) dst(%arg8 : memref<64x128xf32, #tpu.memory_space<vmem>>)
      tpu.yield
    }) : () -> ()
    %add3A_75 = arith.constant 448 : i32
    %add3A_76 = arith.addi %multiple_of3A_44, %add3A_75 : i32
    "tpu.region"() ({
      %run_scoped3A = tpu.sem_alloc : memref<!tpu.dma_semaphore, #tpu.memory_space<semaphore_mem>>
      %dma_start3A = arith.constant 0 : i32
      %dma_start3A_85 = tpu.memref_slice %arg4[%add3A_76, %dma_start3A] : memref<20480x128xf32, #tpu.memory_space<hbm>> -> memref<64x128xf32, #tpu.memory_space<hbm>>
      %dma_start3A_86 = arith.constant 0 : i32
      %dma_start3A_87 = tpu.memref_slice %arg4[%add3A_76, %dma_start3A_86] : memref<20480x128xf32, #tpu.memory_space<hbm>> -> memref<64x128xf32, #tpu.memory_space<hbm>>
      tpu.enqueue_dma source(%arg8 : memref<64x128xf32, #tpu.memory_space<vmem>>) target(%dma_start3A_87 : memref<64x128xf32, #tpu.memory_space<hbm>>) target_semaphore(%run_scoped3A : memref<!tpu.dma_semaphore, #tpu.memory_space<semaphore_mem>>)
      %dma_wait3A = arith.constant 0 : i32
      %dma_wait3A_88 = tpu.memref_slice %arg4[%add3A_76, %dma_wait3A] : memref<20480x128xf32, #tpu.memory_space<hbm>> -> memref<64x128xf32, #tpu.memory_space<hbm>>
      %dma_wait3A_89 = arith.constant 0 : i32
      %dma_wait3A_90 = tpu.memref_slice %arg4[%add3A_76, %dma_wait3A_89] : memref<20480x128xf32, #tpu.memory_space<hbm>> -> memref<64x128xf32, #tpu.memory_space<hbm>>
      tpu.wait_dma2 semaphore(%run_scoped3A : memref<!tpu.dma_semaphore, #tpu.memory_space<semaphore_mem>>) src(%arg8 : memref<64x128xf32, #tpu.memory_space<vmem>>) dst(%dma_wait3A_90 : memref<64x128xf32, #tpu.memory_space<hbm>>)
      tpu.yield
    }) : () -> ()
    %add3A_77 = arith.constant 512 : i32
    %add3A_78 = arith.addi %multiple_of3A_40, %add3A_77 : i32
    "tpu.region"() ({
      %run_scoped3A = tpu.sem_alloc : memref<!tpu.dma_semaphore, #tpu.memory_space<semaphore_mem>>
      %dma_start3A = arith.constant 0 : i32
      %dma_start3A_85 = tpu.memref_slice %arg9[%add3A_78, %dma_start3A] : memref<10240x128xf32, #tpu.memory_space<vmem_shared>> -> memref<64x128xf32, #tpu.memory_space<vmem_shared>>
      %dma_start3A_86 = arith.constant 0 : i32
      %dma_start3A_87 = tpu.memref_slice %arg9[%add3A_78, %dma_start3A_86] : memref<10240x128xf32, #tpu.memory_space<vmem_shared>> -> memref<64x128xf32, #tpu.memory_space<vmem_shared>>
      tpu.enqueue_dma source(%dma_start3A_87 : memref<64x128xf32, #tpu.memory_space<vmem_shared>>) target(%arg8 : memref<64x128xf32, #tpu.memory_space<vmem>>) target_semaphore(%run_scoped3A : memref<!tpu.dma_semaphore, #tpu.memory_space<semaphore_mem>>)
      %dma_wait3A = arith.constant 0 : i32
      %dma_wait3A_88 = tpu.memref_slice %arg9[%add3A_78, %dma_wait3A] : memref<10240x128xf32, #tpu.memory_space<vmem_shared>> -> memref<64x128xf32, #tpu.memory_space<vmem_shared>>
      %dma_wait3A_89 = arith.constant 0 : i32
      %dma_wait3A_90 = tpu.memref_slice %arg9[%add3A_78, %dma_wait3A_89] : memref<10240x128xf32, #tpu.memory_space<vmem_shared>> -> memref<64x128xf32, #tpu.memory_space<vmem_shared>>
      tpu.wait_dma2 semaphore(%run_scoped3A : memref<!tpu.dma_semaphore, #tpu.memory_space<semaphore_mem>>) src(%dma_wait3A_90 : memref<64x128xf32, #tpu.memory_space<vmem_shared>>) dst(%arg8 : memref<64x128xf32, #tpu.memory_space<vmem>>)
      tpu.yield
    }) : () -> ()
    %add3A_79 = arith.constant 512 : i32
    %add3A_80 = arith.addi %multiple_of3A_44, %add3A_79 : i32
    "tpu.region"() ({
      %run_scoped3A = tpu.sem_alloc : memref<!tpu.dma_semaphore, #tpu.memory_space<semaphore_mem>>
      %dma_start3A = arith.constant 0 : i32
      %dma_start3A_85 = tpu.memref_slice %arg4[%add3A_80, %dma_start3A] : memref<20480x128xf32, #tpu.memory_space<hbm>> -> memref<64x128xf32, #tpu.memory_space<hbm>>
      %dma_start3A_86 = arith.constant 0 : i32
      %dma_start3A_87 = tpu.memref_slice %arg4[%add3A_80, %dma_start3A_86] : memref<20480x128xf32, #tpu.memory_space<hbm>> -> memref<64x128xf32, #tpu.memory_space<hbm>>
      tpu.enqueue_dma source(%arg8 : memref<64x128xf32, #tpu.memory_space<vmem>>) target(%dma_start3A_87 : memref<64x128xf32, #tpu.memory_space<hbm>>) target_semaphore(%run_scoped3A : memref<!tpu.dma_semaphore, #tpu.memory_space<semaphore_mem>>)
      %dma_wait3A = arith.constant 0 : i32
      %dma_wait3A_88 = tpu.memref_slice %arg4[%add3A_80, %dma_wait3A] : memref<20480x128xf32, #tpu.memory_space<hbm>> -> memref<64x128xf32, #tpu.memory_space<hbm>>
      %dma_wait3A_89 = arith.constant 0 : i32
      %dma_wait3A_90 = tpu.memref_slice %arg4[%add3A_80, %dma_wait3A_89] : memref<20480x128xf32, #tpu.memory_space<hbm>> -> memref<64x128xf32, #tpu.memory_space<hbm>>
      tpu.wait_dma2 semaphore(%run_scoped3A : memref<!tpu.dma_semaphore, #tpu.memory_space<semaphore_mem>>) src(%arg8 : memref<64x128xf32, #tpu.memory_space<vmem>>) dst(%dma_wait3A_90 : memref<64x128xf32, #tpu.memory_space<hbm>>)
      tpu.yield
    }) : () -> ()
    %add3A_81 = arith.constant 576 : i32
    %add3A_82 = arith.addi %multiple_of3A_40, %add3A_81 : i32
    "tpu.region"() ({
      %run_scoped3A = tpu.sem_alloc : memref<!tpu.dma_semaphore, #tpu.memory_space<semaphore_mem>>
      %dma_start3A = arith.constant 0 : i32
      %dma_start3A_85 = tpu.memref_slice %arg9[%add3A_82, %dma_start3A] : memref<10240x128xf32, #tpu.memory_space<vmem_shared>> -> memref<64x128xf32, #tpu.memory_space<vmem_shared>>
      %dma_start3A_86 = arith.constant 0 : i32
      %dma_start3A_87 = tpu.memref_slice %arg9[%add3A_82, %dma_start3A_86] : memref<10240x128xf32, #tpu.memory_space<vmem_shared>> -> memref<64x128xf32, #tpu.memory_space<vmem_shared>>
      tpu.enqueue_dma source(%dma_start3A_87 : memref<64x128xf32, #tpu.memory_space<vmem_shared>>) target(%arg8 : memref<64x128xf32, #tpu.memory_space<vmem>>) target_semaphore(%run_scoped3A : memref<!tpu.dma_semaphore, #tpu.memory_space<semaphore_mem>>)
      %dma_wait3A = arith.constant 0 : i32
      %dma_wait3A_88 = tpu.memref_slice %arg9[%add3A_82, %dma_wait3A] : memref<10240x128xf32, #tpu.memory_space<vmem_shared>> -> memref<64x128xf32, #tpu.memory_space<vmem_shared>>
      %dma_wait3A_89 = arith.constant 0 : i32
      %dma_wait3A_90 = tpu.memref_slice %arg9[%add3A_82, %dma_wait3A_89] : memref<10240x128xf32, #tpu.memory_space<vmem_shared>> -> memref<64x128xf32, #tpu.memory_space<vmem_shared>>
      tpu.wait_dma2 semaphore(%run_scoped3A : memref<!tpu.dma_semaphore, #tpu.memory_space<semaphore_mem>>) src(%dma_wait3A_90 : memref<64x128xf32, #tpu.memory_space<vmem_shared>>) dst(%arg8 : memref<64x128xf32, #tpu.memory_space<vmem>>)
      tpu.yield
    }) : () -> ()
    %add3A_83 = arith.constant 576 : i32
    %add3A_84 = arith.addi %multiple_of3A_44, %add3A_83 : i32
    "tpu.region"() ({
      %run_scoped3A = tpu.sem_alloc : memref<!tpu.dma_semaphore, #tpu.memory_space<semaphore_mem>>
      %dma_start3A = arith.constant 0 : i32
      %dma_start3A_85 = tpu.memref_slice %arg4[%add3A_84, %dma_start3A] : memref<20480x128xf32, #tpu.memory_space<hbm>> -> memref<64x128xf32, #tpu.memory_space<hbm>>
      %dma_start3A_86 = arith.constant 0 : i32
      %dma_start3A_87 = tpu.memref_slice %arg4[%add3A_84, %dma_start3A_86] : memref<20480x128xf32, #tpu.memory_space<hbm>> -> memref<64x128xf32, #tpu.memory_space<hbm>>
      tpu.enqueue_dma source(%arg8 : memref<64x128xf32, #tpu.memory_space<vmem>>) target(%dma_start3A_87 : memref<64x128xf32, #tpu.memory_space<hbm>>) target_semaphore(%run_scoped3A : memref<!tpu.dma_semaphore, #tpu.memory_space<semaphore_mem>>)
      %dma_wait3A = arith.constant 0 : i32
      %dma_wait3A_88 = tpu.memref_slice %arg4[%add3A_84, %dma_wait3A] : memref<20480x128xf32, #tpu.memory_space<hbm>> -> memref<64x128xf32, #tpu.memory_space<hbm>>
      %dma_wait3A_89 = arith.constant 0 : i32
      %dma_wait3A_90 = tpu.memref_slice %arg4[%add3A_84, %dma_wait3A_89] : memref<20480x128xf32, #tpu.memory_space<hbm>> -> memref<64x128xf32, #tpu.memory_space<hbm>>
      tpu.wait_dma2 semaphore(%run_scoped3A : memref<!tpu.dma_semaphore, #tpu.memory_space<semaphore_mem>>) src(%arg8 : memref<64x128xf32, #tpu.memory_space<vmem>>) dst(%dma_wait3A_90 : memref<64x128xf32, #tpu.memory_space<hbm>>)
      tpu.yield
    }) : () -> ()
    return
  }
}

#map = affine_map<(d0, d1) -> (0)>
#map1 = affine_map<(d0, d1) -> (0, 0)>
module attributes {stable_mosaic.version = 14 : i64} {
  func.func @deg_kernel(%arg0: i32, %arg1: i32, %arg2: memref<640000xi32, #tpu.memory_space<hbm>>, %arg3: memref<20480x128xf32, #tpu.memory_space<hbm>>, %arg4: memref<2x80xi32, #tpu.memory_space<vmem>>, %arg5: memref<80x128xf32, #tpu.memory_space<vmem>>, %arg6: memref<64x128xf32, #tpu.memory_space<vmem>>, %arg7: memref<10240x128xf32, #tpu.memory_space<vmem_shared>>) attributes {dimension_semantics = [#tpu.dimension_semantics<core_parallel>, #tpu.dimension_semantics<subcore_parallel>], iteration_bounds = array<i64: 2, 16>, scalar_prefetch = 0 : i64, scratch_operands = 4 : i64, tpu.core_type = #tpu.core_type<sc_vector_subcore>, window_params = [{transform_indices = #map}, {transform_indices = #map1}]} {
    %mul3A = arith.constant 2 : i32
    %mul3A_0 = arith.muli %arg1, %mul3A : i32
    %add3A = arith.addi %mul3A_0, %arg0 : i32
    %broadcast_in_dim3A = arith.constant 0.000000e+00 : f32
    %broadcast_in_dim3A_1 = vector.broadcast %broadcast_in_dim3A : f32 to vector<16xf32>
    %scan3A = arith.constant 0 : i32
    %scan3A_2 = arith.constant 0 : i32
    %scan3A_3 = arith.constant 512 : i32
    %scan3A_4 = arith.addi %scan3A_2, %scan3A_3 : i32
    %scan3A_5 = arith.constant 1 : i32
    %scan3A_6 = scf.for %scan3A_94 = %scan3A_2 to %scan3A_4 step %scan3A_5 iter_args(%scan3A_95 = %scan3A) -> (i32)  : i32 {
      %jit3A = arith.constant 8 : i32
      %div3A = arith.divsi %scan3A_94, %jit3A : i32
      %sign3A = arith.constant 0 : i32
      %sign3A_96 = arith.cmpi sgt, %scan3A_94, %sign3A : i32
      %sign3A_97 = arith.extui %sign3A_96 : i1 to i32
      %sign3A_98 = arith.constant 0 : i32
      %sign3A_99 = arith.cmpi slt, %scan3A_94, %sign3A_98 : i32
      %sign3A_100 = arith.extui %sign3A_99 : i1 to i32
      %sign3A_101 = arith.subi %sign3A_97, %sign3A_100 : i32
      %sign3A_102 = arith.constant 0 : i32
      %sign3A_103 = arith.cmpi sgt, %jit3A, %sign3A_102 : i32
      %sign3A_104 = arith.extui %sign3A_103 : i1 to i32
      %sign3A_105 = arith.constant 0 : i32
      %sign3A_106 = arith.cmpi slt, %jit3A, %sign3A_105 : i32
      %sign3A_107 = arith.extui %sign3A_106 : i1 to i32
      %sign3A_108 = arith.subi %sign3A_104, %sign3A_107 : i32
      %ne3A = arith.cmpi ne, %sign3A_101, %sign3A_108 : i32
      %rem3A = arith.remsi %scan3A_94, %jit3A : i32
      %ne3A_109 = arith.constant 0 : i32
      %ne3A_110 = arith.cmpi ne, %rem3A, %ne3A_109 : i32
      %and3A = arith.andi %ne3A, %ne3A_110 : i1
      %sub3A = arith.constant 1 : i32
      %sub3A_111 = arith.subi %div3A, %sub3A : i32
      %select_n3A = arith.select %and3A, %sub3A_111, %div3A : i32
      %jit3A_112 = arith.constant 8 : i32
      %eq3A = arith.constant 0 : i32
      %eq3A_113 = arith.cmpi eq, %jit3A_112, %eq3A : i32
      %jit3A_114 = arith.constant 1 : i32
      %select_n3A_115 = arith.select %eq3A_113, %jit3A_114, %jit3A_112 : i32
      %rem3A_116 = arith.remsi %scan3A_94, %select_n3A_115 : i32
      %ne3A_117 = arith.constant 0 : i32
      %ne3A_118 = arith.cmpi ne, %rem3A_116, %ne3A_117 : i32
      %lt3A = arith.constant 0 : i32
      %lt3A_119 = arith.cmpi slt, %rem3A_116, %lt3A : i32
      %lt3A_120 = arith.constant 0 : i32
      %lt3A_121 = arith.cmpi slt, %select_n3A_115, %lt3A_120 : i32
      %ne3A_122 = arith.xori %lt3A_119, %lt3A_121 : i1
      %and3A_123 = arith.andi %ne3A_122, %ne3A_118 : i1
      %add3A_124 = arith.addi %rem3A_116, %select_n3A_115 : i32
      %select_n3A_125 = arith.select %and3A_123, %add3A_124, %rem3A_116 : i32
      %mul3A_126 = arith.constant 16 : i32
      %mul3A_127 = arith.muli %select_n3A_125, %mul3A_126 : i32
      %swap3A = arith.index_cast %select_n3A : i32 to index
      %swap3A_128 = arith.index_cast %mul3A_127 : i32 to index
      %swap3A_129 = tpu.vector_load %arg6[%swap3A, %swap3A_128] {strides = array<i32>} : memref<64x128xf32, #tpu.memory_space<vmem>>, vector<1x16xf32>,
      %swap3A_130 = vector.shape_cast %swap3A_129 : vector<1x16xf32> to vector<16xf32>
      %swap3A_131 = vector.shape_cast %broadcast_in_dim3A_1 : vector<16xf32> to vector<1x16xf32>
      tpu.vector_store %arg6[%swap3A, %swap3A_128], %swap3A_131 {strides = array<i32>} : memref<64x128xf32, #tpu.memory_space<vmem>>, vector<1x16xf32>,
      %scan3A_132 = arith.constant 0 : i32
      scf.yield %scan3A_132 : i32
    }
    %scan3A_7 = arith.constant 512 : i32
    %mul3A_8 = arith.constant 640 : i32
    %mul3A_9 = arith.muli %arg1, %mul3A_8 : i32
    %multiple_of3A = tpu.assume_multiple %mul3A_9, 8 : i32
    %add3A_10 = arith.constant 0 : i32
    %add3A_11 = arith.addi %multiple_of3A, %add3A_10 : i32
    "tpu.region"() ({
      %run_scoped3A = tpu.sem_alloc : memref<!tpu.dma_semaphore, #tpu.memory_space<semaphore_mem>>
      %dma_start3A = arith.constant 0 : i32
      %dma_start3A_94 = tpu.memref_slice %arg7[%add3A_11, %dma_start3A] : memref<10240x128xf32, #tpu.memory_space<vmem_shared>> -> memref<64x128xf32, #tpu.memory_space<vmem_shared>>
      %dma_start3A_95 = arith.constant 0 : i32
      %dma_start3A_96 = tpu.memref_slice %arg7[%add3A_11, %dma_start3A_95] : memref<10240x128xf32, #tpu.memory_space<vmem_shared>> -> memref<64x128xf32, #tpu.memory_space<vmem_shared>>
      tpu.enqueue_dma source(%arg6 : memref<64x128xf32, #tpu.memory_space<vmem>>) target(%dma_start3A_96 : memref<64x128xf32, #tpu.memory_space<vmem_shared>>) target_semaphore(%run_scoped3A : memref<!tpu.dma_semaphore, #tpu.memory_space<semaphore_mem>>)
      %dma_wait3A = arith.constant 0 : i32
      %dma_wait3A_97 = tpu.memref_slice %arg7[%add3A_11, %dma_wait3A] : memref<10240x128xf32, #tpu.memory_space<vmem_shared>> -> memref<64x128xf32, #tpu.memory_space<vmem_shared>>
      %dma_wait3A_98 = arith.constant 0 : i32
      %dma_wait3A_99 = tpu.memref_slice %arg7[%add3A_11, %dma_wait3A_98] : memref<10240x128xf32, #tpu.memory_space<vmem_shared>> -> memref<64x128xf32, #tpu.memory_space<vmem_shared>>
      tpu.wait_dma2 semaphore(%run_scoped3A : memref<!tpu.dma_semaphore, #tpu.memory_space<semaphore_mem>>) src(%arg6 : memref<64x128xf32, #tpu.memory_space<vmem>>) dst(%dma_wait3A_99 : memref<64x128xf32, #tpu.memory_space<vmem_shared>>)
      tpu.yield
    }) : () -> ()
    %add3A_12 = arith.constant 64 : i32
    %add3A_13 = arith.addi %multiple_of3A, %add3A_12 : i32
    "tpu.region"() ({
      %run_scoped3A = tpu.sem_alloc : memref<!tpu.dma_semaphore, #tpu.memory_space<semaphore_mem>>
      %dma_start3A = arith.constant 0 : i32
      %dma_start3A_94 = tpu.memref_slice %arg7[%add3A_13, %dma_start3A] : memref<10240x128xf32, #tpu.memory_space<vmem_shared>> -> memref<64x128xf32, #tpu.memory_space<vmem_shared>>
      %dma_start3A_95 = arith.constant 0 : i32
      %dma_start3A_96 = tpu.memref_slice %arg7[%add3A_13, %dma_start3A_95] : memref<10240x128xf32, #tpu.memory_space<vmem_shared>> -> memref<64x128xf32, #tpu.memory_space<vmem_shared>>
      tpu.enqueue_dma source(%arg6 : memref<64x128xf32, #tpu.memory_space<vmem>>) target(%dma_start3A_96 : memref<64x128xf32, #tpu.memory_space<vmem_shared>>) target_semaphore(%run_scoped3A : memref<!tpu.dma_semaphore, #tpu.memory_space<semaphore_mem>>)
      %dma_wait3A = arith.constant 0 : i32
      %dma_wait3A_97 = tpu.memref_slice %arg7[%add3A_13, %dma_wait3A] : memref<10240x128xf32, #tpu.memory_space<vmem_shared>> -> memref<64x128xf32, #tpu.memory_space<vmem_shared>>
      %dma_wait3A_98 = arith.constant 0 : i32
      %dma_wait3A_99 = tpu.memref_slice %arg7[%add3A_13, %dma_wait3A_98] : memref<10240x128xf32, #tpu.memory_space<vmem_shared>> -> memref<64x128xf32, #tpu.memory_space<vmem_shared>>
      tpu.wait_dma2 semaphore(%run_scoped3A : memref<!tpu.dma_semaphore, #tpu.memory_space<semaphore_mem>>) src(%arg6 : memref<64x128xf32, #tpu.memory_space<vmem>>) dst(%dma_wait3A_99 : memref<64x128xf32, #tpu.memory_space<vmem_shared>>)
      tpu.yield
    }) : () -> ()
    %add3A_14 = arith.constant 128 : i32
    %add3A_15 = arith.addi %multiple_of3A, %add3A_14 : i32
    "tpu.region"() ({
      %run_scoped3A = tpu.sem_alloc : memref<!tpu.dma_semaphore, #tpu.memory_space<semaphore_mem>>
      %dma_start3A = arith.constant 0 : i32
      %dma_start3A_94 = tpu.memref_slice %arg7[%add3A_15, %dma_start3A] : memref<10240x128xf32, #tpu.memory_space<vmem_shared>> -> memref<64x128xf32, #tpu.memory_space<vmem_shared>>
      %dma_start3A_95 = arith.constant 0 : i32
      %dma_start3A_96 = tpu.memref_slice %arg7[%add3A_15, %dma_start3A_95] : memref<10240x128xf32, #tpu.memory_space<vmem_shared>> -> memref<64x128xf32, #tpu.memory_space<vmem_shared>>
      tpu.enqueue_dma source(%arg6 : memref<64x128xf32, #tpu.memory_space<vmem>>) target(%dma_start3A_96 : memref<64x128xf32, #tpu.memory_space<vmem_shared>>) target_semaphore(%run_scoped3A : memref<!tpu.dma_semaphore, #tpu.memory_space<semaphore_mem>>)
      %dma_wait3A = arith.constant 0 : i32
      %dma_wait3A_97 = tpu.memref_slice %arg7[%add3A_15, %dma_wait3A] : memref<10240x128xf32, #tpu.memory_space<vmem_shared>> -> memref<64x128xf32, #tpu.memory_space<vmem_shared>>
      %dma_wait3A_98 = arith.constant 0 : i32
      %dma_wait3A_99 = tpu.memref_slice %arg7[%add3A_15, %dma_wait3A_98] : memref<10240x128xf32, #tpu.memory_space<vmem_shared>> -> memref<64x128xf32, #tpu.memory_space<vmem_shared>>
      tpu.wait_dma2 semaphore(%run_scoped3A : memref<!tpu.dma_semaphore, #tpu.memory_space<semaphore_mem>>) src(%arg6 : memref<64x128xf32, #tpu.memory_space<vmem>>) dst(%dma_wait3A_99 : memref<64x128xf32, #tpu.memory_space<vmem_shared>>)
      tpu.yield
    }) : () -> ()
    %add3A_16 = arith.constant 192 : i32
    %add3A_17 = arith.addi %multiple_of3A, %add3A_16 : i32
    "tpu.region"() ({
      %run_scoped3A = tpu.sem_alloc : memref<!tpu.dma_semaphore, #tpu.memory_space<semaphore_mem>>
      %dma_start3A = arith.constant 0 : i32
      %dma_start3A_94 = tpu.memref_slice %arg7[%add3A_17, %dma_start3A] : memref<10240x128xf32, #tpu.memory_space<vmem_shared>> -> memref<64x128xf32, #tpu.memory_space<vmem_shared>>
      %dma_start3A_95 = arith.constant 0 : i32
      %dma_start3A_96 = tpu.memref_slice %arg7[%add3A_17, %dma_start3A_95] : memref<10240x128xf32, #tpu.memory_space<vmem_shared>> -> memref<64x128xf32, #tpu.memory_space<vmem_shared>>
      tpu.enqueue_dma source(%arg6 : memref<64x128xf32, #tpu.memory_space<vmem>>) target(%dma_start3A_96 : memref<64x128xf32, #tpu.memory_space<vmem_shared>>) target_semaphore(%run_scoped3A : memref<!tpu.dma_semaphore, #tpu.memory_space<semaphore_mem>>)
      %dma_wait3A = arith.constant 0 : i32
      %dma_wait3A_97 = tpu.memref_slice %arg7[%add3A_17, %dma_wait3A] : memref<10240x128xf32, #tpu.memory_space<vmem_shared>> -> memref<64x128xf32, #tpu.memory_space<vmem_shared>>
      %dma_wait3A_98 = arith.constant 0 : i32
      %dma_wait3A_99 = tpu.memref_slice %arg7[%add3A_17, %dma_wait3A_98] : memref<10240x128xf32, #tpu.memory_space<vmem_shared>> -> memref<64x128xf32, #tpu.memory_space<vmem_shared>>
      tpu.wait_dma2 semaphore(%run_scoped3A : memref<!tpu.dma_semaphore, #tpu.memory_space<semaphore_mem>>) src(%arg6 : memref<64x128xf32, #tpu.memory_space<vmem>>) dst(%dma_wait3A_99 : memref<64x128xf32, #tpu.memory_space<vmem_shared>>)
      tpu.yield
    }) : () -> ()
    %add3A_18 = arith.constant 256 : i32
    %add3A_19 = arith.addi %multiple_of3A, %add3A_18 : i32
    "tpu.region"() ({
      %run_scoped3A = tpu.sem_alloc : memref<!tpu.dma_semaphore, #tpu.memory_space<semaphore_mem>>
      %dma_start3A = arith.constant 0 : i32
      %dma_start3A_94 = tpu.memref_slice %arg7[%add3A_19, %dma_start3A] : memref<10240x128xf32, #tpu.memory_space<vmem_shared>> -> memref<64x128xf32, #tpu.memory_space<vmem_shared>>
      %dma_start3A_95 = arith.constant 0 : i32
      %dma_start3A_96 = tpu.memref_slice %arg7[%add3A_19, %dma_start3A_95] : memref<10240x128xf32, #tpu.memory_space<vmem_shared>> -> memref<64x128xf32, #tpu.memory_space<vmem_shared>>
      tpu.enqueue_dma source(%arg6 : memref<64x128xf32, #tpu.memory_space<vmem>>) target(%dma_start3A_96 : memref<64x128xf32, #tpu.memory_space<vmem_shared>>) target_semaphore(%run_scoped3A : memref<!tpu.dma_semaphore, #tpu.memory_space<semaphore_mem>>)
      %dma_wait3A = arith.constant 0 : i32
      %dma_wait3A_97 = tpu.memref_slice %arg7[%add3A_19, %dma_wait3A] : memref<10240x128xf32, #tpu.memory_space<vmem_shared>> -> memref<64x128xf32, #tpu.memory_space<vmem_shared>>
      %dma_wait3A_98 = arith.constant 0 : i32
      %dma_wait3A_99 = tpu.memref_slice %arg7[%add3A_19, %dma_wait3A_98] : memref<10240x128xf32, #tpu.memory_space<vmem_shared>> -> memref<64x128xf32, #tpu.memory_space<vmem_shared>>
      tpu.wait_dma2 semaphore(%run_scoped3A : memref<!tpu.dma_semaphore, #tpu.memory_space<semaphore_mem>>) src(%arg6 : memref<64x128xf32, #tpu.memory_space<vmem>>) dst(%dma_wait3A_99 : memref<64x128xf32, #tpu.memory_space<vmem_shared>>)
      tpu.yield
    }) : () -> ()
    %add3A_20 = arith.constant 320 : i32
    %add3A_21 = arith.addi %multiple_of3A, %add3A_20 : i32
    "tpu.region"() ({
      %run_scoped3A = tpu.sem_alloc : memref<!tpu.dma_semaphore, #tpu.memory_space<semaphore_mem>>
      %dma_start3A = arith.constant 0 : i32
      %dma_start3A_94 = tpu.memref_slice %arg7[%add3A_21, %dma_start3A] : memref<10240x128xf32, #tpu.memory_space<vmem_shared>> -> memref<64x128xf32, #tpu.memory_space<vmem_shared>>
      %dma_start3A_95 = arith.constant 0 : i32
      %dma_start3A_96 = tpu.memref_slice %arg7[%add3A_21, %dma_start3A_95] : memref<10240x128xf32, #tpu.memory_space<vmem_shared>> -> memref<64x128xf32, #tpu.memory_space<vmem_shared>>
      tpu.enqueue_dma source(%arg6 : memref<64x128xf32, #tpu.memory_space<vmem>>) target(%dma_start3A_96 : memref<64x128xf32, #tpu.memory_space<vmem_shared>>) target_semaphore(%run_scoped3A : memref<!tpu.dma_semaphore, #tpu.memory_space<semaphore_mem>>)
      %dma_wait3A = arith.constant 0 : i32
      %dma_wait3A_97 = tpu.memref_slice %arg7[%add3A_21, %dma_wait3A] : memref<10240x128xf32, #tpu.memory_space<vmem_shared>> -> memref<64x128xf32, #tpu.memory_space<vmem_shared>>
      %dma_wait3A_98 = arith.constant 0 : i32
      %dma_wait3A_99 = tpu.memref_slice %arg7[%add3A_21, %dma_wait3A_98] : memref<10240x128xf32, #tpu.memory_space<vmem_shared>> -> memref<64x128xf32, #tpu.memory_space<vmem_shared>>
      tpu.wait_dma2 semaphore(%run_scoped3A : memref<!tpu.dma_semaphore, #tpu.memory_space<semaphore_mem>>) src(%arg6 : memref<64x128xf32, #tpu.memory_space<vmem>>) dst(%dma_wait3A_99 : memref<64x128xf32, #tpu.memory_space<vmem_shared>>)
      tpu.yield
    }) : () -> ()
    %add3A_22 = arith.constant 384 : i32
    %add3A_23 = arith.addi %multiple_of3A, %add3A_22 : i32
    "tpu.region"() ({
      %run_scoped3A = tpu.sem_alloc : memref<!tpu.dma_semaphore, #tpu.memory_space<semaphore_mem>>
      %dma_start3A = arith.constant 0 : i32
      %dma_start3A_94 = tpu.memref_slice %arg7[%add3A_23, %dma_start3A] : memref<10240x128xf32, #tpu.memory_space<vmem_shared>> -> memref<64x128xf32, #tpu.memory_space<vmem_shared>>
      %dma_start3A_95 = arith.constant 0 : i32
      %dma_start3A_96 = tpu.memref_slice %arg7[%add3A_23, %dma_start3A_95] : memref<10240x128xf32, #tpu.memory_space<vmem_shared>> -> memref<64x128xf32, #tpu.memory_space<vmem_shared>>
      tpu.enqueue_dma source(%arg6 : memref<64x128xf32, #tpu.memory_space<vmem>>) target(%dma_start3A_96 : memref<64x128xf32, #tpu.memory_space<vmem_shared>>) target_semaphore(%run_scoped3A : memref<!tpu.dma_semaphore, #tpu.memory_space<semaphore_mem>>)
      %dma_wait3A = arith.constant 0 : i32
      %dma_wait3A_97 = tpu.memref_slice %arg7[%add3A_23, %dma_wait3A] : memref<10240x128xf32, #tpu.memory_space<vmem_shared>> -> memref<64x128xf32, #tpu.memory_space<vmem_shared>>
      %dma_wait3A_98 = arith.constant 0 : i32
      %dma_wait3A_99 = tpu.memref_slice %arg7[%add3A_23, %dma_wait3A_98] : memref<10240x128xf32, #tpu.memory_space<vmem_shared>> -> memref<64x128xf32, #tpu.memory_space<vmem_shared>>
      tpu.wait_dma2 semaphore(%run_scoped3A : memref<!tpu.dma_semaphore, #tpu.memory_space<semaphore_mem>>) src(%arg6 : memref<64x128xf32, #tpu.memory_space<vmem>>) dst(%dma_wait3A_99 : memref<64x128xf32, #tpu.memory_space<vmem_shared>>)
      tpu.yield
    }) : () -> ()
    %add3A_24 = arith.constant 448 : i32
    %add3A_25 = arith.addi %multiple_of3A, %add3A_24 : i32
    "tpu.region"() ({
      %run_scoped3A = tpu.sem_alloc : memref<!tpu.dma_semaphore, #tpu.memory_space<semaphore_mem>>
      %dma_start3A = arith.constant 0 : i32
      %dma_start3A_94 = tpu.memref_slice %arg7[%add3A_25, %dma_start3A] : memref<10240x128xf32, #tpu.memory_space<vmem_shared>> -> memref<64x128xf32, #tpu.memory_space<vmem_shared>>
      %dma_start3A_95 = arith.constant 0 : i32
      %dma_start3A_96 = tpu.memref_slice %arg7[%add3A_25, %dma_start3A_95] : memref<10240x128xf32, #tpu.memory_space<vmem_shared>> -> memref<64x128xf32, #tpu.memory_space<vmem_shared>>
      tpu.enqueue_dma source(%arg6 : memref<64x128xf32, #tpu.memory_space<vmem>>) target(%dma_start3A_96 : memref<64x128xf32, #tpu.memory_space<vmem_shared>>) target_semaphore(%run_scoped3A : memref<!tpu.dma_semaphore, #tpu.memory_space<semaphore_mem>>)
      %dma_wait3A = arith.constant 0 : i32
      %dma_wait3A_97 = tpu.memref_slice %arg7[%add3A_25, %dma_wait3A] : memref<10240x128xf32, #tpu.memory_space<vmem_shared>> -> memref<64x128xf32, #tpu.memory_space<vmem_shared>>
      %dma_wait3A_98 = arith.constant 0 : i32
      %dma_wait3A_99 = tpu.memref_slice %arg7[%add3A_25, %dma_wait3A_98] : memref<10240x128xf32, #tpu.memory_space<vmem_shared>> -> memref<64x128xf32, #tpu.memory_space<vmem_shared>>
      tpu.wait_dma2 semaphore(%run_scoped3A : memref<!tpu.dma_semaphore, #tpu.memory_space<semaphore_mem>>) src(%arg6 : memref<64x128xf32, #tpu.memory_space<vmem>>) dst(%dma_wait3A_99 : memref<64x128xf32, #tpu.memory_space<vmem_shared>>)
      tpu.yield
    }) : () -> ()
    %add3A_26 = arith.constant 512 : i32
    %add3A_27 = arith.addi %multiple_of3A, %add3A_26 : i32
    "tpu.region"() ({
      %run_scoped3A = tpu.sem_alloc : memref<!tpu.dma_semaphore, #tpu.memory_space<semaphore_mem>>
      %dma_start3A = arith.constant 0 : i32
      %dma_start3A_94 = tpu.memref_slice %arg7[%add3A_27, %dma_start3A] : memref<10240x128xf32, #tpu.memory_space<vmem_shared>> -> memref<64x128xf32, #tpu.memory_space<vmem_shared>>
      %dma_start3A_95 = arith.constant 0 : i32
      %dma_start3A_96 = tpu.memref_slice %arg7[%add3A_27, %dma_start3A_95] : memref<10240x128xf32, #tpu.memory_space<vmem_shared>> -> memref<64x128xf32, #tpu.memory_space<vmem_shared>>
      tpu.enqueue_dma source(%arg6 : memref<64x128xf32, #tpu.memory_space<vmem>>) target(%dma_start3A_96 : memref<64x128xf32, #tpu.memory_space<vmem_shared>>) target_semaphore(%run_scoped3A : memref<!tpu.dma_semaphore, #tpu.memory_space<semaphore_mem>>)
      %dma_wait3A = arith.constant 0 : i32
      %dma_wait3A_97 = tpu.memref_slice %arg7[%add3A_27, %dma_wait3A] : memref<10240x128xf32, #tpu.memory_space<vmem_shared>> -> memref<64x128xf32, #tpu.memory_space<vmem_shared>>
      %dma_wait3A_98 = arith.constant 0 : i32
      %dma_wait3A_99 = tpu.memref_slice %arg7[%add3A_27, %dma_wait3A_98] : memref<10240x128xf32, #tpu.memory_space<vmem_shared>> -> memref<64x128xf32, #tpu.memory_space<vmem_shared>>
      tpu.wait_dma2 semaphore(%run_scoped3A : memref<!tpu.dma_semaphore, #tpu.memory_space<semaphore_mem>>) src(%arg6 : memref<64x128xf32, #tpu.memory_space<vmem>>) dst(%dma_wait3A_99 : memref<64x128xf32, #tpu.memory_space<vmem_shared>>)
      tpu.yield
    }) : () -> ()
    %add3A_28 = arith.constant 576 : i32
    %add3A_29 = arith.addi %multiple_of3A, %add3A_28 : i32
    "tpu.region"() ({
      %run_scoped3A = tpu.sem_alloc : memref<!tpu.dma_semaphore, #tpu.memory_space<semaphore_mem>>
      %dma_start3A = arith.constant 0 : i32
      %dma_start3A_94 = tpu.memref_slice %arg7[%add3A_29, %dma_start3A] : memref<10240x128xf32, #tpu.memory_space<vmem_shared>> -> memref<64x128xf32, #tpu.memory_space<vmem_shared>>
      %dma_start3A_95 = arith.constant 0 : i32
      %dma_start3A_96 = tpu.memref_slice %arg7[%add3A_29, %dma_start3A_95] : memref<10240x128xf32, #tpu.memory_space<vmem_shared>> -> memref<64x128xf32, #tpu.memory_space<vmem_shared>>
      tpu.enqueue_dma source(%arg6 : memref<64x128xf32, #tpu.memory_space<vmem>>) target(%dma_start3A_96 : memref<64x128xf32, #tpu.memory_space<vmem_shared>>) target_semaphore(%run_scoped3A : memref<!tpu.dma_semaphore, #tpu.memory_space<semaphore_mem>>)
      %dma_wait3A = arith.constant 0 : i32
      %dma_wait3A_97 = tpu.memref_slice %arg7[%add3A_29, %dma_wait3A] : memref<10240x128xf32, #tpu.memory_space<vmem_shared>> -> memref<64x128xf32, #tpu.memory_space<vmem_shared>>
      %dma_wait3A_98 = arith.constant 0 : i32
      %dma_wait3A_99 = tpu.memref_slice %arg7[%add3A_29, %dma_wait3A_98] : memref<10240x128xf32, #tpu.memory_space<vmem_shared>> -> memref<64x128xf32, #tpu.memory_space<vmem_shared>>
      tpu.wait_dma2 semaphore(%run_scoped3A : memref<!tpu.dma_semaphore, #tpu.memory_space<semaphore_mem>>) src(%arg6 : memref<64x128xf32, #tpu.memory_space<vmem>>) dst(%dma_wait3A_99 : memref<64x128xf32, #tpu.memory_space<vmem_shared>>)
      tpu.yield
    }) : () -> ()
    %broadcast_in_dim3A_30 = arith.constant 1.000000e+00 : f32
    %broadcast_in_dim3A_31 = vector.broadcast %broadcast_in_dim3A_30 : f32 to vector<16xf32>
    %scan3A_32 = arith.constant 0 : i32
    %scan3A_33 = arith.constant 0 : i32
    %scan3A_34 = arith.constant 640 : i32
    %scan3A_35 = arith.addi %scan3A_33, %scan3A_34 : i32
    %scan3A_36 = arith.constant 1 : i32
    %scan3A_37 = scf.for %scan3A_94 = %scan3A_33 to %scan3A_35 step %scan3A_36 iter_args(%scan3A_95 = %scan3A_32) -> (i32)  : i32 {
      %jit3A = arith.constant 8 : i32
      %div3A = arith.divsi %scan3A_94, %jit3A : i32
      %sign3A = arith.constant 0 : i32
      %sign3A_96 = arith.cmpi sgt, %scan3A_94, %sign3A : i32
      %sign3A_97 = arith.extui %sign3A_96 : i1 to i32
      %sign3A_98 = arith.constant 0 : i32
      %sign3A_99 = arith.cmpi slt, %scan3A_94, %sign3A_98 : i32
      %sign3A_100 = arith.extui %sign3A_99 : i1 to i32
      %sign3A_101 = arith.subi %sign3A_97, %sign3A_100 : i32
      %sign3A_102 = arith.constant 0 : i32
      %sign3A_103 = arith.cmpi sgt, %jit3A, %sign3A_102 : i32
      %sign3A_104 = arith.extui %sign3A_103 : i1 to i32
      %sign3A_105 = arith.constant 0 : i32
      %sign3A_106 = arith.cmpi slt, %jit3A, %sign3A_105 : i32
      %sign3A_107 = arith.extui %sign3A_106 : i1 to i32
      %sign3A_108 = arith.subi %sign3A_104, %sign3A_107 : i32
      %ne3A = arith.cmpi ne, %sign3A_101, %sign3A_108 : i32
      %rem3A = arith.remsi %scan3A_94, %jit3A : i32
      %ne3A_109 = arith.constant 0 : i32
      %ne3A_110 = arith.cmpi ne, %rem3A, %ne3A_109 : i32
      %and3A = arith.andi %ne3A, %ne3A_110 : i1
      %sub3A = arith.constant 1 : i32
      %sub3A_111 = arith.subi %div3A, %sub3A : i32
      %select_n3A = arith.select %and3A, %sub3A_111, %div3A : i32
      %jit3A_112 = arith.constant 8 : i32
      %eq3A = arith.constant 0 : i32
      %eq3A_113 = arith.cmpi eq, %jit3A_112, %eq3A : i32
      %jit3A_114 = arith.constant 1 : i32
      %select_n3A_115 = arith.select %eq3A_113, %jit3A_114, %jit3A_112 : i32
      %rem3A_116 = arith.remsi %scan3A_94, %select_n3A_115 : i32
      %ne3A_117 = arith.constant 0 : i32
      %ne3A_118 = arith.cmpi ne, %rem3A_116, %ne3A_117 : i32
      %lt3A = arith.constant 0 : i32
      %lt3A_119 = arith.cmpi slt, %rem3A_116, %lt3A : i32
      %lt3A_120 = arith.constant 0 : i32
      %lt3A_121 = arith.cmpi slt, %select_n3A_115, %lt3A_120 : i32
      %ne3A_122 = arith.xori %lt3A_119, %lt3A_121 : i1
      %and3A_123 = arith.andi %ne3A_122, %ne3A_118 : i1
      %add3A_124 = arith.addi %rem3A_116, %select_n3A_115 : i32
      %select_n3A_125 = arith.select %and3A_123, %add3A_124, %rem3A_116 : i32
      %mul3A_126 = arith.constant 16 : i32
      %mul3A_127 = arith.muli %select_n3A_125, %mul3A_126 : i32
      %swap3A = arith.index_cast %select_n3A : i32 to index
      %swap3A_128 = arith.index_cast %mul3A_127 : i32 to index
      %swap3A_129 = tpu.vector_load %arg5[%swap3A, %swap3A_128] {strides = array<i32>} : memref<80x128xf32, #tpu.memory_space<vmem>>, vector<1x16xf32>,
      %swap3A_130 = vector.shape_cast %swap3A_129 : vector<1x16xf32> to vector<16xf32>
      %swap3A_131 = vector.shape_cast %broadcast_in_dim3A_31 : vector<16xf32> to vector<1x16xf32>
      tpu.vector_store %arg5[%swap3A, %swap3A_128], %swap3A_131 {strides = array<i32>} : memref<80x128xf32, #tpu.memory_space<vmem>>, vector<1x16xf32>,
      %scan3A_132 = arith.constant 0 : i32
      scf.yield %scan3A_132 : i32
    }
    %scan3A_38 = arith.constant 640 : i32
    %barrier3A = arith.constant 0 : index
    tpu.barrier barrier_id(%barrier3A)
    %scan3A_39 = arith.constant 0 : i32
    %scan3A_40 = arith.constant 0 : i32
    %scan3A_41 = arith.constant 125 : i32
    %scan3A_42 = arith.addi %scan3A_40, %scan3A_41 : i32
    %scan3A_43 = arith.constant 1 : i32
    %scan3A_44 = scf.for %scan3A_94 = %scan3A_40 to %scan3A_42 step %scan3A_43 iter_args(%scan3A_95 = %scan3A_39) -> (i32)  : i32 {
      %mul3A_96 = arith.constant 10000 : i32
      %mul3A_97 = arith.muli %add3A, %mul3A_96 : i32
      %mul3A_98 = arith.constant 80 : i32
      %mul3A_99 = arith.muli %scan3A_94, %mul3A_98 : i32
      %add3A_100 = arith.addi %mul3A_97, %mul3A_99 : i32
      %multiple_of3A_101 = tpu.assume_multiple %add3A_100, 8 : i32
      %run_scoped3A = arith.constant 0 : i32
      "tpu.region"() ({
        %run_scoped3A_108 = tpu.sem_alloc : memref<!tpu.dma_semaphore, #tpu.memory_space<semaphore_mem>>
        %dma_start3A = arith.constant 0 : i32
        %dma_start3A_109 = tpu.memref_slice %arg4[%run_scoped3A, %dma_start3A] : memref<2x80xi32, #tpu.memory_space<vmem>> -> memref<1x80xi32, #tpu.memory_space<vmem>>
        %dma_start3A_110 = tpu.memref_squeeze %dma_start3A_109 : memref<1x80xi32, #tpu.memory_space<vmem>> -> memref<80xi32, #tpu.memory_space<vmem>>
        %dma_start3A_111 = tpu.memref_slice %arg2[%multiple_of3A_101] : memref<640000xi32, #tpu.memory_space<hbm>> -> memref<80xi32, #tpu.memory_space<hbm>>
        %dma_start3A_112 = arith.constant 0 : i32
        %dma_start3A_113 = tpu.memref_slice %arg4[%run_scoped3A, %dma_start3A_112] : memref<2x80xi32, #tpu.memory_space<vmem>> -> memref<1x80xi32, #tpu.memory_space<vmem>>
        %dma_start3A_114 = tpu.memref_squeeze %dma_start3A_113 : memref<1x80xi32, #tpu.memory_space<vmem>> -> memref<80xi32, #tpu.memory_space<vmem>>
        %dma_start3A_115 = tpu.memref_slice %arg2[%multiple_of3A_101] : memref<640000xi32, #tpu.memory_space<hbm>> -> memref<80xi32, #tpu.memory_space<hbm>>
        tpu.enqueue_dma source(%dma_start3A_115 : memref<80xi32, #tpu.memory_space<hbm>>) target(%dma_start3A_114 : memref<80xi32, #tpu.memory_space<vmem>>) target_semaphore(%run_scoped3A_108 : memref<!tpu.dma_semaphore, #tpu.memory_space<semaphore_mem>>)
        %dma_wait3A = arith.constant 0 : i32
        %dma_wait3A_116 = tpu.memref_slice %arg4[%run_scoped3A, %dma_wait3A] : memref<2x80xi32, #tpu.memory_space<vmem>> -> memref<1x80xi32, #tpu.memory_space<vmem>>
        %dma_wait3A_117 = tpu.memref_squeeze %dma_wait3A_116 : memref<1x80xi32, #tpu.memory_space<vmem>> -> memref<80xi32, #tpu.memory_space<vmem>>
        %dma_wait3A_118 = tpu.memref_slice %arg2[%multiple_of3A_101] : memref<640000xi32, #tpu.memory_space<hbm>> -> memref<80xi32, #tpu.memory_space<hbm>>
        %dma_wait3A_119 = arith.constant 0 : i32
        %dma_wait3A_120 = tpu.memref_slice %arg4[%run_scoped3A, %dma_wait3A_119] : memref<2x80xi32, #tpu.memory_space<vmem>> -> memref<1x80xi32, #tpu.memory_space<vmem>>
        %dma_wait3A_121 = tpu.memref_squeeze %dma_wait3A_120 : memref<1x80xi32, #tpu.memory_space<vmem>> -> memref<80xi32, #tpu.memory_space<vmem>>
        %dma_wait3A_122 = tpu.memref_slice %arg2[%multiple_of3A_101] : memref<640000xi32, #tpu.memory_space<hbm>> -> memref<80xi32, #tpu.memory_space<hbm>>
        tpu.wait_dma2 semaphore(%run_scoped3A_108 : memref<!tpu.dma_semaphore, #tpu.memory_space<semaphore_mem>>) src(%dma_wait3A_122 : memref<80xi32, #tpu.memory_space<hbm>>) dst(%dma_wait3A_121 : memref<80xi32, #tpu.memory_space<vmem>>)
        tpu.yield
      }) : () -> ()
      %add3A_102 = arith.constant 320000 : i32
      %add3A_103 = arith.addi %add3A_102, %multiple_of3A_101 : i32
      %run_scoped3A_104 = arith.constant 1 : i32
      "tpu.region"() ({
        %run_scoped3A_108 = tpu.sem_alloc : memref<!tpu.dma_semaphore, #tpu.memory_space<semaphore_mem>>
        %dma_start3A = arith.constant 0 : i32
        %dma_start3A_109 = tpu.memref_slice %arg4[%run_scoped3A_104, %dma_start3A] : memref<2x80xi32, #tpu.memory_space<vmem>> -> memref<1x80xi32, #tpu.memory_space<vmem>>
        %dma_start3A_110 = tpu.memref_squeeze %dma_start3A_109 : memref<1x80xi32, #tpu.memory_space<vmem>> -> memref<80xi32, #tpu.memory_space<vmem>>
        %dma_start3A_111 = tpu.memref_slice %arg2[%add3A_103] : memref<640000xi32, #tpu.memory_space<hbm>> -> memref<80xi32, #tpu.memory_space<hbm>>
        %dma_start3A_112 = arith.constant 0 : i32
        %dma_start3A_113 = tpu.memref_slice %arg4[%run_scoped3A_104, %dma_start3A_112] : memref<2x80xi32, #tpu.memory_space<vmem>> -> memref<1x80xi32, #tpu.memory_space<vmem>>
        %dma_start3A_114 = tpu.memref_squeeze %dma_start3A_113 : memref<1x80xi32, #tpu.memory_space<vmem>> -> memref<80xi32, #tpu.memory_space<vmem>>
        %dma_start3A_115 = tpu.memref_slice %arg2[%add3A_103] : memref<640000xi32, #tpu.memory_space<hbm>> -> memref<80xi32, #tpu.memory_space<hbm>>
        tpu.enqueue_dma source(%dma_start3A_115 : memref<80xi32, #tpu.memory_space<hbm>>) target(%dma_start3A_114 : memref<80xi32, #tpu.memory_space<vmem>>) target_semaphore(%run_scoped3A_108 : memref<!tpu.dma_semaphore, #tpu.memory_space<semaphore_mem>>)
        %dma_wait3A = arith.constant 0 : i32
        %dma_wait3A_116 = tpu.memref_slice %arg4[%run_scoped3A_104, %dma_wait3A] : memref<2x80xi32, #tpu.memory_space<vmem>> -> memref<1x80xi32, #tpu.memory_space<vmem>>
        %dma_wait3A_117 = tpu.memref_squeeze %dma_wait3A_116 : memref<1x80xi32, #tpu.memory_space<vmem>> -> memref<80xi32, #tpu.memory_space<vmem>>
        %dma_wait3A_118 = tpu.memref_slice %arg2[%add3A_103] : memref<640000xi32, #tpu.memory_space<hbm>> -> memref<80xi32, #tpu.memory_space<hbm>>
        %dma_wait3A_119 = arith.constant 0 : i32
        %dma_wait3A_120 = tpu.memref_slice %arg4[%run_scoped3A_104, %dma_wait3A_119] : memref<2x80xi32, #tpu.memory_space<vmem>> -> memref<1x80xi32, #tpu.memory_space<vmem>>
        %dma_wait3A_121 = tpu.memref_squeeze %dma_wait3A_120 : memref<1x80xi32, #tpu.memory_space<vmem>> -> memref<80xi32, #tpu.memory_space<vmem>>
        %dma_wait3A_122 = tpu.memref_slice %arg2[%add3A_103] : memref<640000xi32, #tpu.memory_space<hbm>> -> memref<80xi32, #tpu.memory_space<hbm>>
        tpu.wait_dma2 semaphore(%run_scoped3A_108 : memref<!tpu.dma_semaphore, #tpu.memory_space<semaphore_mem>>) src(%dma_wait3A_122 : memref<80xi32, #tpu.memory_space<hbm>>) dst(%dma_wait3A_121 : memref<80xi32, #tpu.memory_space<vmem>>)
        tpu.yield
      }) : () -> ()
      %run_scoped3A_105 = arith.constant 0 : i32
      "tpu.region"() ({
        %run_scoped3A_108 = tpu.sem_alloc : memref<!tpu.dma_semaphore, #tpu.memory_space<semaphore_mem>>
        %dma_start3A = arith.constant 0 : i32
        %dma_start3A_109 = tpu.memref_slice %arg4[%run_scoped3A_105, %dma_start3A] : memref<2x80xi32, #tpu.memory_space<vmem>> -> memref<1x80xi32, #tpu.memory_space<vmem>>
        %dma_start3A_110 = tpu.memref_squeeze %dma_start3A_109 : memref<1x80xi32, #tpu.memory_space<vmem>> -> memref<80xi32, #tpu.memory_space<vmem>>
        %dma_start3A_111 = arith.constant 0 : i32
        %dma_start3A_112 = arith.constant 0 : i32
        %dma_start3A_113 = tpu.memref_slice %arg7[%dma_start3A_111, %dma_start3A_112] : memref<10240x128xf32, #tpu.memory_space<vmem_shared>> -> memref<10240x128xf32, #tpu.memory_space<vmem_shared>>
        tpu.enqueue_indirect_dma source(%arg5 : memref<80x128xf32, #tpu.memory_space<vmem>>) target(%dma_start3A_113 : memref<10240x128xf32, #tpu.memory_space<vmem_shared>>) offsets(%dma_start3A_110 : memref<80xi32, #tpu.memory_space<vmem>>) semaphore(%run_scoped3A_108 : memref<!tpu.dma_semaphore, #tpu.memory_space<semaphore_mem>>) {add = true}
        %dma_wait3A = arith.constant 0 : i32
        %dma_wait3A_114 = tpu.memref_slice %arg4[%run_scoped3A_105, %dma_wait3A] : memref<2x80xi32, #tpu.memory_space<vmem>> -> memref<1x80xi32, #tpu.memory_space<vmem>>
        %dma_wait3A_115 = tpu.memref_squeeze %dma_wait3A_114 : memref<1x80xi32, #tpu.memory_space<vmem>> -> memref<80xi32, #tpu.memory_space<vmem>>
        %dma_wait3A_116 = arith.constant 0 : i32
        %dma_wait3A_117 = arith.constant 0 : i32
        %dma_wait3A_118 = tpu.memref_slice %arg7[%dma_wait3A_116, %dma_wait3A_117] : memref<10240x128xf32, #tpu.memory_space<vmem_shared>> -> memref<10240x128xf32, #tpu.memory_space<vmem_shared>>
        tpu.wait_indirect_dma semaphore(%run_scoped3A_108 : memref<!tpu.dma_semaphore, #tpu.memory_space<semaphore_mem>>) src(%arg5 : memref<80x128xf32, #tpu.memory_space<vmem>>) dst(%dma_wait3A_118 : memref<10240x128xf32, #tpu.memory_space<vmem_shared>>)
        tpu.yield
      }) : () -> ()
      %run_scoped3A_106 = arith.constant 1 : i32
      "tpu.region"() ({
        %run_scoped3A_108 = tpu.sem_alloc : memref<!tpu.dma_semaphore, #tpu.memory_space<semaphore_mem>>
        %dma_start3A = arith.constant 0 : i32
        %dma_start3A_109 = tpu.memref_slice %arg4[%run_scoped3A_106, %dma_start3A] : memref<2x80xi32, #tpu.memory_space<vmem>> -> memref<1x80xi32, #tpu.memory_space<vmem>>
        %dma_start3A_110 = tpu.memref_squeeze %dma_start3A_109 : memref<1x80xi32, #tpu.memory_space<vmem>> -> memref<80xi32, #tpu.memory_space<vmem>>
        %dma_start3A_111 = arith.constant 0 : i32
        %dma_start3A_112 = arith.constant 0 : i32
        %dma_start3A_113 = tpu.memref_slice %arg7[%dma_start3A_111, %dma_start3A_112] : memref<10240x128xf32, #tpu.memory_space<vmem_shared>> -> memref<10240x128xf32, #tpu.memory_space<vmem_shared>>
        tpu.enqueue_indirect_dma source(%arg5 : memref<80x128xf32, #tpu.memory_space<vmem>>) target(%dma_start3A_113 : memref<10240x128xf32, #tpu.memory_space<vmem_shared>>) offsets(%dma_start3A_110 : memref<80xi32, #tpu.memory_space<vmem>>) semaphore(%run_scoped3A_108 : memref<!tpu.dma_semaphore, #tpu.memory_space<semaphore_mem>>) {add = true}
        %dma_wait3A = arith.constant 0 : i32
        %dma_wait3A_114 = tpu.memref_slice %arg4[%run_scoped3A_106, %dma_wait3A] : memref<2x80xi32, #tpu.memory_space<vmem>> -> memref<1x80xi32, #tpu.memory_space<vmem>>
        %dma_wait3A_115 = tpu.memref_squeeze %dma_wait3A_114 : memref<1x80xi32, #tpu.memory_space<vmem>> -> memref<80xi32, #tpu.memory_space<vmem>>
        %dma_wait3A_116 = arith.constant 0 : i32
        %dma_wait3A_117 = arith.constant 0 : i32
        %dma_wait3A_118 = tpu.memref_slice %arg7[%dma_wait3A_116, %dma_wait3A_117] : memref<10240x128xf32, #tpu.memory_space<vmem_shared>> -> memref<10240x128xf32, #tpu.memory_space<vmem_shared>>
        tpu.wait_indirect_dma semaphore(%run_scoped3A_108 : memref<!tpu.dma_semaphore, #tpu.memory_space<semaphore_mem>>) src(%arg5 : memref<80x128xf32, #tpu.memory_space<vmem>>) dst(%dma_wait3A_118 : memref<10240x128xf32, #tpu.memory_space<vmem_shared>>)
        tpu.yield
      }) : () -> ()
      %scan3A_107 = arith.constant 0 : i32
      scf.yield %scan3A_107 : i32
    }
    %scan3A_45 = arith.constant 125 : i32
    %barrier3A_46 = arith.constant 0 : index
    tpu.barrier barrier_id(%barrier3A_46)
    %mul3A_47 = arith.constant 640 : i32
    %mul3A_48 = arith.muli %arg1, %mul3A_47 : i32
    %multiple_of3A_49 = tpu.assume_multiple %mul3A_48, 8 : i32
    %mul3A_50 = arith.constant 10240 : i32
    %mul3A_51 = arith.muli %arg0, %mul3A_50 : i32
    %add3A_52 = arith.addi %mul3A_51, %multiple_of3A_49 : i32
    %multiple_of3A_53 = tpu.assume_multiple %add3A_52, 8 : i32
    %add3A_54 = arith.constant 0 : i32
    %add3A_55 = arith.addi %multiple_of3A_49, %add3A_54 : i32
    "tpu.region"() ({
      %run_scoped3A = tpu.sem_alloc : memref<!tpu.dma_semaphore, #tpu.memory_space<semaphore_mem>>
      %dma_start3A = arith.constant 0 : i32
      %dma_start3A_94 = tpu.memref_slice %arg7[%add3A_55, %dma_start3A] : memref<10240x128xf32, #tpu.memory_space<vmem_shared>> -> memref<64x128xf32, #tpu.memory_space<vmem_shared>>
      %dma_start3A_95 = arith.constant 0 : i32
      %dma_start3A_96 = tpu.memref_slice %arg7[%add3A_55, %dma_start3A_95] : memref<10240x128xf32, #tpu.memory_space<vmem_shared>> -> memref<64x128xf32, #tpu.memory_space<vmem_shared>>
      tpu.enqueue_dma source(%dma_start3A_96 : memref<64x128xf32, #tpu.memory_space<vmem_shared>>) target(%arg6 : memref<64x128xf32, #tpu.memory_space<vmem>>) target_semaphore(%run_scoped3A : memref<!tpu.dma_semaphore, #tpu.memory_space<semaphore_mem>>)
      %dma_wait3A = arith.constant 0 : i32
      %dma_wait3A_97 = tpu.memref_slice %arg7[%add3A_55, %dma_wait3A] : memref<10240x128xf32, #tpu.memory_space<vmem_shared>> -> memref<64x128xf32, #tpu.memory_space<vmem_shared>>
      %dma_wait3A_98 = arith.constant 0 : i32
      %dma_wait3A_99 = tpu.memref_slice %arg7[%add3A_55, %dma_wait3A_98] : memref<10240x128xf32, #tpu.memory_space<vmem_shared>> -> memref<64x128xf32, #tpu.memory_space<vmem_shared>>
      tpu.wait_dma2 semaphore(%run_scoped3A : memref<!tpu.dma_semaphore, #tpu.memory_space<semaphore_mem>>) src(%dma_wait3A_99 : memref<64x128xf32, #tpu.memory_space<vmem_shared>>) dst(%arg6 : memref<64x128xf32, #tpu.memory_space<vmem>>)
      tpu.yield
    }) : () -> ()
    %add3A_56 = arith.constant 0 : i32
    %add3A_57 = arith.addi %multiple_of3A_53, %add3A_56 : i32
    "tpu.region"() ({
      %run_scoped3A = tpu.sem_alloc : memref<!tpu.dma_semaphore, #tpu.memory_space<semaphore_mem>>
      %dma_start3A = arith.constant 0 : i32
      %dma_start3A_94 = tpu.memref_slice %arg3[%add3A_57, %dma_start3A] : memref<20480x128xf32, #tpu.memory_space<hbm>> -> memref<64x128xf32, #tpu.memory_space<hbm>>
      %dma_start3A_95 = arith.constant 0 : i32
      %dma_start3A_96 = tpu.memref_slice %arg3[%add3A_57, %dma_start3A_95] : memref<20480x128xf32, #tpu.memory_space<hbm>> -> memref<64x128xf32, #tpu.memory_space<hbm>>
      tpu.enqueue_dma source(%arg6 : memref<64x128xf32, #tpu.memory_space<vmem>>) target(%dma_start3A_96 : memref<64x128xf32, #tpu.memory_space<hbm>>) target_semaphore(%run_scoped3A : memref<!tpu.dma_semaphore, #tpu.memory_space<semaphore_mem>>)
      %dma_wait3A = arith.constant 0 : i32
      %dma_wait3A_97 = tpu.memref_slice %arg3[%add3A_57, %dma_wait3A] : memref<20480x128xf32, #tpu.memory_space<hbm>> -> memref<64x128xf32, #tpu.memory_space<hbm>>
      %dma_wait3A_98 = arith.constant 0 : i32
      %dma_wait3A_99 = tpu.memref_slice %arg3[%add3A_57, %dma_wait3A_98] : memref<20480x128xf32, #tpu.memory_space<hbm>> -> memref<64x128xf32, #tpu.memory_space<hbm>>
      tpu.wait_dma2 semaphore(%run_scoped3A : memref<!tpu.dma_semaphore, #tpu.memory_space<semaphore_mem>>) src(%arg6 : memref<64x128xf32, #tpu.memory_space<vmem>>) dst(%dma_wait3A_99 : memref<64x128xf32, #tpu.memory_space<hbm>>)
      tpu.yield
    }) : () -> ()
    %add3A_58 = arith.constant 64 : i32
    %add3A_59 = arith.addi %multiple_of3A_49, %add3A_58 : i32
    "tpu.region"() ({
      %run_scoped3A = tpu.sem_alloc : memref<!tpu.dma_semaphore, #tpu.memory_space<semaphore_mem>>
      %dma_start3A = arith.constant 0 : i32
      %dma_start3A_94 = tpu.memref_slice %arg7[%add3A_59, %dma_start3A] : memref<10240x128xf32, #tpu.memory_space<vmem_shared>> -> memref<64x128xf32, #tpu.memory_space<vmem_shared>>
      %dma_start3A_95 = arith.constant 0 : i32
      %dma_start3A_96 = tpu.memref_slice %arg7[%add3A_59, %dma_start3A_95] : memref<10240x128xf32, #tpu.memory_space<vmem_shared>> -> memref<64x128xf32, #tpu.memory_space<vmem_shared>>
      tpu.enqueue_dma source(%dma_start3A_96 : memref<64x128xf32, #tpu.memory_space<vmem_shared>>) target(%arg6 : memref<64x128xf32, #tpu.memory_space<vmem>>) target_semaphore(%run_scoped3A : memref<!tpu.dma_semaphore, #tpu.memory_space<semaphore_mem>>)
      %dma_wait3A = arith.constant 0 : i32
      %dma_wait3A_97 = tpu.memref_slice %arg7[%add3A_59, %dma_wait3A] : memref<10240x128xf32, #tpu.memory_space<vmem_shared>> -> memref<64x128xf32, #tpu.memory_space<vmem_shared>>
      %dma_wait3A_98 = arith.constant 0 : i32
      %dma_wait3A_99 = tpu.memref_slice %arg7[%add3A_59, %dma_wait3A_98] : memref<10240x128xf32, #tpu.memory_space<vmem_shared>> -> memref<64x128xf32, #tpu.memory_space<vmem_shared>>
      tpu.wait_dma2 semaphore(%run_scoped3A : memref<!tpu.dma_semaphore, #tpu.memory_space<semaphore_mem>>) src(%dma_wait3A_99 : memref<64x128xf32, #tpu.memory_space<vmem_shared>>) dst(%arg6 : memref<64x128xf32, #tpu.memory_space<vmem>>)
      tpu.yield
    }) : () -> ()
    %add3A_60 = arith.constant 64 : i32
    %add3A_61 = arith.addi %multiple_of3A_53, %add3A_60 : i32
    "tpu.region"() ({
      %run_scoped3A = tpu.sem_alloc : memref<!tpu.dma_semaphore, #tpu.memory_space<semaphore_mem>>
      %dma_start3A = arith.constant 0 : i32
      %dma_start3A_94 = tpu.memref_slice %arg3[%add3A_61, %dma_start3A] : memref<20480x128xf32, #tpu.memory_space<hbm>> -> memref<64x128xf32, #tpu.memory_space<hbm>>
      %dma_start3A_95 = arith.constant 0 : i32
      %dma_start3A_96 = tpu.memref_slice %arg3[%add3A_61, %dma_start3A_95] : memref<20480x128xf32, #tpu.memory_space<hbm>> -> memref<64x128xf32, #tpu.memory_space<hbm>>
      tpu.enqueue_dma source(%arg6 : memref<64x128xf32, #tpu.memory_space<vmem>>) target(%dma_start3A_96 : memref<64x128xf32, #tpu.memory_space<hbm>>) target_semaphore(%run_scoped3A : memref<!tpu.dma_semaphore, #tpu.memory_space<semaphore_mem>>)
      %dma_wait3A = arith.constant 0 : i32
      %dma_wait3A_97 = tpu.memref_slice %arg3[%add3A_61, %dma_wait3A] : memref<20480x128xf32, #tpu.memory_space<hbm>> -> memref<64x128xf32, #tpu.memory_space<hbm>>
      %dma_wait3A_98 = arith.constant 0 : i32
      %dma_wait3A_99 = tpu.memref_slice %arg3[%add3A_61, %dma_wait3A_98] : memref<20480x128xf32, #tpu.memory_space<hbm>> -> memref<64x128xf32, #tpu.memory_space<hbm>>
      tpu.wait_dma2 semaphore(%run_scoped3A : memref<!tpu.dma_semaphore, #tpu.memory_space<semaphore_mem>>) src(%arg6 : memref<64x128xf32, #tpu.memory_space<vmem>>) dst(%dma_wait3A_99 : memref<64x128xf32, #tpu.memory_space<hbm>>)
      tpu.yield
    }) : () -> ()
    %add3A_62 = arith.constant 128 : i32
    %add3A_63 = arith.addi %multiple_of3A_49, %add3A_62 : i32
    "tpu.region"() ({
      %run_scoped3A = tpu.sem_alloc : memref<!tpu.dma_semaphore, #tpu.memory_space<semaphore_mem>>
      %dma_start3A = arith.constant 0 : i32
      %dma_start3A_94 = tpu.memref_slice %arg7[%add3A_63, %dma_start3A] : memref<10240x128xf32, #tpu.memory_space<vmem_shared>> -> memref<64x128xf32, #tpu.memory_space<vmem_shared>>
      %dma_start3A_95 = arith.constant 0 : i32
      %dma_start3A_96 = tpu.memref_slice %arg7[%add3A_63, %dma_start3A_95] : memref<10240x128xf32, #tpu.memory_space<vmem_shared>> -> memref<64x128xf32, #tpu.memory_space<vmem_shared>>
      tpu.enqueue_dma source(%dma_start3A_96 : memref<64x128xf32, #tpu.memory_space<vmem_shared>>) target(%arg6 : memref<64x128xf32, #tpu.memory_space<vmem>>) target_semaphore(%run_scoped3A : memref<!tpu.dma_semaphore, #tpu.memory_space<semaphore_mem>>)
      %dma_wait3A = arith.constant 0 : i32
      %dma_wait3A_97 = tpu.memref_slice %arg7[%add3A_63, %dma_wait3A] : memref<10240x128xf32, #tpu.memory_space<vmem_shared>> -> memref<64x128xf32, #tpu.memory_space<vmem_shared>>
      %dma_wait3A_98 = arith.constant 0 : i32
      %dma_wait3A_99 = tpu.memref_slice %arg7[%add3A_63, %dma_wait3A_98] : memref<10240x128xf32, #tpu.memory_space<vmem_shared>> -> memref<64x128xf32, #tpu.memory_space<vmem_shared>>
      tpu.wait_dma2 semaphore(%run_scoped3A : memref<!tpu.dma_semaphore, #tpu.memory_space<semaphore_mem>>) src(%dma_wait3A_99 : memref<64x128xf32, #tpu.memory_space<vmem_shared>>) dst(%arg6 : memref<64x128xf32, #tpu.memory_space<vmem>>)
      tpu.yield
    }) : () -> ()
    %add3A_64 = arith.constant 128 : i32
    %add3A_65 = arith.addi %multiple_of3A_53, %add3A_64 : i32
    "tpu.region"() ({
      %run_scoped3A = tpu.sem_alloc : memref<!tpu.dma_semaphore, #tpu.memory_space<semaphore_mem>>
      %dma_start3A = arith.constant 0 : i32
      %dma_start3A_94 = tpu.memref_slice %arg3[%add3A_65, %dma_start3A] : memref<20480x128xf32, #tpu.memory_space<hbm>> -> memref<64x128xf32, #tpu.memory_space<hbm>>
      %dma_start3A_95 = arith.constant 0 : i32
      %dma_start3A_96 = tpu.memref_slice %arg3[%add3A_65, %dma_start3A_95] : memref<20480x128xf32, #tpu.memory_space<hbm>> -> memref<64x128xf32, #tpu.memory_space<hbm>>
      tpu.enqueue_dma source(%arg6 : memref<64x128xf32, #tpu.memory_space<vmem>>) target(%dma_start3A_96 : memref<64x128xf32, #tpu.memory_space<hbm>>) target_semaphore(%run_scoped3A : memref<!tpu.dma_semaphore, #tpu.memory_space<semaphore_mem>>)
      %dma_wait3A = arith.constant 0 : i32
      %dma_wait3A_97 = tpu.memref_slice %arg3[%add3A_65, %dma_wait3A] : memref<20480x128xf32, #tpu.memory_space<hbm>> -> memref<64x128xf32, #tpu.memory_space<hbm>>
      %dma_wait3A_98 = arith.constant 0 : i32
      %dma_wait3A_99 = tpu.memref_slice %arg3[%add3A_65, %dma_wait3A_98] : memref<20480x128xf32, #tpu.memory_space<hbm>> -> memref<64x128xf32, #tpu.memory_space<hbm>>
      tpu.wait_dma2 semaphore(%run_scoped3A : memref<!tpu.dma_semaphore, #tpu.memory_space<semaphore_mem>>) src(%arg6 : memref<64x128xf32, #tpu.memory_space<vmem>>) dst(%dma_wait3A_99 : memref<64x128xf32, #tpu.memory_space<hbm>>)
      tpu.yield
    }) : () -> ()
    %add3A_66 = arith.constant 192 : i32
    %add3A_67 = arith.addi %multiple_of3A_49, %add3A_66 : i32
    "tpu.region"() ({
      %run_scoped3A = tpu.sem_alloc : memref<!tpu.dma_semaphore, #tpu.memory_space<semaphore_mem>>
      %dma_start3A = arith.constant 0 : i32
      %dma_start3A_94 = tpu.memref_slice %arg7[%add3A_67, %dma_start3A] : memref<10240x128xf32, #tpu.memory_space<vmem_shared>> -> memref<64x128xf32, #tpu.memory_space<vmem_shared>>
      %dma_start3A_95 = arith.constant 0 : i32
      %dma_start3A_96 = tpu.memref_slice %arg7[%add3A_67, %dma_start3A_95] : memref<10240x128xf32, #tpu.memory_space<vmem_shared>> -> memref<64x128xf32, #tpu.memory_space<vmem_shared>>
      tpu.enqueue_dma source(%dma_start3A_96 : memref<64x128xf32, #tpu.memory_space<vmem_shared>>) target(%arg6 : memref<64x128xf32, #tpu.memory_space<vmem>>) target_semaphore(%run_scoped3A : memref<!tpu.dma_semaphore, #tpu.memory_space<semaphore_mem>>)
      %dma_wait3A = arith.constant 0 : i32
      %dma_wait3A_97 = tpu.memref_slice %arg7[%add3A_67, %dma_wait3A] : memref<10240x128xf32, #tpu.memory_space<vmem_shared>> -> memref<64x128xf32, #tpu.memory_space<vmem_shared>>
      %dma_wait3A_98 = arith.constant 0 : i32
      %dma_wait3A_99 = tpu.memref_slice %arg7[%add3A_67, %dma_wait3A_98] : memref<10240x128xf32, #tpu.memory_space<vmem_shared>> -> memref<64x128xf32, #tpu.memory_space<vmem_shared>>
      tpu.wait_dma2 semaphore(%run_scoped3A : memref<!tpu.dma_semaphore, #tpu.memory_space<semaphore_mem>>) src(%dma_wait3A_99 : memref<64x128xf32, #tpu.memory_space<vmem_shared>>) dst(%arg6 : memref<64x128xf32, #tpu.memory_space<vmem>>)
      tpu.yield
    }) : () -> ()
    %add3A_68 = arith.constant 192 : i32
    %add3A_69 = arith.addi %multiple_of3A_53, %add3A_68 : i32
    "tpu.region"() ({
      %run_scoped3A = tpu.sem_alloc : memref<!tpu.dma_semaphore, #tpu.memory_space<semaphore_mem>>
      %dma_start3A = arith.constant 0 : i32
      %dma_start3A_94 = tpu.memref_slice %arg3[%add3A_69, %dma_start3A] : memref<20480x128xf32, #tpu.memory_space<hbm>> -> memref<64x128xf32, #tpu.memory_space<hbm>>
      %dma_start3A_95 = arith.constant 0 : i32
      %dma_start3A_96 = tpu.memref_slice %arg3[%add3A_69, %dma_start3A_95] : memref<20480x128xf32, #tpu.memory_space<hbm>> -> memref<64x128xf32, #tpu.memory_space<hbm>>
      tpu.enqueue_dma source(%arg6 : memref<64x128xf32, #tpu.memory_space<vmem>>) target(%dma_start3A_96 : memref<64x128xf32, #tpu.memory_space<hbm>>) target_semaphore(%run_scoped3A : memref<!tpu.dma_semaphore, #tpu.memory_space<semaphore_mem>>)
      %dma_wait3A = arith.constant 0 : i32
      %dma_wait3A_97 = tpu.memref_slice %arg3[%add3A_69, %dma_wait3A] : memref<20480x128xf32, #tpu.memory_space<hbm>> -> memref<64x128xf32, #tpu.memory_space<hbm>>
      %dma_wait3A_98 = arith.constant 0 : i32
      %dma_wait3A_99 = tpu.memref_slice %arg3[%add3A_69, %dma_wait3A_98] : memref<20480x128xf32, #tpu.memory_space<hbm>> -> memref<64x128xf32, #tpu.memory_space<hbm>>
      tpu.wait_dma2 semaphore(%run_scoped3A : memref<!tpu.dma_semaphore, #tpu.memory_space<semaphore_mem>>) src(%arg6 : memref<64x128xf32, #tpu.memory_space<vmem>>) dst(%dma_wait3A_99 : memref<64x128xf32, #tpu.memory_space<hbm>>)
      tpu.yield
    }) : () -> ()
    %add3A_70 = arith.constant 256 : i32
    %add3A_71 = arith.addi %multiple_of3A_49, %add3A_70 : i32
    "tpu.region"() ({
      %run_scoped3A = tpu.sem_alloc : memref<!tpu.dma_semaphore, #tpu.memory_space<semaphore_mem>>
      %dma_start3A = arith.constant 0 : i32
      %dma_start3A_94 = tpu.memref_slice %arg7[%add3A_71, %dma_start3A] : memref<10240x128xf32, #tpu.memory_space<vmem_shared>> -> memref<64x128xf32, #tpu.memory_space<vmem_shared>>
      %dma_start3A_95 = arith.constant 0 : i32
      %dma_start3A_96 = tpu.memref_slice %arg7[%add3A_71, %dma_start3A_95] : memref<10240x128xf32, #tpu.memory_space<vmem_shared>> -> memref<64x128xf32, #tpu.memory_space<vmem_shared>>
      tpu.enqueue_dma source(%dma_start3A_96 : memref<64x128xf32, #tpu.memory_space<vmem_shared>>) target(%arg6 : memref<64x128xf32, #tpu.memory_space<vmem>>) target_semaphore(%run_scoped3A : memref<!tpu.dma_semaphore, #tpu.memory_space<semaphore_mem>>)
      %dma_wait3A = arith.constant 0 : i32
      %dma_wait3A_97 = tpu.memref_slice %arg7[%add3A_71, %dma_wait3A] : memref<10240x128xf32, #tpu.memory_space<vmem_shared>> -> memref<64x128xf32, #tpu.memory_space<vmem_shared>>
      %dma_wait3A_98 = arith.constant 0 : i32
      %dma_wait3A_99 = tpu.memref_slice %arg7[%add3A_71, %dma_wait3A_98] : memref<10240x128xf32, #tpu.memory_space<vmem_shared>> -> memref<64x128xf32, #tpu.memory_space<vmem_shared>>
      tpu.wait_dma2 semaphore(%run_scoped3A : memref<!tpu.dma_semaphore, #tpu.memory_space<semaphore_mem>>) src(%dma_wait3A_99 : memref<64x128xf32, #tpu.memory_space<vmem_shared>>) dst(%arg6 : memref<64x128xf32, #tpu.memory_space<vmem>>)
      tpu.yield
    }) : () -> ()
    %add3A_72 = arith.constant 256 : i32
    %add3A_73 = arith.addi %multiple_of3A_53, %add3A_72 : i32
    "tpu.region"() ({
      %run_scoped3A = tpu.sem_alloc : memref<!tpu.dma_semaphore, #tpu.memory_space<semaphore_mem>>
      %dma_start3A = arith.constant 0 : i32
      %dma_start3A_94 = tpu.memref_slice %arg3[%add3A_73, %dma_start3A] : memref<20480x128xf32, #tpu.memory_space<hbm>> -> memref<64x128xf32, #tpu.memory_space<hbm>>
      %dma_start3A_95 = arith.constant 0 : i32
      %dma_start3A_96 = tpu.memref_slice %arg3[%add3A_73, %dma_start3A_95] : memref<20480x128xf32, #tpu.memory_space<hbm>> -> memref<64x128xf32, #tpu.memory_space<hbm>>
      tpu.enqueue_dma source(%arg6 : memref<64x128xf32, #tpu.memory_space<vmem>>) target(%dma_start3A_96 : memref<64x128xf32, #tpu.memory_space<hbm>>) target_semaphore(%run_scoped3A : memref<!tpu.dma_semaphore, #tpu.memory_space<semaphore_mem>>)
      %dma_wait3A = arith.constant 0 : i32
      %dma_wait3A_97 = tpu.memref_slice %arg3[%add3A_73, %dma_wait3A] : memref<20480x128xf32, #tpu.memory_space<hbm>> -> memref<64x128xf32, #tpu.memory_space<hbm>>
      %dma_wait3A_98 = arith.constant 0 : i32
      %dma_wait3A_99 = tpu.memref_slice %arg3[%add3A_73, %dma_wait3A_98] : memref<20480x128xf32, #tpu.memory_space<hbm>> -> memref<64x128xf32, #tpu.memory_space<hbm>>
      tpu.wait_dma2 semaphore(%run_scoped3A : memref<!tpu.dma_semaphore, #tpu.memory_space<semaphore_mem>>) src(%arg6 : memref<64x128xf32, #tpu.memory_space<vmem>>) dst(%dma_wait3A_99 : memref<64x128xf32, #tpu.memory_space<hbm>>)
      tpu.yield
    }) : () -> ()
    %add3A_74 = arith.constant 320 : i32
    %add3A_75 = arith.addi %multiple_of3A_49, %add3A_74 : i32
    "tpu.region"() ({
      %run_scoped3A = tpu.sem_alloc : memref<!tpu.dma_semaphore, #tpu.memory_space<semaphore_mem>>
      %dma_start3A = arith.constant 0 : i32
      %dma_start3A_94 = tpu.memref_slice %arg7[%add3A_75, %dma_start3A] : memref<10240x128xf32, #tpu.memory_space<vmem_shared>> -> memref<64x128xf32, #tpu.memory_space<vmem_shared>>
      %dma_start3A_95 = arith.constant 0 : i32
      %dma_start3A_96 = tpu.memref_slice %arg7[%add3A_75, %dma_start3A_95] : memref<10240x128xf32, #tpu.memory_space<vmem_shared>> -> memref<64x128xf32, #tpu.memory_space<vmem_shared>>
      tpu.enqueue_dma source(%dma_start3A_96 : memref<64x128xf32, #tpu.memory_space<vmem_shared>>) target(%arg6 : memref<64x128xf32, #tpu.memory_space<vmem>>) target_semaphore(%run_scoped3A : memref<!tpu.dma_semaphore, #tpu.memory_space<semaphore_mem>>)
      %dma_wait3A = arith.constant 0 : i32
      %dma_wait3A_97 = tpu.memref_slice %arg7[%add3A_75, %dma_wait3A] : memref<10240x128xf32, #tpu.memory_space<vmem_shared>> -> memref<64x128xf32, #tpu.memory_space<vmem_shared>>
      %dma_wait3A_98 = arith.constant 0 : i32
      %dma_wait3A_99 = tpu.memref_slice %arg7[%add3A_75, %dma_wait3A_98] : memref<10240x128xf32, #tpu.memory_space<vmem_shared>> -> memref<64x128xf32, #tpu.memory_space<vmem_shared>>
      tpu.wait_dma2 semaphore(%run_scoped3A : memref<!tpu.dma_semaphore, #tpu.memory_space<semaphore_mem>>) src(%dma_wait3A_99 : memref<64x128xf32, #tpu.memory_space<vmem_shared>>) dst(%arg6 : memref<64x128xf32, #tpu.memory_space<vmem>>)
      tpu.yield
    }) : () -> ()
    %add3A_76 = arith.constant 320 : i32
    %add3A_77 = arith.addi %multiple_of3A_53, %add3A_76 : i32
    "tpu.region"() ({
      %run_scoped3A = tpu.sem_alloc : memref<!tpu.dma_semaphore, #tpu.memory_space<semaphore_mem>>
      %dma_start3A = arith.constant 0 : i32
      %dma_start3A_94 = tpu.memref_slice %arg3[%add3A_77, %dma_start3A] : memref<20480x128xf32, #tpu.memory_space<hbm>> -> memref<64x128xf32, #tpu.memory_space<hbm>>
      %dma_start3A_95 = arith.constant 0 : i32
      %dma_start3A_96 = tpu.memref_slice %arg3[%add3A_77, %dma_start3A_95] : memref<20480x128xf32, #tpu.memory_space<hbm>> -> memref<64x128xf32, #tpu.memory_space<hbm>>
      tpu.enqueue_dma source(%arg6 : memref<64x128xf32, #tpu.memory_space<vmem>>) target(%dma_start3A_96 : memref<64x128xf32, #tpu.memory_space<hbm>>) target_semaphore(%run_scoped3A : memref<!tpu.dma_semaphore, #tpu.memory_space<semaphore_mem>>)
      %dma_wait3A = arith.constant 0 : i32
      %dma_wait3A_97 = tpu.memref_slice %arg3[%add3A_77, %dma_wait3A] : memref<20480x128xf32, #tpu.memory_space<hbm>> -> memref<64x128xf32, #tpu.memory_space<hbm>>
      %dma_wait3A_98 = arith.constant 0 : i32
      %dma_wait3A_99 = tpu.memref_slice %arg3[%add3A_77, %dma_wait3A_98] : memref<20480x128xf32, #tpu.memory_space<hbm>> -> memref<64x128xf32, #tpu.memory_space<hbm>>
      tpu.wait_dma2 semaphore(%run_scoped3A : memref<!tpu.dma_semaphore, #tpu.memory_space<semaphore_mem>>) src(%arg6 : memref<64x128xf32, #tpu.memory_space<vmem>>) dst(%dma_wait3A_99 : memref<64x128xf32, #tpu.memory_space<hbm>>)
      tpu.yield
    }) : () -> ()
    %add3A_78 = arith.constant 384 : i32
    %add3A_79 = arith.addi %multiple_of3A_49, %add3A_78 : i32
    "tpu.region"() ({
      %run_scoped3A = tpu.sem_alloc : memref<!tpu.dma_semaphore, #tpu.memory_space<semaphore_mem>>
      %dma_start3A = arith.constant 0 : i32
      %dma_start3A_94 = tpu.memref_slice %arg7[%add3A_79, %dma_start3A] : memref<10240x128xf32, #tpu.memory_space<vmem_shared>> -> memref<64x128xf32, #tpu.memory_space<vmem_shared>>
      %dma_start3A_95 = arith.constant 0 : i32
      %dma_start3A_96 = tpu.memref_slice %arg7[%add3A_79, %dma_start3A_95] : memref<10240x128xf32, #tpu.memory_space<vmem_shared>> -> memref<64x128xf32, #tpu.memory_space<vmem_shared>>
      tpu.enqueue_dma source(%dma_start3A_96 : memref<64x128xf32, #tpu.memory_space<vmem_shared>>) target(%arg6 : memref<64x128xf32, #tpu.memory_space<vmem>>) target_semaphore(%run_scoped3A : memref<!tpu.dma_semaphore, #tpu.memory_space<semaphore_mem>>)
      %dma_wait3A = arith.constant 0 : i32
      %dma_wait3A_97 = tpu.memref_slice %arg7[%add3A_79, %dma_wait3A] : memref<10240x128xf32, #tpu.memory_space<vmem_shared>> -> memref<64x128xf32, #tpu.memory_space<vmem_shared>>
      %dma_wait3A_98 = arith.constant 0 : i32
      %dma_wait3A_99 = tpu.memref_slice %arg7[%add3A_79, %dma_wait3A_98] : memref<10240x128xf32, #tpu.memory_space<vmem_shared>> -> memref<64x128xf32, #tpu.memory_space<vmem_shared>>
      tpu.wait_dma2 semaphore(%run_scoped3A : memref<!tpu.dma_semaphore, #tpu.memory_space<semaphore_mem>>) src(%dma_wait3A_99 : memref<64x128xf32, #tpu.memory_space<vmem_shared>>) dst(%arg6 : memref<64x128xf32, #tpu.memory_space<vmem>>)
      tpu.yield
    }) : () -> ()
    %add3A_80 = arith.constant 384 : i32
    %add3A_81 = arith.addi %multiple_of3A_53, %add3A_80 : i32
    "tpu.region"() ({
      %run_scoped3A = tpu.sem_alloc : memref<!tpu.dma_semaphore, #tpu.memory_space<semaphore_mem>>
      %dma_start3A = arith.constant 0 : i32
      %dma_start3A_94 = tpu.memref_slice %arg3[%add3A_81, %dma_start3A] : memref<20480x128xf32, #tpu.memory_space<hbm>> -> memref<64x128xf32, #tpu.memory_space<hbm>>
      %dma_start3A_95 = arith.constant 0 : i32
      %dma_start3A_96 = tpu.memref_slice %arg3[%add3A_81, %dma_start3A_95] : memref<20480x128xf32, #tpu.memory_space<hbm>> -> memref<64x128xf32, #tpu.memory_space<hbm>>
      tpu.enqueue_dma source(%arg6 : memref<64x128xf32, #tpu.memory_space<vmem>>) target(%dma_start3A_96 : memref<64x128xf32, #tpu.memory_space<hbm>>) target_semaphore(%run_scoped3A : memref<!tpu.dma_semaphore, #tpu.memory_space<semaphore_mem>>)
      %dma_wait3A = arith.constant 0 : i32
      %dma_wait3A_97 = tpu.memref_slice %arg3[%add3A_81, %dma_wait3A] : memref<20480x128xf32, #tpu.memory_space<hbm>> -> memref<64x128xf32, #tpu.memory_space<hbm>>
      %dma_wait3A_98 = arith.constant 0 : i32
      %dma_wait3A_99 = tpu.memref_slice %arg3[%add3A_81, %dma_wait3A_98] : memref<20480x128xf32, #tpu.memory_space<hbm>> -> memref<64x128xf32, #tpu.memory_space<hbm>>
      tpu.wait_dma2 semaphore(%run_scoped3A : memref<!tpu.dma_semaphore, #tpu.memory_space<semaphore_mem>>) src(%arg6 : memref<64x128xf32, #tpu.memory_space<vmem>>) dst(%dma_wait3A_99 : memref<64x128xf32, #tpu.memory_space<hbm>>)
      tpu.yield
    }) : () -> ()
    %add3A_82 = arith.constant 448 : i32
    %add3A_83 = arith.addi %multiple_of3A_49, %add3A_82 : i32
    "tpu.region"() ({
      %run_scoped3A = tpu.sem_alloc : memref<!tpu.dma_semaphore, #tpu.memory_space<semaphore_mem>>
      %dma_start3A = arith.constant 0 : i32
      %dma_start3A_94 = tpu.memref_slice %arg7[%add3A_83, %dma_start3A] : memref<10240x128xf32, #tpu.memory_space<vmem_shared>> -> memref<64x128xf32, #tpu.memory_space<vmem_shared>>
      %dma_start3A_95 = arith.constant 0 : i32
      %dma_start3A_96 = tpu.memref_slice %arg7[%add3A_83, %dma_start3A_95] : memref<10240x128xf32, #tpu.memory_space<vmem_shared>> -> memref<64x128xf32, #tpu.memory_space<vmem_shared>>
      tpu.enqueue_dma source(%dma_start3A_96 : memref<64x128xf32, #tpu.memory_space<vmem_shared>>) target(%arg6 : memref<64x128xf32, #tpu.memory_space<vmem>>) target_semaphore(%run_scoped3A : memref<!tpu.dma_semaphore, #tpu.memory_space<semaphore_mem>>)
      %dma_wait3A = arith.constant 0 : i32
      %dma_wait3A_97 = tpu.memref_slice %arg7[%add3A_83, %dma_wait3A] : memref<10240x128xf32, #tpu.memory_space<vmem_shared>> -> memref<64x128xf32, #tpu.memory_space<vmem_shared>>
      %dma_wait3A_98 = arith.constant 0 : i32
      %dma_wait3A_99 = tpu.memref_slice %arg7[%add3A_83, %dma_wait3A_98] : memref<10240x128xf32, #tpu.memory_space<vmem_shared>> -> memref<64x128xf32, #tpu.memory_space<vmem_shared>>
      tpu.wait_dma2 semaphore(%run_scoped3A : memref<!tpu.dma_semaphore, #tpu.memory_space<semaphore_mem>>) src(%dma_wait3A_99 : memref<64x128xf32, #tpu.memory_space<vmem_shared>>) dst(%arg6 : memref<64x128xf32, #tpu.memory_space<vmem>>)
      tpu.yield
    }) : () -> ()
    %add3A_84 = arith.constant 448 : i32
    %add3A_85 = arith.addi %multiple_of3A_53, %add3A_84 : i32
    "tpu.region"() ({
      %run_scoped3A = tpu.sem_alloc : memref<!tpu.dma_semaphore, #tpu.memory_space<semaphore_mem>>
      %dma_start3A = arith.constant 0 : i32
      %dma_start3A_94 = tpu.memref_slice %arg3[%add3A_85, %dma_start3A] : memref<20480x128xf32, #tpu.memory_space<hbm>> -> memref<64x128xf32, #tpu.memory_space<hbm>>
      %dma_start3A_95 = arith.constant 0 : i32
      %dma_start3A_96 = tpu.memref_slice %arg3[%add3A_85, %dma_start3A_95] : memref<20480x128xf32, #tpu.memory_space<hbm>> -> memref<64x128xf32, #tpu.memory_space<hbm>>
      tpu.enqueue_dma source(%arg6 : memref<64x128xf32, #tpu.memory_space<vmem>>) target(%dma_start3A_96 : memref<64x128xf32, #tpu.memory_space<hbm>>) target_semaphore(%run_scoped3A : memref<!tpu.dma_semaphore, #tpu.memory_space<semaphore_mem>>)
      %dma_wait3A = arith.constant 0 : i32
      %dma_wait3A_97 = tpu.memref_slice %arg3[%add3A_85, %dma_wait3A] : memref<20480x128xf32, #tpu.memory_space<hbm>> -> memref<64x128xf32, #tpu.memory_space<hbm>>
      %dma_wait3A_98 = arith.constant 0 : i32
      %dma_wait3A_99 = tpu.memref_slice %arg3[%add3A_85, %dma_wait3A_98] : memref<20480x128xf32, #tpu.memory_space<hbm>> -> memref<64x128xf32, #tpu.memory_space<hbm>>
      tpu.wait_dma2 semaphore(%run_scoped3A : memref<!tpu.dma_semaphore, #tpu.memory_space<semaphore_mem>>) src(%arg6 : memref<64x128xf32, #tpu.memory_space<vmem>>) dst(%dma_wait3A_99 : memref<64x128xf32, #tpu.memory_space<hbm>>)
      tpu.yield
    }) : () -> ()
    %add3A_86 = arith.constant 512 : i32
    %add3A_87 = arith.addi %multiple_of3A_49, %add3A_86 : i32
    "tpu.region"() ({
      %run_scoped3A = tpu.sem_alloc : memref<!tpu.dma_semaphore, #tpu.memory_space<semaphore_mem>>
      %dma_start3A = arith.constant 0 : i32
      %dma_start3A_94 = tpu.memref_slice %arg7[%add3A_87, %dma_start3A] : memref<10240x128xf32, #tpu.memory_space<vmem_shared>> -> memref<64x128xf32, #tpu.memory_space<vmem_shared>>
      %dma_start3A_95 = arith.constant 0 : i32
      %dma_start3A_96 = tpu.memref_slice %arg7[%add3A_87, %dma_start3A_95] : memref<10240x128xf32, #tpu.memory_space<vmem_shared>> -> memref<64x128xf32, #tpu.memory_space<vmem_shared>>
      tpu.enqueue_dma source(%dma_start3A_96 : memref<64x128xf32, #tpu.memory_space<vmem_shared>>) target(%arg6 : memref<64x128xf32, #tpu.memory_space<vmem>>) target_semaphore(%run_scoped3A : memref<!tpu.dma_semaphore, #tpu.memory_space<semaphore_mem>>)
      %dma_wait3A = arith.constant 0 : i32
      %dma_wait3A_97 = tpu.memref_slice %arg7[%add3A_87, %dma_wait3A] : memref<10240x128xf32, #tpu.memory_space<vmem_shared>> -> memref<64x128xf32, #tpu.memory_space<vmem_shared>>
      %dma_wait3A_98 = arith.constant 0 : i32
      %dma_wait3A_99 = tpu.memref_slice %arg7[%add3A_87, %dma_wait3A_98] : memref<10240x128xf32, #tpu.memory_space<vmem_shared>> -> memref<64x128xf32, #tpu.memory_space<vmem_shared>>
      tpu.wait_dma2 semaphore(%run_scoped3A : memref<!tpu.dma_semaphore, #tpu.memory_space<semaphore_mem>>) src(%dma_wait3A_99 : memref<64x128xf32, #tpu.memory_space<vmem_shared>>) dst(%arg6 : memref<64x128xf32, #tpu.memory_space<vmem>>)
      tpu.yield
    }) : () -> ()
    %add3A_88 = arith.constant 512 : i32
    %add3A_89 = arith.addi %multiple_of3A_53, %add3A_88 : i32
    "tpu.region"() ({
      %run_scoped3A = tpu.sem_alloc : memref<!tpu.dma_semaphore, #tpu.memory_space<semaphore_mem>>
      %dma_start3A = arith.constant 0 : i32
      %dma_start3A_94 = tpu.memref_slice %arg3[%add3A_89, %dma_start3A] : memref<20480x128xf32, #tpu.memory_space<hbm>> -> memref<64x128xf32, #tpu.memory_space<hbm>>
      %dma_start3A_95 = arith.constant 0 : i32
      %dma_start3A_96 = tpu.memref_slice %arg3[%add3A_89, %dma_start3A_95] : memref<20480x128xf32, #tpu.memory_space<hbm>> -> memref<64x128xf32, #tpu.memory_space<hbm>>
      tpu.enqueue_dma source(%arg6 : memref<64x128xf32, #tpu.memory_space<vmem>>) target(%dma_start3A_96 : memref<64x128xf32, #tpu.memory_space<hbm>>) target_semaphore(%run_scoped3A : memref<!tpu.dma_semaphore, #tpu.memory_space<semaphore_mem>>)
      %dma_wait3A = arith.constant 0 : i32
      %dma_wait3A_97 = tpu.memref_slice %arg3[%add3A_89, %dma_wait3A] : memref<20480x128xf32, #tpu.memory_space<hbm>> -> memref<64x128xf32, #tpu.memory_space<hbm>>
      %dma_wait3A_98 = arith.constant 0 : i32
      %dma_wait3A_99 = tpu.memref_slice %arg3[%add3A_89, %dma_wait3A_98] : memref<20480x128xf32, #tpu.memory_space<hbm>> -> memref<64x128xf32, #tpu.memory_space<hbm>>
      tpu.wait_dma2 semaphore(%run_scoped3A : memref<!tpu.dma_semaphore, #tpu.memory_space<semaphore_mem>>) src(%arg6 : memref<64x128xf32, #tpu.memory_space<vmem>>) dst(%dma_wait3A_99 : memref<64x128xf32, #tpu.memory_space<hbm>>)
      tpu.yield
    }) : () -> ()
    %add3A_90 = arith.constant 576 : i32
    %add3A_91 = arith.addi %multiple_of3A_49, %add3A_90 : i32
    "tpu.region"() ({
      %run_scoped3A = tpu.sem_alloc : memref<!tpu.dma_semaphore, #tpu.memory_space<semaphore_mem>>
      %dma_start3A = arith.constant 0 : i32
      %dma_start3A_94 = tpu.memref_slice %arg7[%add3A_91, %dma_start3A] : memref<10240x128xf32, #tpu.memory_space<vmem_shared>> -> memref<64x128xf32, #tpu.memory_space<vmem_shared>>
      %dma_start3A_95 = arith.constant 0 : i32
      %dma_start3A_96 = tpu.memref_slice %arg7[%add3A_91, %dma_start3A_95] : memref<10240x128xf32, #tpu.memory_space<vmem_shared>> -> memref<64x128xf32, #tpu.memory_space<vmem_shared>>
      tpu.enqueue_dma source(%dma_start3A_96 : memref<64x128xf32, #tpu.memory_space<vmem_shared>>) target(%arg6 : memref<64x128xf32, #tpu.memory_space<vmem>>) target_semaphore(%run_scoped3A : memref<!tpu.dma_semaphore, #tpu.memory_space<semaphore_mem>>)
      %dma_wait3A = arith.constant 0 : i32
      %dma_wait3A_97 = tpu.memref_slice %arg7[%add3A_91, %dma_wait3A] : memref<10240x128xf32, #tpu.memory_space<vmem_shared>> -> memref<64x128xf32, #tpu.memory_space<vmem_shared>>
      %dma_wait3A_98 = arith.constant 0 : i32
      %dma_wait3A_99 = tpu.memref_slice %arg7[%add3A_91, %dma_wait3A_98] : memref<10240x128xf32, #tpu.memory_space<vmem_shared>> -> memref<64x128xf32, #tpu.memory_space<vmem_shared>>
      tpu.wait_dma2 semaphore(%run_scoped3A : memref<!tpu.dma_semaphore, #tpu.memory_space<semaphore_mem>>) src(%dma_wait3A_99 : memref<64x128xf32, #tpu.memory_space<vmem_shared>>) dst(%arg6 : memref<64x128xf32, #tpu.memory_space<vmem>>)
      tpu.yield
    }) : () -> ()
    %add3A_92 = arith.constant 576 : i32
    %add3A_93 = arith.addi %multiple_of3A_53, %add3A_92 : i32
    "tpu.region"() ({
      %run_scoped3A = tpu.sem_alloc : memref<!tpu.dma_semaphore, #tpu.memory_space<semaphore_mem>>
      %dma_start3A = arith.constant 0 : i32
      %dma_start3A_94 = tpu.memref_slice %arg3[%add3A_93, %dma_start3A] : memref<20480x128xf32, #tpu.memory_space<hbm>> -> memref<64x128xf32, #tpu.memory_space<hbm>>
      %dma_start3A_95 = arith.constant 0 : i32
      %dma_start3A_96 = tpu.memref_slice %arg3[%add3A_93, %dma_start3A_95] : memref<20480x128xf32, #tpu.memory_space<hbm>> -> memref<64x128xf32, #tpu.memory_space<hbm>>
      tpu.enqueue_dma source(%arg6 : memref<64x128xf32, #tpu.memory_space<vmem>>) target(%dma_start3A_96 : memref<64x128xf32, #tpu.memory_space<hbm>>) target_semaphore(%run_scoped3A : memref<!tpu.dma_semaphore, #tpu.memory_space<semaphore_mem>>)
      %dma_wait3A = arith.constant 0 : i32
      %dma_wait3A_97 = tpu.memref_slice %arg3[%add3A_93, %dma_wait3A] : memref<20480x128xf32, #tpu.memory_space<hbm>> -> memref<64x128xf32, #tpu.memory_space<hbm>>
      %dma_wait3A_98 = arith.constant 0 : i32
      %dma_wait3A_99 = tpu.memref_slice %arg3[%add3A_93, %dma_wait3A_98] : memref<20480x128xf32, #tpu.memory_space<hbm>> -> memref<64x128xf32, #tpu.memory_space<hbm>>
      tpu.wait_dma2 semaphore(%run_scoped3A : memref<!tpu.dma_semaphore, #tpu.memory_space<semaphore_mem>>) src(%arg6 : memref<64x128xf32, #tpu.memory_space<vmem>>) dst(%dma_wait3A_99 : memref<64x128xf32, #tpu.memory_space<hbm>>)
      tpu.yield
    }) : () -> ()
    return
  }
}

#map = affine_map<(d0, d1) -> (0)>
#map1 = affine_map<(d0, d1) -> (0, 0)>
module attributes {stable_mosaic.version = 14 : i64} {
  func.func @a3scat_kernel(%arg0: i32, %arg1: i32, %arg2: memref<640000xi32, #tpu.memory_space<hbm>>, %arg3: memref<320000x128xf32, #tpu.memory_space<hbm>>, %arg4: memref<20480x128xf32, #tpu.memory_space<hbm>>, %arg5: memref<2x80xi32, #tpu.memory_space<vmem>>, %arg6: memref<80x128xf32, #tpu.memory_space<vmem>>, %arg7: memref<64x128xf32, #tpu.memory_space<vmem>>, %arg8: memref<10240x128xf32, #tpu.memory_space<vmem_shared>>) attributes {dimension_semantics = [#tpu.dimension_semantics<core_parallel>, #tpu.dimension_semantics<subcore_parallel>], iteration_bounds = array<i64: 2, 16>, scalar_prefetch = 0 : i64, scratch_operands = 4 : i64, tpu.core_type = #tpu.core_type<sc_vector_subcore>, window_params = [{transform_indices = #map}, {transform_indices = #map1}, {transform_indices = #map1}]} {
    %mul3A = arith.constant 2 : i32
    %mul3A_0 = arith.muli %arg1, %mul3A : i32
    %add3A = arith.addi %mul3A_0, %arg0 : i32
    %broadcast_in_dim3A = arith.constant 0.000000e+00 : f32
    %broadcast_in_dim3A_1 = vector.broadcast %broadcast_in_dim3A : f32 to vector<16xf32>
    %scan3A = arith.constant 0 : i32
    %scan3A_2 = arith.constant 0 : i32
    %scan3A_3 = arith.constant 512 : i32
    %scan3A_4 = arith.addi %scan3A_2, %scan3A_3 : i32
    %scan3A_5 = arith.constant 1 : i32
    %scan3A_6 = scf.for %scan3A_85 = %scan3A_2 to %scan3A_4 step %scan3A_5 iter_args(%scan3A_86 = %scan3A) -> (i32)  : i32 {
      %jit3A = arith.constant 8 : i32
      %div3A = arith.divsi %scan3A_85, %jit3A : i32
      %sign3A = arith.constant 0 : i32
      %sign3A_87 = arith.cmpi sgt, %scan3A_85, %sign3A : i32
      %sign3A_88 = arith.extui %sign3A_87 : i1 to i32
      %sign3A_89 = arith.constant 0 : i32
      %sign3A_90 = arith.cmpi slt, %scan3A_85, %sign3A_89 : i32
      %sign3A_91 = arith.extui %sign3A_90 : i1 to i32
      %sign3A_92 = arith.subi %sign3A_88, %sign3A_91 : i32
      %sign3A_93 = arith.constant 0 : i32
      %sign3A_94 = arith.cmpi sgt, %jit3A, %sign3A_93 : i32
      %sign3A_95 = arith.extui %sign3A_94 : i1 to i32
      %sign3A_96 = arith.constant 0 : i32
      %sign3A_97 = arith.cmpi slt, %jit3A, %sign3A_96 : i32
      %sign3A_98 = arith.extui %sign3A_97 : i1 to i32
      %sign3A_99 = arith.subi %sign3A_95, %sign3A_98 : i32
      %ne3A = arith.cmpi ne, %sign3A_92, %sign3A_99 : i32
      %rem3A = arith.remsi %scan3A_85, %jit3A : i32
      %ne3A_100 = arith.constant 0 : i32
      %ne3A_101 = arith.cmpi ne, %rem3A, %ne3A_100 : i32
      %and3A = arith.andi %ne3A, %ne3A_101 : i1
      %sub3A = arith.constant 1 : i32
      %sub3A_102 = arith.subi %div3A, %sub3A : i32
      %select_n3A = arith.select %and3A, %sub3A_102, %div3A : i32
      %jit3A_103 = arith.constant 8 : i32
      %eq3A = arith.constant 0 : i32
      %eq3A_104 = arith.cmpi eq, %jit3A_103, %eq3A : i32
      %jit3A_105 = arith.constant 1 : i32
      %select_n3A_106 = arith.select %eq3A_104, %jit3A_105, %jit3A_103 : i32
      %rem3A_107 = arith.remsi %scan3A_85, %select_n3A_106 : i32
      %ne3A_108 = arith.constant 0 : i32
      %ne3A_109 = arith.cmpi ne, %rem3A_107, %ne3A_108 : i32
      %lt3A = arith.constant 0 : i32
      %lt3A_110 = arith.cmpi slt, %rem3A_107, %lt3A : i32
      %lt3A_111 = arith.constant 0 : i32
      %lt3A_112 = arith.cmpi slt, %select_n3A_106, %lt3A_111 : i32
      %ne3A_113 = arith.xori %lt3A_110, %lt3A_112 : i1
      %and3A_114 = arith.andi %ne3A_113, %ne3A_109 : i1
      %add3A_115 = arith.addi %rem3A_107, %select_n3A_106 : i32
      %select_n3A_116 = arith.select %and3A_114, %add3A_115, %rem3A_107 : i32
      %mul3A_117 = arith.constant 16 : i32
      %mul3A_118 = arith.muli %select_n3A_116, %mul3A_117 : i32
      %swap3A = arith.index_cast %select_n3A : i32 to index
      %swap3A_119 = arith.index_cast %mul3A_118 : i32 to index
      %swap3A_120 = tpu.vector_load %arg7[%swap3A, %swap3A_119] {strides = array<i32>} : memref<64x128xf32, #tpu.memory_space<vmem>>, vector<1x16xf32>,
      %swap3A_121 = vector.shape_cast %swap3A_120 : vector<1x16xf32> to vector<16xf32>
      %swap3A_122 = vector.shape_cast %broadcast_in_dim3A_1 : vector<16xf32> to vector<1x16xf32>
      tpu.vector_store %arg7[%swap3A, %swap3A_119], %swap3A_122 {strides = array<i32>} : memref<64x128xf32, #tpu.memory_space<vmem>>, vector<1x16xf32>,
      %scan3A_123 = arith.constant 0 : i32
      scf.yield %scan3A_123 : i32
    }
    %scan3A_7 = arith.constant 512 : i32
    %mul3A_8 = arith.constant 640 : i32
    %mul3A_9 = arith.muli %arg1, %mul3A_8 : i32
    %multiple_of3A = tpu.assume_multiple %mul3A_9, 8 : i32
    %add3A_10 = arith.constant 0 : i32
    %add3A_11 = arith.addi %multiple_of3A, %add3A_10 : i32
    "tpu.region"() ({
      %run_scoped3A = tpu.sem_alloc : memref<!tpu.dma_semaphore, #tpu.memory_space<semaphore_mem>>
      %dma_start3A = arith.constant 0 : i32
      %dma_start3A_85 = tpu.memref_slice %arg8[%add3A_11, %dma_start3A] : memref<10240x128xf32, #tpu.memory_space<vmem_shared>> -> memref<64x128xf32, #tpu.memory_space<vmem_shared>>
      %dma_start3A_86 = arith.constant 0 : i32
      %dma_start3A_87 = tpu.memref_slice %arg8[%add3A_11, %dma_start3A_86] : memref<10240x128xf32, #tpu.memory_space<vmem_shared>> -> memref<64x128xf32, #tpu.memory_space<vmem_shared>>
      tpu.enqueue_dma source(%arg7 : memref<64x128xf32, #tpu.memory_space<vmem>>) target(%dma_start3A_87 : memref<64x128xf32, #tpu.memory_space<vmem_shared>>) target_semaphore(%run_scoped3A : memref<!tpu.dma_semaphore, #tpu.memory_space<semaphore_mem>>)
      %dma_wait3A = arith.constant 0 : i32
      %dma_wait3A_88 = tpu.memref_slice %arg8[%add3A_11, %dma_wait3A] : memref<10240x128xf32, #tpu.memory_space<vmem_shared>> -> memref<64x128xf32, #tpu.memory_space<vmem_shared>>
      %dma_wait3A_89 = arith.constant 0 : i32
      %dma_wait3A_90 = tpu.memref_slice %arg8[%add3A_11, %dma_wait3A_89] : memref<10240x128xf32, #tpu.memory_space<vmem_shared>> -> memref<64x128xf32, #tpu.memory_space<vmem_shared>>
      tpu.wait_dma2 semaphore(%run_scoped3A : memref<!tpu.dma_semaphore, #tpu.memory_space<semaphore_mem>>) src(%arg7 : memref<64x128xf32, #tpu.memory_space<vmem>>) dst(%dma_wait3A_90 : memref<64x128xf32, #tpu.memory_space<vmem_shared>>)
      tpu.yield
    }) : () -> ()
    %add3A_12 = arith.constant 64 : i32
    %add3A_13 = arith.addi %multiple_of3A, %add3A_12 : i32
    "tpu.region"() ({
      %run_scoped3A = tpu.sem_alloc : memref<!tpu.dma_semaphore, #tpu.memory_space<semaphore_mem>>
      %dma_start3A = arith.constant 0 : i32
      %dma_start3A_85 = tpu.memref_slice %arg8[%add3A_13, %dma_start3A] : memref<10240x128xf32, #tpu.memory_space<vmem_shared>> -> memref<64x128xf32, #tpu.memory_space<vmem_shared>>
      %dma_start3A_86 = arith.constant 0 : i32
      %dma_start3A_87 = tpu.memref_slice %arg8[%add3A_13, %dma_start3A_86] : memref<10240x128xf32, #tpu.memory_space<vmem_shared>> -> memref<64x128xf32, #tpu.memory_space<vmem_shared>>
      tpu.enqueue_dma source(%arg7 : memref<64x128xf32, #tpu.memory_space<vmem>>) target(%dma_start3A_87 : memref<64x128xf32, #tpu.memory_space<vmem_shared>>) target_semaphore(%run_scoped3A : memref<!tpu.dma_semaphore, #tpu.memory_space<semaphore_mem>>)
      %dma_wait3A = arith.constant 0 : i32
      %dma_wait3A_88 = tpu.memref_slice %arg8[%add3A_13, %dma_wait3A] : memref<10240x128xf32, #tpu.memory_space<vmem_shared>> -> memref<64x128xf32, #tpu.memory_space<vmem_shared>>
      %dma_wait3A_89 = arith.constant 0 : i32
      %dma_wait3A_90 = tpu.memref_slice %arg8[%add3A_13, %dma_wait3A_89] : memref<10240x128xf32, #tpu.memory_space<vmem_shared>> -> memref<64x128xf32, #tpu.memory_space<vmem_shared>>
      tpu.wait_dma2 semaphore(%run_scoped3A : memref<!tpu.dma_semaphore, #tpu.memory_space<semaphore_mem>>) src(%arg7 : memref<64x128xf32, #tpu.memory_space<vmem>>) dst(%dma_wait3A_90 : memref<64x128xf32, #tpu.memory_space<vmem_shared>>)
      tpu.yield
    }) : () -> ()
    %add3A_14 = arith.constant 128 : i32
    %add3A_15 = arith.addi %multiple_of3A, %add3A_14 : i32
    "tpu.region"() ({
      %run_scoped3A = tpu.sem_alloc : memref<!tpu.dma_semaphore, #tpu.memory_space<semaphore_mem>>
      %dma_start3A = arith.constant 0 : i32
      %dma_start3A_85 = tpu.memref_slice %arg8[%add3A_15, %dma_start3A] : memref<10240x128xf32, #tpu.memory_space<vmem_shared>> -> memref<64x128xf32, #tpu.memory_space<vmem_shared>>
      %dma_start3A_86 = arith.constant 0 : i32
      %dma_start3A_87 = tpu.memref_slice %arg8[%add3A_15, %dma_start3A_86] : memref<10240x128xf32, #tpu.memory_space<vmem_shared>> -> memref<64x128xf32, #tpu.memory_space<vmem_shared>>
      tpu.enqueue_dma source(%arg7 : memref<64x128xf32, #tpu.memory_space<vmem>>) target(%dma_start3A_87 : memref<64x128xf32, #tpu.memory_space<vmem_shared>>) target_semaphore(%run_scoped3A : memref<!tpu.dma_semaphore, #tpu.memory_space<semaphore_mem>>)
      %dma_wait3A = arith.constant 0 : i32
      %dma_wait3A_88 = tpu.memref_slice %arg8[%add3A_15, %dma_wait3A] : memref<10240x128xf32, #tpu.memory_space<vmem_shared>> -> memref<64x128xf32, #tpu.memory_space<vmem_shared>>
      %dma_wait3A_89 = arith.constant 0 : i32
      %dma_wait3A_90 = tpu.memref_slice %arg8[%add3A_15, %dma_wait3A_89] : memref<10240x128xf32, #tpu.memory_space<vmem_shared>> -> memref<64x128xf32, #tpu.memory_space<vmem_shared>>
      tpu.wait_dma2 semaphore(%run_scoped3A : memref<!tpu.dma_semaphore, #tpu.memory_space<semaphore_mem>>) src(%arg7 : memref<64x128xf32, #tpu.memory_space<vmem>>) dst(%dma_wait3A_90 : memref<64x128xf32, #tpu.memory_space<vmem_shared>>)
      tpu.yield
    }) : () -> ()
    %add3A_16 = arith.constant 192 : i32
    %add3A_17 = arith.addi %multiple_of3A, %add3A_16 : i32
    "tpu.region"() ({
      %run_scoped3A = tpu.sem_alloc : memref<!tpu.dma_semaphore, #tpu.memory_space<semaphore_mem>>
      %dma_start3A = arith.constant 0 : i32
      %dma_start3A_85 = tpu.memref_slice %arg8[%add3A_17, %dma_start3A] : memref<10240x128xf32, #tpu.memory_space<vmem_shared>> -> memref<64x128xf32, #tpu.memory_space<vmem_shared>>
      %dma_start3A_86 = arith.constant 0 : i32
      %dma_start3A_87 = tpu.memref_slice %arg8[%add3A_17, %dma_start3A_86] : memref<10240x128xf32, #tpu.memory_space<vmem_shared>> -> memref<64x128xf32, #tpu.memory_space<vmem_shared>>
      tpu.enqueue_dma source(%arg7 : memref<64x128xf32, #tpu.memory_space<vmem>>) target(%dma_start3A_87 : memref<64x128xf32, #tpu.memory_space<vmem_shared>>) target_semaphore(%run_scoped3A : memref<!tpu.dma_semaphore, #tpu.memory_space<semaphore_mem>>)
      %dma_wait3A = arith.constant 0 : i32
      %dma_wait3A_88 = tpu.memref_slice %arg8[%add3A_17, %dma_wait3A] : memref<10240x128xf32, #tpu.memory_space<vmem_shared>> -> memref<64x128xf32, #tpu.memory_space<vmem_shared>>
      %dma_wait3A_89 = arith.constant 0 : i32
      %dma_wait3A_90 = tpu.memref_slice %arg8[%add3A_17, %dma_wait3A_89] : memref<10240x128xf32, #tpu.memory_space<vmem_shared>> -> memref<64x128xf32, #tpu.memory_space<vmem_shared>>
      tpu.wait_dma2 semaphore(%run_scoped3A : memref<!tpu.dma_semaphore, #tpu.memory_space<semaphore_mem>>) src(%arg7 : memref<64x128xf32, #tpu.memory_space<vmem>>) dst(%dma_wait3A_90 : memref<64x128xf32, #tpu.memory_space<vmem_shared>>)
      tpu.yield
    }) : () -> ()
    %add3A_18 = arith.constant 256 : i32
    %add3A_19 = arith.addi %multiple_of3A, %add3A_18 : i32
    "tpu.region"() ({
      %run_scoped3A = tpu.sem_alloc : memref<!tpu.dma_semaphore, #tpu.memory_space<semaphore_mem>>
      %dma_start3A = arith.constant 0 : i32
      %dma_start3A_85 = tpu.memref_slice %arg8[%add3A_19, %dma_start3A] : memref<10240x128xf32, #tpu.memory_space<vmem_shared>> -> memref<64x128xf32, #tpu.memory_space<vmem_shared>>
      %dma_start3A_86 = arith.constant 0 : i32
      %dma_start3A_87 = tpu.memref_slice %arg8[%add3A_19, %dma_start3A_86] : memref<10240x128xf32, #tpu.memory_space<vmem_shared>> -> memref<64x128xf32, #tpu.memory_space<vmem_shared>>
      tpu.enqueue_dma source(%arg7 : memref<64x128xf32, #tpu.memory_space<vmem>>) target(%dma_start3A_87 : memref<64x128xf32, #tpu.memory_space<vmem_shared>>) target_semaphore(%run_scoped3A : memref<!tpu.dma_semaphore, #tpu.memory_space<semaphore_mem>>)
      %dma_wait3A = arith.constant 0 : i32
      %dma_wait3A_88 = tpu.memref_slice %arg8[%add3A_19, %dma_wait3A] : memref<10240x128xf32, #tpu.memory_space<vmem_shared>> -> memref<64x128xf32, #tpu.memory_space<vmem_shared>>
      %dma_wait3A_89 = arith.constant 0 : i32
      %dma_wait3A_90 = tpu.memref_slice %arg8[%add3A_19, %dma_wait3A_89] : memref<10240x128xf32, #tpu.memory_space<vmem_shared>> -> memref<64x128xf32, #tpu.memory_space<vmem_shared>>
      tpu.wait_dma2 semaphore(%run_scoped3A : memref<!tpu.dma_semaphore, #tpu.memory_space<semaphore_mem>>) src(%arg7 : memref<64x128xf32, #tpu.memory_space<vmem>>) dst(%dma_wait3A_90 : memref<64x128xf32, #tpu.memory_space<vmem_shared>>)
      tpu.yield
    }) : () -> ()
    %add3A_20 = arith.constant 320 : i32
    %add3A_21 = arith.addi %multiple_of3A, %add3A_20 : i32
    "tpu.region"() ({
      %run_scoped3A = tpu.sem_alloc : memref<!tpu.dma_semaphore, #tpu.memory_space<semaphore_mem>>
      %dma_start3A = arith.constant 0 : i32
      %dma_start3A_85 = tpu.memref_slice %arg8[%add3A_21, %dma_start3A] : memref<10240x128xf32, #tpu.memory_space<vmem_shared>> -> memref<64x128xf32, #tpu.memory_space<vmem_shared>>
      %dma_start3A_86 = arith.constant 0 : i32
      %dma_start3A_87 = tpu.memref_slice %arg8[%add3A_21, %dma_start3A_86] : memref<10240x128xf32, #tpu.memory_space<vmem_shared>> -> memref<64x128xf32, #tpu.memory_space<vmem_shared>>
      tpu.enqueue_dma source(%arg7 : memref<64x128xf32, #tpu.memory_space<vmem>>) target(%dma_start3A_87 : memref<64x128xf32, #tpu.memory_space<vmem_shared>>) target_semaphore(%run_scoped3A : memref<!tpu.dma_semaphore, #tpu.memory_space<semaphore_mem>>)
      %dma_wait3A = arith.constant 0 : i32
      %dma_wait3A_88 = tpu.memref_slice %arg8[%add3A_21, %dma_wait3A] : memref<10240x128xf32, #tpu.memory_space<vmem_shared>> -> memref<64x128xf32, #tpu.memory_space<vmem_shared>>
      %dma_wait3A_89 = arith.constant 0 : i32
      %dma_wait3A_90 = tpu.memref_slice %arg8[%add3A_21, %dma_wait3A_89] : memref<10240x128xf32, #tpu.memory_space<vmem_shared>> -> memref<64x128xf32, #tpu.memory_space<vmem_shared>>
      tpu.wait_dma2 semaphore(%run_scoped3A : memref<!tpu.dma_semaphore, #tpu.memory_space<semaphore_mem>>) src(%arg7 : memref<64x128xf32, #tpu.memory_space<vmem>>) dst(%dma_wait3A_90 : memref<64x128xf32, #tpu.memory_space<vmem_shared>>)
      tpu.yield
    }) : () -> ()
    %add3A_22 = arith.constant 384 : i32
    %add3A_23 = arith.addi %multiple_of3A, %add3A_22 : i32
    "tpu.region"() ({
      %run_scoped3A = tpu.sem_alloc : memref<!tpu.dma_semaphore, #tpu.memory_space<semaphore_mem>>
      %dma_start3A = arith.constant 0 : i32
      %dma_start3A_85 = tpu.memref_slice %arg8[%add3A_23, %dma_start3A] : memref<10240x128xf32, #tpu.memory_space<vmem_shared>> -> memref<64x128xf32, #tpu.memory_space<vmem_shared>>
      %dma_start3A_86 = arith.constant 0 : i32
      %dma_start3A_87 = tpu.memref_slice %arg8[%add3A_23, %dma_start3A_86] : memref<10240x128xf32, #tpu.memory_space<vmem_shared>> -> memref<64x128xf32, #tpu.memory_space<vmem_shared>>
      tpu.enqueue_dma source(%arg7 : memref<64x128xf32, #tpu.memory_space<vmem>>) target(%dma_start3A_87 : memref<64x128xf32, #tpu.memory_space<vmem_shared>>) target_semaphore(%run_scoped3A : memref<!tpu.dma_semaphore, #tpu.memory_space<semaphore_mem>>)
      %dma_wait3A = arith.constant 0 : i32
      %dma_wait3A_88 = tpu.memref_slice %arg8[%add3A_23, %dma_wait3A] : memref<10240x128xf32, #tpu.memory_space<vmem_shared>> -> memref<64x128xf32, #tpu.memory_space<vmem_shared>>
      %dma_wait3A_89 = arith.constant 0 : i32
      %dma_wait3A_90 = tpu.memref_slice %arg8[%add3A_23, %dma_wait3A_89] : memref<10240x128xf32, #tpu.memory_space<vmem_shared>> -> memref<64x128xf32, #tpu.memory_space<vmem_shared>>
      tpu.wait_dma2 semaphore(%run_scoped3A : memref<!tpu.dma_semaphore, #tpu.memory_space<semaphore_mem>>) src(%arg7 : memref<64x128xf32, #tpu.memory_space<vmem>>) dst(%dma_wait3A_90 : memref<64x128xf32, #tpu.memory_space<vmem_shared>>)
      tpu.yield
    }) : () -> ()
    %add3A_24 = arith.constant 448 : i32
    %add3A_25 = arith.addi %multiple_of3A, %add3A_24 : i32
    "tpu.region"() ({
      %run_scoped3A = tpu.sem_alloc : memref<!tpu.dma_semaphore, #tpu.memory_space<semaphore_mem>>
      %dma_start3A = arith.constant 0 : i32
      %dma_start3A_85 = tpu.memref_slice %arg8[%add3A_25, %dma_start3A] : memref<10240x128xf32, #tpu.memory_space<vmem_shared>> -> memref<64x128xf32, #tpu.memory_space<vmem_shared>>
      %dma_start3A_86 = arith.constant 0 : i32
      %dma_start3A_87 = tpu.memref_slice %arg8[%add3A_25, %dma_start3A_86] : memref<10240x128xf32, #tpu.memory_space<vmem_shared>> -> memref<64x128xf32, #tpu.memory_space<vmem_shared>>
      tpu.enqueue_dma source(%arg7 : memref<64x128xf32, #tpu.memory_space<vmem>>) target(%dma_start3A_87 : memref<64x128xf32, #tpu.memory_space<vmem_shared>>) target_semaphore(%run_scoped3A : memref<!tpu.dma_semaphore, #tpu.memory_space<semaphore_mem>>)
      %dma_wait3A = arith.constant 0 : i32
      %dma_wait3A_88 = tpu.memref_slice %arg8[%add3A_25, %dma_wait3A] : memref<10240x128xf32, #tpu.memory_space<vmem_shared>> -> memref<64x128xf32, #tpu.memory_space<vmem_shared>>
      %dma_wait3A_89 = arith.constant 0 : i32
      %dma_wait3A_90 = tpu.memref_slice %arg8[%add3A_25, %dma_wait3A_89] : memref<10240x128xf32, #tpu.memory_space<vmem_shared>> -> memref<64x128xf32, #tpu.memory_space<vmem_shared>>
      tpu.wait_dma2 semaphore(%run_scoped3A : memref<!tpu.dma_semaphore, #tpu.memory_space<semaphore_mem>>) src(%arg7 : memref<64x128xf32, #tpu.memory_space<vmem>>) dst(%dma_wait3A_90 : memref<64x128xf32, #tpu.memory_space<vmem_shared>>)
      tpu.yield
    }) : () -> ()
    %add3A_26 = arith.constant 512 : i32
    %add3A_27 = arith.addi %multiple_of3A, %add3A_26 : i32
    "tpu.region"() ({
      %run_scoped3A = tpu.sem_alloc : memref<!tpu.dma_semaphore, #tpu.memory_space<semaphore_mem>>
      %dma_start3A = arith.constant 0 : i32
      %dma_start3A_85 = tpu.memref_slice %arg8[%add3A_27, %dma_start3A] : memref<10240x128xf32, #tpu.memory_space<vmem_shared>> -> memref<64x128xf32, #tpu.memory_space<vmem_shared>>
      %dma_start3A_86 = arith.constant 0 : i32
      %dma_start3A_87 = tpu.memref_slice %arg8[%add3A_27, %dma_start3A_86] : memref<10240x128xf32, #tpu.memory_space<vmem_shared>> -> memref<64x128xf32, #tpu.memory_space<vmem_shared>>
      tpu.enqueue_dma source(%arg7 : memref<64x128xf32, #tpu.memory_space<vmem>>) target(%dma_start3A_87 : memref<64x128xf32, #tpu.memory_space<vmem_shared>>) target_semaphore(%run_scoped3A : memref<!tpu.dma_semaphore, #tpu.memory_space<semaphore_mem>>)
      %dma_wait3A = arith.constant 0 : i32
      %dma_wait3A_88 = tpu.memref_slice %arg8[%add3A_27, %dma_wait3A] : memref<10240x128xf32, #tpu.memory_space<vmem_shared>> -> memref<64x128xf32, #tpu.memory_space<vmem_shared>>
      %dma_wait3A_89 = arith.constant 0 : i32
      %dma_wait3A_90 = tpu.memref_slice %arg8[%add3A_27, %dma_wait3A_89] : memref<10240x128xf32, #tpu.memory_space<vmem_shared>> -> memref<64x128xf32, #tpu.memory_space<vmem_shared>>
      tpu.wait_dma2 semaphore(%run_scoped3A : memref<!tpu.dma_semaphore, #tpu.memory_space<semaphore_mem>>) src(%arg7 : memref<64x128xf32, #tpu.memory_space<vmem>>) dst(%dma_wait3A_90 : memref<64x128xf32, #tpu.memory_space<vmem_shared>>)
      tpu.yield
    }) : () -> ()
    %add3A_28 = arith.constant 576 : i32
    %add3A_29 = arith.addi %multiple_of3A, %add3A_28 : i32
    "tpu.region"() ({
      %run_scoped3A = tpu.sem_alloc : memref<!tpu.dma_semaphore, #tpu.memory_space<semaphore_mem>>
      %dma_start3A = arith.constant 0 : i32
      %dma_start3A_85 = tpu.memref_slice %arg8[%add3A_29, %dma_start3A] : memref<10240x128xf32, #tpu.memory_space<vmem_shared>> -> memref<64x128xf32, #tpu.memory_space<vmem_shared>>
      %dma_start3A_86 = arith.constant 0 : i32
      %dma_start3A_87 = tpu.memref_slice %arg8[%add3A_29, %dma_start3A_86] : memref<10240x128xf32, #tpu.memory_space<vmem_shared>> -> memref<64x128xf32, #tpu.memory_space<vmem_shared>>
      tpu.enqueue_dma source(%arg7 : memref<64x128xf32, #tpu.memory_space<vmem>>) target(%dma_start3A_87 : memref<64x128xf32, #tpu.memory_space<vmem_shared>>) target_semaphore(%run_scoped3A : memref<!tpu.dma_semaphore, #tpu.memory_space<semaphore_mem>>)
      %dma_wait3A = arith.constant 0 : i32
      %dma_wait3A_88 = tpu.memref_slice %arg8[%add3A_29, %dma_wait3A] : memref<10240x128xf32, #tpu.memory_space<vmem_shared>> -> memref<64x128xf32, #tpu.memory_space<vmem_shared>>
      %dma_wait3A_89 = arith.constant 0 : i32
      %dma_wait3A_90 = tpu.memref_slice %arg8[%add3A_29, %dma_wait3A_89] : memref<10240x128xf32, #tpu.memory_space<vmem_shared>> -> memref<64x128xf32, #tpu.memory_space<vmem_shared>>
      tpu.wait_dma2 semaphore(%run_scoped3A : memref<!tpu.dma_semaphore, #tpu.memory_space<semaphore_mem>>) src(%arg7 : memref<64x128xf32, #tpu.memory_space<vmem>>) dst(%dma_wait3A_90 : memref<64x128xf32, #tpu.memory_space<vmem_shared>>)
      tpu.yield
    }) : () -> ()
    %barrier3A = arith.constant 0 : index
    tpu.barrier barrier_id(%barrier3A)
    %scan3A_30 = arith.constant 0 : i32
    %scan3A_31 = arith.constant 0 : i32
    %scan3A_32 = arith.constant 125 : i32
    %scan3A_33 = arith.addi %scan3A_31, %scan3A_32 : i32
    %scan3A_34 = arith.constant 1 : i32
    %scan3A_35 = scf.for %scan3A_85 = %scan3A_31 to %scan3A_33 step %scan3A_34 iter_args(%scan3A_86 = %scan3A_30) -> (i32)  : i32 {
      %mul3A_87 = arith.constant 10000 : i32
      %mul3A_88 = arith.muli %add3A, %mul3A_87 : i32
      %mul3A_89 = arith.constant 80 : i32
      %mul3A_90 = arith.muli %scan3A_85, %mul3A_89 : i32
      %add3A_91 = arith.addi %mul3A_88, %mul3A_90 : i32
      %multiple_of3A_92 = tpu.assume_multiple %add3A_91, 8 : i32
      %run_scoped3A = arith.constant 0 : i32
      "tpu.region"() ({
        %run_scoped3A_99 = tpu.sem_alloc : memref<!tpu.dma_semaphore, #tpu.memory_space<semaphore_mem>>
        %dma_start3A = arith.constant 0 : i32
        %dma_start3A_100 = tpu.memref_slice %arg5[%run_scoped3A, %dma_start3A] : memref<2x80xi32, #tpu.memory_space<vmem>> -> memref<1x80xi32, #tpu.memory_space<vmem>>
        %dma_start3A_101 = tpu.memref_squeeze %dma_start3A_100 : memref<1x80xi32, #tpu.memory_space<vmem>> -> memref<80xi32, #tpu.memory_space<vmem>>
        %dma_start3A_102 = tpu.memref_slice %arg2[%multiple_of3A_92] : memref<640000xi32, #tpu.memory_space<hbm>> -> memref<80xi32, #tpu.memory_space<hbm>>
        %dma_start3A_103 = arith.constant 0 : i32
        %dma_start3A_104 = tpu.memref_slice %arg5[%run_scoped3A, %dma_start3A_103] : memref<2x80xi32, #tpu.memory_space<vmem>> -> memref<1x80xi32, #tpu.memory_space<vmem>>
        %dma_start3A_105 = tpu.memref_squeeze %dma_start3A_104 : memref<1x80xi32, #tpu.memory_space<vmem>> -> memref<80xi32, #tpu.memory_space<vmem>>
        %dma_start3A_106 = tpu.memref_slice %arg2[%multiple_of3A_92] : memref<640000xi32, #tpu.memory_space<hbm>> -> memref<80xi32, #tpu.memory_space<hbm>>
        tpu.enqueue_dma source(%dma_start3A_106 : memref<80xi32, #tpu.memory_space<hbm>>) target(%dma_start3A_105 : memref<80xi32, #tpu.memory_space<vmem>>) target_semaphore(%run_scoped3A_99 : memref<!tpu.dma_semaphore, #tpu.memory_space<semaphore_mem>>)
        %dma_wait3A = arith.constant 0 : i32
        %dma_wait3A_107 = tpu.memref_slice %arg5[%run_scoped3A, %dma_wait3A] : memref<2x80xi32, #tpu.memory_space<vmem>> -> memref<1x80xi32, #tpu.memory_space<vmem>>
        %dma_wait3A_108 = tpu.memref_squeeze %dma_wait3A_107 : memref<1x80xi32, #tpu.memory_space<vmem>> -> memref<80xi32, #tpu.memory_space<vmem>>
        %dma_wait3A_109 = tpu.memref_slice %arg2[%multiple_of3A_92] : memref<640000xi32, #tpu.memory_space<hbm>> -> memref<80xi32, #tpu.memory_space<hbm>>
        %dma_wait3A_110 = arith.constant 0 : i32
        %dma_wait3A_111 = tpu.memref_slice %arg5[%run_scoped3A, %dma_wait3A_110] : memref<2x80xi32, #tpu.memory_space<vmem>> -> memref<1x80xi32, #tpu.memory_space<vmem>>
        %dma_wait3A_112 = tpu.memref_squeeze %dma_wait3A_111 : memref<1x80xi32, #tpu.memory_space<vmem>> -> memref<80xi32, #tpu.memory_space<vmem>>
        %dma_wait3A_113 = tpu.memref_slice %arg2[%multiple_of3A_92] : memref<640000xi32, #tpu.memory_space<hbm>> -> memref<80xi32, #tpu.memory_space<hbm>>
        tpu.wait_dma2 semaphore(%run_scoped3A_99 : memref<!tpu.dma_semaphore, #tpu.memory_space<semaphore_mem>>) src(%dma_wait3A_113 : memref<80xi32, #tpu.memory_space<hbm>>) dst(%dma_wait3A_112 : memref<80xi32, #tpu.memory_space<vmem>>)
        tpu.yield
      }) : () -> ()
      %add3A_93 = arith.constant 320000 : i32
      %add3A_94 = arith.addi %add3A_93, %multiple_of3A_92 : i32
      %run_scoped3A_95 = arith.constant 1 : i32
      "tpu.region"() ({
        %run_scoped3A_99 = tpu.sem_alloc : memref<!tpu.dma_semaphore, #tpu.memory_space<semaphore_mem>>
        %dma_start3A = arith.constant 0 : i32
        %dma_start3A_100 = tpu.memref_slice %arg5[%run_scoped3A_95, %dma_start3A] : memref<2x80xi32, #tpu.memory_space<vmem>> -> memref<1x80xi32, #tpu.memory_space<vmem>>
        %dma_start3A_101 = tpu.memref_squeeze %dma_start3A_100 : memref<1x80xi32, #tpu.memory_space<vmem>> -> memref<80xi32, #tpu.memory_space<vmem>>
        %dma_start3A_102 = tpu.memref_slice %arg2[%add3A_94] : memref<640000xi32, #tpu.memory_space<hbm>> -> memref<80xi32, #tpu.memory_space<hbm>>
        %dma_start3A_103 = arith.constant 0 : i32
        %dma_start3A_104 = tpu.memref_slice %arg5[%run_scoped3A_95, %dma_start3A_103] : memref<2x80xi32, #tpu.memory_space<vmem>> -> memref<1x80xi32, #tpu.memory_space<vmem>>
        %dma_start3A_105 = tpu.memref_squeeze %dma_start3A_104 : memref<1x80xi32, #tpu.memory_space<vmem>> -> memref<80xi32, #tpu.memory_space<vmem>>
        %dma_start3A_106 = tpu.memref_slice %arg2[%add3A_94] : memref<640000xi32, #tpu.memory_space<hbm>> -> memref<80xi32, #tpu.memory_space<hbm>>
        tpu.enqueue_dma source(%dma_start3A_106 : memref<80xi32, #tpu.memory_space<hbm>>) target(%dma_start3A_105 : memref<80xi32, #tpu.memory_space<vmem>>) target_semaphore(%run_scoped3A_99 : memref<!tpu.dma_semaphore, #tpu.memory_space<semaphore_mem>>)
        %dma_wait3A = arith.constant 0 : i32
        %dma_wait3A_107 = tpu.memref_slice %arg5[%run_scoped3A_95, %dma_wait3A] : memref<2x80xi32, #tpu.memory_space<vmem>> -> memref<1x80xi32, #tpu.memory_space<vmem>>
        %dma_wait3A_108 = tpu.memref_squeeze %dma_wait3A_107 : memref<1x80xi32, #tpu.memory_space<vmem>> -> memref<80xi32, #tpu.memory_space<vmem>>
        %dma_wait3A_109 = tpu.memref_slice %arg2[%add3A_94] : memref<640000xi32, #tpu.memory_space<hbm>> -> memref<80xi32, #tpu.memory_space<hbm>>
        %dma_wait3A_110 = arith.constant 0 : i32
        %dma_wait3A_111 = tpu.memref_slice %arg5[%run_scoped3A_95, %dma_wait3A_110] : memref<2x80xi32, #tpu.memory_space<vmem>> -> memref<1x80xi32, #tpu.memory_space<vmem>>
        %dma_wait3A_112 = tpu.memref_squeeze %dma_wait3A_111 : memref<1x80xi32, #tpu.memory_space<vmem>> -> memref<80xi32, #tpu.memory_space<vmem>>
        %dma_wait3A_113 = tpu.memref_slice %arg2[%add3A_94] : memref<640000xi32, #tpu.memory_space<hbm>> -> memref<80xi32, #tpu.memory_space<hbm>>
        tpu.wait_dma2 semaphore(%run_scoped3A_99 : memref<!tpu.dma_semaphore, #tpu.memory_space<semaphore_mem>>) src(%dma_wait3A_113 : memref<80xi32, #tpu.memory_space<hbm>>) dst(%dma_wait3A_112 : memref<80xi32, #tpu.memory_space<vmem>>)
        tpu.yield
      }) : () -> ()
      "tpu.region"() ({
        %run_scoped3A_99 = tpu.sem_alloc : memref<!tpu.dma_semaphore, #tpu.memory_space<semaphore_mem>>
        %dma_start3A = arith.constant 0 : i32
        %dma_start3A_100 = tpu.memref_slice %arg3[%multiple_of3A_92, %dma_start3A] : memref<320000x128xf32, #tpu.memory_space<hbm>> -> memref<80x128xf32, #tpu.memory_space<hbm>>
        %dma_start3A_101 = arith.constant 0 : i32
        %dma_start3A_102 = tpu.memref_slice %arg3[%multiple_of3A_92, %dma_start3A_101] : memref<320000x128xf32, #tpu.memory_space<hbm>> -> memref<80x128xf32, #tpu.memory_space<hbm>>
        tpu.enqueue_dma source(%dma_start3A_102 : memref<80x128xf32, #tpu.memory_space<hbm>>) target(%arg6 : memref<80x128xf32, #tpu.memory_space<vmem>>) target_semaphore(%run_scoped3A_99 : memref<!tpu.dma_semaphore, #tpu.memory_space<semaphore_mem>>)
        %dma_wait3A = arith.constant 0 : i32
        %dma_wait3A_103 = tpu.memref_slice %arg3[%multiple_of3A_92, %dma_wait3A] : memref<320000x128xf32, #tpu.memory_space<hbm>> -> memref<80x128xf32, #tpu.memory_space<hbm>>
        %dma_wait3A_104 = arith.constant 0 : i32
        %dma_wait3A_105 = tpu.memref_slice %arg3[%multiple_of3A_92, %dma_wait3A_104] : memref<320000x128xf32, #tpu.memory_space<hbm>> -> memref<80x128xf32, #tpu.memory_space<hbm>>
        tpu.wait_dma2 semaphore(%run_scoped3A_99 : memref<!tpu.dma_semaphore, #tpu.memory_space<semaphore_mem>>) src(%dma_wait3A_105 : memref<80x128xf32, #tpu.memory_space<hbm>>) dst(%arg6 : memref<80x128xf32, #tpu.memory_space<vmem>>)
        tpu.yield
      }) : () -> ()
      %run_scoped3A_96 = arith.constant 0 : i32
      "tpu.region"() ({
        %run_scoped3A_99 = tpu.sem_alloc : memref<!tpu.dma_semaphore, #tpu.memory_space<semaphore_mem>>
        %dma_start3A = arith.constant 0 : i32
        %dma_start3A_100 = tpu.memref_slice %arg5[%run_scoped3A_96, %dma_start3A] : memref<2x80xi32, #tpu.memory_space<vmem>> -> memref<1x80xi32, #tpu.memory_space<vmem>>
        %dma_start3A_101 = tpu.memref_squeeze %dma_start3A_100 : memref<1x80xi32, #tpu.memory_space<vmem>> -> memref<80xi32, #tpu.memory_space<vmem>>
        %dma_start3A_102 = arith.constant 0 : i32
        %dma_start3A_103 = arith.constant 0 : i32
        %dma_start3A_104 = tpu.memref_slice %arg8[%dma_start3A_102, %dma_start3A_103] : memref<10240x128xf32, #tpu.memory_space<vmem_shared>> -> memref<10240x128xf32, #tpu.memory_space<vmem_shared>>
        tpu.enqueue_indirect_dma source(%arg6 : memref<80x128xf32, #tpu.memory_space<vmem>>) target(%dma_start3A_104 : memref<10240x128xf32, #tpu.memory_space<vmem_shared>>) offsets(%dma_start3A_101 : memref<80xi32, #tpu.memory_space<vmem>>) semaphore(%run_scoped3A_99 : memref<!tpu.dma_semaphore, #tpu.memory_space<semaphore_mem>>) {add = true}
        %dma_wait3A = arith.constant 0 : i32
        %dma_wait3A_105 = tpu.memref_slice %arg5[%run_scoped3A_96, %dma_wait3A] : memref<2x80xi32, #tpu.memory_space<vmem>> -> memref<1x80xi32, #tpu.memory_space<vmem>>
        %dma_wait3A_106 = tpu.memref_squeeze %dma_wait3A_105 : memref<1x80xi32, #tpu.memory_space<vmem>> -> memref<80xi32, #tpu.memory_space<vmem>>
        %dma_wait3A_107 = arith.constant 0 : i32
        %dma_wait3A_108 = arith.constant 0 : i32
        %dma_wait3A_109 = tpu.memref_slice %arg8[%dma_wait3A_107, %dma_wait3A_108] : memref<10240x128xf32, #tpu.memory_space<vmem_shared>> -> memref<10240x128xf32, #tpu.memory_space<vmem_shared>>
        tpu.wait_indirect_dma semaphore(%run_scoped3A_99 : memref<!tpu.dma_semaphore, #tpu.memory_space<semaphore_mem>>) src(%arg6 : memref<80x128xf32, #tpu.memory_space<vmem>>) dst(%dma_wait3A_109 : memref<10240x128xf32, #tpu.memory_space<vmem_shared>>)
        tpu.yield
      }) : () -> ()
      %run_scoped3A_97 = arith.constant 1 : i32
      "tpu.region"() ({
        %run_scoped3A_99 = tpu.sem_alloc : memref<!tpu.dma_semaphore, #tpu.memory_space<semaphore_mem>>
        %dma_start3A = arith.constant 0 : i32
        %dma_start3A_100 = tpu.memref_slice %arg5[%run_scoped3A_97, %dma_start3A] : memref<2x80xi32, #tpu.memory_space<vmem>> -> memref<1x80xi32, #tpu.memory_space<vmem>>
        %dma_start3A_101 = tpu.memref_squeeze %dma_start3A_100 : memref<1x80xi32, #tpu.memory_space<vmem>> -> memref<80xi32, #tpu.memory_space<vmem>>
        %dma_start3A_102 = arith.constant 0 : i32
        %dma_start3A_103 = arith.constant 0 : i32
        %dma_start3A_104 = tpu.memref_slice %arg8[%dma_start3A_102, %dma_start3A_103] : memref<10240x128xf32, #tpu.memory_space<vmem_shared>> -> memref<10240x128xf32, #tpu.memory_space<vmem_shared>>
        tpu.enqueue_indirect_dma source(%arg6 : memref<80x128xf32, #tpu.memory_space<vmem>>) target(%dma_start3A_104 : memref<10240x128xf32, #tpu.memory_space<vmem_shared>>) offsets(%dma_start3A_101 : memref<80xi32, #tpu.memory_space<vmem>>) semaphore(%run_scoped3A_99 : memref<!tpu.dma_semaphore, #tpu.memory_space<semaphore_mem>>) {add = true}
        %dma_wait3A = arith.constant 0 : i32
        %dma_wait3A_105 = tpu.memref_slice %arg5[%run_scoped3A_97, %dma_wait3A] : memref<2x80xi32, #tpu.memory_space<vmem>> -> memref<1x80xi32, #tpu.memory_space<vmem>>
        %dma_wait3A_106 = tpu.memref_squeeze %dma_wait3A_105 : memref<1x80xi32, #tpu.memory_space<vmem>> -> memref<80xi32, #tpu.memory_space<vmem>>
        %dma_wait3A_107 = arith.constant 0 : i32
        %dma_wait3A_108 = arith.constant 0 : i32
        %dma_wait3A_109 = tpu.memref_slice %arg8[%dma_wait3A_107, %dma_wait3A_108] : memref<10240x128xf32, #tpu.memory_space<vmem_shared>> -> memref<10240x128xf32, #tpu.memory_space<vmem_shared>>
        tpu.wait_indirect_dma semaphore(%run_scoped3A_99 : memref<!tpu.dma_semaphore, #tpu.memory_space<semaphore_mem>>) src(%arg6 : memref<80x128xf32, #tpu.memory_space<vmem>>) dst(%dma_wait3A_109 : memref<10240x128xf32, #tpu.memory_space<vmem_shared>>)
        tpu.yield
      }) : () -> ()
      %scan3A_98 = arith.constant 0 : i32
      scf.yield %scan3A_98 : i32
    }
    %scan3A_36 = arith.constant 125 : i32
    %barrier3A_37 = arith.constant 0 : index
    tpu.barrier barrier_id(%barrier3A_37)
    %mul3A_38 = arith.constant 640 : i32
    %mul3A_39 = arith.muli %arg1, %mul3A_38 : i32
    %multiple_of3A_40 = tpu.assume_multiple %mul3A_39, 8 : i32
    %mul3A_41 = arith.constant 10240 : i32
    %mul3A_42 = arith.muli %arg0, %mul3A_41 : i32
    %add3A_43 = arith.addi %mul3A_42, %multiple_of3A_40 : i32
    %multiple_of3A_44 = tpu.assume_multiple %add3A_43, 8 : i32
    %add3A_45 = arith.constant 0 : i32
    %add3A_46 = arith.addi %multiple_of3A_40, %add3A_45 : i32
    "tpu.region"() ({
      %run_scoped3A = tpu.sem_alloc : memref<!tpu.dma_semaphore, #tpu.memory_space<semaphore_mem>>
      %dma_start3A = arith.constant 0 : i32
      %dma_start3A_85 = tpu.memref_slice %arg8[%add3A_46, %dma_start3A] : memref<10240x128xf32, #tpu.memory_space<vmem_shared>> -> memref<64x128xf32, #tpu.memory_space<vmem_shared>>
      %dma_start3A_86 = arith.constant 0 : i32
      %dma_start3A_87 = tpu.memref_slice %arg8[%add3A_46, %dma_start3A_86] : memref<10240x128xf32, #tpu.memory_space<vmem_shared>> -> memref<64x128xf32, #tpu.memory_space<vmem_shared>>
      tpu.enqueue_dma source(%dma_start3A_87 : memref<64x128xf32, #tpu.memory_space<vmem_shared>>) target(%arg7 : memref<64x128xf32, #tpu.memory_space<vmem>>) target_semaphore(%run_scoped3A : memref<!tpu.dma_semaphore, #tpu.memory_space<semaphore_mem>>)
      %dma_wait3A = arith.constant 0 : i32
      %dma_wait3A_88 = tpu.memref_slice %arg8[%add3A_46, %dma_wait3A] : memref<10240x128xf32, #tpu.memory_space<vmem_shared>> -> memref<64x128xf32, #tpu.memory_space<vmem_shared>>
      %dma_wait3A_89 = arith.constant 0 : i32
      %dma_wait3A_90 = tpu.memref_slice %arg8[%add3A_46, %dma_wait3A_89] : memref<10240x128xf32, #tpu.memory_space<vmem_shared>> -> memref<64x128xf32, #tpu.memory_space<vmem_shared>>
      tpu.wait_dma2 semaphore(%run_scoped3A : memref<!tpu.dma_semaphore, #tpu.memory_space<semaphore_mem>>) src(%dma_wait3A_90 : memref<64x128xf32, #tpu.memory_space<vmem_shared>>) dst(%arg7 : memref<64x128xf32, #tpu.memory_space<vmem>>)
      tpu.yield
    }) : () -> ()
    %add3A_47 = arith.constant 0 : i32
    %add3A_48 = arith.addi %multiple_of3A_44, %add3A_47 : i32
    "tpu.region"() ({
      %run_scoped3A = tpu.sem_alloc : memref<!tpu.dma_semaphore, #tpu.memory_space<semaphore_mem>>
      %dma_start3A = arith.constant 0 : i32
      %dma_start3A_85 = tpu.memref_slice %arg4[%add3A_48, %dma_start3A] : memref<20480x128xf32, #tpu.memory_space<hbm>> -> memref<64x128xf32, #tpu.memory_space<hbm>>
      %dma_start3A_86 = arith.constant 0 : i32
      %dma_start3A_87 = tpu.memref_slice %arg4[%add3A_48, %dma_start3A_86] : memref<20480x128xf32, #tpu.memory_space<hbm>> -> memref<64x128xf32, #tpu.memory_space<hbm>>
      tpu.enqueue_dma source(%arg7 : memref<64x128xf32, #tpu.memory_space<vmem>>) target(%dma_start3A_87 : memref<64x128xf32, #tpu.memory_space<hbm>>) target_semaphore(%run_scoped3A : memref<!tpu.dma_semaphore, #tpu.memory_space<semaphore_mem>>)
      %dma_wait3A = arith.constant 0 : i32
      %dma_wait3A_88 = tpu.memref_slice %arg4[%add3A_48, %dma_wait3A] : memref<20480x128xf32, #tpu.memory_space<hbm>> -> memref<64x128xf32, #tpu.memory_space<hbm>>
      %dma_wait3A_89 = arith.constant 0 : i32
      %dma_wait3A_90 = tpu.memref_slice %arg4[%add3A_48, %dma_wait3A_89] : memref<20480x128xf32, #tpu.memory_space<hbm>> -> memref<64x128xf32, #tpu.memory_space<hbm>>
      tpu.wait_dma2 semaphore(%run_scoped3A : memref<!tpu.dma_semaphore, #tpu.memory_space<semaphore_mem>>) src(%arg7 : memref<64x128xf32, #tpu.memory_space<vmem>>) dst(%dma_wait3A_90 : memref<64x128xf32, #tpu.memory_space<hbm>>)
      tpu.yield
    }) : () -> ()
    %add3A_49 = arith.constant 64 : i32
    %add3A_50 = arith.addi %multiple_of3A_40, %add3A_49 : i32
    "tpu.region"() ({
      %run_scoped3A = tpu.sem_alloc : memref<!tpu.dma_semaphore, #tpu.memory_space<semaphore_mem>>
      %dma_start3A = arith.constant 0 : i32
      %dma_start3A_85 = tpu.memref_slice %arg8[%add3A_50, %dma_start3A] : memref<10240x128xf32, #tpu.memory_space<vmem_shared>> -> memref<64x128xf32, #tpu.memory_space<vmem_shared>>
      %dma_start3A_86 = arith.constant 0 : i32
      %dma_start3A_87 = tpu.memref_slice %arg8[%add3A_50, %dma_start3A_86] : memref<10240x128xf32, #tpu.memory_space<vmem_shared>> -> memref<64x128xf32, #tpu.memory_space<vmem_shared>>
      tpu.enqueue_dma source(%dma_start3A_87 : memref<64x128xf32, #tpu.memory_space<vmem_shared>>) target(%arg7 : memref<64x128xf32, #tpu.memory_space<vmem>>) target_semaphore(%run_scoped3A : memref<!tpu.dma_semaphore, #tpu.memory_space<semaphore_mem>>)
      %dma_wait3A = arith.constant 0 : i32
      %dma_wait3A_88 = tpu.memref_slice %arg8[%add3A_50, %dma_wait3A] : memref<10240x128xf32, #tpu.memory_space<vmem_shared>> -> memref<64x128xf32, #tpu.memory_space<vmem_shared>>
      %dma_wait3A_89 = arith.constant 0 : i32
      %dma_wait3A_90 = tpu.memref_slice %arg8[%add3A_50, %dma_wait3A_89] : memref<10240x128xf32, #tpu.memory_space<vmem_shared>> -> memref<64x128xf32, #tpu.memory_space<vmem_shared>>
      tpu.wait_dma2 semaphore(%run_scoped3A : memref<!tpu.dma_semaphore, #tpu.memory_space<semaphore_mem>>) src(%dma_wait3A_90 : memref<64x128xf32, #tpu.memory_space<vmem_shared>>) dst(%arg7 : memref<64x128xf32, #tpu.memory_space<vmem>>)
      tpu.yield
    }) : () -> ()
    %add3A_51 = arith.constant 64 : i32
    %add3A_52 = arith.addi %multiple_of3A_44, %add3A_51 : i32
    "tpu.region"() ({
      %run_scoped3A = tpu.sem_alloc : memref<!tpu.dma_semaphore, #tpu.memory_space<semaphore_mem>>
      %dma_start3A = arith.constant 0 : i32
      %dma_start3A_85 = tpu.memref_slice %arg4[%add3A_52, %dma_start3A] : memref<20480x128xf32, #tpu.memory_space<hbm>> -> memref<64x128xf32, #tpu.memory_space<hbm>>
      %dma_start3A_86 = arith.constant 0 : i32
      %dma_start3A_87 = tpu.memref_slice %arg4[%add3A_52, %dma_start3A_86] : memref<20480x128xf32, #tpu.memory_space<hbm>> -> memref<64x128xf32, #tpu.memory_space<hbm>>
      tpu.enqueue_dma source(%arg7 : memref<64x128xf32, #tpu.memory_space<vmem>>) target(%dma_start3A_87 : memref<64x128xf32, #tpu.memory_space<hbm>>) target_semaphore(%run_scoped3A : memref<!tpu.dma_semaphore, #tpu.memory_space<semaphore_mem>>)
      %dma_wait3A = arith.constant 0 : i32
      %dma_wait3A_88 = tpu.memref_slice %arg4[%add3A_52, %dma_wait3A] : memref<20480x128xf32, #tpu.memory_space<hbm>> -> memref<64x128xf32, #tpu.memory_space<hbm>>
      %dma_wait3A_89 = arith.constant 0 : i32
      %dma_wait3A_90 = tpu.memref_slice %arg4[%add3A_52, %dma_wait3A_89] : memref<20480x128xf32, #tpu.memory_space<hbm>> -> memref<64x128xf32, #tpu.memory_space<hbm>>
      tpu.wait_dma2 semaphore(%run_scoped3A : memref<!tpu.dma_semaphore, #tpu.memory_space<semaphore_mem>>) src(%arg7 : memref<64x128xf32, #tpu.memory_space<vmem>>) dst(%dma_wait3A_90 : memref<64x128xf32, #tpu.memory_space<hbm>>)
      tpu.yield
    }) : () -> ()
    %add3A_53 = arith.constant 128 : i32
    %add3A_54 = arith.addi %multiple_of3A_40, %add3A_53 : i32
    "tpu.region"() ({
      %run_scoped3A = tpu.sem_alloc : memref<!tpu.dma_semaphore, #tpu.memory_space<semaphore_mem>>
      %dma_start3A = arith.constant 0 : i32
      %dma_start3A_85 = tpu.memref_slice %arg8[%add3A_54, %dma_start3A] : memref<10240x128xf32, #tpu.memory_space<vmem_shared>> -> memref<64x128xf32, #tpu.memory_space<vmem_shared>>
      %dma_start3A_86 = arith.constant 0 : i32
      %dma_start3A_87 = tpu.memref_slice %arg8[%add3A_54, %dma_start3A_86] : memref<10240x128xf32, #tpu.memory_space<vmem_shared>> -> memref<64x128xf32, #tpu.memory_space<vmem_shared>>
      tpu.enqueue_dma source(%dma_start3A_87 : memref<64x128xf32, #tpu.memory_space<vmem_shared>>) target(%arg7 : memref<64x128xf32, #tpu.memory_space<vmem>>) target_semaphore(%run_scoped3A : memref<!tpu.dma_semaphore, #tpu.memory_space<semaphore_mem>>)
      %dma_wait3A = arith.constant 0 : i32
      %dma_wait3A_88 = tpu.memref_slice %arg8[%add3A_54, %dma_wait3A] : memref<10240x128xf32, #tpu.memory_space<vmem_shared>> -> memref<64x128xf32, #tpu.memory_space<vmem_shared>>
      %dma_wait3A_89 = arith.constant 0 : i32
      %dma_wait3A_90 = tpu.memref_slice %arg8[%add3A_54, %dma_wait3A_89] : memref<10240x128xf32, #tpu.memory_space<vmem_shared>> -> memref<64x128xf32, #tpu.memory_space<vmem_shared>>
      tpu.wait_dma2 semaphore(%run_scoped3A : memref<!tpu.dma_semaphore, #tpu.memory_space<semaphore_mem>>) src(%dma_wait3A_90 : memref<64x128xf32, #tpu.memory_space<vmem_shared>>) dst(%arg7 : memref<64x128xf32, #tpu.memory_space<vmem>>)
      tpu.yield
    }) : () -> ()
    %add3A_55 = arith.constant 128 : i32
    %add3A_56 = arith.addi %multiple_of3A_44, %add3A_55 : i32
    "tpu.region"() ({
      %run_scoped3A = tpu.sem_alloc : memref<!tpu.dma_semaphore, #tpu.memory_space<semaphore_mem>>
      %dma_start3A = arith.constant 0 : i32
      %dma_start3A_85 = tpu.memref_slice %arg4[%add3A_56, %dma_start3A] : memref<20480x128xf32, #tpu.memory_space<hbm>> -> memref<64x128xf32, #tpu.memory_space<hbm>>
      %dma_start3A_86 = arith.constant 0 : i32
      %dma_start3A_87 = tpu.memref_slice %arg4[%add3A_56, %dma_start3A_86] : memref<20480x128xf32, #tpu.memory_space<hbm>> -> memref<64x128xf32, #tpu.memory_space<hbm>>
      tpu.enqueue_dma source(%arg7 : memref<64x128xf32, #tpu.memory_space<vmem>>) target(%dma_start3A_87 : memref<64x128xf32, #tpu.memory_space<hbm>>) target_semaphore(%run_scoped3A : memref<!tpu.dma_semaphore, #tpu.memory_space<semaphore_mem>>)
      %dma_wait3A = arith.constant 0 : i32
      %dma_wait3A_88 = tpu.memref_slice %arg4[%add3A_56, %dma_wait3A] : memref<20480x128xf32, #tpu.memory_space<hbm>> -> memref<64x128xf32, #tpu.memory_space<hbm>>
      %dma_wait3A_89 = arith.constant 0 : i32
      %dma_wait3A_90 = tpu.memref_slice %arg4[%add3A_56, %dma_wait3A_89] : memref<20480x128xf32, #tpu.memory_space<hbm>> -> memref<64x128xf32, #tpu.memory_space<hbm>>
      tpu.wait_dma2 semaphore(%run_scoped3A : memref<!tpu.dma_semaphore, #tpu.memory_space<semaphore_mem>>) src(%arg7 : memref<64x128xf32, #tpu.memory_space<vmem>>) dst(%dma_wait3A_90 : memref<64x128xf32, #tpu.memory_space<hbm>>)
      tpu.yield
    }) : () -> ()
    %add3A_57 = arith.constant 192 : i32
    %add3A_58 = arith.addi %multiple_of3A_40, %add3A_57 : i32
    "tpu.region"() ({
      %run_scoped3A = tpu.sem_alloc : memref<!tpu.dma_semaphore, #tpu.memory_space<semaphore_mem>>
      %dma_start3A = arith.constant 0 : i32
      %dma_start3A_85 = tpu.memref_slice %arg8[%add3A_58, %dma_start3A] : memref<10240x128xf32, #tpu.memory_space<vmem_shared>> -> memref<64x128xf32, #tpu.memory_space<vmem_shared>>
      %dma_start3A_86 = arith.constant 0 : i32
      %dma_start3A_87 = tpu.memref_slice %arg8[%add3A_58, %dma_start3A_86] : memref<10240x128xf32, #tpu.memory_space<vmem_shared>> -> memref<64x128xf32, #tpu.memory_space<vmem_shared>>
      tpu.enqueue_dma source(%dma_start3A_87 : memref<64x128xf32, #tpu.memory_space<vmem_shared>>) target(%arg7 : memref<64x128xf32, #tpu.memory_space<vmem>>) target_semaphore(%run_scoped3A : memref<!tpu.dma_semaphore, #tpu.memory_space<semaphore_mem>>)
      %dma_wait3A = arith.constant 0 : i32
      %dma_wait3A_88 = tpu.memref_slice %arg8[%add3A_58, %dma_wait3A] : memref<10240x128xf32, #tpu.memory_space<vmem_shared>> -> memref<64x128xf32, #tpu.memory_space<vmem_shared>>
      %dma_wait3A_89 = arith.constant 0 : i32
      %dma_wait3A_90 = tpu.memref_slice %arg8[%add3A_58, %dma_wait3A_89] : memref<10240x128xf32, #tpu.memory_space<vmem_shared>> -> memref<64x128xf32, #tpu.memory_space<vmem_shared>>
      tpu.wait_dma2 semaphore(%run_scoped3A : memref<!tpu.dma_semaphore, #tpu.memory_space<semaphore_mem>>) src(%dma_wait3A_90 : memref<64x128xf32, #tpu.memory_space<vmem_shared>>) dst(%arg7 : memref<64x128xf32, #tpu.memory_space<vmem>>)
      tpu.yield
    }) : () -> ()
    %add3A_59 = arith.constant 192 : i32
    %add3A_60 = arith.addi %multiple_of3A_44, %add3A_59 : i32
    "tpu.region"() ({
      %run_scoped3A = tpu.sem_alloc : memref<!tpu.dma_semaphore, #tpu.memory_space<semaphore_mem>>
      %dma_start3A = arith.constant 0 : i32
      %dma_start3A_85 = tpu.memref_slice %arg4[%add3A_60, %dma_start3A] : memref<20480x128xf32, #tpu.memory_space<hbm>> -> memref<64x128xf32, #tpu.memory_space<hbm>>
      %dma_start3A_86 = arith.constant 0 : i32
      %dma_start3A_87 = tpu.memref_slice %arg4[%add3A_60, %dma_start3A_86] : memref<20480x128xf32, #tpu.memory_space<hbm>> -> memref<64x128xf32, #tpu.memory_space<hbm>>
      tpu.enqueue_dma source(%arg7 : memref<64x128xf32, #tpu.memory_space<vmem>>) target(%dma_start3A_87 : memref<64x128xf32, #tpu.memory_space<hbm>>) target_semaphore(%run_scoped3A : memref<!tpu.dma_semaphore, #tpu.memory_space<semaphore_mem>>)
      %dma_wait3A = arith.constant 0 : i32
      %dma_wait3A_88 = tpu.memref_slice %arg4[%add3A_60, %dma_wait3A] : memref<20480x128xf32, #tpu.memory_space<hbm>> -> memref<64x128xf32, #tpu.memory_space<hbm>>
      %dma_wait3A_89 = arith.constant 0 : i32
      %dma_wait3A_90 = tpu.memref_slice %arg4[%add3A_60, %dma_wait3A_89] : memref<20480x128xf32, #tpu.memory_space<hbm>> -> memref<64x128xf32, #tpu.memory_space<hbm>>
      tpu.wait_dma2 semaphore(%run_scoped3A : memref<!tpu.dma_semaphore, #tpu.memory_space<semaphore_mem>>) src(%arg7 : memref<64x128xf32, #tpu.memory_space<vmem>>) dst(%dma_wait3A_90 : memref<64x128xf32, #tpu.memory_space<hbm>>)
      tpu.yield
    }) : () -> ()
    %add3A_61 = arith.constant 256 : i32
    %add3A_62 = arith.addi %multiple_of3A_40, %add3A_61 : i32
    "tpu.region"() ({
      %run_scoped3A = tpu.sem_alloc : memref<!tpu.dma_semaphore, #tpu.memory_space<semaphore_mem>>
      %dma_start3A = arith.constant 0 : i32
      %dma_start3A_85 = tpu.memref_slice %arg8[%add3A_62, %dma_start3A] : memref<10240x128xf32, #tpu.memory_space<vmem_shared>> -> memref<64x128xf32, #tpu.memory_space<vmem_shared>>
      %dma_start3A_86 = arith.constant 0 : i32
      %dma_start3A_87 = tpu.memref_slice %arg8[%add3A_62, %dma_start3A_86] : memref<10240x128xf32, #tpu.memory_space<vmem_shared>> -> memref<64x128xf32, #tpu.memory_space<vmem_shared>>
      tpu.enqueue_dma source(%dma_start3A_87 : memref<64x128xf32, #tpu.memory_space<vmem_shared>>) target(%arg7 : memref<64x128xf32, #tpu.memory_space<vmem>>) target_semaphore(%run_scoped3A : memref<!tpu.dma_semaphore, #tpu.memory_space<semaphore_mem>>)
      %dma_wait3A = arith.constant 0 : i32
      %dma_wait3A_88 = tpu.memref_slice %arg8[%add3A_62, %dma_wait3A] : memref<10240x128xf32, #tpu.memory_space<vmem_shared>> -> memref<64x128xf32, #tpu.memory_space<vmem_shared>>
      %dma_wait3A_89 = arith.constant 0 : i32
      %dma_wait3A_90 = tpu.memref_slice %arg8[%add3A_62, %dma_wait3A_89] : memref<10240x128xf32, #tpu.memory_space<vmem_shared>> -> memref<64x128xf32, #tpu.memory_space<vmem_shared>>
      tpu.wait_dma2 semaphore(%run_scoped3A : memref<!tpu.dma_semaphore, #tpu.memory_space<semaphore_mem>>) src(%dma_wait3A_90 : memref<64x128xf32, #tpu.memory_space<vmem_shared>>) dst(%arg7 : memref<64x128xf32, #tpu.memory_space<vmem>>)
      tpu.yield
    }) : () -> ()
    %add3A_63 = arith.constant 256 : i32
    %add3A_64 = arith.addi %multiple_of3A_44, %add3A_63 : i32
    "tpu.region"() ({
      %run_scoped3A = tpu.sem_alloc : memref<!tpu.dma_semaphore, #tpu.memory_space<semaphore_mem>>
      %dma_start3A = arith.constant 0 : i32
      %dma_start3A_85 = tpu.memref_slice %arg4[%add3A_64, %dma_start3A] : memref<20480x128xf32, #tpu.memory_space<hbm>> -> memref<64x128xf32, #tpu.memory_space<hbm>>
      %dma_start3A_86 = arith.constant 0 : i32
      %dma_start3A_87 = tpu.memref_slice %arg4[%add3A_64, %dma_start3A_86] : memref<20480x128xf32, #tpu.memory_space<hbm>> -> memref<64x128xf32, #tpu.memory_space<hbm>>
      tpu.enqueue_dma source(%arg7 : memref<64x128xf32, #tpu.memory_space<vmem>>) target(%dma_start3A_87 : memref<64x128xf32, #tpu.memory_space<hbm>>) target_semaphore(%run_scoped3A : memref<!tpu.dma_semaphore, #tpu.memory_space<semaphore_mem>>)
      %dma_wait3A = arith.constant 0 : i32
      %dma_wait3A_88 = tpu.memref_slice %arg4[%add3A_64, %dma_wait3A] : memref<20480x128xf32, #tpu.memory_space<hbm>> -> memref<64x128xf32, #tpu.memory_space<hbm>>
      %dma_wait3A_89 = arith.constant 0 : i32
      %dma_wait3A_90 = tpu.memref_slice %arg4[%add3A_64, %dma_wait3A_89] : memref<20480x128xf32, #tpu.memory_space<hbm>> -> memref<64x128xf32, #tpu.memory_space<hbm>>
      tpu.wait_dma2 semaphore(%run_scoped3A : memref<!tpu.dma_semaphore, #tpu.memory_space<semaphore_mem>>) src(%arg7 : memref<64x128xf32, #tpu.memory_space<vmem>>) dst(%dma_wait3A_90 : memref<64x128xf32, #tpu.memory_space<hbm>>)
      tpu.yield
    }) : () -> ()
    %add3A_65 = arith.constant 320 : i32
    %add3A_66 = arith.addi %multiple_of3A_40, %add3A_65 : i32
    "tpu.region"() ({
      %run_scoped3A = tpu.sem_alloc : memref<!tpu.dma_semaphore, #tpu.memory_space<semaphore_mem>>
      %dma_start3A = arith.constant 0 : i32
      %dma_start3A_85 = tpu.memref_slice %arg8[%add3A_66, %dma_start3A] : memref<10240x128xf32, #tpu.memory_space<vmem_shared>> -> memref<64x128xf32, #tpu.memory_space<vmem_shared>>
      %dma_start3A_86 = arith.constant 0 : i32
      %dma_start3A_87 = tpu.memref_slice %arg8[%add3A_66, %dma_start3A_86] : memref<10240x128xf32, #tpu.memory_space<vmem_shared>> -> memref<64x128xf32, #tpu.memory_space<vmem_shared>>
      tpu.enqueue_dma source(%dma_start3A_87 : memref<64x128xf32, #tpu.memory_space<vmem_shared>>) target(%arg7 : memref<64x128xf32, #tpu.memory_space<vmem>>) target_semaphore(%run_scoped3A : memref<!tpu.dma_semaphore, #tpu.memory_space<semaphore_mem>>)
      %dma_wait3A = arith.constant 0 : i32
      %dma_wait3A_88 = tpu.memref_slice %arg8[%add3A_66, %dma_wait3A] : memref<10240x128xf32, #tpu.memory_space<vmem_shared>> -> memref<64x128xf32, #tpu.memory_space<vmem_shared>>
      %dma_wait3A_89 = arith.constant 0 : i32
      %dma_wait3A_90 = tpu.memref_slice %arg8[%add3A_66, %dma_wait3A_89] : memref<10240x128xf32, #tpu.memory_space<vmem_shared>> -> memref<64x128xf32, #tpu.memory_space<vmem_shared>>
      tpu.wait_dma2 semaphore(%run_scoped3A : memref<!tpu.dma_semaphore, #tpu.memory_space<semaphore_mem>>) src(%dma_wait3A_90 : memref<64x128xf32, #tpu.memory_space<vmem_shared>>) dst(%arg7 : memref<64x128xf32, #tpu.memory_space<vmem>>)
      tpu.yield
    }) : () -> ()
    %add3A_67 = arith.constant 320 : i32
    %add3A_68 = arith.addi %multiple_of3A_44, %add3A_67 : i32
    "tpu.region"() ({
      %run_scoped3A = tpu.sem_alloc : memref<!tpu.dma_semaphore, #tpu.memory_space<semaphore_mem>>
      %dma_start3A = arith.constant 0 : i32
      %dma_start3A_85 = tpu.memref_slice %arg4[%add3A_68, %dma_start3A] : memref<20480x128xf32, #tpu.memory_space<hbm>> -> memref<64x128xf32, #tpu.memory_space<hbm>>
      %dma_start3A_86 = arith.constant 0 : i32
      %dma_start3A_87 = tpu.memref_slice %arg4[%add3A_68, %dma_start3A_86] : memref<20480x128xf32, #tpu.memory_space<hbm>> -> memref<64x128xf32, #tpu.memory_space<hbm>>
      tpu.enqueue_dma source(%arg7 : memref<64x128xf32, #tpu.memory_space<vmem>>) target(%dma_start3A_87 : memref<64x128xf32, #tpu.memory_space<hbm>>) target_semaphore(%run_scoped3A : memref<!tpu.dma_semaphore, #tpu.memory_space<semaphore_mem>>)
      %dma_wait3A = arith.constant 0 : i32
      %dma_wait3A_88 = tpu.memref_slice %arg4[%add3A_68, %dma_wait3A] : memref<20480x128xf32, #tpu.memory_space<hbm>> -> memref<64x128xf32, #tpu.memory_space<hbm>>
      %dma_wait3A_89 = arith.constant 0 : i32
      %dma_wait3A_90 = tpu.memref_slice %arg4[%add3A_68, %dma_wait3A_89] : memref<20480x128xf32, #tpu.memory_space<hbm>> -> memref<64x128xf32, #tpu.memory_space<hbm>>
      tpu.wait_dma2 semaphore(%run_scoped3A : memref<!tpu.dma_semaphore, #tpu.memory_space<semaphore_mem>>) src(%arg7 : memref<64x128xf32, #tpu.memory_space<vmem>>) dst(%dma_wait3A_90 : memref<64x128xf32, #tpu.memory_space<hbm>>)
      tpu.yield
    }) : () -> ()
    %add3A_69 = arith.constant 384 : i32
    %add3A_70 = arith.addi %multiple_of3A_40, %add3A_69 : i32
    "tpu.region"() ({
      %run_scoped3A = tpu.sem_alloc : memref<!tpu.dma_semaphore, #tpu.memory_space<semaphore_mem>>
      %dma_start3A = arith.constant 0 : i32
      %dma_start3A_85 = tpu.memref_slice %arg8[%add3A_70, %dma_start3A] : memref<10240x128xf32, #tpu.memory_space<vmem_shared>> -> memref<64x128xf32, #tpu.memory_space<vmem_shared>>
      %dma_start3A_86 = arith.constant 0 : i32
      %dma_start3A_87 = tpu.memref_slice %arg8[%add3A_70, %dma_start3A_86] : memref<10240x128xf32, #tpu.memory_space<vmem_shared>> -> memref<64x128xf32, #tpu.memory_space<vmem_shared>>
      tpu.enqueue_dma source(%dma_start3A_87 : memref<64x128xf32, #tpu.memory_space<vmem_shared>>) target(%arg7 : memref<64x128xf32, #tpu.memory_space<vmem>>) target_semaphore(%run_scoped3A : memref<!tpu.dma_semaphore, #tpu.memory_space<semaphore_mem>>)
      %dma_wait3A = arith.constant 0 : i32
      %dma_wait3A_88 = tpu.memref_slice %arg8[%add3A_70, %dma_wait3A] : memref<10240x128xf32, #tpu.memory_space<vmem_shared>> -> memref<64x128xf32, #tpu.memory_space<vmem_shared>>
      %dma_wait3A_89 = arith.constant 0 : i32
      %dma_wait3A_90 = tpu.memref_slice %arg8[%add3A_70, %dma_wait3A_89] : memref<10240x128xf32, #tpu.memory_space<vmem_shared>> -> memref<64x128xf32, #tpu.memory_space<vmem_shared>>
      tpu.wait_dma2 semaphore(%run_scoped3A : memref<!tpu.dma_semaphore, #tpu.memory_space<semaphore_mem>>) src(%dma_wait3A_90 : memref<64x128xf32, #tpu.memory_space<vmem_shared>>) dst(%arg7 : memref<64x128xf32, #tpu.memory_space<vmem>>)
      tpu.yield
    }) : () -> ()
    %add3A_71 = arith.constant 384 : i32
    %add3A_72 = arith.addi %multiple_of3A_44, %add3A_71 : i32
    "tpu.region"() ({
      %run_scoped3A = tpu.sem_alloc : memref<!tpu.dma_semaphore, #tpu.memory_space<semaphore_mem>>
      %dma_start3A = arith.constant 0 : i32
      %dma_start3A_85 = tpu.memref_slice %arg4[%add3A_72, %dma_start3A] : memref<20480x128xf32, #tpu.memory_space<hbm>> -> memref<64x128xf32, #tpu.memory_space<hbm>>
      %dma_start3A_86 = arith.constant 0 : i32
      %dma_start3A_87 = tpu.memref_slice %arg4[%add3A_72, %dma_start3A_86] : memref<20480x128xf32, #tpu.memory_space<hbm>> -> memref<64x128xf32, #tpu.memory_space<hbm>>
      tpu.enqueue_dma source(%arg7 : memref<64x128xf32, #tpu.memory_space<vmem>>) target(%dma_start3A_87 : memref<64x128xf32, #tpu.memory_space<hbm>>) target_semaphore(%run_scoped3A : memref<!tpu.dma_semaphore, #tpu.memory_space<semaphore_mem>>)
      %dma_wait3A = arith.constant 0 : i32
      %dma_wait3A_88 = tpu.memref_slice %arg4[%add3A_72, %dma_wait3A] : memref<20480x128xf32, #tpu.memory_space<hbm>> -> memref<64x128xf32, #tpu.memory_space<hbm>>
      %dma_wait3A_89 = arith.constant 0 : i32
      %dma_wait3A_90 = tpu.memref_slice %arg4[%add3A_72, %dma_wait3A_89] : memref<20480x128xf32, #tpu.memory_space<hbm>> -> memref<64x128xf32, #tpu.memory_space<hbm>>
      tpu.wait_dma2 semaphore(%run_scoped3A : memref<!tpu.dma_semaphore, #tpu.memory_space<semaphore_mem>>) src(%arg7 : memref<64x128xf32, #tpu.memory_space<vmem>>) dst(%dma_wait3A_90 : memref<64x128xf32, #tpu.memory_space<hbm>>)
      tpu.yield
    }) : () -> ()
    %add3A_73 = arith.constant 448 : i32
    %add3A_74 = arith.addi %multiple_of3A_40, %add3A_73 : i32
    "tpu.region"() ({
      %run_scoped3A = tpu.sem_alloc : memref<!tpu.dma_semaphore, #tpu.memory_space<semaphore_mem>>
      %dma_start3A = arith.constant 0 : i32
      %dma_start3A_85 = tpu.memref_slice %arg8[%add3A_74, %dma_start3A] : memref<10240x128xf32, #tpu.memory_space<vmem_shared>> -> memref<64x128xf32, #tpu.memory_space<vmem_shared>>
      %dma_start3A_86 = arith.constant 0 : i32
      %dma_start3A_87 = tpu.memref_slice %arg8[%add3A_74, %dma_start3A_86] : memref<10240x128xf32, #tpu.memory_space<vmem_shared>> -> memref<64x128xf32, #tpu.memory_space<vmem_shared>>
      tpu.enqueue_dma source(%dma_start3A_87 : memref<64x128xf32, #tpu.memory_space<vmem_shared>>) target(%arg7 : memref<64x128xf32, #tpu.memory_space<vmem>>) target_semaphore(%run_scoped3A : memref<!tpu.dma_semaphore, #tpu.memory_space<semaphore_mem>>)
      %dma_wait3A = arith.constant 0 : i32
      %dma_wait3A_88 = tpu.memref_slice %arg8[%add3A_74, %dma_wait3A] : memref<10240x128xf32, #tpu.memory_space<vmem_shared>> -> memref<64x128xf32, #tpu.memory_space<vmem_shared>>
      %dma_wait3A_89 = arith.constant 0 : i32
      %dma_wait3A_90 = tpu.memref_slice %arg8[%add3A_74, %dma_wait3A_89] : memref<10240x128xf32, #tpu.memory_space<vmem_shared>> -> memref<64x128xf32, #tpu.memory_space<vmem_shared>>
      tpu.wait_dma2 semaphore(%run_scoped3A : memref<!tpu.dma_semaphore, #tpu.memory_space<semaphore_mem>>) src(%dma_wait3A_90 : memref<64x128xf32, #tpu.memory_space<vmem_shared>>) dst(%arg7 : memref<64x128xf32, #tpu.memory_space<vmem>>)
      tpu.yield
    }) : () -> ()
    %add3A_75 = arith.constant 448 : i32
    %add3A_76 = arith.addi %multiple_of3A_44, %add3A_75 : i32
    "tpu.region"() ({
      %run_scoped3A = tpu.sem_alloc : memref<!tpu.dma_semaphore, #tpu.memory_space<semaphore_mem>>
      %dma_start3A = arith.constant 0 : i32
      %dma_start3A_85 = tpu.memref_slice %arg4[%add3A_76, %dma_start3A] : memref<20480x128xf32, #tpu.memory_space<hbm>> -> memref<64x128xf32, #tpu.memory_space<hbm>>
      %dma_start3A_86 = arith.constant 0 : i32
      %dma_start3A_87 = tpu.memref_slice %arg4[%add3A_76, %dma_start3A_86] : memref<20480x128xf32, #tpu.memory_space<hbm>> -> memref<64x128xf32, #tpu.memory_space<hbm>>
      tpu.enqueue_dma source(%arg7 : memref<64x128xf32, #tpu.memory_space<vmem>>) target(%dma_start3A_87 : memref<64x128xf32, #tpu.memory_space<hbm>>) target_semaphore(%run_scoped3A : memref<!tpu.dma_semaphore, #tpu.memory_space<semaphore_mem>>)
      %dma_wait3A = arith.constant 0 : i32
      %dma_wait3A_88 = tpu.memref_slice %arg4[%add3A_76, %dma_wait3A] : memref<20480x128xf32, #tpu.memory_space<hbm>> -> memref<64x128xf32, #tpu.memory_space<hbm>>
      %dma_wait3A_89 = arith.constant 0 : i32
      %dma_wait3A_90 = tpu.memref_slice %arg4[%add3A_76, %dma_wait3A_89] : memref<20480x128xf32, #tpu.memory_space<hbm>> -> memref<64x128xf32, #tpu.memory_space<hbm>>
      tpu.wait_dma2 semaphore(%run_scoped3A : memref<!tpu.dma_semaphore, #tpu.memory_space<semaphore_mem>>) src(%arg7 : memref<64x128xf32, #tpu.memory_space<vmem>>) dst(%dma_wait3A_90 : memref<64x128xf32, #tpu.memory_space<hbm>>)
      tpu.yield
    }) : () -> ()
    %add3A_77 = arith.constant 512 : i32
    %add3A_78 = arith.addi %multiple_of3A_40, %add3A_77 : i32
    "tpu.region"() ({
      %run_scoped3A = tpu.sem_alloc : memref<!tpu.dma_semaphore, #tpu.memory_space<semaphore_mem>>
      %dma_start3A = arith.constant 0 : i32
      %dma_start3A_85 = tpu.memref_slice %arg8[%add3A_78, %dma_start3A] : memref<10240x128xf32, #tpu.memory_space<vmem_shared>> -> memref<64x128xf32, #tpu.memory_space<vmem_shared>>
      %dma_start3A_86 = arith.constant 0 : i32
      %dma_start3A_87 = tpu.memref_slice %arg8[%add3A_78, %dma_start3A_86] : memref<10240x128xf32, #tpu.memory_space<vmem_shared>> -> memref<64x128xf32, #tpu.memory_space<vmem_shared>>
      tpu.enqueue_dma source(%dma_start3A_87 : memref<64x128xf32, #tpu.memory_space<vmem_shared>>) target(%arg7 : memref<64x128xf32, #tpu.memory_space<vmem>>) target_semaphore(%run_scoped3A : memref<!tpu.dma_semaphore, #tpu.memory_space<semaphore_mem>>)
      %dma_wait3A = arith.constant 0 : i32
      %dma_wait3A_88 = tpu.memref_slice %arg8[%add3A_78, %dma_wait3A] : memref<10240x128xf32, #tpu.memory_space<vmem_shared>> -> memref<64x128xf32, #tpu.memory_space<vmem_shared>>
      %dma_wait3A_89 = arith.constant 0 : i32
      %dma_wait3A_90 = tpu.memref_slice %arg8[%add3A_78, %dma_wait3A_89] : memref<10240x128xf32, #tpu.memory_space<vmem_shared>> -> memref<64x128xf32, #tpu.memory_space<vmem_shared>>
      tpu.wait_dma2 semaphore(%run_scoped3A : memref<!tpu.dma_semaphore, #tpu.memory_space<semaphore_mem>>) src(%dma_wait3A_90 : memref<64x128xf32, #tpu.memory_space<vmem_shared>>) dst(%arg7 : memref<64x128xf32, #tpu.memory_space<vmem>>)
      tpu.yield
    }) : () -> ()
    %add3A_79 = arith.constant 512 : i32
    %add3A_80 = arith.addi %multiple_of3A_44, %add3A_79 : i32
    "tpu.region"() ({
      %run_scoped3A = tpu.sem_alloc : memref<!tpu.dma_semaphore, #tpu.memory_space<semaphore_mem>>
      %dma_start3A = arith.constant 0 : i32
      %dma_start3A_85 = tpu.memref_slice %arg4[%add3A_80, %dma_start3A] : memref<20480x128xf32, #tpu.memory_space<hbm>> -> memref<64x128xf32, #tpu.memory_space<hbm>>
      %dma_start3A_86 = arith.constant 0 : i32
      %dma_start3A_87 = tpu.memref_slice %arg4[%add3A_80, %dma_start3A_86] : memref<20480x128xf32, #tpu.memory_space<hbm>> -> memref<64x128xf32, #tpu.memory_space<hbm>>
      tpu.enqueue_dma source(%arg7 : memref<64x128xf32, #tpu.memory_space<vmem>>) target(%dma_start3A_87 : memref<64x128xf32, #tpu.memory_space<hbm>>) target_semaphore(%run_scoped3A : memref<!tpu.dma_semaphore, #tpu.memory_space<semaphore_mem>>)
      %dma_wait3A = arith.constant 0 : i32
      %dma_wait3A_88 = tpu.memref_slice %arg4[%add3A_80, %dma_wait3A] : memref<20480x128xf32, #tpu.memory_space<hbm>> -> memref<64x128xf32, #tpu.memory_space<hbm>>
      %dma_wait3A_89 = arith.constant 0 : i32
      %dma_wait3A_90 = tpu.memref_slice %arg4[%add3A_80, %dma_wait3A_89] : memref<20480x128xf32, #tpu.memory_space<hbm>> -> memref<64x128xf32, #tpu.memory_space<hbm>>
      tpu.wait_dma2 semaphore(%run_scoped3A : memref<!tpu.dma_semaphore, #tpu.memory_space<semaphore_mem>>) src(%arg7 : memref<64x128xf32, #tpu.memory_space<vmem>>) dst(%dma_wait3A_90 : memref<64x128xf32, #tpu.memory_space<hbm>>)
      tpu.yield
    }) : () -> ()
    %add3A_81 = arith.constant 576 : i32
    %add3A_82 = arith.addi %multiple_of3A_40, %add3A_81 : i32
    "tpu.region"() ({
      %run_scoped3A = tpu.sem_alloc : memref<!tpu.dma_semaphore, #tpu.memory_space<semaphore_mem>>
      %dma_start3A = arith.constant 0 : i32
      %dma_start3A_85 = tpu.memref_slice %arg8[%add3A_82, %dma_start3A] : memref<10240x128xf32, #tpu.memory_space<vmem_shared>> -> memref<64x128xf32, #tpu.memory_space<vmem_shared>>
      %dma_start3A_86 = arith.constant 0 : i32
      %dma_start3A_87 = tpu.memref_slice %arg8[%add3A_82, %dma_start3A_86] : memref<10240x128xf32, #tpu.memory_space<vmem_shared>> -> memref<64x128xf32, #tpu.memory_space<vmem_shared>>
      tpu.enqueue_dma source(%dma_start3A_87 : memref<64x128xf32, #tpu.memory_space<vmem_shared>>) target(%arg7 : memref<64x128xf32, #tpu.memory_space<vmem>>) target_semaphore(%run_scoped3A : memref<!tpu.dma_semaphore, #tpu.memory_space<semaphore_mem>>)
      %dma_wait3A = arith.constant 0 : i32
      %dma_wait3A_88 = tpu.memref_slice %arg8[%add3A_82, %dma_wait3A] : memref<10240x128xf32, #tpu.memory_space<vmem_shared>> -> memref<64x128xf32, #tpu.memory_space<vmem_shared>>
      %dma_wait3A_89 = arith.constant 0 : i32
      %dma_wait3A_90 = tpu.memref_slice %arg8[%add3A_82, %dma_wait3A_89] : memref<10240x128xf32, #tpu.memory_space<vmem_shared>> -> memref<64x128xf32, #tpu.memory_space<vmem_shared>>
      tpu.wait_dma2 semaphore(%run_scoped3A : memref<!tpu.dma_semaphore, #tpu.memory_space<semaphore_mem>>) src(%dma_wait3A_90 : memref<64x128xf32, #tpu.memory_space<vmem_shared>>) dst(%arg7 : memref<64x128xf32, #tpu.memory_space<vmem>>)
      tpu.yield
    }) : () -> ()
    %add3A_83 = arith.constant 576 : i32
    %add3A_84 = arith.addi %multiple_of3A_44, %add3A_83 : i32
    "tpu.region"() ({
      %run_scoped3A = tpu.sem_alloc : memref<!tpu.dma_semaphore, #tpu.memory_space<semaphore_mem>>
      %dma_start3A = arith.constant 0 : i32
      %dma_start3A_85 = tpu.memref_slice %arg4[%add3A_84, %dma_start3A] : memref<20480x128xf32, #tpu.memory_space<hbm>> -> memref<64x128xf32, #tpu.memory_space<hbm>>
      %dma_start3A_86 = arith.constant 0 : i32
      %dma_start3A_87 = tpu.memref_slice %arg4[%add3A_84, %dma_start3A_86] : memref<20480x128xf32, #tpu.memory_space<hbm>> -> memref<64x128xf32, #tpu.memory_space<hbm>>
      tpu.enqueue_dma source(%arg7 : memref<64x128xf32, #tpu.memory_space<vmem>>) target(%dma_start3A_87 : memref<64x128xf32, #tpu.memory_space<hbm>>) target_semaphore(%run_scoped3A : memref<!tpu.dma_semaphore, #tpu.memory_space<semaphore_mem>>)
      %dma_wait3A = arith.constant 0 : i32
      %dma_wait3A_88 = tpu.memref_slice %arg4[%add3A_84, %dma_wait3A] : memref<20480x128xf32, #tpu.memory_space<hbm>> -> memref<64x128xf32, #tpu.memory_space<hbm>>
      %dma_wait3A_89 = arith.constant 0 : i32
      %dma_wait3A_90 = tpu.memref_slice %arg4[%add3A_84, %dma_wait3A_89] : memref<20480x128xf32, #tpu.memory_space<hbm>> -> memref<64x128xf32, #tpu.memory_space<hbm>>
      tpu.wait_dma2 semaphore(%run_scoped3A : memref<!tpu.dma_semaphore, #tpu.memory_space<semaphore_mem>>) src(%arg7 : memref<64x128xf32, #tpu.memory_space<vmem>>) dst(%dma_wait3A_90 : memref<64x128xf32, #tpu.memory_space<hbm>>)
      tpu.yield
    }) : () -> ()
    return
  }
}

#map = affine_map<(d0, d1) -> (0)>
#map1 = affine_map<(d0, d1) -> (0, 0)>
module attributes {stable_mosaic.version = 14 : i64} {
  func.func @gathp_kernel(%arg0: i32, %arg1: i32, %arg2: memref<640000xi32, #tpu.memory_space<hbm>>, %arg3: memref<10000x384xf32, #tpu.memory_space<hbm>>, %arg4: memref<320000x384xf32, #tpu.memory_space<hbm>>, %arg5: memref<320000x384xf32, #tpu.memory_space<hbm>>, %arg6: memref<2x80xi32, #tpu.memory_space<vmem>>, %arg7: memref<80x384xf32, #tpu.memory_space<vmem>>, %arg8: memref<80x384xf32, #tpu.memory_space<vmem>>, %arg9: memref<!tpu.dma_semaphore, #tpu.memory_space<semaphore_mem>>) attributes {dimension_semantics = [#tpu.dimension_semantics<core_parallel>, #tpu.dimension_semantics<subcore_parallel>], iteration_bounds = array<i64: 2, 16>, scalar_prefetch = 0 : i64, scratch_operands = 4 : i64, tpu.core_type = #tpu.core_type<sc_vector_subcore>, window_params = [{transform_indices = #map}, {transform_indices = #map1}, {transform_indices = #map1}, {transform_indices = #map1}]} {
    %mul3A = arith.constant 2 : i32
    %mul3A_0 = arith.muli %arg1, %mul3A : i32
    %add3A = arith.addi %mul3A_0, %arg0 : i32
    %scan3A = arith.constant 0 : i32
    %scan3A_1 = arith.constant 0 : i32
    %scan3A_2 = arith.constant 125 : i32
    %scan3A_3 = arith.addi %scan3A_1, %scan3A_2 : i32
    %scan3A_4 = arith.constant 1 : i32
    %scan3A_5 = scf.for %scan3A_7 = %scan3A_1 to %scan3A_3 step %scan3A_4 iter_args(%scan3A_8 = %scan3A) -> (i32)  : i32 {
      %mul3A_9 = arith.constant 10000 : i32
      %mul3A_10 = arith.muli %add3A, %mul3A_9 : i32
      %mul3A_11 = arith.constant 80 : i32
      %mul3A_12 = arith.muli %scan3A_7, %mul3A_11 : i32
      %add3A_13 = arith.addi %mul3A_10, %mul3A_12 : i32
      %multiple_of3A = tpu.assume_multiple %add3A_13, 8 : i32
      %run_scoped3A = arith.constant 0 : i32
      "tpu.region"() ({
        %run_scoped3A_44 = tpu.sem_alloc : memref<!tpu.dma_semaphore, #tpu.memory_space<semaphore_mem>>
        %dma_start3A_45 = arith.constant 0 : i32
        %dma_start3A_46 = tpu.memref_slice %arg6[%run_scoped3A, %dma_start3A_45] : memref<2x80xi32, #tpu.memory_space<vmem>> -> memref<1x80xi32, #tpu.memory_space<vmem>>
        %dma_start3A_47 = tpu.memref_squeeze %dma_start3A_46 : memref<1x80xi32, #tpu.memory_space<vmem>> -> memref<80xi32, #tpu.memory_space<vmem>>
        %dma_start3A_48 = tpu.memref_slice %arg2[%multiple_of3A] : memref<640000xi32, #tpu.memory_space<hbm>> -> memref<80xi32, #tpu.memory_space<hbm>>
        %dma_start3A_49 = arith.constant 0 : i32
        %dma_start3A_50 = tpu.memref_slice %arg6[%run_scoped3A, %dma_start3A_49] : memref<2x80xi32, #tpu.memory_space<vmem>> -> memref<1x80xi32, #tpu.memory_space<vmem>>
        %dma_start3A_51 = tpu.memref_squeeze %dma_start3A_50 : memref<1x80xi32, #tpu.memory_space<vmem>> -> memref<80xi32, #tpu.memory_space<vmem>>
        %dma_start3A_52 = tpu.memref_slice %arg2[%multiple_of3A] : memref<640000xi32, #tpu.memory_space<hbm>> -> memref<80xi32, #tpu.memory_space<hbm>>
        tpu.enqueue_dma source(%dma_start3A_52 : memref<80xi32, #tpu.memory_space<hbm>>) target(%dma_start3A_51 : memref<80xi32, #tpu.memory_space<vmem>>) target_semaphore(%run_scoped3A_44 : memref<!tpu.dma_semaphore, #tpu.memory_space<semaphore_mem>>)
        %dma_wait3A_53 = arith.constant 0 : i32
        %dma_wait3A_54 = tpu.memref_slice %arg6[%run_scoped3A, %dma_wait3A_53] : memref<2x80xi32, #tpu.memory_space<vmem>> -> memref<1x80xi32, #tpu.memory_space<vmem>>
        %dma_wait3A_55 = tpu.memref_squeeze %dma_wait3A_54 : memref<1x80xi32, #tpu.memory_space<vmem>> -> memref<80xi32, #tpu.memory_space<vmem>>
        %dma_wait3A_56 = tpu.memref_slice %arg2[%multiple_of3A] : memref<640000xi32, #tpu.memory_space<hbm>> -> memref<80xi32, #tpu.memory_space<hbm>>
        %dma_wait3A_57 = arith.constant 0 : i32
        %dma_wait3A_58 = tpu.memref_slice %arg6[%run_scoped3A, %dma_wait3A_57] : memref<2x80xi32, #tpu.memory_space<vmem>> -> memref<1x80xi32, #tpu.memory_space<vmem>>
        %dma_wait3A_59 = tpu.memref_squeeze %dma_wait3A_58 : memref<1x80xi32, #tpu.memory_space<vmem>> -> memref<80xi32, #tpu.memory_space<vmem>>
        %dma_wait3A_60 = tpu.memref_slice %arg2[%multiple_of3A] : memref<640000xi32, #tpu.memory_space<hbm>> -> memref<80xi32, #tpu.memory_space<hbm>>
        tpu.wait_dma2 semaphore(%run_scoped3A_44 : memref<!tpu.dma_semaphore, #tpu.memory_space<semaphore_mem>>) src(%dma_wait3A_60 : memref<80xi32, #tpu.memory_space<hbm>>) dst(%dma_wait3A_59 : memref<80xi32, #tpu.memory_space<vmem>>)
        tpu.yield
      }) : () -> ()
      %add3A_14 = arith.constant 320000 : i32
      %add3A_15 = arith.addi %add3A_14, %multiple_of3A : i32
      %run_scoped3A_16 = arith.constant 1 : i32
      "tpu.region"() ({
        %run_scoped3A_44 = tpu.sem_alloc : memref<!tpu.dma_semaphore, #tpu.memory_space<semaphore_mem>>
        %dma_start3A_45 = arith.constant 0 : i32
        %dma_start3A_46 = tpu.memref_slice %arg6[%run_scoped3A_16, %dma_start3A_45] : memref<2x80xi32, #tpu.memory_space<vmem>> -> memref<1x80xi32, #tpu.memory_space<vmem>>
        %dma_start3A_47 = tpu.memref_squeeze %dma_start3A_46 : memref<1x80xi32, #tpu.memory_space<vmem>> -> memref<80xi32, #tpu.memory_space<vmem>>
        %dma_start3A_48 = tpu.memref_slice %arg2[%add3A_15] : memref<640000xi32, #tpu.memory_space<hbm>> -> memref<80xi32, #tpu.memory_space<hbm>>
        %dma_start3A_49 = arith.constant 0 : i32
        %dma_start3A_50 = tpu.memref_slice %arg6[%run_scoped3A_16, %dma_start3A_49] : memref<2x80xi32, #tpu.memory_space<vmem>> -> memref<1x80xi32, #tpu.memory_space<vmem>>
        %dma_start3A_51 = tpu.memref_squeeze %dma_start3A_50 : memref<1x80xi32, #tpu.memory_space<vmem>> -> memref<80xi32, #tpu.memory_space<vmem>>
        %dma_start3A_52 = tpu.memref_slice %arg2[%add3A_15] : memref<640000xi32, #tpu.memory_space<hbm>> -> memref<80xi32, #tpu.memory_space<hbm>>
        tpu.enqueue_dma source(%dma_start3A_52 : memref<80xi32, #tpu.memory_space<hbm>>) target(%dma_start3A_51 : memref<80xi32, #tpu.memory_space<vmem>>) target_semaphore(%run_scoped3A_44 : memref<!tpu.dma_semaphore, #tpu.memory_space<semaphore_mem>>)
        %dma_wait3A_53 = arith.constant 0 : i32
        %dma_wait3A_54 = tpu.memref_slice %arg6[%run_scoped3A_16, %dma_wait3A_53] : memref<2x80xi32, #tpu.memory_space<vmem>> -> memref<1x80xi32, #tpu.memory_space<vmem>>
        %dma_wait3A_55 = tpu.memref_squeeze %dma_wait3A_54 : memref<1x80xi32, #tpu.memory_space<vmem>> -> memref<80xi32, #tpu.memory_space<vmem>>
        %dma_wait3A_56 = tpu.memref_slice %arg2[%add3A_15] : memref<640000xi32, #tpu.memory_space<hbm>> -> memref<80xi32, #tpu.memory_space<hbm>>
        %dma_wait3A_57 = arith.constant 0 : i32
        %dma_wait3A_58 = tpu.memref_slice %arg6[%run_scoped3A_16, %dma_wait3A_57] : memref<2x80xi32, #tpu.memory_space<vmem>> -> memref<1x80xi32, #tpu.memory_space<vmem>>
        %dma_wait3A_59 = tpu.memref_squeeze %dma_wait3A_58 : memref<1x80xi32, #tpu.memory_space<vmem>> -> memref<80xi32, #tpu.memory_space<vmem>>
        %dma_wait3A_60 = tpu.memref_slice %arg2[%add3A_15] : memref<640000xi32, #tpu.memory_space<hbm>> -> memref<80xi32, #tpu.memory_space<hbm>>
        tpu.wait_dma2 semaphore(%run_scoped3A_44 : memref<!tpu.dma_semaphore, #tpu.memory_space<semaphore_mem>>) src(%dma_wait3A_60 : memref<80xi32, #tpu.memory_space<hbm>>) dst(%dma_wait3A_59 : memref<80xi32, #tpu.memory_space<vmem>>)
        tpu.yield
      }) : () -> ()
      %dma_start3A = arith.constant 0 : i32
      %dma_start3A_17 = arith.constant 0 : i32
      %dma_start3A_18 = tpu.memref_slice %arg6[%dma_start3A, %dma_start3A_17] : memref<2x80xi32, #tpu.memory_space<vmem>> -> memref<1x80xi32, #tpu.memory_space<vmem>>
      %dma_start3A_19 = tpu.memref_squeeze %dma_start3A_18 : memref<1x80xi32, #tpu.memory_space<vmem>> -> memref<80xi32, #tpu.memory_space<vmem>>
      %dma_start3A_20 = arith.constant 0 : i32
      %dma_start3A_21 = arith.constant 0 : i32
      %dma_start3A_22 = tpu.memref_slice %arg3[%dma_start3A_20, %dma_start3A_21] : memref<10000x384xf32, #tpu.memory_space<hbm>> -> memref<10000x384xf32, #tpu.memory_space<hbm>>
      tpu.enqueue_indirect_dma source(%dma_start3A_22 : memref<10000x384xf32, #tpu.memory_space<hbm>>) target(%arg7 : memref<80x384xf32, #tpu.memory_space<vmem>>) offsets(%dma_start3A_19 : memref<80xi32, #tpu.memory_space<vmem>>) semaphore(%arg9 : memref<!tpu.dma_semaphore, #tpu.memory_space<semaphore_mem>>)
      %dma_start3A_23 = arith.constant 1 : i32
      %dma_start3A_24 = arith.constant 0 : i32
      %dma_start3A_25 = tpu.memref_slice %arg6[%dma_start3A_23, %dma_start3A_24] : memref<2x80xi32, #tpu.memory_space<vmem>> -> memref<1x80xi32, #tpu.memory_space<vmem>>
      %dma_start3A_26 = tpu.memref_squeeze %dma_start3A_25 : memref<1x80xi32, #tpu.memory_space<vmem>> -> memref<80xi32, #tpu.memory_space<vmem>>
      %dma_start3A_27 = arith.constant 0 : i32
      %dma_start3A_28 = arith.constant 0 : i32
      %dma_start3A_29 = tpu.memref_slice %arg3[%dma_start3A_27, %dma_start3A_28] : memref<10000x384xf32, #tpu.memory_space<hbm>> -> memref<10000x384xf32, #tpu.memory_space<hbm>>
      tpu.enqueue_indirect_dma source(%dma_start3A_29 : memref<10000x384xf32, #tpu.memory_space<hbm>>) target(%arg8 : memref<80x384xf32, #tpu.memory_space<vmem>>) offsets(%dma_start3A_26 : memref<80xi32, #tpu.memory_space<vmem>>) semaphore(%arg9 : memref<!tpu.dma_semaphore, #tpu.memory_space<semaphore_mem>>)
      %dma_wait3A = arith.constant 0 : i32
      %dma_wait3A_30 = arith.constant 0 : i32
      %dma_wait3A_31 = tpu.memref_slice %arg6[%dma_wait3A, %dma_wait3A_30] : memref<2x80xi32, #tpu.memory_space<vmem>> -> memref<1x80xi32, #tpu.memory_space<vmem>>
      %dma_wait3A_32 = tpu.memref_squeeze %dma_wait3A_31 : memref<1x80xi32, #tpu.memory_space<vmem>> -> memref<80xi32, #tpu.memory_space<vmem>>
      %dma_wait3A_33 = arith.constant 0 : i32
      %dma_wait3A_34 = arith.constant 0 : i32
      %dma_wait3A_35 = tpu.memref_slice %arg3[%dma_wait3A_33, %dma_wait3A_34] : memref<10000x384xf32, #tpu.memory_space<hbm>> -> memref<10000x384xf32, #tpu.memory_space<hbm>>
      tpu.wait_indirect_dma semaphore(%arg9 : memref<!tpu.dma_semaphore, #tpu.memory_space<semaphore_mem>>) src(%dma_wait3A_35 : memref<10000x384xf32, #tpu.memory_space<hbm>>) dst(%arg7 : memref<80x384xf32, #tpu.memory_space<vmem>>)
      "tpu.region"() ({
        %run_scoped3A_44 = tpu.sem_alloc : memref<!tpu.dma_semaphore, #tpu.memory_space<semaphore_mem>>
        %dma_start3A_45 = arith.constant 0 : i32
        %dma_start3A_46 = tpu.memref_slice %arg4[%multiple_of3A, %dma_start3A_45] : memref<320000x384xf32, #tpu.memory_space<hbm>> -> memref<80x384xf32, #tpu.memory_space<hbm>>
        %dma_start3A_47 = arith.constant 0 : i32
        %dma_start3A_48 = tpu.memref_slice %arg4[%multiple_of3A, %dma_start3A_47] : memref<320000x384xf32, #tpu.memory_space<hbm>> -> memref<80x384xf32, #tpu.memory_space<hbm>>
        tpu.enqueue_dma source(%arg7 : memref<80x384xf32, #tpu.memory_space<vmem>>) target(%dma_start3A_48 : memref<80x384xf32, #tpu.memory_space<hbm>>) target_semaphore(%run_scoped3A_44 : memref<!tpu.dma_semaphore, #tpu.memory_space<semaphore_mem>>)
        %dma_wait3A_49 = arith.constant 0 : i32
        %dma_wait3A_50 = tpu.memref_slice %arg4[%multiple_of3A, %dma_wait3A_49] : memref<320000x384xf32, #tpu.memory_space<hbm>> -> memref<80x384xf32, #tpu.memory_space<hbm>>
        %dma_wait3A_51 = arith.constant 0 : i32
        %dma_wait3A_52 = tpu.memref_slice %arg4[%multiple_of3A, %dma_wait3A_51] : memref<320000x384xf32, #tpu.memory_space<hbm>> -> memref<80x384xf32, #tpu.memory_space<hbm>>
        tpu.wait_dma2 semaphore(%run_scoped3A_44 : memref<!tpu.dma_semaphore, #tpu.memory_space<semaphore_mem>>) src(%arg7 : memref<80x384xf32, #tpu.memory_space<vmem>>) dst(%dma_wait3A_52 : memref<80x384xf32, #tpu.memory_space<hbm>>)
        tpu.yield
      }) : () -> ()
      %dma_wait3A_36 = arith.constant 1 : i32
      %dma_wait3A_37 = arith.constant 0 : i32
      %dma_wait3A_38 = tpu.memref_slice %arg6[%dma_wait3A_36, %dma_wait3A_37] : memref<2x80xi32, #tpu.memory_space<vmem>> -> memref<1x80xi32, #tpu.memory_space<vmem>>
      %dma_wait3A_39 = tpu.memref_squeeze %dma_wait3A_38 : memref<1x80xi32, #tpu.memory_space<vmem>> -> memref<80xi32, #tpu.memory_space<vmem>>
      %dma_wait3A_40 = arith.constant 0 : i32
      %dma_wait3A_41 = arith.constant 0 : i32
      %dma_wait3A_42 = tpu.memref_slice %arg3[%dma_wait3A_40, %dma_wait3A_41] : memref<10000x384xf32, #tpu.memory_space<hbm>> -> memref<10000x384xf32, #tpu.memory_space<hbm>>
      tpu.wait_indirect_dma semaphore(%arg9 : memref<!tpu.dma_semaphore, #tpu.memory_space<semaphore_mem>>) src(%dma_wait3A_42 : memref<10000x384xf32, #tpu.memory_space<hbm>>) dst(%arg8 : memref<80x384xf32, #tpu.memory_space<vmem>>)
      "tpu.region"() ({
        %run_scoped3A_44 = tpu.sem_alloc : memref<!tpu.dma_semaphore, #tpu.memory_space<semaphore_mem>>
        %dma_start3A_45 = arith.constant 0 : i32
        %dma_start3A_46 = tpu.memref_slice %arg5[%multiple_of3A, %dma_start3A_45] : memref<320000x384xf32, #tpu.memory_space<hbm>> -> memref<80x384xf32, #tpu.memory_space<hbm>>
        %dma_start3A_47 = arith.constant 0 : i32
        %dma_start3A_48 = tpu.memref_slice %arg5[%multiple_of3A, %dma_start3A_47] : memref<320000x384xf32, #tpu.memory_space<hbm>> -> memref<80x384xf32, #tpu.memory_space<hbm>>
        tpu.enqueue_dma source(%arg8 : memref<80x384xf32, #tpu.memory_space<vmem>>) target(%dma_start3A_48 : memref<80x384xf32, #tpu.memory_space<hbm>>) target_semaphore(%run_scoped3A_44 : memref<!tpu.dma_semaphore, #tpu.memory_space<semaphore_mem>>)
        %dma_wait3A_49 = arith.constant 0 : i32
        %dma_wait3A_50 = tpu.memref_slice %arg5[%multiple_of3A, %dma_wait3A_49] : memref<320000x384xf32, #tpu.memory_space<hbm>> -> memref<80x384xf32, #tpu.memory_space<hbm>>
        %dma_wait3A_51 = arith.constant 0 : i32
        %dma_wait3A_52 = tpu.memref_slice %arg5[%multiple_of3A, %dma_wait3A_51] : memref<320000x384xf32, #tpu.memory_space<hbm>> -> memref<80x384xf32, #tpu.memory_space<hbm>>
        tpu.wait_dma2 semaphore(%run_scoped3A_44 : memref<!tpu.dma_semaphore, #tpu.memory_space<semaphore_mem>>) src(%arg8 : memref<80x384xf32, #tpu.memory_space<vmem>>) dst(%dma_wait3A_52 : memref<80x384xf32, #tpu.memory_space<hbm>>)
        tpu.yield
      }) : () -> ()
      %scan3A_43 = arith.constant 0 : i32
      scf.yield %scan3A_43 : i32
    }
    %scan3A_6 = arith.constant 125 : i32
    return
  }
}

#map = affine_map<(d0, d1) -> (0)>
#map1 = affine_map<(d0, d1) -> (0, 0)>
module attributes {stable_mosaic.version = 14 : i64} {
  func.func @gath2_kernel(%arg0: i32, %arg1: i32, %arg2: memref<640000xi32, #tpu.memory_space<hbm>>, %arg3: memref<10000x128xf32, #tpu.memory_space<hbm>>, %arg4: memref<320000x128xf32, #tpu.memory_space<hbm>>, %arg5: memref<320000x128xf32, #tpu.memory_space<hbm>>, %arg6: memref<2x80xi32, #tpu.memory_space<vmem>>, %arg7: memref<80x128xf32, #tpu.memory_space<vmem>>, %arg8: memref<80x128xf32, #tpu.memory_space<vmem>>, %arg9: memref<!tpu.dma_semaphore, #tpu.memory_space<semaphore_mem>>) attributes {dimension_semantics = [#tpu.dimension_semantics<core_parallel>, #tpu.dimension_semantics<subcore_parallel>], iteration_bounds = array<i64: 2, 16>, scalar_prefetch = 0 : i64, scratch_operands = 4 : i64, tpu.core_type = #tpu.core_type<sc_vector_subcore>, window_params = [{transform_indices = #map}, {transform_indices = #map1}, {transform_indices = #map1}, {transform_indices = #map1}]} {
    %mul3A = arith.constant 2 : i32
    %mul3A_0 = arith.muli %arg1, %mul3A : i32
    %add3A = arith.addi %mul3A_0, %arg0 : i32
    %scan3A = arith.constant 0 : i32
    %scan3A_1 = arith.constant 0 : i32
    %scan3A_2 = arith.constant 125 : i32
    %scan3A_3 = arith.addi %scan3A_1, %scan3A_2 : i32
    %scan3A_4 = arith.constant 1 : i32
    %scan3A_5 = scf.for %scan3A_7 = %scan3A_1 to %scan3A_3 step %scan3A_4 iter_args(%scan3A_8 = %scan3A) -> (i32)  : i32 {
      %mul3A_9 = arith.constant 10000 : i32
      %mul3A_10 = arith.muli %add3A, %mul3A_9 : i32
      %mul3A_11 = arith.constant 80 : i32
      %mul3A_12 = arith.muli %scan3A_7, %mul3A_11 : i32
      %add3A_13 = arith.addi %mul3A_10, %mul3A_12 : i32
      %multiple_of3A = tpu.assume_multiple %add3A_13, 8 : i32
      %run_scoped3A = arith.constant 0 : i32
      "tpu.region"() ({
        %run_scoped3A_44 = tpu.sem_alloc : memref<!tpu.dma_semaphore, #tpu.memory_space<semaphore_mem>>
        %dma_start3A_45 = arith.constant 0 : i32
        %dma_start3A_46 = tpu.memref_slice %arg6[%run_scoped3A, %dma_start3A_45] : memref<2x80xi32, #tpu.memory_space<vmem>> -> memref<1x80xi32, #tpu.memory_space<vmem>>
        %dma_start3A_47 = tpu.memref_squeeze %dma_start3A_46 : memref<1x80xi32, #tpu.memory_space<vmem>> -> memref<80xi32, #tpu.memory_space<vmem>>
        %dma_start3A_48 = tpu.memref_slice %arg2[%multiple_of3A] : memref<640000xi32, #tpu.memory_space<hbm>> -> memref<80xi32, #tpu.memory_space<hbm>>
        %dma_start3A_49 = arith.constant 0 : i32
        %dma_start3A_50 = tpu.memref_slice %arg6[%run_scoped3A, %dma_start3A_49] : memref<2x80xi32, #tpu.memory_space<vmem>> -> memref<1x80xi32, #tpu.memory_space<vmem>>
        %dma_start3A_51 = tpu.memref_squeeze %dma_start3A_50 : memref<1x80xi32, #tpu.memory_space<vmem>> -> memref<80xi32, #tpu.memory_space<vmem>>
        %dma_start3A_52 = tpu.memref_slice %arg2[%multiple_of3A] : memref<640000xi32, #tpu.memory_space<hbm>> -> memref<80xi32, #tpu.memory_space<hbm>>
        tpu.enqueue_dma source(%dma_start3A_52 : memref<80xi32, #tpu.memory_space<hbm>>) target(%dma_start3A_51 : memref<80xi32, #tpu.memory_space<vmem>>) target_semaphore(%run_scoped3A_44 : memref<!tpu.dma_semaphore, #tpu.memory_space<semaphore_mem>>)
        %dma_wait3A_53 = arith.constant 0 : i32
        %dma_wait3A_54 = tpu.memref_slice %arg6[%run_scoped3A, %dma_wait3A_53] : memref<2x80xi32, #tpu.memory_space<vmem>> -> memref<1x80xi32, #tpu.memory_space<vmem>>
        %dma_wait3A_55 = tpu.memref_squeeze %dma_wait3A_54 : memref<1x80xi32, #tpu.memory_space<vmem>> -> memref<80xi32, #tpu.memory_space<vmem>>
        %dma_wait3A_56 = tpu.memref_slice %arg2[%multiple_of3A] : memref<640000xi32, #tpu.memory_space<hbm>> -> memref<80xi32, #tpu.memory_space<hbm>>
        %dma_wait3A_57 = arith.constant 0 : i32
        %dma_wait3A_58 = tpu.memref_slice %arg6[%run_scoped3A, %dma_wait3A_57] : memref<2x80xi32, #tpu.memory_space<vmem>> -> memref<1x80xi32, #tpu.memory_space<vmem>>
        %dma_wait3A_59 = tpu.memref_squeeze %dma_wait3A_58 : memref<1x80xi32, #tpu.memory_space<vmem>> -> memref<80xi32, #tpu.memory_space<vmem>>
        %dma_wait3A_60 = tpu.memref_slice %arg2[%multiple_of3A] : memref<640000xi32, #tpu.memory_space<hbm>> -> memref<80xi32, #tpu.memory_space<hbm>>
        tpu.wait_dma2 semaphore(%run_scoped3A_44 : memref<!tpu.dma_semaphore, #tpu.memory_space<semaphore_mem>>) src(%dma_wait3A_60 : memref<80xi32, #tpu.memory_space<hbm>>) dst(%dma_wait3A_59 : memref<80xi32, #tpu.memory_space<vmem>>)
        tpu.yield
      }) : () -> ()
      %add3A_14 = arith.constant 320000 : i32
      %add3A_15 = arith.addi %add3A_14, %multiple_of3A : i32
      %run_scoped3A_16 = arith.constant 1 : i32
      "tpu.region"() ({
        %run_scoped3A_44 = tpu.sem_alloc : memref<!tpu.dma_semaphore, #tpu.memory_space<semaphore_mem>>
        %dma_start3A_45 = arith.constant 0 : i32
        %dma_start3A_46 = tpu.memref_slice %arg6[%run_scoped3A_16, %dma_start3A_45] : memref<2x80xi32, #tpu.memory_space<vmem>> -> memref<1x80xi32, #tpu.memory_space<vmem>>
        %dma_start3A_47 = tpu.memref_squeeze %dma_start3A_46 : memref<1x80xi32, #tpu.memory_space<vmem>> -> memref<80xi32, #tpu.memory_space<vmem>>
        %dma_start3A_48 = tpu.memref_slice %arg2[%add3A_15] : memref<640000xi32, #tpu.memory_space<hbm>> -> memref<80xi32, #tpu.memory_space<hbm>>
        %dma_start3A_49 = arith.constant 0 : i32
        %dma_start3A_50 = tpu.memref_slice %arg6[%run_scoped3A_16, %dma_start3A_49] : memref<2x80xi32, #tpu.memory_space<vmem>> -> memref<1x80xi32, #tpu.memory_space<vmem>>
        %dma_start3A_51 = tpu.memref_squeeze %dma_start3A_50 : memref<1x80xi32, #tpu.memory_space<vmem>> -> memref<80xi32, #tpu.memory_space<vmem>>
        %dma_start3A_52 = tpu.memref_slice %arg2[%add3A_15] : memref<640000xi32, #tpu.memory_space<hbm>> -> memref<80xi32, #tpu.memory_space<hbm>>
        tpu.enqueue_dma source(%dma_start3A_52 : memref<80xi32, #tpu.memory_space<hbm>>) target(%dma_start3A_51 : memref<80xi32, #tpu.memory_space<vmem>>) target_semaphore(%run_scoped3A_44 : memref<!tpu.dma_semaphore, #tpu.memory_space<semaphore_mem>>)
        %dma_wait3A_53 = arith.constant 0 : i32
        %dma_wait3A_54 = tpu.memref_slice %arg6[%run_scoped3A_16, %dma_wait3A_53] : memref<2x80xi32, #tpu.memory_space<vmem>> -> memref<1x80xi32, #tpu.memory_space<vmem>>
        %dma_wait3A_55 = tpu.memref_squeeze %dma_wait3A_54 : memref<1x80xi32, #tpu.memory_space<vmem>> -> memref<80xi32, #tpu.memory_space<vmem>>
        %dma_wait3A_56 = tpu.memref_slice %arg2[%add3A_15] : memref<640000xi32, #tpu.memory_space<hbm>> -> memref<80xi32, #tpu.memory_space<hbm>>
        %dma_wait3A_57 = arith.constant 0 : i32
        %dma_wait3A_58 = tpu.memref_slice %arg6[%run_scoped3A_16, %dma_wait3A_57] : memref<2x80xi32, #tpu.memory_space<vmem>> -> memref<1x80xi32, #tpu.memory_space<vmem>>
        %dma_wait3A_59 = tpu.memref_squeeze %dma_wait3A_58 : memref<1x80xi32, #tpu.memory_space<vmem>> -> memref<80xi32, #tpu.memory_space<vmem>>
        %dma_wait3A_60 = tpu.memref_slice %arg2[%add3A_15] : memref<640000xi32, #tpu.memory_space<hbm>> -> memref<80xi32, #tpu.memory_space<hbm>>
        tpu.wait_dma2 semaphore(%run_scoped3A_44 : memref<!tpu.dma_semaphore, #tpu.memory_space<semaphore_mem>>) src(%dma_wait3A_60 : memref<80xi32, #tpu.memory_space<hbm>>) dst(%dma_wait3A_59 : memref<80xi32, #tpu.memory_space<vmem>>)
        tpu.yield
      }) : () -> ()
      %dma_start3A = arith.constant 0 : i32
      %dma_start3A_17 = arith.constant 0 : i32
      %dma_start3A_18 = tpu.memref_slice %arg6[%dma_start3A, %dma_start3A_17] : memref<2x80xi32, #tpu.memory_space<vmem>> -> memref<1x80xi32, #tpu.memory_space<vmem>>
      %dma_start3A_19 = tpu.memref_squeeze %dma_start3A_18 : memref<1x80xi32, #tpu.memory_space<vmem>> -> memref<80xi32, #tpu.memory_space<vmem>>
      %dma_start3A_20 = arith.constant 0 : i32
      %dma_start3A_21 = arith.constant 0 : i32
      %dma_start3A_22 = tpu.memref_slice %arg3[%dma_start3A_20, %dma_start3A_21] : memref<10000x128xf32, #tpu.memory_space<hbm>> -> memref<10000x128xf32, #tpu.memory_space<hbm>>
      tpu.enqueue_indirect_dma source(%dma_start3A_22 : memref<10000x128xf32, #tpu.memory_space<hbm>>) target(%arg7 : memref<80x128xf32, #tpu.memory_space<vmem>>) offsets(%dma_start3A_19 : memref<80xi32, #tpu.memory_space<vmem>>) semaphore(%arg9 : memref<!tpu.dma_semaphore, #tpu.memory_space<semaphore_mem>>)
      %dma_start3A_23 = arith.constant 1 : i32
      %dma_start3A_24 = arith.constant 0 : i32
      %dma_start3A_25 = tpu.memref_slice %arg6[%dma_start3A_23, %dma_start3A_24] : memref<2x80xi32, #tpu.memory_space<vmem>> -> memref<1x80xi32, #tpu.memory_space<vmem>>
      %dma_start3A_26 = tpu.memref_squeeze %dma_start3A_25 : memref<1x80xi32, #tpu.memory_space<vmem>> -> memref<80xi32, #tpu.memory_space<vmem>>
      %dma_start3A_27 = arith.constant 0 : i32
      %dma_start3A_28 = arith.constant 0 : i32
      %dma_start3A_29 = tpu.memref_slice %arg3[%dma_start3A_27, %dma_start3A_28] : memref<10000x128xf32, #tpu.memory_space<hbm>> -> memref<10000x128xf32, #tpu.memory_space<hbm>>
      tpu.enqueue_indirect_dma source(%dma_start3A_29 : memref<10000x128xf32, #tpu.memory_space<hbm>>) target(%arg8 : memref<80x128xf32, #tpu.memory_space<vmem>>) offsets(%dma_start3A_26 : memref<80xi32, #tpu.memory_space<vmem>>) semaphore(%arg9 : memref<!tpu.dma_semaphore, #tpu.memory_space<semaphore_mem>>)
      %dma_wait3A = arith.constant 0 : i32
      %dma_wait3A_30 = arith.constant 0 : i32
      %dma_wait3A_31 = tpu.memref_slice %arg6[%dma_wait3A, %dma_wait3A_30] : memref<2x80xi32, #tpu.memory_space<vmem>> -> memref<1x80xi32, #tpu.memory_space<vmem>>
      %dma_wait3A_32 = tpu.memref_squeeze %dma_wait3A_31 : memref<1x80xi32, #tpu.memory_space<vmem>> -> memref<80xi32, #tpu.memory_space<vmem>>
      %dma_wait3A_33 = arith.constant 0 : i32
      %dma_wait3A_34 = arith.constant 0 : i32
      %dma_wait3A_35 = tpu.memref_slice %arg3[%dma_wait3A_33, %dma_wait3A_34] : memref<10000x128xf32, #tpu.memory_space<hbm>> -> memref<10000x128xf32, #tpu.memory_space<hbm>>
      tpu.wait_indirect_dma semaphore(%arg9 : memref<!tpu.dma_semaphore, #tpu.memory_space<semaphore_mem>>) src(%dma_wait3A_35 : memref<10000x128xf32, #tpu.memory_space<hbm>>) dst(%arg7 : memref<80x128xf32, #tpu.memory_space<vmem>>)
      "tpu.region"() ({
        %run_scoped3A_44 = tpu.sem_alloc : memref<!tpu.dma_semaphore, #tpu.memory_space<semaphore_mem>>
        %dma_start3A_45 = arith.constant 0 : i32
        %dma_start3A_46 = tpu.memref_slice %arg4[%multiple_of3A, %dma_start3A_45] : memref<320000x128xf32, #tpu.memory_space<hbm>> -> memref<80x128xf32, #tpu.memory_space<hbm>>
        %dma_start3A_47 = arith.constant 0 : i32
        %dma_start3A_48 = tpu.memref_slice %arg4[%multiple_of3A, %dma_start3A_47] : memref<320000x128xf32, #tpu.memory_space<hbm>> -> memref<80x128xf32, #tpu.memory_space<hbm>>
        tpu.enqueue_dma source(%arg7 : memref<80x128xf32, #tpu.memory_space<vmem>>) target(%dma_start3A_48 : memref<80x128xf32, #tpu.memory_space<hbm>>) target_semaphore(%run_scoped3A_44 : memref<!tpu.dma_semaphore, #tpu.memory_space<semaphore_mem>>)
        %dma_wait3A_49 = arith.constant 0 : i32
        %dma_wait3A_50 = tpu.memref_slice %arg4[%multiple_of3A, %dma_wait3A_49] : memref<320000x128xf32, #tpu.memory_space<hbm>> -> memref<80x128xf32, #tpu.memory_space<hbm>>
        %dma_wait3A_51 = arith.constant 0 : i32
        %dma_wait3A_52 = tpu.memref_slice %arg4[%multiple_of3A, %dma_wait3A_51] : memref<320000x128xf32, #tpu.memory_space<hbm>> -> memref<80x128xf32, #tpu.memory_space<hbm>>
        tpu.wait_dma2 semaphore(%run_scoped3A_44 : memref<!tpu.dma_semaphore, #tpu.memory_space<semaphore_mem>>) src(%arg7 : memref<80x128xf32, #tpu.memory_space<vmem>>) dst(%dma_wait3A_52 : memref<80x128xf32, #tpu.memory_space<hbm>>)
        tpu.yield
      }) : () -> ()
      %dma_wait3A_36 = arith.constant 1 : i32
      %dma_wait3A_37 = arith.constant 0 : i32
      %dma_wait3A_38 = tpu.memref_slice %arg6[%dma_wait3A_36, %dma_wait3A_37] : memref<2x80xi32, #tpu.memory_space<vmem>> -> memref<1x80xi32, #tpu.memory_space<vmem>>
      %dma_wait3A_39 = tpu.memref_squeeze %dma_wait3A_38 : memref<1x80xi32, #tpu.memory_space<vmem>> -> memref<80xi32, #tpu.memory_space<vmem>>
      %dma_wait3A_40 = arith.constant 0 : i32
      %dma_wait3A_41 = arith.constant 0 : i32
      %dma_wait3A_42 = tpu.memref_slice %arg3[%dma_wait3A_40, %dma_wait3A_41] : memref<10000x128xf32, #tpu.memory_space<hbm>> -> memref<10000x128xf32, #tpu.memory_space<hbm>>
      tpu.wait_indirect_dma semaphore(%arg9 : memref<!tpu.dma_semaphore, #tpu.memory_space<semaphore_mem>>) src(%dma_wait3A_42 : memref<10000x128xf32, #tpu.memory_space<hbm>>) dst(%arg8 : memref<80x128xf32, #tpu.memory_space<vmem>>)
      "tpu.region"() ({
        %run_scoped3A_44 = tpu.sem_alloc : memref<!tpu.dma_semaphore, #tpu.memory_space<semaphore_mem>>
        %dma_start3A_45 = arith.constant 0 : i32
        %dma_start3A_46 = tpu.memref_slice %arg5[%multiple_of3A, %dma_start3A_45] : memref<320000x128xf32, #tpu.memory_space<hbm>> -> memref<80x128xf32, #tpu.memory_space<hbm>>
        %dma_start3A_47 = arith.constant 0 : i32
        %dma_start3A_48 = tpu.memref_slice %arg5[%multiple_of3A, %dma_start3A_47] : memref<320000x128xf32, #tpu.memory_space<hbm>> -> memref<80x128xf32, #tpu.memory_space<hbm>>
        tpu.enqueue_dma source(%arg8 : memref<80x128xf32, #tpu.memory_space<vmem>>) target(%dma_start3A_48 : memref<80x128xf32, #tpu.memory_space<hbm>>) target_semaphore(%run_scoped3A_44 : memref<!tpu.dma_semaphore, #tpu.memory_space<semaphore_mem>>)
        %dma_wait3A_49 = arith.constant 0 : i32
        %dma_wait3A_50 = tpu.memref_slice %arg5[%multiple_of3A, %dma_wait3A_49] : memref<320000x128xf32, #tpu.memory_space<hbm>> -> memref<80x128xf32, #tpu.memory_space<hbm>>
        %dma_wait3A_51 = arith.constant 0 : i32
        %dma_wait3A_52 = tpu.memref_slice %arg5[%multiple_of3A, %dma_wait3A_51] : memref<320000x128xf32, #tpu.memory_space<hbm>> -> memref<80x128xf32, #tpu.memory_space<hbm>>
        tpu.wait_dma2 semaphore(%run_scoped3A_44 : memref<!tpu.dma_semaphore, #tpu.memory_space<semaphore_mem>>) src(%arg8 : memref<80x128xf32, #tpu.memory_space<vmem>>) dst(%dma_wait3A_52 : memref<80x128xf32, #tpu.memory_space<hbm>>)
        tpu.yield
      }) : () -> ()
      %scan3A_43 = arith.constant 0 : i32
      scf.yield %scan3A_43 : i32
    }
    %scan3A_6 = arith.constant 125 : i32
    return
  }
}

module attributes {stable_mosaic.version = 14 : i64} {
  func.func @_p1q1r1_kernel(%arg0: i32, %arg1: memref<1000x128xf32, #tpu.memory_space<vmem>>, %arg2: memref<1000x128xf32, #tpu.memory_space<vmem>>, %arg3: memref<1000x128xf32, #tpu.memory_space<vmem>>, %arg4: memref<128x128xf32, #tpu.memory_space<vmem>>, %arg5: memref<128x128xf32, #tpu.memory_space<vmem>>, %arg6: memref<1000x128xf32, #tpu.memory_space<vmem>>, %arg7: memref<1000x128xf32, #tpu.memory_space<vmem>>) attributes {dimension_semantics = [#tpu.dimension_semantics<arbitrary>], iteration_bounds = array<i64: 10>, scalar_prefetch = 0 : i64, scratch_operands = 0 : i64, tpu.core_type = #tpu.core_type<tc>, window_params = [{transform_indices = @transform_0, window_bounds = array<i64: 1000, 128>}, {transform_indices = @transform_1, window_bounds = array<i64: 1000, 128>}, {transform_indices = @transform_2, window_bounds = array<i64: 1000, 128>}, {pipeline_mode = #tpu.pipeline_mode<synchronous>, transform_indices = @transform_3, window_bounds = array<i64: 128, 128>}, {pipeline_mode = #tpu.pipeline_mode<synchronous>, transform_indices = @transform_4, window_bounds = array<i64: 128, 128>}, {transform_indices = @transform_5, window_bounds = array<i64: 1000, 128>}, {transform_indices = @transform_6, window_bounds = array<i64: 1000, 128>}]} {
    %get3A = arith.constant 0 : index
    %get3A_0 = arith.constant 0 : index
    %get3A_1 = vector.load %arg1[%get3A, %get3A_0] : memref<1000x128xf32, #tpu.memory_space<vmem>>, vector<1000x128xf32>
    %get3A_2 = arith.constant 0 : index
    %get3A_3 = arith.constant 0 : index
    %get3A_4 = vector.load %arg3[%get3A_2, %get3A_3] : memref<1000x128xf32, #tpu.memory_space<vmem>>, vector<1000x128xf32>
    %mul3A = arith.mulf %get3A_1, %get3A_4 : vector<1000x128xf32>
    %get3A_5 = arith.constant 0 : index
    %get3A_6 = arith.constant 0 : index
    %get3A_7 = vector.load %arg2[%get3A_5, %get3A_6] : memref<1000x128xf32, #tpu.memory_space<vmem>>, vector<1000x128xf32>
    %add3A = arith.addf %mul3A, %get3A_7 : vector<1000x128xf32>
    %max3A = arith.constant 0.000000e+00 : f32
    %max3A_8 = vector.broadcast %max3A : f32 to vector<1000x128xf32>
    %max3A_9 = arith.maximumf %add3A, %max3A_8 : vector<1000x128xf32>
    %get3A_10 = arith.constant 0 : index
    %get3A_11 = arith.constant 0 : index
    %get3A_12 = vector.load %arg4[%get3A_10, %get3A_11] : memref<128x128xf32, #tpu.memory_space<vmem>>, vector<128x128xf32>
    %dot_general3A = arith.constant dense<0.000000e+00> : vector<1000x128xf32>
    %dot_general3A_13 = tpu.matmul %max3A_9, %get3A_12, %dot_general3A {dimension_numbers = #tpu.dot_dimension_numbers<[1], [0], [0], [1], [0, 0, 1, 1], [], []>, transpose_lhs_hint = false} : vector<1000x128xf32>, vector<128x128xf32>, vector<1000x128xf32> -> vector<1000x128xf32>
    %mul3A_14 = arith.constant 5.000000e-01 : f32
    %mul3A_15 = vector.broadcast %mul3A_14 : f32 to vector<1000x128xf32>
    %mul3A_16 = arith.mulf %dot_general3A_13, %mul3A_15 : vector<1000x128xf32>
    %swap3A = arith.constant 0 : index
    %swap3A_17 = arith.constant 0 : index
    %swap3A_18 = vector.load %arg6[%swap3A, %swap3A_17] : memref<1000x128xf32, #tpu.memory_space<vmem>>, vector<1000x128xf32>
    tpu.vector_store %arg6[%swap3A, %swap3A_17], %mul3A_16 {strides = array<i32>} : memref<1000x128xf32, #tpu.memory_space<vmem>>, vector<1000x128xf32>,
    %get3A_19 = arith.constant 0 : index
    %get3A_20 = arith.constant 0 : index
    %get3A_21 = vector.load %arg5[%get3A_19, %get3A_20] : memref<128x128xf32, #tpu.memory_space<vmem>>, vector<128x128xf32>
    %dot_general3A_22 = arith.constant dense<0.000000e+00> : vector<1000x128xf32>
    %dot_general3A_23 = tpu.matmul %max3A_9, %get3A_21, %dot_general3A_22 {dimension_numbers = #tpu.dot_dimension_numbers<[1], [0], [0], [1], [0, 0, 1, 1], [], []>, transpose_lhs_hint = false} : vector<1000x128xf32>, vector<128x128xf32>, vector<1000x128xf32> -> vector<1000x128xf32>
    %swap3A_24 = arith.constant 0 : index
    %swap3A_25 = arith.constant 0 : index
    %swap3A_26 = vector.load %arg7[%swap3A_24, %swap3A_25] : memref<1000x128xf32, #tpu.memory_space<vmem>>, vector<1000x128xf32>
    tpu.vector_store %arg7[%swap3A_24, %swap3A_25], %dot_general3A_23 {strides = array<i32>} : memref<1000x128xf32, #tpu.memory_space<vmem>>, vector<1000x128xf32>,
    return
  }
  func.func @transform_0(%arg0: i32) -> (i32, i32) {
    %c0_i32 = arith.constant 0 : i32
    %c0_i32_0 = arith.constant 0 : i32
    return %arg0, %c0_i32 : i32, i32
  }
  func.func @transform_1(%arg0: i32) -> (i32, i32) {
    %c0_i32 = arith.constant 0 : i32
    %c0_i32_0 = arith.constant 0 : i32
    return %arg0, %c0_i32 : i32, i32
  }
  func.func @transform_2(%arg0: i32) -> (i32, i32) {
    %c0_i32 = arith.constant 0 : i32
    %c0_i32_0 = arith.constant 0 : i32
    return %arg0, %c0_i32 : i32, i32
  }
  func.func @transform_3(%arg0: i32) -> (i32, i32) {
    %c0_i32 = arith.constant 0 : i32
    %c0_i32_0 = arith.constant 0 : i32
    %c0_i32_1 = arith.constant 0 : i32
    return %c0_i32, %c0_i32_0 : i32, i32
  }
  func.func @transform_4(%arg0: i32) -> (i32, i32) {
    %c0_i32 = arith.constant 0 : i32
    %c0_i32_0 = arith.constant 0 : i32
    %c0_i32_1 = arith.constant 0 : i32
    return %c0_i32, %c0_i32_0 : i32, i32
  }
  func.func @transform_5(%arg0: i32) -> (i32, i32) {
    %c0_i32 = arith.constant 0 : i32
    %c0_i32_0 = arith.constant 0 : i32
    return %arg0, %c0_i32 : i32, i32
  }
  func.func @transform_6(%arg0: i32) -> (i32, i32) {
    %c0_i32 = arith.constant 0 : i32
    %c0_i32_0 = arith.constant 0 : i32
    return %arg0, %c0_i32 : i32, i32
  }
}

module attributes {stable_mosaic.version = 14 : i64} {
  func.func @_node_mm_kernel(%arg0: i32, %arg1: memref<1000x128xf32, #tpu.memory_space<vmem>>, %arg2: memref<128x128xf32, #tpu.memory_space<vmem>>, %arg3: memref<1x128xf32, #tpu.memory_space<vmem>>, %arg4: memref<128x128xf32, #tpu.memory_space<vmem>>, %arg5: memref<1x128xf32, #tpu.memory_space<vmem>>, %arg6: memref<1000x128xf32, #tpu.memory_space<vmem>>, %arg7: memref<1000x128xf32, #tpu.memory_space<vmem>>) attributes {dimension_semantics = [#tpu.dimension_semantics<arbitrary>], iteration_bounds = array<i64: 10>, scalar_prefetch = 0 : i64, scratch_operands = 0 : i64, tpu.core_type = #tpu.core_type<tc>, window_params = [{transform_indices = @transform_0, window_bounds = array<i64: 1000, 128>}, {pipeline_mode = #tpu.pipeline_mode<synchronous>, transform_indices = @transform_1, window_bounds = array<i64: 128, 128>}, {pipeline_mode = #tpu.pipeline_mode<synchronous>, transform_indices = @transform_2, window_bounds = array<i64: 1, 128>}, {pipeline_mode = #tpu.pipeline_mode<synchronous>, transform_indices = @transform_3, window_bounds = array<i64: 128, 128>}, {pipeline_mode = #tpu.pipeline_mode<synchronous>, transform_indices = @transform_4, window_bounds = array<i64: 1, 128>}, {transform_indices = @transform_5, window_bounds = array<i64: 1000, 128>}, {transform_indices = @transform_6, window_bounds = array<i64: 1000, 128>}]} {
    %get3A = arith.constant 0 : index
    %get3A_0 = arith.constant 0 : index
    %get3A_1 = vector.load %arg1[%get3A, %get3A_0] : memref<1000x128xf32, #tpu.memory_space<vmem>>, vector<1000x128xf32>
    %get3A_2 = arith.constant 0 : index
    %get3A_3 = arith.constant 0 : index
    %get3A_4 = vector.load %arg2[%get3A_2, %get3A_3] : memref<128x128xf32, #tpu.memory_space<vmem>>, vector<128x128xf32>
    %dot_general3A = arith.constant dense<0.000000e+00> : vector<1000x128xf32>
    %dot_general3A_5 = tpu.matmul %get3A_1, %get3A_4, %dot_general3A {dimension_numbers = #tpu.dot_dimension_numbers<[1], [0], [0], [1], [0, 0, 1, 1], [], []>, transpose_lhs_hint = false} : vector<1000x128xf32>, vector<128x128xf32>, vector<1000x128xf32> -> vector<1000x128xf32>
    %get3A_6 = arith.constant 0 : index
    %get3A_7 = arith.constant 0 : index
    %get3A_8 = vector.load %arg3[%get3A_6, %get3A_7] : memref<1x128xf32, #tpu.memory_space<vmem>>, vector<1x128xf32>
    %add3A = vector.broadcast %get3A_8 : vector<1x128xf32> to vector<1000x128xf32>
    %add3A_9 = arith.addf %dot_general3A_5, %add3A : vector<1000x128xf32>
    %swap3A = arith.constant 0 : index
    %swap3A_10 = arith.constant 0 : index
    %swap3A_11 = vector.load %arg6[%swap3A, %swap3A_10] : memref<1000x128xf32, #tpu.memory_space<vmem>>, vector<1000x128xf32>
    tpu.vector_store %arg6[%swap3A, %swap3A_10], %add3A_9 {strides = array<i32>} : memref<1000x128xf32, #tpu.memory_space<vmem>>, vector<1000x128xf32>,
    %get3A_12 = arith.constant 0 : index
    %get3A_13 = arith.constant 0 : index
    %get3A_14 = vector.load %arg4[%get3A_12, %get3A_13] : memref<128x128xf32, #tpu.memory_space<vmem>>, vector<128x128xf32>
    %dot_general3A_15 = arith.constant dense<0.000000e+00> : vector<1000x128xf32>
    %dot_general3A_16 = tpu.matmul %get3A_1, %get3A_14, %dot_general3A_15 {dimension_numbers = #tpu.dot_dimension_numbers<[1], [0], [0], [1], [0, 0, 1, 1], [], []>, transpose_lhs_hint = false} : vector<1000x128xf32>, vector<128x128xf32>, vector<1000x128xf32> -> vector<1000x128xf32>
    %get3A_17 = arith.constant 0 : index
    %get3A_18 = arith.constant 0 : index
    %get3A_19 = vector.load %arg5[%get3A_17, %get3A_18] : memref<1x128xf32, #tpu.memory_space<vmem>>, vector<1x128xf32>
    %add3A_20 = vector.broadcast %get3A_19 : vector<1x128xf32> to vector<1000x128xf32>
    %add3A_21 = arith.addf %dot_general3A_16, %add3A_20 : vector<1000x128xf32>
    %swap3A_22 = arith.constant 0 : index
    %swap3A_23 = arith.constant 0 : index
    %swap3A_24 = vector.load %arg7[%swap3A_22, %swap3A_23] : memref<1000x128xf32, #tpu.memory_space<vmem>>, vector<1000x128xf32>
    tpu.vector_store %arg7[%swap3A_22, %swap3A_23], %add3A_21 {strides = array<i32>} : memref<1000x128xf32, #tpu.memory_space<vmem>>, vector<1000x128xf32>,
    return
  }
  func.func @transform_0(%arg0: i32) -> (i32, i32) {
    %c0_i32 = arith.constant 0 : i32
    %c0_i32_0 = arith.constant 0 : i32
    return %arg0, %c0_i32 : i32, i32
  }
  func.func @transform_1(%arg0: i32) -> (i32, i32) {
    %c0_i32 = arith.constant 0 : i32
    %c0_i32_0 = arith.constant 0 : i32
    %c0_i32_1 = arith.constant 0 : i32
    return %c0_i32, %c0_i32_0 : i32, i32
  }
  func.func @transform_2(%arg0: i32) -> (i32, i32) {
    %c0_i32 = arith.constant 0 : i32
    %c0_i32_0 = arith.constant 0 : i32
    %c0_i32_1 = arith.constant 0 : i32
    return %c0_i32, %c0_i32_0 : i32, i32
  }
  func.func @transform_3(%arg0: i32) -> (i32, i32) {
    %c0_i32 = arith.constant 0 : i32
    %c0_i32_0 = arith.constant 0 : i32
    %c0_i32_1 = arith.constant 0 : i32
    return %c0_i32, %c0_i32_0 : i32, i32
  }
  func.func @transform_4(%arg0: i32) -> (i32, i32) {
    %c0_i32 = arith.constant 0 : i32
    %c0_i32_0 = arith.constant 0 : i32
    %c0_i32_1 = arith.constant 0 : i32
    return %c0_i32, %c0_i32_0 : i32, i32
  }
  func.func @transform_5(%arg0: i32) -> (i32, i32) {
    %c0_i32 = arith.constant 0 : i32
    %c0_i32_0 = arith.constant 0 : i32
    return %arg0, %c0_i32 : i32, i32
  }
  func.func @transform_6(%arg0: i32) -> (i32, i32) {
    %c0_i32 = arith.constant 0 : i32
    %c0_i32_0 = arith.constant 0 : i32
    return %arg0, %c0_i32 : i32, i32
  }
}

module attributes {stable_mosaic.version = 14 : i64} {
  func.func @_stage2_kernel(%arg0: i32, %arg1: memref<2560x384xf32, #tpu.memory_space<vmem>>, %arg2: memref<2560x384xf32, #tpu.memory_space<vmem>>, %arg3: memref<1x128xf32, #tpu.memory_space<vmem>>, %arg4: memref<128x128xf32, #tpu.memory_space<vmem>>, %arg5: memref<1x128xf32, #tpu.memory_space<vmem>>, %arg6: memref<128x128xf32, #tpu.memory_space<vmem>>, %arg7: memref<2560x128xf32, #tpu.memory_space<vmem>>, %arg8: memref<2560x128xf32, #tpu.memory_space<vmem>>) attributes {dimension_semantics = [#tpu.dimension_semantics<arbitrary>], iteration_bounds = array<i64: 125>, scalar_prefetch = 0 : i64, scratch_operands = 0 : i64, tpu.core_type = #tpu.core_type<tc>, window_params = [{transform_indices = @transform_0, window_bounds = array<i64: 2560, 384>}, {transform_indices = @transform_1, window_bounds = array<i64: 2560, 384>}, {pipeline_mode = #tpu.pipeline_mode<synchronous>, transform_indices = @transform_2, window_bounds = array<i64: 1, 128>}, {pipeline_mode = #tpu.pipeline_mode<synchronous>, transform_indices = @transform_3, window_bounds = array<i64: 128, 128>}, {pipeline_mode = #tpu.pipeline_mode<synchronous>, transform_indices = @transform_4, window_bounds = array<i64: 1, 128>}, {pipeline_mode = #tpu.pipeline_mode<synchronous>, transform_indices = @transform_5, window_bounds = array<i64: 128, 128>}, {transform_indices = @transform_6, window_bounds = array<i64: 2560, 128>}, {transform_indices = @transform_7, window_bounds = array<i64: 2560, 128>}]} {
    %get3A = arith.constant 0 : index
    %get3A_0 = arith.constant 0 : index
    %get3A_1 = vector.load %arg1[%get3A, %get3A_0] : memref<2560x384xf32, #tpu.memory_space<vmem>>, vector<2560x384xf32>
    %get3A_2 = arith.constant 0 : index
    %get3A_3 = arith.constant 0 : index
    %get3A_4 = vector.load %arg2[%get3A_2, %get3A_3] : memref<2560x384xf32, #tpu.memory_space<vmem>>, vector<2560x384xf32>
    %slice3A = vector.extract_strided_slice %get3A_1 {offsets = [0, 0], sizes = [2560, 128], strides = [1, 1]} : vector<2560x384xf32> to vector<2560x128xf32>
    %slice3A_5 = vector.extract_strided_slice %get3A_4 {offsets = [0, 0], sizes = [2560, 128], strides = [1, 1]} : vector<2560x384xf32> to vector<2560x128xf32>
    %add3A = arith.addf %slice3A, %slice3A_5 : vector<2560x128xf32>
    %get3A_6 = arith.constant 0 : index
    %get3A_7 = arith.constant 0 : index
    %get3A_8 = vector.load %arg3[%get3A_6, %get3A_7] : memref<1x128xf32, #tpu.memory_space<vmem>>, vector<1x128xf32>
    %add3A_9 = vector.broadcast %get3A_8 : vector<1x128xf32> to vector<2560x128xf32>
    %add3A_10 = arith.addf %add3A, %add3A_9 : vector<2560x128xf32>
    %slice3A_11 = vector.extract_strided_slice %get3A_1 {offsets = [0, 128], sizes = [2560, 128], strides = [1, 1]} : vector<2560x384xf32> to vector<2560x128xf32>
    %add3A_12 = arith.addf %add3A_10, %slice3A_11 : vector<2560x128xf32>
    %slice3A_13 = vector.extract_strided_slice %get3A_1 {offsets = [0, 256], sizes = [2560, 128], strides = [1, 1]} : vector<2560x384xf32> to vector<2560x128xf32>
    %mul3A = arith.mulf %add3A_12, %slice3A_13 : vector<2560x128xf32>
    %slice3A_14 = vector.extract_strided_slice %get3A_4 {offsets = [0, 128], sizes = [2560, 128], strides = [1, 1]} : vector<2560x384xf32> to vector<2560x128xf32>
    %add3A_15 = arith.addf %add3A_10, %slice3A_14 : vector<2560x128xf32>
    %slice3A_16 = vector.extract_strided_slice %get3A_4 {offsets = [0, 256], sizes = [2560, 128], strides = [1, 1]} : vector<2560x384xf32> to vector<2560x128xf32>
    %mul3A_17 = arith.mulf %add3A_15, %slice3A_16 : vector<2560x128xf32>
    %max3A = arith.constant 0.000000e+00 : f32
    %max3A_18 = vector.broadcast %max3A : f32 to vector<2560x128xf32>
    %max3A_19 = arith.maximumf %mul3A, %max3A_18 : vector<2560x128xf32>
    %max3A_20 = arith.constant 0.000000e+00 : f32
    %max3A_21 = vector.broadcast %max3A_20 : f32 to vector<2560x128xf32>
    %max3A_22 = arith.maximumf %mul3A_17, %max3A_21 : vector<2560x128xf32>
    %add3A_23 = arith.addf %max3A_19, %max3A_22 : vector<2560x128xf32>
    %mul3A_24 = arith.constant 5.000000e-01 : f32
    %mul3A_25 = vector.broadcast %mul3A_24 : f32 to vector<2560x128xf32>
    %mul3A_26 = arith.mulf %add3A_23, %mul3A_25 : vector<2560x128xf32>
    %get3A_27 = arith.constant 0 : index
    %get3A_28 = arith.constant 0 : index
    %get3A_29 = vector.load %arg6[%get3A_27, %get3A_28] : memref<128x128xf32, #tpu.memory_space<vmem>>, vector<128x128xf32>
    %dot_general3A = arith.constant dense<0.000000e+00> : vector<2560x128xf32>
    %dot_general3A_30 = tpu.matmul %mul3A_26, %get3A_29, %dot_general3A {dimension_numbers = #tpu.dot_dimension_numbers<[1], [0], [0], [1], [0, 0, 1, 1], [], []>, transpose_lhs_hint = false} : vector<2560x128xf32>, vector<128x128xf32>, vector<2560x128xf32> -> vector<2560x128xf32>
    %swap3A = arith.constant 0 : index
    %swap3A_31 = arith.constant 0 : index
    %swap3A_32 = vector.load %arg7[%swap3A, %swap3A_31] : memref<2560x128xf32, #tpu.memory_space<vmem>>, vector<2560x128xf32>
    tpu.vector_store %arg7[%swap3A, %swap3A_31], %dot_general3A_30 {strides = array<i32>} : memref<2560x128xf32, #tpu.memory_space<vmem>>, vector<2560x128xf32>,
    %get3A_33 = arith.constant 0 : index
    %get3A_34 = arith.constant 0 : index
    %get3A_35 = vector.load %arg4[%get3A_33, %get3A_34] : memref<128x128xf32, #tpu.memory_space<vmem>>, vector<128x128xf32>
    %dot_general3A_36 = arith.constant dense<0.000000e+00> : vector<2560x128xf32>
    %dot_general3A_37 = tpu.matmul %mul3A_26, %get3A_35, %dot_general3A_36 {dimension_numbers = #tpu.dot_dimension_numbers<[1], [0], [0], [1], [0, 0, 1, 1], [], []>, transpose_lhs_hint = false} : vector<2560x128xf32>, vector<128x128xf32>, vector<2560x128xf32> -> vector<2560x128xf32>
    %get3A_38 = arith.constant 0 : index
    %get3A_39 = arith.constant 0 : index
    %get3A_40 = vector.load %arg5[%get3A_38, %get3A_39] : memref<1x128xf32, #tpu.memory_space<vmem>>, vector<1x128xf32>
    %add3A_41 = vector.broadcast %get3A_40 : vector<1x128xf32> to vector<2560x128xf32>
    %add3A_42 = arith.addf %dot_general3A_37, %add3A_41 : vector<2560x128xf32>
    %swap3A_43 = arith.constant 0 : index
    %swap3A_44 = arith.constant 0 : index
    %swap3A_45 = vector.load %arg8[%swap3A_43, %swap3A_44] : memref<2560x128xf32, #tpu.memory_space<vmem>>, vector<2560x128xf32>
    tpu.vector_store %arg8[%swap3A_43, %swap3A_44], %add3A_42 {strides = array<i32>} : memref<2560x128xf32, #tpu.memory_space<vmem>>, vector<2560x128xf32>,
    return
  }
  func.func @transform_0(%arg0: i32) -> (i32, i32) {
    %c0_i32 = arith.constant 0 : i32
    %c0_i32_0 = arith.constant 0 : i32
    return %arg0, %c0_i32 : i32, i32
  }
  func.func @transform_1(%arg0: i32) -> (i32, i32) {
    %c0_i32 = arith.constant 0 : i32
    %c0_i32_0 = arith.constant 0 : i32
    return %arg0, %c0_i32 : i32, i32
  }
  func.func @transform_2(%arg0: i32) -> (i32, i32) {
    %c0_i32 = arith.constant 0 : i32
    %c0_i32_0 = arith.constant 0 : i32
    %c0_i32_1 = arith.constant 0 : i32
    return %c0_i32, %c0_i32_0 : i32, i32
  }
  func.func @transform_3(%arg0: i32) -> (i32, i32) {
    %c0_i32 = arith.constant 0 : i32
    %c0_i32_0 = arith.constant 0 : i32
    %c0_i32_1 = arith.constant 0 : i32
    return %c0_i32, %c0_i32_0 : i32, i32
  }
  func.func @transform_4(%arg0: i32) -> (i32, i32) {
    %c0_i32 = arith.constant 0 : i32
    %c0_i32_0 = arith.constant 0 : i32
    %c0_i32_1 = arith.constant 0 : i32
    return %c0_i32, %c0_i32_0 : i32, i32
  }
  func.func @transform_5(%arg0: i32) -> (i32, i32) {
    %c0_i32 = arith.constant 0 : i32
    %c0_i32_0 = arith.constant 0 : i32
    %c0_i32_1 = arith.constant 0 : i32
    return %c0_i32, %c0_i32_0 : i32, i32
  }
  func.func @transform_6(%arg0: i32) -> (i32, i32) {
    %c0_i32 = arith.constant 0 : i32
    %c0_i32_0 = arith.constant 0 : i32
    return %arg0, %c0_i32 : i32, i32
  }
  func.func @transform_7(%arg0: i32) -> (i32, i32) {
    %c0_i32 = arith.constant 0 : i32
    %c0_i32_0 = arith.constant 0 : i32
    return %arg0, %c0_i32 : i32, i32
  }
}

module attributes {stable_mosaic.version = 14 : i64} {
  func.func @_stage3_kernel(%arg0: i32, %arg1: memref<2560x128xf32, #tpu.memory_space<vmem>>, %arg2: memref<2560x128xf32, #tpu.memory_space<vmem>>, %arg3: memref<2560x128xf32, #tpu.memory_space<vmem>>, %arg4: memref<2560x128xf32, #tpu.memory_space<vmem>>, %arg5: memref<2560x128xf32, #tpu.memory_space<vmem>>, %arg6: memref<8x128xf32, #tpu.memory_space<vmem>>) attributes {dimension_semantics = [#tpu.dimension_semantics<arbitrary>], iteration_bounds = array<i64: 125>, scalar_prefetch = 0 : i64, scratch_operands = 0 : i64, tpu.core_type = #tpu.core_type<tc>, window_params = [{transform_indices = @transform_0, window_bounds = array<i64: 2560, 128>}, {transform_indices = @transform_1, window_bounds = array<i64: 2560, 128>}, {transform_indices = @transform_2, window_bounds = array<i64: 2560, 128>}, {transform_indices = @transform_3, window_bounds = array<i64: 2560, 128>}, {transform_indices = @transform_4, window_bounds = array<i64: 2560, 128>}, {pipeline_mode = #tpu.pipeline_mode<synchronous>, transform_indices = @transform_5, window_bounds = array<i64: 8, 128>}]} {
    %get3A = arith.constant 0 : index
    %get3A_0 = arith.constant 0 : index
    %get3A_1 = vector.load %arg1[%get3A, %get3A_0] : memref<2560x128xf32, #tpu.memory_space<vmem>>, vector<2560x128xf32>
    %get3A_2 = arith.constant 0 : index
    %get3A_3 = arith.constant 0 : index
    %get3A_4 = vector.load %arg4[%get3A_2, %get3A_3] : memref<2560x128xf32, #tpu.memory_space<vmem>>, vector<2560x128xf32>
    %get3A_5 = arith.constant 0 : index
    %get3A_6 = arith.constant 0 : index
    %get3A_7 = vector.load %arg5[%get3A_5, %get3A_6] : memref<2560x128xf32, #tpu.memory_space<vmem>>, vector<2560x128xf32>
    %get3A_8 = arith.constant 0 : index
    %get3A_9 = arith.constant 0 : index
    %get3A_10 = vector.load %arg2[%get3A_8, %get3A_9] : memref<2560x128xf32, #tpu.memory_space<vmem>>, vector<2560x128xf32>
    %add3A = arith.addf %get3A_1, %get3A_10 : vector<2560x128xf32>
    %mul3A = arith.mulf %add3A, %get3A_4 : vector<2560x128xf32>
    %get3A_11 = arith.constant 0 : index
    %get3A_12 = arith.constant 0 : index
    %get3A_13 = vector.load %arg3[%get3A_11, %get3A_12] : memref<2560x128xf32, #tpu.memory_space<vmem>>, vector<2560x128xf32>
    %add3A_14 = arith.addf %get3A_1, %get3A_13 : vector<2560x128xf32>
    %mul3A_15 = arith.mulf %add3A_14, %get3A_7 : vector<2560x128xf32>
    %max3A = arith.constant 0.000000e+00 : f32
    %max3A_16 = vector.broadcast %max3A : f32 to vector<2560x128xf32>
    %max3A_17 = arith.maximumf %mul3A, %max3A_16 : vector<2560x128xf32>
    %max3A_18 = arith.constant 0.000000e+00 : f32
    %max3A_19 = vector.broadcast %max3A_18 : f32 to vector<2560x128xf32>
    %max3A_20 = arith.maximumf %mul3A_15, %max3A_19 : vector<2560x128xf32>
    %add3A_21 = arith.addf %max3A_17, %max3A_20 : vector<2560x128xf32>
    %add3A_22 = arith.addf %get3A_4, %get3A_7 : vector<2560x128xf32>
    %mul3A_23 = arith.constant 5.000000e-01 : f32
    %mul3A_24 = vector.broadcast %mul3A_23 : f32 to vector<2560x128xf32>
    %mul3A_25 = arith.mulf %add3A_22, %mul3A_24 : vector<2560x128xf32>
    %mul3A_26 = arith.mulf %add3A_21, %mul3A_25 : vector<2560x128xf32>
    %reshape3A = vector.shape_cast %mul3A_26 : vector<2560x128xf32> to vector<320x8x128xf32>
    %reduce_sum3A = arith.constant dense<0.000000e+00> : vector<8x128xf32>
    %reduce_sum3A_27 = vector.multi_reduction <add>, %reshape3A, %reduce_sum3A [0] : vector<320x8x128xf32> to vector<8x128xf32>
    %eq3A = arith.constant 0 : i32
    %eq3A_28 = arith.cmpi eq, %arg0, %eq3A : i32
    %convert_element_type3A = arith.extui %eq3A_28 : i1 to i32
    %cond3A = arith.constant 0 : i32
    %cond3A_29 = arith.cmpi ne, %convert_element_type3A, %cond3A : i32
    scf.if %cond3A_29 {
      %broadcast_in_dim3A = arith.constant 0.000000e+00 : f32
      %broadcast_in_dim3A_36 = vector.broadcast %broadcast_in_dim3A : f32 to vector<8x128xf32>
      %swap3A_37 = arith.constant 0 : index
      %swap3A_38 = arith.constant 0 : index
      %swap3A_39 = vector.load %arg6[%swap3A_37, %swap3A_38] : memref<8x128xf32, #tpu.memory_space<vmem>>, vector<8x128xf32>
      tpu.vector_store %arg6[%swap3A_37, %swap3A_38], %broadcast_in_dim3A_36 {strides = array<i32>} : memref<8x128xf32, #tpu.memory_space<vmem>>, vector<8x128xf32>,
    } else {
    }
    %get3A_30 = arith.constant 0 : index
    %get3A_31 = arith.constant 0 : index
    %get3A_32 = vector.load %arg6[%get3A_30, %get3A_31] : memref<8x128xf32, #tpu.memory_space<vmem>>, vector<8x128xf32>
    %add3A_33 = arith.addf %get3A_32, %reduce_sum3A_27 : vector<8x128xf32>
    %swap3A = arith.constant 0 : index
    %swap3A_34 = arith.constant 0 : index
    %swap3A_35 = vector.load %arg6[%swap3A, %swap3A_34] : memref<8x128xf32, #tpu.memory_space<vmem>>, vector<8x128xf32>
    tpu.vector_store %arg6[%swap3A, %swap3A_34], %add3A_33 {strides = array<i32>} : memref<8x128xf32, #tpu.memory_space<vmem>>, vector<8x128xf32>,
    return
  }
  func.func @transform_0(%arg0: i32) -> (i32, i32) {
    %c0_i32 = arith.constant 0 : i32
    %c0_i32_0 = arith.constant 0 : i32
    return %arg0, %c0_i32 : i32, i32
  }
  func.func @transform_1(%arg0: i32) -> (i32, i32) {
    %c0_i32 = arith.constant 0 : i32
    %c0_i32_0 = arith.constant 0 : i32
    return %arg0, %c0_i32 : i32, i32
  }
  func.func @transform_2(%arg0: i32) -> (i32, i32) {
    %c0_i32 = arith.constant 0 : i32
    %c0_i32_0 = arith.constant 0 : i32
    return %arg0, %c0_i32 : i32, i32
  }
  func.func @transform_3(%arg0: i32) -> (i32, i32) {
    %c2_i32 = arith.constant 2 : i32
    %c0_i32 = arith.constant 0 : i32
    return %arg0, %c2_i32 : i32, i32
  }
  func.func @transform_4(%arg0: i32) -> (i32, i32) {
    %c2_i32 = arith.constant 2 : i32
    %c0_i32 = arith.constant 0 : i32
    return %arg0, %c2_i32 : i32, i32
  }
  func.func @transform_5(%arg0: i32) -> (i32, i32) {
    %c0_i32 = arith.constant 0 : i32
    %c0_i32_0 = arith.constant 0 : i32
    %c0_i32_1 = arith.constant 0 : i32
    return %c0_i32, %c0_i32_0 : i32, i32
  }
}

</mosaic_0001>

<sc_bundles>
// kernel: kernel.11.cloned.1.call-start
scs
__scs_entry_jumppad:
0x0: {  	(pc) =	sbr.rel $0x88, $3  }
0x1: {  	(tag) =	ssettag $0x0;
	lr =	simm.s32 $0x1  }
0x2: {  	[smem:$0x3F8F] =	sst lr;
	_ =	strace $0xD0000000  }
0x3: {  	_ = 	snop  }
0x4: {  	_ = 	snop  }
0x5: {  	_ = 	snop  }
0x6: {  	_ = 	snop  }
0x7: {  	_ = 	snop  }
__scs_overlays_trampoline_lowered:
0x8: {  	[smem:$0x3F9E] =	sst s0  }
0x9: {  	[smem:$0x3F9F] =	sst s1  }
0xa: {  	[smem:$0x3FA0] =	sst s2  }
0xb: {  	[smem:$0x3FA1] =	sst s3  }
0xc: {  	[smem:$0x3FA2] =	sst s4  }
0xd: {  	[smem:$0x3FA3] =	sst s5  }
0xe: {  	[smem:$0x3FA4] =	sst s6  }
0xf: {  	[smem:$0x3FA5] =	sst s7  }
0x10: {  	[smem:$0x3FA6] =	sst s8  }
0x11: {  	[smem:$0x3FA7] =	sst s9;
	s0 =	simm.s32 @!p0 $0x0  }
0x12: {  	s1 =	sld [smem:$0x3F8D];
	s0 =	simm.s32 @p0 $0x1  }
0x13: {  	[smem:$0x3FA8] =	sst s0;
	s0 =	simm.s32 @!p1 $0x0  }
0x14: {  	s2 =	sld [smem:$0x3F8C];
	s0 =	simm.s32 @p1 $0x1  }
0x15: {  	[smem:$0x3FA9] =	sst s0;
	s0 =	simm.s32 @!p2 $0x0  }
0x16: {  	s3 =	sld [smem:$0x3FDB];
	s0 =	simm.s32 @p2 $0x1  }
0x17: {  	s4 =	simm.s32 $0x1BF5;
	[smem:$0x3FAB] =	sst s0  }
0x18: {  	s0 =	sld [smem:$0x3F8E];
	_ =	swait.ge [sflag:s4], $0x0  }
0x19: {  	s7 =	sld [smem:$0x3F8F]  }
0x1a: {  	s8 =	sadd.s32 $0xFFFFE003, lr  }
0x1b: {  	s9 =	sadd.s32 $0xFFFFFEF7, lr;
	s5 =	simm.s32 $0xFFFFFFFF;
	p2 =	slt.u32 s8, $0xFFFFF086  }
0x1c: {  	p1 =	slt.u32 s9, $0xF7A;
	s5 =	simm.s32 @!p2 $0x0  }
0x1d: {  	s5 =	simm.s32 @p1 $0x1;
	p0 =	seq.s32 s7, s2  }
0x1e: {  	s7 =	smul.u32 @!p0 $0xF7A, s2;
	p2 =	seq.s32 @!p0 s5, $0x0  }
0x1f: {  	s9 =	smul.u32 $0xF7A, s1;
	s8 =	simm.s32 @!p0 $0x1BF5;
	p2 =	por !p2, p0  }
0x20: {  	[sflag:s8] =	ssyncset.s32 @!p0 $0xFFFFF086;
	s6 =	sadd.s32 @!p0 s3, s7;
	s7 =	simm.s32 @!p0 $0x108  }
0x21: {  	s3 =	sadd.s32 s3, s9;
	s6 =	sadd.s32 @!p0 $0x88, s6;
	s7 =	simm.s32 @p2 $0x1082  }
0x22: {  	[simem:s7], [sflag:s8] =	dma.local @!p0 [hbm:s6], $0xF7A  }
0x23: {  	s9 =	sor.u32 $0xD0000000, s2;
	s6 =	simm.s32 $0x108;
	_ =	swait.ge @!p0 [sflag:s8], $0x0  }
0x24: {  	s3 =	sadd.s32 $0x88, s3;
	s6 =	simm.s32 @!p1 $0x1082;
	[sflag:s4] =	ssyncset.s32 $0xFFFFF086  }
0x25: {  	[simem:s6], [sflag:s4] =	dma.local [hbm:s3], $0xF7A  }
0x26: {  	[smem:$0x3F8F] =	sst s1;
	(tag) =	ssettag s2;
	_ =	strace s9  }
0x27: {  	s1 =	sld [smem:$0x3F9F]  }
0x28: {  	s2 =	sld [smem:$0x3FA0]  }
0x29: {  	s4 =	sld [smem:$0x3FA2]  }
0x2a: {  	p0 =	seq.s32 s5, $0x0;
	s5 =	sld [smem:$0x3FA3]  }
0x2b: {  	s6 =	sld [smem:$0x3FA4]  }
0x2c: {  	s7 =	sld [smem:$0x3FA5]  }
0x2d: {  	s3 =	simm.s32 $0x108;
	s8 =	sld [smem:$0x3FA6]  }
0x2e: {  	s3 =	simm.s32 @!p0 $0x1082;
	s9 =	sld [smem:$0x3FA7]  }
0x2f: {  	lr =	sadd.s32 s0, s3;
	s0 =	sld [smem:$0x3F9E]  }
0x30: {  	s3 =	sld [smem:$0x3FA1]  }
0x31: {  	[smem:$0x3FAA] =	sst s10  }
0x32: {  	s10 =	sld [smem:$0x3FA8];
	_ =	sdelay $0x3  }
0x33: {  	p0 =	seq.s32 s10, $0x1;
	s10 =	sld [smem:$0x3FAA];
	_ =	sdelay $0x3  }
0x34: {  	[smem:$0x3FAA] =	sst s10  }
0x35: {  	s10 =	sld [smem:$0x3FA9];
	_ =	sdelay $0x3  }
0x36: {  	p1 =	seq.s32 s10, $0x1;
	s10 =	sld [smem:$0x3FAA];
	_ =	sdelay $0x3  }
0x37: {  	[smem:$0x3FAA] =	sst s10  }
0x38: {  	s10 =	sld [smem:$0x3FAB]  }
0x39: {  	_ = 	snop;
	(pc) =	sbr.ind lr, $3  }
0x3a: {  	_ = 	snop  }
0x3b: {  	_ = 	snop  }
0x3c: {  	p2 =	seq.s32 s10, $0x1;
	s10 =	sld [smem:$0x3FAA]  }
0x3d: {  	_ =	shalt  }
0x3e: {  	_ =	shalt  }
0x3f: {  	_ =	shalt  }
0x40: {  	_ =	shalt  }
0x41: {  	_ =	shalt  }
0x42: {  	_ =	shalt  }
0x43: {  	_ =	shalt  }
0x44: {  	_ =	shalt  }
0x45: {  	_ =	shalt  }
0x46: {  	_ =	shalt  }
0x47: {  	_ =	shalt  }
0x48: {  	_ =	shalt  }
0x49: {  	_ =	shalt  }
0x4a: {  	_ =	shalt  }
0x4b: {  	_ =	shalt  }
0x4c: {  	_ =	shalt  }
0x4d: {  	_ =	shalt  }
0x4e: {  	_ =	shalt  }
0x4f: {  	_ =	shalt  }
0x50: {  	_ =	shalt  }
0x51: {  	_ =	shalt  }
0x52: {  	_ =	shalt  }
0x53: {  	_ =	shalt  }
0x54: {  	_ =	shalt  }
0x55: {  	_ =	shalt  }
0x56: {  	_ =	shalt  }
0x57: {  	_ =	shalt  }
0x58: {  	_ =	shalt  }
0x59: {  	_ =	shalt  }
0x5a: {  	_ =	shalt  }
0x5b: {  	_ =	shalt  }
0x5c: {  	_ =	shalt  }
0x5d: {  	_ =	shalt  }
0x5e: {  	_ =	shalt  }
0x5f: {  	_ =	shalt  }
0x60: {  	_ =	shalt  }
0x61: {  	_ =	shalt  }
0x62: {  	_ =	shalt  }
0x63: {  	_ =	shalt  }
0x64: {  	_ =	shalt  }
0x65: {  	_ =	shalt  }
0x66: {  	_ =	shalt  }
0x67: {  	_ =	shalt  }
0x68: {  	_ =	shalt  }
0x69: {  	_ =	shalt  }
0x6a: {  	_ =	shalt  }
0x6b: {  	_ =	shalt  }
0x6c: {  	_ =	shalt  }
0x6d: {  	_ =	shalt  }
0x6e: {  	_ =	shalt  }
0x6f: {  	_ =	shalt  }
0x70: {  	_ =	shalt  }
0x71: {  	_ =	shalt  }
0x72: {  	_ =	shalt  }
0x73: {  	_ =	shalt  }
0x74: {  	_ =	shalt  }
0x75: {  	_ =	shalt  }
0x76: {  	_ =	shalt  }
0x77: {  	_ =	shalt  }
0x78: {  	_ =	shalt  }
0x79: {  	_ =	shalt  }
0x7a: {  	_ =	shalt  }
0x7b: {  	_ =	shalt  }
0x7c: {  	_ =	shalt  }
0x7d: {  	_ =	shalt  }
0x7e: {  	_ =	shalt  }
0x7f: {  	_ =	shalt  }
0x80: {  	_ =	shalt  }
0x81: {  	_ =	shalt  }
0x82: {  	_ =	shalt  }
0x83: {  	_ =	shalt  }
0x84: {  	_ =	shalt  }
0x85: {  	_ =	shalt  }
0x86: {  	_ =	shalt  }
0x87: {  	_ =	shalt  }
.Lfunc_end0:
.L_simem_size_0:
called_computation_lowered:
.L_overlay_start_0:
0x88: {  	s2 =	sld [smem:$0x3FD9]  }
0x89: {  	s3 =	sld [smem:$0x3FFE];
	_ =	sdelay $0x1  }
0x8a: {  	s1 =	srdreg.scid  }
0x8b: {  	s0 =	sand.u32 $0x1, s1  }
0x8c: {  	s16 =	sshll.u32 s0, $0xA;
	s2 =	sadd.s32 s3, s2  }
0x8d: {  	s2 =	sadd.s32 s2, s16  }
0x8e: {  	[smem:$0x3FB6] =	sst s2  }
0x8f: {  	_ = 	snop  }
0x90: {  	(tm) =	ssettm $0x1  }
0x91: {  	s17 =	sld [smem:$0x3FFB];
	_ =	sdelay $0x3  }
0x92: {  	_ =	strace s17  }
0x93: {  	s2 =	sld [smem:$0x3FFC];
	_ =	sdelay $0x3  }
0x94: {  	_ =	strace s2  }
0x95: {  	s2 =	sld [smem:$0x3FFD];
	_ =	sdelay $0x3  }
0x96: {  	_ =	strace s2  }
0x97: {  	_ =	strace $0x8FFFFFFF  }
0x98: {  	s18 =	sld [smem:$0x3FDB];
	_ =	sdelay $0x1  }
0x99: {  	s19 =	simm.s32 $_scs_section_size  }
0x9a: {  	s4 =	simm.s32 $_size__tile_overlayer_lowered;
	s5 =	simm.s32 $_tile_overlayer_lowered  }
0x9b: {  	s22 =	simm.s32 $0x1BFF;
	s21 =	sshll.u32 s5, $0x1;
	s2 =	sadd.s32 s19, s18  }
0x9c: {  	s6 =	simm.s32 $0x0;
	s20 =	sshll.u32 s4, $0x1;
	s4 =	sadd.s32 s21, s2  }
0x9d: {  	[timem:s6], [sflag:s22] =	dma.local [hbm:s4], s20  }
0x9e: {  	_ =	swait.ge [sflag:s22], s20  }
0x9f: {  	s3 =	ssub.s32 $0x0, s20;
	[sflag:s22] =	ssyncset.done $0x0  }
0xa0: {  	[sflag:s22] =	ssyncadd.s32 s3;
	_ =	sdelay $0x1  }
0xa1: {  	s23 =	simm.s32 $0x1B8B  }
0xa2: {  	_ =	swait.ge [sflag:s23], $0x1  }
0xa3: {  	[sflag:s23] =	ssyncset.done $0x0  }
0xa4: {  	s25 =	simm.s32 $0x1B8E;
	s24 =	sld [smem:$0x3FFE];
	[sflag:s23] =	ssyncadd.s32 $0xFFFFFFFF  }
0xa5: {  	s26 =	simm.s32 $execute0_lowered;
	[smem:$0x3FD2] =	sst s25  }
0xa6: {  	s4 =	sshll.u32 s26, $0x1;
	_ =	strace $0x80000046;
	[dreg:$0x1] =	wrdreg $0xFFFFFFFF  }
0xa7: {  	s28 =	simm.s32 $_size_execute0_lowered;
	s2 =	sadd.s32 s2, s4;
	[dreg:$0x0] =	wrdreg $0x0  }
0xa8: {  	s4 =	sshll.u32 s28, $0x1;
	[dreg:$0x2] =	wrdreg s2  }
0xa9: {  	[dreg:$0x3] =	wrdreg s4  }
0xaa: {  	[dreg:$0x4] =	wrdreg $0xC0  }
0xab: {  	_ =	task [dreg:s6], $0x5FFFF  }
0xac: {  	[dreg:$0x1] =	wrdreg $0xFFFFFFFF  }
0xad: {  	[dreg:$0x0] =	wrdreg $0x60  }
0xae: {  	[dreg:$0x2] =	wrdreg s24  }
0xaf: {  	[dreg:$0x3] =	wrdreg $0x49000  }
0xb0: {  	[dreg:$0x4] =	wrdreg $0x9  }
0xb1: {  	_ =	task.clear_ibuf [dreg:s6], $0x5FFFF;
	_ =	strace $0x90000046  }
0xb2: {  	s29 =	simm.s32 $0x9;
	_ =	strace $0x80000048  }
0xb3: {  	_ =	swait.ge [sflag:s29], $0x1  }
0xb4: {  	[sflag:s29] =	ssyncadd.s32 $0xFFFFFFFF  }
0xb5: {  	_ =	strace $0x90000048  }
0xb6: {  	_ =	sfence  }
0xb7: {  	s30 =	sld [smem:$0x0];
	_ =	sdelay $0x2  }
0xb8: {  	s31 =	sshll.u32 s1, $0xD;
	s1 =	sshrl.u32 s1, $0x2  }
0xb9: {  	s3 =	sand.u32 $0x4000, s31;
	s1 =	sadd.s32 s1, s30  }
0xba: {  	s0 =	sor.u32 s3, s0;
	s1 =	sshll.u32 s1, $0x11  }
0xbb: {  	s0 =	sor.u32 s1, s0  }
0xbc: {  	s0 =	sadd.s32 $0x8F2B, s0  }
0xbd: {  	[sflag:s0] =	ssyncadd.remote.s32 $0x1  }
0xbe: {  	_ =	sfence.sel $0xFFFF  }
0xbf: {  	[dreg:$0x0] =	wrdreg $0xFFFFFFFF;
	(pc) =	sbr.abs _section_cstart, $3  }
0xc0: {  	[dreg:$0x1] =	wrdreg $0xFFFFFFFF  }
0xc1: {  	_ =	task.clear_ibuf [dreg:s6], $0x2FFFF;
	_ =	strace $0x9FFFFFFF  }
0xc2: {  	(tm) =	ssettm $0x7FFFFFFF  }
0xc3: {  	_ =	shalt  }
tec
execute0_lowered:
.L_overlay_start_1:
0x0: {  	(tag) =	ssettag $0x1  }
0x1: {  	s0 =	rddreg [dreg:$0x0];
	s1 =	srdreg.scid  }
0x2: {  	s11 =	stileid.u32;
	s2 =	rddreg [dreg:$0x1];
	s3 =	simm.s32 $0x0  }
0x3: {  	s28 =	simm.s32 $0x2900;
	s29 =	simm.s32 $0x1;
	s4 =	smul.u32 $0x280, s11  }
0x4: {  	s30 =	simm.s32 $0x80;
	s31 =	simm.s32 $0x50;
	s6 =	smul.u32 $0x50000, s11  }
0x5: {  	s1 =	sand.u32 $0x1, s1;
	[smem:$0x7FF] =	sst s3;
	s15 =	smul.u32 $0x4E20, s11  }
0x6: {  	s13 =	sadd.s32 $0x5400, s0;
	s5 =	smul.u32 $0x2800, s1;
	s22 =	ssub.s32 $0x2, s1  }
0x7: {  	_ =	strace $0x80000047;
	s1 =	smul.u32 $0x2710, s1;
	s8 =	sshrl.u32 s22, $0x1  }
0x8: {  	s6 =	sshrl.u32 s6, $0x2;
	s4 =	sadd.s32 s4, s5;
	s14 =	ssub.s32 s22, s8  }
0x9: {  	s1 =	sadd.s32 s1, s15;
	s7 =	sshll.u32 s4, $0x4;
	s4 =	sadd.s32 s6, s2  }
0xa: {  	s15 =	sadd.s32 $0x4E200, s1;
	s1 =	sshrl.u32 s1, $0x3;
	s0 =	sadd.s32 s7, s0  }
0xb: {  	s5 =	sadd.s32 $0x2000, s4;
	s6 =	sadd.s32 $0x4000, s4;
	s7 =	sadd.s32 $0x6000, s4  }
0xc: {  	s8 =	sadd.s32 $0x8000, s4;
	s9 =	sadd.s32 $0xA000, s4;
	s10 =	sadd.s32 $0xC000, s4  }
0xd: {  	s11 =	sadd.s32 $0xE000, s4;
	s12 =	sadd.s32 $0x10000, s4;
	s15 =	sshrl.u32 s15, $0x3  }
0xe: {  	s21 =	sadd.s32 s1, s13;
	s1 =	simm.s32 $0x100;
	s16 =	sadd.s32 $0x18E00, s0  }
0xf: {  	s23 =	sadd.s32 $0x19200, s0;
	s24 =	sadd.s32 $0x19600, s0;
	[dreg:$0x3] =	wrdreg s16  }
0x10: {  	s25 =	sadd.s32 $0x19A00, s0;
	s26 =	sadd.s32 $0x19E00, s0;
	[dreg:$0x4] =	wrdreg s23  }
0x11: {  	s18 =	sadd.s32 $0x1A200, s0;
	s19 =	sadd.s32 $0x1A600, s0;
	[dreg:$0x5] =	wrdreg s24  }
0x12: {  	s20 =	sadd.s32 $0x1AA00, s0;
	s22 =	sadd.s32 s15, s13;
	[dreg:$0x6] =	wrdreg s25  }
0x13: {  	[dreg:$0x7] =	wrdreg s26;
	s23 =	sadd.s32 $0x1AE00, s0;
	s24 =	sadd.s32 $0x1B200, s0  }
0x14: {  	v0 =	vimm.f32 $0.0e+00;
	v1 =	vimm.f32 $1.000000000e+00;
	s25 =	smax.u32 s14, $0x1;
	s26 =	sadd.s32 $0x12000, s4;
	s0 =	simm.s32 $0x0  }
.LBB2_1:
0x15: {  	s13 =	sand.u32 $0x7E00, s3  }
0x16: {  	s14 =	sand.u32 $0x70, s3;
	s15 =	sshrl.u32 s13, $0x2  }
0x17: {  	s13 =	simm.s32 $0x40;
	s15 =	sor.u32 s14, s15;
	s14 =	simm.s32 $0x0  }
.LBB2_2:
0x18: {  	p0 =	sne.s32 s13, $0x7FC0  }
0x19: {  	[tilespmem:s15+$0x2900] =	vst v0;
	s14 =	sadd.s32 $0x10, s14;
	s15 =	smov.u32 s13;
	s13 =	sadd.s32 $0x40, s13  }
.Ltmp0:
0x1a: {  	(pc) =	sbr.rel @p0 .LBB2_2-.Ltmp0, $4  }
0x1b: {  	_ = 	snop  }
0x1c: {  	s15 =	sand.u32 $0x7E00, s15  }
0x1d: {  	s16 =	sand.u32 $0x70, s14;
	s15 =	sshrl.u32 s15, $0x2  }
0x1e: {  	s15 =	sor.u32 s16, s15  }
0x1f: {  	[tilespmem:s15+$0x2900] =	vst v0  }
0x20: {  	[spmem:s4] =	stream.linear.scatter [tilespmem:s28], [sflag:$0x1], $0x2000, $0x38;
	[tilespmem:$0x18900] =	vst v63  }
0x21: {  	_ =	swait.ge [sflag:s29], $0x2000  }
0x22: {  	[sflag:s29] =	ssyncset.done $0x0  }
0x23: {  	[sflag:s29] =	ssyncadd.s32 $0xFFFFE000  }
0x24: {  	[spmem:s5] =	stream.linear.scatter [tilespmem:s28], [sflag:$0x1], $0x2000, $0x38;
	[tilespmem:$0x18900] =	vst v63  }
0x25: {  	_ =	swait.ge [sflag:s29], $0x2000  }
0x26: {  	[sflag:s29] =	ssyncset.done $0x0  }
0x27: {  	[sflag:s29] =	ssyncadd.s32 $0xFFFFE000  }
0x28: {  	[spmem:s6] =	stream.linear.scatter [tilespmem:s28], [sflag:$0x1], $0x2000, $0x38;
	[tilespmem:$0x18900] =	vst v63  }
0x29: {  	_ =	swait.ge [sflag:s29], $0x2000  }
0x2a: {  	[sflag:s29] =	ssyncset.done $0x0  }
0x2b: {  	[sflag:s29] =	ssyncadd.s32 $0xFFFFE000  }
0x2c: {  	[spmem:s7] =	stream.linear.scatter [tilespmem:s28], [sflag:$0x1], $0x2000, $0x38;
	[tilespmem:$0x18900] =	vst v63  }
0x2d: {  	_ =	swait.ge [sflag:s29], $0x2000  }
0x2e: {  	[sflag:s29] =	ssyncset.done $0x0  }
0x2f: {  	[sflag:s29] =	ssyncadd.s32 $0xFFFFE000  }
0x30: {  	[spmem:s8] =	stream.linear.scatter [tilespmem:s28], [sflag:$0x1], $0x2000, $0x38;
	[tilespmem:$0x18900] =	vst v63  }
0x31: {  	_ =	swait.ge [sflag:s29], $0x2000  }
0x32: {  	[sflag:s29] =	ssyncset.done $0x0  }
0x33: {  	[sflag:s29] =	ssyncadd.s32 $0xFFFFE000  }
0x34: {  	[spmem:s9] =	stream.linear.scatter [tilespmem:s28], [sflag:$0x1], $0x2000, $0x38;
	[tilespmem:$0x18900] =	vst v63  }
0x35: {  	_ =	swait.ge [sflag:s29], $0x2000  }
0x36: {  	[sflag:s29] =	ssyncset.done $0x0  }
0x37: {  	[sflag:s29] =	ssyncadd.s32 $0xFFFFE000  }
0x38: {  	[spmem:s10] =	stream.linear.scatter [tilespmem:s28], [sflag:$0x1], $0x2000, $0x38;
	[tilespmem:$0x18900] =	vst v63  }
0x39: {  	_ =	swait.ge [sflag:s29], $0x2000  }
0x3a: {  	[sflag:s29] =	ssyncset.done $0x0  }
0x3b: {  	[sflag:s29] =	ssyncadd.s32 $0xFFFFE000  }
0x3c: {  	[spmem:s11] =	stream.linear.scatter [tilespmem:s28], [sflag:$0x1], $0x2000, $0x38;
	[tilespmem:$0x18900] =	vst v63  }
0x3d: {  	_ =	swait.ge [sflag:s29], $0x2000  }
0x3e: {  	[sflag:s29] =	ssyncset.done $0x0  }
0x3f: {  	[sflag:s29] =	ssyncadd.s32 $0xFFFFE000  }
0x40: {  	[spmem:s12] =	stream.linear.scatter [tilespmem:s28], [sflag:$0x1], $0x2000, $0x38;
	[tilespmem:$0x18900] =	vst v63  }
0x41: {  	_ =	swait.ge [sflag:s29], $0x2000  }
0x42: {  	[sflag:s29] =	ssyncset.done $0x0  }
0x43: {  	s13 =	simm.s32 $0x0;
	[sflag:s29] =	ssyncadd.s32 $0xFFFFE000  }
0x44: {  	[spmem:s26] =	stream.linear.scatter [tilespmem:s28], [sflag:$0x1], $0x2000, $0x38;
	[tilespmem:$0x18900] =	vst v63  }
0x45: {  	s14 =	sand.u32 $0xFE00, s13;
	_ =	swait.ge [sflag:s29], $0x2000  }
0x46: {  	s17 =	sand.u32 $0x70, s13;
	s16 =	sshrl.u32 s14, $0x2;
	[sflag:s29] =	ssyncset.done $0x0  }
0x47: {  	s14 =	simm.s32 $0x40;
	s15 =	sor.u32 s17, s16;
	[sflag:s29] =	ssyncadd.s32 $0xFFFFE000  }
.LBB2_4:
0x48: {  	p0 =	sne.s32 s14, $0x9FC0  }
0x49: {  	[tilespmem:s15+$0x100] =	vst v1;
	s13 =	sadd.s32 $0x10, s13;
	s15 =	smov.u32 s14;
	s14 =	sadd.s32 $0x40, s14  }
.Ltmp1:
0x4a: {  	(pc) =	sbr.rel @p0 .LBB2_4-.Ltmp1, $4  }
0x4b: {  	_ = 	snop  }
0x4c: {  	s15 =	sand.u32 $0xFE00, s15  }
0x4d: {  	s16 =	sand.u32 $0x70, s13;
	s15 =	sshrl.u32 s15, $0x2  }
0x4e: {  	s15 =	sor.u32 s16, s15  }
0x4f: {  	[tilespmem:s15+$0x100] =	vst v1  }
0x50: {  	s13 =	sadd.s32 $0x0, s21;
	[bflag:$0x0] =	sbarrier.arrive $0xFFFF  }
0x51: {  	[tilespmem:s3], [sflag:$0x1] =	stream.linear.gather [hbm4b:s13+s3], $0x50, $0x38;
	[tilespmem:$0x18900] =	vst v63  }
0x52: {  	_ =	swait.ge [sflag:s29], $0x50  }
0x53: {  	[sflag:s29] =	ssyncset.done $0x0  }
0x54: {  	s17 =	sadd.s32 $0x0, s22;
	[sflag:s29] =	ssyncadd.s32 $0xFFFFFFB0  }
0x55: {  	[tilespmem:s30], [sflag:$0x1] =	stream.linear.gather [hbm4b:s17+s3], $0x50, $0x38;
	[tilespmem:$0x18900] =	vst v63  }
0x56: {  	_ =	swait.ge [sflag:s29], $0x50  }
0x57: {  	[sflag:s29] =	ssyncset.done $0x0  }
0x58: {  	[sflag:s29] =	ssyncadd.s32 $0xFFFFFFB0  }
0x59: {  	[spmem:s2] =	stream.indirect.scatter.add.f32 [tilespmem:s1], [sflag:$0x1], $0x80, s3, s31, $0xb8;
	[tilespmem:$0x18900] =	vst v63  }
0x5a: {  	_ =	swait.ge [sflag:s29], $0x2800  }
0x5b: {  	[sflag:s29] =	ssyncset.done $0x0  }
0x5c: {  	[sflag:s29] =	ssyncadd.s32 $0xFFFFD800  }
0x5d: {  	[spmem:s2] =	stream.indirect.scatter.add.f32 [tilespmem:s1], [sflag:$0x1], $0x80, s30, s31, $0xb8;
	[tilespmem:$0x18900] =	vst v63  }
0x5e: {  	_ =	swait.ge [sflag:s29], $0x2800  }
0x5f: {  	s14 =	simm.s32 $0x14;
	s13 =	simm.s32 $0xA;
	[sflag:s29] =	ssyncset.done $0x0  }
.LBB2_6:
0x60: {  	s15 =	sadd.s32 s13, s21  }
0x61: {  	[sflag:s29] =	ssyncadd.s32 $0xFFFFD800;
	s16 =	smov.u32 s14;
	s17 =	sadd.s32 $0xA, s14  }
0x62: {  	[tilespmem:s3], [sflag:$0x1] =	stream.linear.gather [hbm4b:s15+s3], $0x50, $0x38;
	[tilespmem:$0x18900] =	vst v63  }
0x63: {  	p0 =	sne.s32 s14, $0x4D8;
	_ =	swait.ge [sflag:s29], $0x50  }
0x64: {  	[sflag:s29] =	ssyncset.done $0x0  }
0x65: {  	s14 =	sadd.s32 s13, s22;
	s13 =	smov.u32 s16;
	[sflag:s29] =	ssyncadd.s32 $0xFFFFFFB0  }
0x66: {  	[tilespmem:s30], [sflag:$0x1] =	stream.linear.gather [hbm4b:s14+s3], $0x50, $0x38;
	[tilespmem:$0x18900] =	vst v63  }
0x67: {  	_ =	swait.ge [sflag:s29], $0x50  }
0x68: {  	[sflag:s29] =	ssyncset.done $0x0  }
0x69: {  	[sflag:s29] =	ssyncadd.s32 $0xFFFFFFB0  }
0x6a: {  	[spmem:s2] =	stream.indirect.scatter.add.f32 [tilespmem:s1], [sflag:$0x1], $0x80, s3, s31, $0xb8;
	[tilespmem:$0x18900] =	vst v63  }
0x6b: {  	_ =	swait.ge [sflag:s29], $0x2800  }
.Ltmp2:
0x6c: {  	[sflag:s29] =	ssyncset.done $0x0;
	(pc) =	sbr.rel @p0 .LBB2_6-.Ltmp2, $4  }
0x6d: {  	[sflag:s29] =	ssyncadd.s32 $0xFFFFD800  }
0x6e: {  	[spmem:s2] =	stream.indirect.scatter.add.f32 [tilespmem:s1], [sflag:$0x1], $0x80, s30, s31, $0xb8;
	[tilespmem:$0x18900] =	vst v63  }
0x6f: {  	_ =	swait.ge [sflag:s29], $0x2800  }
0x70: {  	s14 =	smov.u32 s17;
	[sflag:s29] =	ssyncset.done $0x0  }
0x71: {  	s14 =	sadd.s32 s13, s21;
	[sflag:s29] =	ssyncadd.s32 $0xFFFFD800  }
0x72: {  	[tilespmem:s3], [sflag:$0x1] =	stream.linear.gather [hbm4b:s14+s3], $0x50, $0x38;
	[tilespmem:$0x18900] =	vst v63  }
0x73: {  	_ =	swait.ge [sflag:s29], $0x50  }
0x74: {  	[sflag:s29] =	ssyncset.done $0x0  }
0x75: {  	s16 =	sadd.s32 s13, s22;
	[sflag:s29] =	ssyncadd.s32 $0xFFFFFFB0  }
0x76: {  	[tilespmem:s30], [sflag:$0x1] =	stream.linear.gather [hbm4b:s16+s3], $0x50, $0x38;
	[tilespmem:$0x18900] =	vst v63  }
0x77: {  	_ =	swait.ge [sflag:s29], $0x50  }
0x78: {  	[sflag:s29] =	ssyncset.done $0x0  }
0x79: {  	[sflag:s29] =	ssyncadd.s32 $0xFFFFFFB0  }
0x7a: {  	[spmem:s2] =	stream.indirect.scatter.add.f32 [tilespmem:s1], [sflag:$0x1], $0x80, s3, s31, $0xb8;
	[tilespmem:$0x18900] =	vst v63  }
0x7b: {  	_ =	swait.ge [sflag:s29], $0x2800  }
0x7c: {  	[sflag:s29] =	ssyncset.done $0x0  }
0x7d: {  	[sflag:s29] =	ssyncadd.s32 $0xFFFFD800  }
0x7e: {  	[spmem:s2] =	stream.indirect.scatter.add.f32 [tilespmem:s1], [sflag:$0x1], $0x80, s30, s31, $0xb8;
	[tilespmem:$0x18900] =	vst v63  }
0x7f: {  	_ =	swait.ge [sflag:s29], $0x2800  }
0x80: {  	[sflag:s29] =	ssyncset.done $0x0  }
0x81: {  	[sflag:s29] =	ssyncadd.s32 $0xFFFFD800  }
0x82: {  	[bflag:$0x0] =	sbarrier.arrive $0xFFFF  }
0x83: {  	[tilespmem:s28], [sflag:$0x1] =	stream.linear.gather [spmem:s4], $0x2000, $0x38;
	[tilespmem:$0x18900] =	vst v63  }
0x84: {  	_ =	swait.ge [sflag:s29], $0x2000  }
0x85: {  	[sflag:s29] =	ssyncset.done $0x0  }
0x86: {  	s17 =	rddreg [dreg:$0x3];
	[sflag:s29] =	ssyncadd.s32 $0xFFFFE000  }
0x87: {  	[hbm4b:s17+s3] =	stream.linear.scatter [tilespmem:s28], [sflag:$0x1], $0x2000, $0x38;
	[tilespmem:$0x18900] =	vst v63  }
0x88: {  	_ =	swait.ge [sflag:s29], $0x2000  }
0x89: {  	[sflag:s29] =	ssyncset.done $0x0  }
0x8a: {  	[sflag:s29] =	ssyncadd.s32 $0xFFFFE000  }
0x8b: {  	[tilespmem:s28], [sflag:$0x1] =	stream.linear.gather [spmem:s5], $0x2000, $0x38;
	[tilespmem:$0x18900] =	vst v63  }
0x8c: {  	_ =	swait.ge [sflag:s29], $0x2000  }
0x8d: {  	[sflag:s29] =	ssyncset.done $0x0  }
0x8e: {  	s14 =	rddreg [dreg:$0x4];
	[sflag:s29] =	ssyncadd.s32 $0xFFFFE000  }
0x8f: {  	[hbm4b:s14+s3] =	stream.linear.scatter [tilespmem:s28], [sflag:$0x1], $0x2000, $0x38;
	[tilespmem:$0x18900] =	vst v63  }
0x90: {  	_ =	swait.ge [sflag:s29], $0x2000  }
0x91: {  	[sflag:s29] =	ssyncset.done $0x0  }
0x92: {  	[sflag:s29] =	ssyncadd.s32 $0xFFFFE000  }
0x93: {  	[tilespmem:s28], [sflag:$0x1] =	stream.linear.gather [spmem:s6], $0x2000, $0x38;
	[tilespmem:$0x18900] =	vst v63  }
0x94: {  	_ =	swait.ge [sflag:s29], $0x2000  }
0x95: {  	[sflag:s29] =	ssyncset.done $0x0  }
0x96: {  	s15 =	rddreg [dreg:$0x5];
	[sflag:s29] =	ssyncadd.s32 $0xFFFFE000  }
0x97: {  	[hbm4b:s15+s3] =	stream.linear.scatter [tilespmem:s28], [sflag:$0x1], $0x2000, $0x38;
	[tilespmem:$0x18900] =	vst v63  }
0x98: {  	_ =	swait.ge [sflag:s29], $0x2000  }
0x99: {  	[sflag:s29] =	ssyncset.done $0x0  }
0x9a: {  	[sflag:s29] =	ssyncadd.s32 $0xFFFFE000  }
0x9b: {  	[tilespmem:s28], [sflag:$0x1] =	stream.linear.gather [spmem:s7], $0x2000, $0x38;
	[tilespmem:$0x18900] =	vst v63  }
0x9c: {  	_ =	swait.ge [sflag:s29], $0x2000  }
0x9d: {  	[sflag:s29] =	ssyncset.done $0x0  }
0x9e: {  	s16 =	rddreg [dreg:$0x6];
	[sflag:s29] =	ssyncadd.s32 $0xFFFFE000  }
0x9f: {  	[hbm4b:s16+s3] =	stream.linear.scatter [tilespmem:s28], [sflag:$0x1], $0x2000, $0x38;
	[tilespmem:$0x18900] =	vst v63  }
0xa0: {  	_ =	swait.ge [sflag:s29], $0x2000  }
0xa1: {  	[sflag:s29] =	ssyncset.done $0x0  }
0xa2: {  	[sflag:s29] =	ssyncadd.s32 $0xFFFFE000  }
0xa3: {  	[tilespmem:s28], [sflag:$0x1] =	stream.linear.gather [spmem:s8], $0x2000, $0x38;
	[tilespmem:$0x18900] =	vst v63  }
0xa4: {  	_ =	swait.ge [sflag:s29], $0x2000  }
0xa5: {  	[sflag:s29] =	ssyncset.done $0x0  }
0xa6: {  	s17 =	rddreg [dreg:$0x7];
	[sflag:s29] =	ssyncadd.s32 $0xFFFFE000  }
0xa7: {  	[hbm4b:s17+s3] =	stream.linear.scatter [tilespmem:s28], [sflag:$0x1], $0x2000, $0x38;
	[tilespmem:$0x18900] =	vst v63  }
0xa8: {  	_ =	swait.ge [sflag:s29], $0x2000  }
0xa9: {  	[sflag:s29] =	ssyncset.done $0x0  }
0xaa: {  	[sflag:s29] =	ssyncadd.s32 $0xFFFFE000  }
0xab: {  	[tilespmem:s28], [sflag:$0x1] =	stream.linear.gather [spmem:s9], $0x2000, $0x38;
	[tilespmem:$0x18900] =	vst v63  }
0xac: {  	_ =	swait.ge [sflag:s29], $0x2000  }
0xad: {  	[sflag:s29] =	ssyncset.done $0x0  }
0xae: {  	[sflag:s29] =	ssyncadd.s32 $0xFFFFE000  }
0xaf: {  	[hbm4b:s18+s3] =	stream.linear.scatter [tilespmem:s28], [sflag:$0x1], $0x2000, $0x38;
	[tilespmem:$0x18900] =	vst v63  }
0xb0: {  	_ =	swait.ge [sflag:s29], $0x2000  }
0xb1: {  	[sflag:s29] =	ssyncset.done $0x0  }
0xb2: {  	[sflag:s29] =	ssyncadd.s32 $0xFFFFE000  }
0xb3: {  	[tilespmem:s28], [sflag:$0x1] =	stream.linear.gather [spmem:s10], $0x2000, $0x38;
	[tilespmem:$0x18900] =	vst v63  }
0xb4: {  	_ =	swait.ge [sflag:s29], $0x2000  }
0xb5: {  	[sflag:s29] =	ssyncset.done $0x0  }
0xb6: {  	[sflag:s29] =	ssyncadd.s32 $0xFFFFE000  }
0xb7: {  	[hbm4b:s19+s3] =	stream.linear.scatter [tilespmem:s28], [sflag:$0x1], $0x2000, $0x38;
	[tilespmem:$0x18900] =	vst v63  }
0xb8: {  	_ =	swait.ge [sflag:s29], $0x2000  }
0xb9: {  	[sflag:s29] =	ssyncset.done $0x0  }
0xba: {  	[sflag:s29] =	ssyncadd.s32 $0xFFFFE000  }
0xbb: {  	[tilespmem:s28], [sflag:$0x1] =	stream.linear.gather [spmem:s11], $0x2000, $0x38;
	[tilespmem:$0x18900] =	vst v63  }
0xbc: {  	_ =	swait.ge [sflag:s29], $0x2000  }
0xbd: {  	[sflag:s29] =	ssyncset.done $0x0  }
0xbe: {  	[sflag:s29] =	ssyncadd.s32 $0xFFFFE000  }
0xbf: {  	[hbm4b:s20+s3] =	stream.linear.scatter [tilespmem:s28], [sflag:$0x1], $0x2000, $0x38;
	[tilespmem:$0x18900] =	vst v63  }
0xc0: {  	_ =	swait.ge [sflag:s29], $0x2000  }
0xc1: {  	[sflag:s29] =	ssyncset.done $0x0  }
0xc2: {  	[sflag:s29] =	ssyncadd.s32 $0xFFFFE000  }
0xc3: {  	[tilespmem:s28], [sflag:$0x1] =	stream.linear.gather [spmem:s12], $0x2000, $0x38;
	[tilespmem:$0x18900] =	vst v63  }
0xc4: {  	_ =	swait.ge [sflag:s29], $0x2000  }
0xc5: {  	[sflag:s29] =	ssyncset.done $0x0  }
0xc6: {  	[sflag:s29] =	ssyncadd.s32 $0xFFFFE000  }
0xc7: {  	[hbm4b:s23+s3] =	stream.linear.scatter [tilespmem:s28], [sflag:$0x1], $0x2000, $0x38;
	[tilespmem:$0x18900] =	vst v63  }
0xc8: {  	_ =	swait.ge [sflag:s29], $0x2000  }
0xc9: {  	[sflag:s29] =	ssyncset.done $0x0  }
0xca: {  	[sflag:s29] =	ssyncadd.s32 $0xFFFFE000  }
0xcb: {  	[tilespmem:s28], [sflag:$0x1] =	stream.linear.gather [spmem:s26], $0x2000, $0x38;
	[tilespmem:$0x18900] =	vst v63  }
0xcc: {  	s0 =	sadd.s32 $0x1, s0;
	_ =	swait.ge [sflag:s29], $0x2000  }
0xcd: {  	p0 =	sne.s32 s0, s25;
	[sflag:s29] =	ssyncset.done $0x0  }
.Ltmp3:
0xce: {  	[sflag:s29] =	ssyncadd.s32 $0xFFFFE000;
	(pc) =	sbr.rel @p0 .LBB2_1-.Ltmp3, $4  }
0xcf: {  	[hbm4b:s24+s3] =	stream.linear.scatter [tilespmem:s28], [sflag:$0x1], $0x2000, $0x38;
	[tilespmem:$0x18900] =	vst v63  }
0xd0: {  	_ =	swait.ge [sflag:s29], $0x2000  }
0xd1: {  	[sflag:s29] =	ssyncset.done $0x0  }
0xd2: {  	[sflag:s29] =	ssyncadd.s32 $0xFFFFE000  }
0xd3: {  	_ =	sfence.sel $0x180000  }
0xd4: {  	[bflag:$0x0] =	sbarrier.arrive $0xFFFF  }
0xd5: {  	_ =	strace $0x90000047  }
0xd6: {  	s0 =	stileid.u32;
	[bflag:$0x2] =	sbarrier.arrive $0xFFFF  }
0xd7: {  	p0 =	sne.s32 s0, $0x0;
	s0 =	rddreg [dreg:$0x2]  }
0xd8: {  	s0 =	sadd.s32 @!p0 $0x100000, s0  }
0xd9: {  	[sflag:s0] =	ssyncadd.tile.s32 @!p0 $0x1;
	_ =	shalt  }
.Lfunc_end2:
_tile_overlayer_lowered:
.L_overlay_start_2:
0xda: {  	(tag) =	ssettag $0x2  }
0xdb: {  	s0 =	rddreg [dreg:$0x0];
	s2 =	stileid.u32  }
0xdc: {  	s1 =	rddreg [dreg:$0x1];
	p0 =	sne.s32 s2, $0x0  }
0xdd: {  	s3 =	rddreg [dreg:$0x2];
	[bflag:$0x3] =	sbarrier.arrive $0xFFFF;
	s2 =	simm.s32 @!p0 $0x1C01  }
0xde: {  	[timem:s3], [sflag:s2] =	dma.local @!p0 [hbm:s0], s1  }
0xdf: {  	s0 =	simm.s32 @!p0 $0x1  }
0xe0: {  	_ =	swait.ge @!p0 [sflag:s0], s1  }
0xe1: {  	s1 =	ssub.s32 @!p0 $0x0, s1;
	[sflag:s0] =	ssyncset.done @!p0 $0x0  }
0xe2: {  	[sflag:s0] =	ssyncadd.s32 @!p0 s1  }
0xe3: {  	[bflag:$0x3] =	sbarrier.arrive $0xFFFF  }
0xe4: {  	_ =	shalt  }

// kernel: kernel.14.cloned.1.call-start
scs
__scs_entry_jumppad:
0x0: {  	(pc) =	sbr.rel $0x88, $3  }
0x1: {  	(tag) =	ssettag $0x0;
	lr =	simm.s32 $0x1  }
0x2: {  	[smem:$0x3F8F] =	sst lr;
	_ =	strace $0xD0000000  }
0x3: {  	_ = 	snop  }
0x4: {  	_ = 	snop  }
0x5: {  	_ = 	snop  }
0x6: {  	_ = 	snop  }
0x7: {  	_ = 	snop  }
__scs_overlays_trampoline_lowered:
0x8: {  	[smem:$0x3F9E] =	sst s0  }
0x9: {  	[smem:$0x3F9F] =	sst s1  }
0xa: {  	[smem:$0x3FA0] =	sst s2  }
0xb: {  	[smem:$0x3FA1] =	sst s3  }
0xc: {  	[smem:$0x3FA2] =	sst s4  }
0xd: {  	[smem:$0x3FA3] =	sst s5  }
0xe: {  	[smem:$0x3FA4] =	sst s6  }
0xf: {  	[smem:$0x3FA5] =	sst s7  }
0x10: {  	[smem:$0x3FA6] =	sst s8  }
0x11: {  	[smem:$0x3FA7] =	sst s9;
	s0 =	simm.s32 @!p0 $0x0  }
0x12: {  	s1 =	sld [smem:$0x3F8D];
	s0 =	simm.s32 @p0 $0x1  }
0x13: {  	[smem:$0x3FA8] =	sst s0;
	s0 =	simm.s32 @!p1 $0x0  }
0x14: {  	s2 =	sld [smem:$0x3F8C];
	s0 =	simm.s32 @p1 $0x1  }
0x15: {  	[smem:$0x3FA9] =	sst s0;
	s0 =	simm.s32 @!p2 $0x0  }
0x16: {  	s3 =	sld [smem:$0x3FDB];
	s0 =	simm.s32 @p2 $0x1  }
0x17: {  	s4 =	simm.s32 $0x1BF5;
	[smem:$0x3FAB] =	sst s0  }
0x18: {  	s0 =	sld [smem:$0x3F8E];
	_ =	swait.ge [sflag:s4], $0x0  }
0x19: {  	s7 =	sld [smem:$0x3F8F]  }
0x1a: {  	s8 =	sadd.s32 $0xFFFFE003, lr  }
0x1b: {  	s9 =	sadd.s32 $0xFFFFFEF7, lr;
	s5 =	simm.s32 $0xFFFFFFFF;
	p2 =	slt.u32 s8, $0xFFFFF086  }
0x1c: {  	p1 =	slt.u32 s9, $0xF7A;
	s5 =	simm.s32 @!p2 $0x0  }
0x1d: {  	s5 =	simm.s32 @p1 $0x1;
	p0 =	seq.s32 s7, s2  }
0x1e: {  	s7 =	smul.u32 @!p0 $0xF7A, s2;
	p2 =	seq.s32 @!p0 s5, $0x0  }
0x1f: {  	s9 =	smul.u32 $0xF7A, s1;
	s8 =	simm.s32 @!p0 $0x1BF5;
	p2 =	por !p2, p0  }
0x20: {  	[sflag:s8] =	ssyncset.s32 @!p0 $0xFFFFF086;
	s6 =	sadd.s32 @!p0 s3, s7;
	s7 =	simm.s32 @!p0 $0x108  }
0x21: {  	s3 =	sadd.s32 s3, s9;
	s6 =	sadd.s32 @!p0 $0x88, s6;
	s7 =	simm.s32 @p2 $0x1082  }
0x22: {  	[simem:s7], [sflag:s8] =	dma.local @!p0 [hbm:s6], $0xF7A  }
0x23: {  	s9 =	sor.u32 $0xD0000000, s2;
	s6 =	simm.s32 $0x108;
	_ =	swait.ge @!p0 [sflag:s8], $0x0  }
0x24: {  	s3 =	sadd.s32 $0x88, s3;
	s6 =	simm.s32 @!p1 $0x1082;
	[sflag:s4] =	ssyncset.s32 $0xFFFFF086  }
0x25: {  	[simem:s6], [sflag:s4] =	dma.local [hbm:s3], $0xF7A  }
0x26: {  	[smem:$0x3F8F] =	sst s1;
	(tag) =	ssettag s2;
	_ =	strace s9  }
0x27: {  	s1 =	sld [smem:$0x3F9F]  }
0x28: {  	s2 =	sld [smem:$0x3FA0]  }
0x29: {  	s4 =	sld [smem:$0x3FA2]  }
0x2a: {  	p0 =	seq.s32 s5, $0x0;
	s5 =	sld [smem:$0x3FA3]  }
0x2b: {  	s6 =	sld [smem:$0x3FA4]  }
0x2c: {  	s7 =	sld [smem:$0x3FA5]  }
0x2d: {  	s3 =	simm.s32 $0x108;
	s8 =	sld [smem:$0x3FA6]  }
0x2e: {  	s3 =	simm.s32 @!p0 $0x1082;
	s9 =	sld [smem:$0x3FA7]  }
0x2f: {  	lr =	sadd.s32 s0, s3;
	s0 =	sld [smem:$0x3F9E]  }
0x30: {  	s3 =	sld [smem:$0x3FA1]  }
0x31: {  	[smem:$0x3FAA] =	sst s10  }
0x32: {  	s10 =	sld [smem:$0x3FA8];
	_ =	sdelay $0x3  }
0x33: {  	p0 =	seq.s32 s10, $0x1;
	s10 =	sld [smem:$0x3FAA];
	_ =	sdelay $0x3  }
0x34: {  	[smem:$0x3FAA] =	sst s10  }
0x35: {  	s10 =	sld [smem:$0x3FA9];
	_ =	sdelay $0x3  }
0x36: {  	p1 =	seq.s32 s10, $0x1;
	s10 =	sld [smem:$0x3FAA];
	_ =	sdelay $0x3  }
0x37: {  	[smem:$0x3FAA] =	sst s10  }
0x38: {  	s10 =	sld [smem:$0x3FAB]  }
0x39: {  	_ = 	snop;
	(pc) =	sbr.ind lr, $3  }
0x3a: {  	_ = 	snop  }
0x3b: {  	_ = 	snop  }
0x3c: {  	p2 =	seq.s32 s10, $0x1;
	s10 =	sld [smem:$0x3FAA]  }
0x3d: {  	_ =	shalt  }
0x3e: {  	_ =	shalt  }
0x3f: {  	_ =	shalt  }
0x40: {  	_ =	shalt  }
0x41: {  	_ =	shalt  }
0x42: {  	_ =	shalt  }
0x43: {  	_ =	shalt  }
0x44: {  	_ =	shalt  }
0x45: {  	_ =	shalt  }
0x46: {  	_ =	shalt  }
0x47: {  	_ =	shalt  }
0x48: {  	_ =	shalt  }
0x49: {  	_ =	shalt  }
0x4a: {  	_ =	shalt  }
0x4b: {  	_ =	shalt  }
0x4c: {  	_ =	shalt  }
0x4d: {  	_ =	shalt  }
0x4e: {  	_ =	shalt  }
0x4f: {  	_ =	shalt  }
0x50: {  	_ =	shalt  }
0x51: {  	_ =	shalt  }
0x52: {  	_ =	shalt  }
0x53: {  	_ =	shalt  }
0x54: {  	_ =	shalt  }
0x55: {  	_ =	shalt  }
0x56: {  	_ =	shalt  }
0x57: {  	_ =	shalt  }
0x58: {  	_ =	shalt  }
0x59: {  	_ =	shalt  }
0x5a: {  	_ =	shalt  }
0x5b: {  	_ =	shalt  }
0x5c: {  	_ =	shalt  }
0x5d: {  	_ =	shalt  }
0x5e: {  	_ =	shalt  }
0x5f: {  	_ =	shalt  }
0x60: {  	_ =	shalt  }
0x61: {  	_ =	shalt  }
0x62: {  	_ =	shalt  }
0x63: {  	_ =	shalt  }
0x64: {  	_ =	shalt  }
0x65: {  	_ =	shalt  }
0x66: {  	_ =	shalt  }
0x67: {  	_ =	shalt  }
0x68: {  	_ =	shalt  }
0x69: {  	_ =	shalt  }
0x6a: {  	_ =	shalt  }
0x6b: {  	_ =	shalt  }
0x6c: {  	_ =	shalt  }
0x6d: {  	_ =	shalt  }
0x6e: {  	_ =	shalt  }
0x6f: {  	_ =	shalt  }
0x70: {  	_ =	shalt  }
0x71: {  	_ =	shalt  }
0x72: {  	_ =	shalt  }
0x73: {  	_ =	shalt  }
0x74: {  	_ =	shalt  }
0x75: {  	_ =	shalt  }
0x76: {  	_ =	shalt  }
0x77: {  	_ =	shalt  }
0x78: {  	_ =	shalt  }
0x79: {  	_ =	shalt  }
0x7a: {  	_ =	shalt  }
0x7b: {  	_ =	shalt  }
0x7c: {  	_ =	shalt  }
0x7d: {  	_ =	shalt  }
0x7e: {  	_ =	shalt  }
0x7f: {  	_ =	shalt  }
0x80: {  	_ =	shalt  }
0x81: {  	_ =	shalt  }
0x82: {  	_ =	shalt  }
0x83: {  	_ =	shalt  }
0x84: {  	_ =	shalt  }
0x85: {  	_ =	shalt  }
0x86: {  	_ =	shalt  }
0x87: {  	_ =	shalt  }
.Lfunc_end0:
.L_simem_size_0:
called_computation.1_lowered:
.L_overlay_start_0:
0x88: {  	s2 =	sld [smem:$0x3FD9]  }
0x89: {  	s3 =	sld [smem:$0x3FFE];
	_ =	sdelay $0x1  }
0x8a: {  	s1 =	srdreg.scid  }
0x8b: {  	s0 =	sand.u32 $0x1, s1  }
0x8c: {  	s16 =	sshll.u32 s0, $0xA;
	s2 =	sadd.s32 s3, s2  }
0x8d: {  	s2 =	sadd.s32 s2, s16  }
0x8e: {  	[smem:$0x3FB6] =	sst s2  }
0x8f: {  	_ = 	snop  }
0x90: {  	(tm) =	ssettm $0x1  }
0x91: {  	s17 =	sld [smem:$0x3FFB];
	_ =	sdelay $0x3  }
0x92: {  	_ =	strace s17  }
0x93: {  	s2 =	sld [smem:$0x3FFC];
	_ =	sdelay $0x3  }
0x94: {  	_ =	strace s2  }
0x95: {  	s2 =	sld [smem:$0x3FFD];
	_ =	sdelay $0x3  }
0x96: {  	_ =	strace s2  }
0x97: {  	_ =	strace $0x8FFFFFFF  }
0x98: {  	s18 =	sld [smem:$0x3FDB];
	_ =	sdelay $0x1  }
0x99: {  	s19 =	simm.s32 $_scs_section_size  }
0x9a: {  	s4 =	simm.s32 $_size__tile_overlayer_lowered;
	s5 =	simm.s32 $_tile_overlayer_lowered  }
0x9b: {  	s22 =	simm.s32 $0x1BFF;
	s21 =	sshll.u32 s5, $0x1;
	s2 =	sadd.s32 s19, s18  }
0x9c: {  	s6 =	simm.s32 $0x0;
	s20 =	sshll.u32 s4, $0x1;
	s4 =	sadd.s32 s21, s2  }
0x9d: {  	[timem:s6], [sflag:s22] =	dma.local [hbm:s4], s20  }
0x9e: {  	_ =	swait.ge [sflag:s22], s20  }
0x9f: {  	s3 =	ssub.s32 $0x0, s20;
	[sflag:s22] =	ssyncset.done $0x0  }
0xa0: {  	[sflag:s22] =	ssyncadd.s32 s3;
	_ =	sdelay $0x1  }
0xa1: {  	s23 =	simm.s32 $0x1B8B  }
0xa2: {  	_ =	swait.ge [sflag:s23], $0x1  }
0xa3: {  	[sflag:s23] =	ssyncset.done $0x0  }
0xa4: {  	s25 =	simm.s32 $0x1B8E;
	s24 =	sld [smem:$0x3FFE];
	[sflag:s23] =	ssyncadd.s32 $0xFFFFFFFF  }
0xa5: {  	s26 =	simm.s32 $execute0_lowered;
	[smem:$0x3FD2] =	sst s25  }
0xa6: {  	s4 =	sshll.u32 s26, $0x1;
	_ =	strace $0x80000049;
	[dreg:$0x1] =	wrdreg $0xFFFFFFFF  }
0xa7: {  	s28 =	simm.s32 $_size_execute0_lowered;
	s2 =	sadd.s32 s2, s4;
	[dreg:$0x0] =	wrdreg $0x0  }
0xa8: {  	s4 =	sshll.u32 s28, $0x1;
	[dreg:$0x2] =	wrdreg s2  }
0xa9: {  	[dreg:$0x3] =	wrdreg s4  }
0xaa: {  	[dreg:$0x4] =	wrdreg $0xC0  }
0xab: {  	_ =	task [dreg:s6], $0x5FFFF  }
0xac: {  	[dreg:$0x1] =	wrdreg $0xFFFFFFFF  }
0xad: {  	[dreg:$0x0] =	wrdreg $0x60  }
0xae: {  	[dreg:$0x2] =	wrdreg s24  }
0xaf: {  	[dreg:$0x3] =	wrdreg $0x71000  }
0xb0: {  	[dreg:$0x4] =	wrdreg $0x9  }
0xb1: {  	_ =	task.clear_ibuf [dreg:s6], $0x5FFFF;
	_ =	strace $0x90000049  }
0xb2: {  	s29 =	simm.s32 $0x9;
	_ =	strace $0x8000004B  }
0xb3: {  	_ =	swait.ge [sflag:s29], $0x1  }
0xb4: {  	[sflag:s29] =	ssyncadd.s32 $0xFFFFFFFF  }
0xb5: {  	_ =	strace $0x9000004B  }
0xb6: {  	_ =	sfence  }
0xb7: {  	s30 =	sld [smem:$0x0];
	_ =	sdelay $0x2  }
0xb8: {  	s31 =	sshll.u32 s1, $0xD;
	s1 =	sshrl.u32 s1, $0x2  }
0xb9: {  	s3 =	sand.u32 $0x4000, s31;
	s1 =	sadd.s32 s1, s30  }
0xba: {  	s0 =	sor.u32 s3, s0;
	s1 =	sshll.u32 s1, $0x11  }
0xbb: {  	s0 =	sor.u32 s1, s0  }
0xbc: {  	s0 =	sadd.s32 $0x8F2B, s0  }
0xbd: {  	[sflag:s0] =	ssyncadd.remote.s32 $0x1  }
0xbe: {  	_ =	sfence.sel $0xFFFF  }
0xbf: {  	[dreg:$0x0] =	wrdreg $0xFFFFFFFF;
	(pc) =	sbr.abs _section_cstart, $3  }
0xc0: {  	[dreg:$0x1] =	wrdreg $0xFFFFFFFF  }
0xc1: {  	_ =	task.clear_ibuf [dreg:s6], $0x2FFFF;
	_ =	strace $0x9FFFFFFF  }
0xc2: {  	(tm) =	ssettm $0x7FFFFFFF  }
0xc3: {  	_ =	shalt  }
tec
execute0_lowered:
.L_overlay_start_1:
0x0: {  	(tag) =	ssettag $0x1  }
0x1: {  	s0 =	rddreg [dreg:$0x0]  }
0x2: {  	s2 =	rddreg [dreg:$0x1];
	s11 =	stileid.u32  }
0x3: {  	s1 =	srdreg.scid;
	s5 =	smul.u32 $0x280, s11  }
0x4: {  	s3 =	simm.s32 $0x0;
	s29 =	simm.s32 $0x5100;
	s7 =	smul.u32 $0x50000, s11  }
0x5: {  	s30 =	simm.s32 $0x2;
	s1 =	sand.u32 $0x1, s1;
	s15 =	smul.u32 $0x4E20, s11  }
0x6: {  	s31 =	simm.s32 $0x80;
	[smem:$0x7FF] =	sst s3;
	s6 =	smul.u32 $0x2800, s1  }
0x7: {  	s13 =	sadd.s32 $0x5400, s0;
	s18 =	ssub.s32 $0x2, s1;
	s1 =	smul.u32 $0x2710, s1  }
0x8: {  	s4 =	sadd.s32 $0x90000, s0;
	_ =	strace $0x8000004A;
	s8 =	sshrl.u32 s18, $0x1  }
0x9: {  	s7 =	sshrl.u32 s7, $0x2;
	s5 =	sadd.s32 s5, s6;
	s1 =	sadd.s32 s1, s15  }
0xa: {  	s14 =	ssub.s32 s18, s8;
	s5 =	sshll.u32 s5, $0x4;
	s25 =	sadd.s32 $0x4E200, s1  }
0xb: {  	s1 =	sshrl.u32 s1, $0x3;
	s0 =	sadd.s32 s5, s0;
	s5 =	sadd.s32 s7, s2  }
0xc: {  	s15 =	sshrl.u32 s25, $0x3;
	s25 =	smax.u32 s14, $0x1;
	s16 =	sadd.s32 $0xB7200, s0  }
0xd: {  	s14 =	simm.s32 $0x1;
	s19 =	sadd.s32 $0xB7600, s0;
	[dreg:$0x3] =	wrdreg s16  }
0xe: {  	s6 =	sadd.s32 $0x2000, s5;
	s20 =	sadd.s32 $0xB7A00, s0;
	[dreg:$0x4] =	wrdreg s19  }
0xf: {  	s7 =	sadd.s32 $0x4000, s5;
	s21 =	sadd.s32 $0xB7E00, s0;
	[dreg:$0x5] =	wrdreg s20  }
0x10: {  	s8 =	sadd.s32 $0x6000, s5;
	s22 =	sadd.s32 $0xB8200, s0;
	[dreg:$0x6] =	wrdreg s21  }
0x11: {  	s9 =	sadd.s32 $0x8000, s5;
	s23 =	sadd.s32 $0xB8600, s0;
	[dreg:$0x7] =	wrdreg s22  }
0x12: {  	s10 =	sadd.s32 $0xA000, s5;
	s24 =	sadd.s32 $0xB8A00, s0;
	[dreg:$0x8] =	wrdreg s23  }
0x13: {  	s11 =	sadd.s32 $0xC000, s5;
	s26 =	sadd.s32 $0xB8E00, s0;
	[dreg:$0x9] =	wrdreg s24  }
0x14: {  	s12 =	sadd.s32 $0xE000, s5;
	s28 =	sadd.s32 $0x12000, s5;
	[dreg:$0xa] =	wrdreg s26  }
0x15: {  	s21 =	sadd.s32 s1, s13;
	s22 =	sadd.s32 s15, s13;
	s23 =	sadd.s32 $0xB9200, s0  }
0x16: {  	s24 =	sadd.s32 $0xB9600, s0;
	s26 =	sadd.s32 $0x10000, s5;
	s0 =	simm.s32 $0x50  }
0x17: {  	v0 =	vimm.f32 $0.0e+00;
	s1 =	simm.s32 $0x100;
	s13 =	simm.s32 $0x2900;
	s15 =	simm.s32 $0x0  }
.LBB2_1:
0x18: {  	s16 =	sand.u32 $0x7E00, s3  }
0x19: {  	s17 =	sand.u32 $0x70, s3;
	s18 =	sshrl.u32 s16, $0x2  }
0x1a: {  	s16 =	simm.s32 $0x40;
	s18 =	sor.u32 s17, s18;
	s17 =	simm.s32 $0x0  }
.LBB2_2:
0x1b: {  	p0 =	sne.s32 s16, $0x7FC0  }
0x1c: {  	[tilespmem:s18+$0x5100] =	vst v0;
	s17 =	sadd.s32 $0x10, s17;
	s18 =	smov.u32 s16;
	s16 =	sadd.s32 $0x40, s16  }
.Ltmp0:
0x1d: {  	(pc) =	sbr.rel @p0 .LBB2_2-.Ltmp0, $4  }
0x1e: {  	_ = 	snop  }
0x1f: {  	s18 =	sand.u32 $0x7E00, s18  }
0x20: {  	s19 =	sand.u32 $0x70, s17;
	s18 =	sshrl.u32 s18, $0x2  }
0x21: {  	s18 =	sor.u32 s19, s18  }
0x22: {  	[tilespmem:s18+$0x5100] =	vst v0  }
0x23: {  	[spmem:s5] =	stream.linear.scatter [tilespmem:s29], [sflag:$0x2], $0x2000, $0x38;
	[tilespmem:$0x1B100] =	vst v63  }
0x24: {  	_ =	swait.ge [sflag:s30], $0x2000  }
0x25: {  	[sflag:s30] =	ssyncset.done $0x0  }
0x26: {  	[sflag:s30] =	ssyncadd.s32 $0xFFFFE000  }
0x27: {  	[spmem:s6] =	stream.linear.scatter [tilespmem:s29], [sflag:$0x2], $0x2000, $0x38;
	[tilespmem:$0x1B100] =	vst v63  }
0x28: {  	_ =	swait.ge [sflag:s30], $0x2000  }
0x29: {  	[sflag:s30] =	ssyncset.done $0x0  }
0x2a: {  	[sflag:s30] =	ssyncadd.s32 $0xFFFFE000  }
0x2b: {  	[spmem:s7] =	stream.linear.scatter [tilespmem:s29], [sflag:$0x2], $0x2000, $0x38;
	[tilespmem:$0x1B100] =	vst v63  }
0x2c: {  	_ =	swait.ge [sflag:s30], $0x2000  }
0x2d: {  	[sflag:s30] =	ssyncset.done $0x0  }
0x2e: {  	[sflag:s30] =	ssyncadd.s32 $0xFFFFE000  }
0x2f: {  	[spmem:s8] =	stream.linear.scatter [tilespmem:s29], [sflag:$0x2], $0x2000, $0x38;
	[tilespmem:$0x1B100] =	vst v63  }
0x30: {  	_ =	swait.ge [sflag:s30], $0x2000  }
0x31: {  	[sflag:s30] =	ssyncset.done $0x0  }
0x32: {  	[sflag:s30] =	ssyncadd.s32 $0xFFFFE000  }
0x33: {  	[spmem:s9] =	stream.linear.scatter [tilespmem:s29], [sflag:$0x2], $0x2000, $0x38;
	[tilespmem:$0x1B100] =	vst v63  }
0x34: {  	_ =	swait.ge [sflag:s30], $0x2000  }
0x35: {  	[sflag:s30] =	ssyncset.done $0x0  }
0x36: {  	[sflag:s30] =	ssyncadd.s32 $0xFFFFE000  }
0x37: {  	[spmem:s10] =	stream.linear.scatter [tilespmem:s29], [sflag:$0x2], $0x2000, $0x38;
	[tilespmem:$0x1B100] =	vst v63  }
0x38: {  	_ =	swait.ge [sflag:s30], $0x2000  }
0x39: {  	[sflag:s30] =	ssyncset.done $0x0  }
0x3a: {  	[sflag:s30] =	ssyncadd.s32 $0xFFFFE000  }
0x3b: {  	[spmem:s11] =	stream.linear.scatter [tilespmem:s29], [sflag:$0x2], $0x2000, $0x38;
	[tilespmem:$0x1B100] =	vst v63  }
0x3c: {  	_ =	swait.ge [sflag:s30], $0x2000  }
0x3d: {  	[sflag:s30] =	ssyncset.done $0x0  }
0x3e: {  	[sflag:s30] =	ssyncadd.s32 $0xFFFFE000  }
0x3f: {  	[spmem:s12] =	stream.linear.scatter [tilespmem:s29], [sflag:$0x2], $0x2000, $0x38;
	[tilespmem:$0x1B100] =	vst v63  }
0x40: {  	_ =	swait.ge [sflag:s30], $0x2000  }
0x41: {  	[sflag:s30] =	ssyncset.done $0x0  }
0x42: {  	[sflag:s30] =	ssyncadd.s32 $0xFFFFE000  }
0x43: {  	[spmem:s26] =	stream.linear.scatter [tilespmem:s29], [sflag:$0x2], $0x2000, $0x38;
	[tilespmem:$0x1B100] =	vst v63  }
0x44: {  	_ =	swait.ge [sflag:s30], $0x2000  }
0x45: {  	[sflag:s30] =	ssyncset.done $0x0  }
0x46: {  	[sflag:s30] =	ssyncadd.s32 $0xFFFFE000  }
0x47: {  	[spmem:s28] =	stream.linear.scatter [tilespmem:s29], [sflag:$0x2], $0x2000, $0x38;
	[tilespmem:$0x1B100] =	vst v63  }
0x48: {  	_ =	swait.ge [sflag:s30], $0x2000  }
0x49: {  	[sflag:s30] =	ssyncset.done $0x0  }
0x4a: {  	[sflag:s30] =	ssyncadd.s32 $0xFFFFE000  }
0x4b: {  	s16 =	sadd.s32 $0x0, s21;
	[bflag:$0x0] =	sbarrier.arrive $0xFFFF  }
0x4c: {  	[tilespmem:s3], [sflag:$0x2] =	stream.linear.gather [hbm4b:s16+s3], $0x50, $0x38;
	[tilespmem:$0x1B100] =	vst v63  }
0x4d: {  	_ =	swait.ge [sflag:s30], $0x50  }
0x4e: {  	[sflag:s30] =	ssyncset.done $0x0  }
0x4f: {  	s20 =	sadd.s32 $0x0, s22;
	[sflag:s30] =	ssyncadd.s32 $0xFFFFFFB0  }
0x50: {  	[tilespmem:s31], [sflag:$0x2] =	stream.linear.gather [hbm4b:s20+s3], $0x50, $0x38;
	[tilespmem:$0x1B100] =	vst v63  }
0x51: {  	_ =	swait.ge [sflag:s30], $0x50  }
0x52: {  	[sflag:s30] =	ssyncset.done $0x0  }
0x53: {  	[sflag:s30] =	ssyncadd.s32 $0xFFFFFFB0  }
0x54: {  	[tilespmem:s1], [sflag:$0x1] =	stream.indirect.gather [hbm4b:s4+s0], $0x80, s31, s0, $0xb8;
	[tilespmem:$0x1B100] =	vst v63  }
0x55: {  	_ = 	snop  }
0x56: {  	[tilespmem:s13], [sflag:$0x1] =	stream.indirect.gather [hbm4b:s4+s0], $0x80, s3, s0, $0xb8;
	[tilespmem:$0x1B100] =	vst v63  }
0x57: {  	_ =	swait.ge [sflag:s14], $0x2800  }
0x58: {  	[sflag:s14] =	ssyncset.done $0x0  }
0x59: {  	[sflag:s14] =	ssyncadd.s32 $0xFFFFD800  }
0x5a: {  	[spmem:s2] =	stream.indirect.scatter.add.f32 [tilespmem:s1], [sflag:$0x2], $0x80, s3, s0, $0xb8;
	[tilespmem:$0x1B100] =	vst v63  }
0x5b: {  	_ =	swait.ge [sflag:s30], $0x2800  }
0x5c: {  	[sflag:s30] =	ssyncset.done $0x0  }
0x5d: {  	[sflag:s30] =	ssyncadd.s32 $0xFFFFD800  }
0x5e: {  	_ =	swait.ge [sflag:s14], $0x2800  }
0x5f: {  	[sflag:s14] =	ssyncset.done $0x0  }
0x60: {  	[sflag:s14] =	ssyncadd.s32 $0xFFFFD800  }
0x61: {  	[spmem:s2] =	stream.indirect.scatter.add.f32 [tilespmem:s13], [sflag:$0x2], $0x80, s31, s0, $0xb8;
	[tilespmem:$0x1B100] =	vst v63  }
0x62: {  	_ =	swait.ge [sflag:s30], $0x2800  }
0x63: {  	s17 =	simm.s32 $0x14;
	s16 =	simm.s32 $0xA;
	[sflag:s30] =	ssyncset.done $0x0  }
.LBB2_4:
0x64: {  	s18 =	sadd.s32 s16, s21  }
0x65: {  	[sflag:s30] =	ssyncadd.s32 $0xFFFFD800;
	s19 =	smov.u32 s17;
	s20 =	sadd.s32 $0xA, s17  }
0x66: {  	[tilespmem:s3], [sflag:$0x2] =	stream.linear.gather [hbm4b:s18+s3], $0x50, $0x38;
	[tilespmem:$0x1B100] =	vst v63  }
0x67: {  	p0 =	sne.s32 s17, $0x4D8;
	_ =	swait.ge [sflag:s30], $0x50  }
0x68: {  	[sflag:s30] =	ssyncset.done $0x0  }
0x69: {  	s17 =	sadd.s32 s16, s22;
	s16 =	smov.u32 s19;
	[sflag:s30] =	ssyncadd.s32 $0xFFFFFFB0  }
0x6a: {  	[tilespmem:s31], [sflag:$0x2] =	stream.linear.gather [hbm4b:s17+s3], $0x50, $0x38;
	[tilespmem:$0x1B100] =	vst v63  }
0x6b: {  	_ =	swait.ge [sflag:s30], $0x50  }
0x6c: {  	[sflag:s30] =	ssyncset.done $0x0  }
0x6d: {  	[sflag:s30] =	ssyncadd.s32 $0xFFFFFFB0  }
0x6e: {  	[tilespmem:s1], [sflag:$0x1] =	stream.indirect.gather [hbm4b:s4+s0], $0x80, s31, s0, $0xb8;
	[tilespmem:$0x1B100] =	vst v63  }
0x6f: {  	_ = 	snop  }
0x70: {  	[tilespmem:s13], [sflag:$0x1] =	stream.indirect.gather [hbm4b:s4+s0], $0x80, s3, s0, $0xb8;
	[tilespmem:$0x1B100] =	vst v63  }
0x71: {  	_ =	swait.ge [sflag:s14], $0x2800  }
0x72: {  	[sflag:s14] =	ssyncset.done $0x0  }
0x73: {  	[sflag:s14] =	ssyncadd.s32 $0xFFFFD800  }
0x74: {  	[spmem:s2] =	stream.indirect.scatter.add.f32 [tilespmem:s1], [sflag:$0x2], $0x80, s3, s0, $0xb8;
	[tilespmem:$0x1B100] =	vst v63  }
0x75: {  	_ =	swait.ge [sflag:s30], $0x2800  }
0x76: {  	[sflag:s30] =	ssyncset.done $0x0  }
0x77: {  	[sflag:s30] =	ssyncadd.s32 $0xFFFFD800  }
0x78: {  	_ =	swait.ge [sflag:s14], $0x2800  }
.Ltmp1:
0x79: {  	[sflag:s14] =	ssyncset.done $0x0;
	(pc) =	sbr.rel @p0 .LBB2_4-.Ltmp1, $4  }
0x7a: {  	[sflag:s14] =	ssyncadd.s32 $0xFFFFD800  }
0x7b: {  	[spmem:s2] =	stream.indirect.scatter.add.f32 [tilespmem:s13], [sflag:$0x2], $0x80, s31, s0, $0xb8;
	[tilespmem:$0x1B100] =	vst v63  }
0x7c: {  	_ =	swait.ge [sflag:s30], $0x2800  }
0x7d: {  	s17 =	smov.u32 s20;
	[sflag:s30] =	ssyncset.done $0x0  }
0x7e: {  	s17 =	sadd.s32 s16, s21;
	[sflag:s30] =	ssyncadd.s32 $0xFFFFD800  }
0x7f: {  	[tilespmem:s3], [sflag:$0x2] =	stream.linear.gather [hbm4b:s17+s3], $0x50, $0x38;
	[tilespmem:$0x1B100] =	vst v63  }
0x80: {  	_ =	swait.ge [sflag:s30], $0x50  }
0x81: {  	[sflag:s30] =	ssyncset.done $0x0  }
0x82: {  	s20 =	sadd.s32 s16, s22;
	[sflag:s30] =	ssyncadd.s32 $0xFFFFFFB0  }
0x83: {  	[tilespmem:s31], [sflag:$0x2] =	stream.linear.gather [hbm4b:s20+s3], $0x50, $0x38;
	[tilespmem:$0x1B100] =	vst v63  }
0x84: {  	_ =	swait.ge [sflag:s30], $0x50  }
0x85: {  	[sflag:s30] =	ssyncset.done $0x0  }
0x86: {  	[sflag:s30] =	ssyncadd.s32 $0xFFFFFFB0  }
0x87: {  	[tilespmem:s1], [sflag:$0x1] =	stream.indirect.gather [hbm4b:s4+s0], $0x80, s31, s0, $0xb8;
	[tilespmem:$0x1B100] =	vst v63  }
0x88: {  	_ = 	snop  }
0x89: {  	[tilespmem:s13], [sflag:$0x1] =	stream.indirect.gather [hbm4b:s4+s0], $0x80, s3, s0, $0xb8;
	[tilespmem:$0x1B100] =	vst v63  }
0x8a: {  	_ =	swait.ge [sflag:s14], $0x2800  }
0x8b: {  	[sflag:s14] =	ssyncset.done $0x0  }
0x8c: {  	[sflag:s14] =	ssyncadd.s32 $0xFFFFD800  }
0x8d: {  	[spmem:s2] =	stream.indirect.scatter.add.f32 [tilespmem:s1], [sflag:$0x2], $0x80, s3, s0, $0xb8;
	[tilespmem:$0x1B100] =	vst v63  }
0x8e: {  	_ =	swait.ge [sflag:s30], $0x2800  }
0x8f: {  	[sflag:s30] =	ssyncset.done $0x0  }
0x90: {  	[sflag:s30] =	ssyncadd.s32 $0xFFFFD800  }
0x91: {  	_ =	swait.ge [sflag:s14], $0x2800  }
0x92: {  	[sflag:s14] =	ssyncset.done $0x0  }
0x93: {  	[sflag:s14] =	ssyncadd.s32 $0xFFFFD800  }
0x94: {  	[spmem:s2] =	stream.indirect.scatter.add.f32 [tilespmem:s13], [sflag:$0x2], $0x80, s31, s0, $0xb8;
	[tilespmem:$0x1B100] =	vst v63  }
0x95: {  	_ =	swait.ge [sflag:s30], $0x2800  }
0x96: {  	[sflag:s30] =	ssyncset.done $0x0  }
0x97: {  	[sflag:s30] =	ssyncadd.s32 $0xFFFFD800  }
0x98: {  	[bflag:$0x0] =	sbarrier.arrive $0xFFFF  }
0x99: {  	[tilespmem:s29], [sflag:$0x2] =	stream.linear.gather [spmem:s5], $0x2000, $0x38;
	[tilespmem:$0x1B100] =	vst v63  }
0x9a: {  	_ =	swait.ge [sflag:s30], $0x2000  }
0x9b: {  	[sflag:s30] =	ssyncset.done $0x0  }
0x9c: {  	s17 =	rddreg [dreg:$0x3];
	[sflag:s30] =	ssyncadd.s32 $0xFFFFE000  }
0x9d: {  	[hbm4b:s17+s3] =	stream.linear.scatter [tilespmem:s29], [sflag:$0x2], $0x2000, $0x38;
	[tilespmem:$0x1B100] =	vst v63  }
0x9e: {  	_ =	swait.ge [sflag:s30], $0x2000  }
0x9f: {  	[sflag:s30] =	ssyncset.done $0x0  }
0xa0: {  	[sflag:s30] =	ssyncadd.s32 $0xFFFFE000  }
0xa1: {  	[tilespmem:s29], [sflag:$0x2] =	stream.linear.gather [spmem:s6], $0x2000, $0x38;
	[tilespmem:$0x1B100] =	vst v63  }
0xa2: {  	_ =	swait.ge [sflag:s30], $0x2000  }
0xa3: {  	[sflag:s30] =	ssyncset.done $0x0  }
0xa4: {  	s18 =	rddreg [dreg:$0x4];
	[sflag:s30] =	ssyncadd.s32 $0xFFFFE000  }
0xa5: {  	[hbm4b:s18+s3] =	stream.linear.scatter [tilespmem:s29], [sflag:$0x2], $0x2000, $0x38;
	[tilespmem:$0x1B100] =	vst v63  }
0xa6: {  	_ =	swait.ge [sflag:s30], $0x2000  }
0xa7: {  	[sflag:s30] =	ssyncset.done $0x0  }
0xa8: {  	[sflag:s30] =	ssyncadd.s32 $0xFFFFE000  }
0xa9: {  	[tilespmem:s29], [sflag:$0x2] =	stream.linear.gather [spmem:s7], $0x2000, $0x38;
	[tilespmem:$0x1B100] =	vst v63  }
0xaa: {  	_ =	swait.ge [sflag:s30], $0x2000  }
0xab: {  	[sflag:s30] =	ssyncset.done $0x0  }
0xac: {  	s19 =	rddreg [dreg:$0x5];
	[sflag:s30] =	ssyncadd.s32 $0xFFFFE000  }
0xad: {  	[hbm4b:s19+s3] =	stream.linear.scatter [tilespmem:s29], [sflag:$0x2], $0x2000, $0x38;
	[tilespmem:$0x1B100] =	vst v63  }
0xae: {  	_ =	swait.ge [sflag:s30], $0x2000  }
0xaf: {  	[sflag:s30] =	ssyncset.done $0x0  }
0xb0: {  	[sflag:s30] =	ssyncadd.s32 $0xFFFFE000  }
0xb1: {  	[tilespmem:s29], [sflag:$0x2] =	stream.linear.gather [spmem:s8], $0x2000, $0x38;
	[tilespmem:$0x1B100] =	vst v63  }
0xb2: {  	_ =	swait.ge [sflag:s30], $0x2000  }
0xb3: {  	[sflag:s30] =	ssyncset.done $0x0  }
0xb4: {  	s20 =	rddreg [dreg:$0x6];
	[sflag:s30] =	ssyncadd.s32 $0xFFFFE000  }
0xb5: {  	[hbm4b:s20+s3] =	stream.linear.scatter [tilespmem:s29], [sflag:$0x2], $0x2000, $0x38;
	[tilespmem:$0x1B100] =	vst v63  }
0xb6: {  	_ =	swait.ge [sflag:s30], $0x2000  }
0xb7: {  	[sflag:s30] =	ssyncset.done $0x0  }
0xb8: {  	[sflag:s30] =	ssyncadd.s32 $0xFFFFE000  }
0xb9: {  	[tilespmem:s29], [sflag:$0x2] =	stream.linear.gather [spmem:s9], $0x2000, $0x38;
	[tilespmem:$0x1B100] =	vst v63  }
0xba: {  	_ =	swait.ge [sflag:s30], $0x2000  }
0xbb: {  	[sflag:s30] =	ssyncset.done $0x0  }
0xbc: {  	s17 =	rddreg [dreg:$0x7];
	[sflag:s30] =	ssyncadd.s32 $0xFFFFE000  }
0xbd: {  	[hbm4b:s17+s3] =	stream.linear.scatter [tilespmem:s29], [sflag:$0x2], $0x2000, $0x38;
	[tilespmem:$0x1B100] =	vst v63  }
0xbe: {  	_ =	swait.ge [sflag:s30], $0x2000  }
0xbf: {  	[sflag:s30] =	ssyncset.done $0x0  }
0xc0: {  	[sflag:s30] =	ssyncadd.s32 $0xFFFFE000  }
0xc1: {  	[tilespmem:s29], [sflag:$0x2] =	stream.linear.gather [spmem:s10], $0x2000, $0x38;
	[tilespmem:$0x1B100] =	vst v63  }
0xc2: {  	_ =	swait.ge [sflag:s30], $0x2000  }
0xc3: {  	[sflag:s30] =	ssyncset.done $0x0  }
0xc4: {  	s18 =	rddreg [dreg:$0x8];
	[sflag:s30] =	ssyncadd.s32 $0xFFFFE000  }
0xc5: {  	[hbm4b:s18+s3] =	stream.linear.scatter [tilespmem:s29], [sflag:$0x2], $0x2000, $0x38;
	[tilespmem:$0x1B100] =	vst v63  }
0xc6: {  	_ =	swait.ge [sflag:s30], $0x2000  }
0xc7: {  	[sflag:s30] =	ssyncset.done $0x0  }
0xc8: {  	[sflag:s30] =	ssyncadd.s32 $0xFFFFE000  }
0xc9: {  	[tilespmem:s29], [sflag:$0x2] =	stream.linear.gather [spmem:s11], $0x2000, $0x38;
	[tilespmem:$0x1B100] =	vst v63  }
0xca: {  	_ =	swait.ge [sflag:s30], $0x2000  }
0xcb: {  	[sflag:s30] =	ssyncset.done $0x0  }
0xcc: {  	s19 =	rddreg [dreg:$0x9];
	[sflag:s30] =	ssyncadd.s32 $0xFFFFE000  }
0xcd: {  	[hbm4b:s19+s3] =	stream.linear.scatter [tilespmem:s29], [sflag:$0x2], $0x2000, $0x38;
	[tilespmem:$0x1B100] =	vst v63  }
0xce: {  	_ =	swait.ge [sflag:s30], $0x2000  }
0xcf: {  	[sflag:s30] =	ssyncset.done $0x0  }
0xd0: {  	[sflag:s30] =	ssyncadd.s32 $0xFFFFE000  }
0xd1: {  	[tilespmem:s29], [sflag:$0x2] =	stream.linear.gather [spmem:s12], $0x2000, $0x38;
	[tilespmem:$0x1B100] =	vst v63  }
0xd2: {  	_ =	swait.ge [sflag:s30], $0x2000  }
0xd3: {  	[sflag:s30] =	ssyncset.done $0x0  }
0xd4: {  	s20 =	rddreg [dreg:$0xa];
	[sflag:s30] =	ssyncadd.s32 $0xFFFFE000  }
0xd5: {  	[hbm4b:s20+s3] =	stream.linear.scatter [tilespmem:s29], [sflag:$0x2], $0x2000, $0x38;
	[tilespmem:$0x1B100] =	vst v63  }
0xd6: {  	_ =	swait.ge [sflag:s30], $0x2000  }
0xd7: {  	[sflag:s30] =	ssyncset.done $0x0  }
0xd8: {  	[sflag:s30] =	ssyncadd.s32 $0xFFFFE000  }
0xd9: {  	[tilespmem:s29], [sflag:$0x2] =	stream.linear.gather [spmem:s26], $0x2000, $0x38;
	[tilespmem:$0x1B100] =	vst v63  }
0xda: {  	_ =	swait.ge [sflag:s30], $0x2000  }
0xdb: {  	[sflag:s30] =	ssyncset.done $0x0  }
0xdc: {  	[sflag:s30] =	ssyncadd.s32 $0xFFFFE000  }
0xdd: {  	[hbm4b:s23+s3] =	stream.linear.scatter [tilespmem:s29], [sflag:$0x2], $0x2000, $0x38;
	[tilespmem:$0x1B100] =	vst v63  }
0xde: {  	_ =	swait.ge [sflag:s30], $0x2000  }
0xdf: {  	[sflag:s30] =	ssyncset.done $0x0  }
0xe0: {  	[sflag:s30] =	ssyncadd.s32 $0xFFFFE000  }
0xe1: {  	[tilespmem:s29], [sflag:$0x2] =	stream.linear.gather [spmem:s28], $0x2000, $0x38;
	[tilespmem:$0x1B100] =	vst v63  }
0xe2: {  	s15 =	sadd.s32 $0x1, s15;
	_ =	swait.ge [sflag:s30], $0x2000  }
0xe3: {  	p0 =	sne.s32 s15, s25;
	[sflag:s30] =	ssyncset.done $0x0  }
.Ltmp2:
0xe4: {  	[sflag:s30] =	ssyncadd.s32 $0xFFFFE000;
	(pc) =	sbr.rel @p0 .LBB2_1-.Ltmp2, $4  }
0xe5: {  	[hbm4b:s24+s3] =	stream.linear.scatter [tilespmem:s29], [sflag:$0x2], $0x2000, $0x38;
	[tilespmem:$0x1B100] =	vst v63  }
0xe6: {  	_ =	swait.ge [sflag:s30], $0x2000  }
0xe7: {  	[sflag:s30] =	ssyncset.done $0x0  }
0xe8: {  	[sflag:s30] =	ssyncadd.s32 $0xFFFFE000  }
0xe9: {  	_ =	sfence.sel $0x180000  }
0xea: {  	[bflag:$0x0] =	sbarrier.arrive $0xFFFF  }
0xeb: {  	_ =	strace $0x9000004A  }
0xec: {  	s0 =	stileid.u32;
	[bflag:$0x2] =	sbarrier.arrive $0xFFFF  }
0xed: {  	p0 =	sne.s32 s0, $0x0;
	s0 =	rddreg [dreg:$0x2]  }
0xee: {  	s0 =	sadd.s32 @!p0 $0x100000, s0  }
0xef: {  	[sflag:s0] =	ssyncadd.tile.s32 @!p0 $0x1;
	_ =	shalt  }
.Lfunc_end2:
_tile_overlayer_lowered:
.L_overlay_start_2:
0xf0: {  	(tag) =	ssettag $0x2  }
0xf1: {  	s0 =	rddreg [dreg:$0x0];
	s2 =	stileid.u32  }
0xf2: {  	s1 =	rddreg [dreg:$0x1];
	p0 =	sne.s32 s2, $0x0  }
0xf3: {  	s3 =	rddreg [dreg:$0x2];
	[bflag:$0x3] =	sbarrier.arrive $0xFFFF;
	s2 =	simm.s32 @!p0 $0x1C02  }
0xf4: {  	[timem:s3], [sflag:s2] =	dma.local @!p0 [hbm:s0], s1  }
0xf5: {  	s0 =	simm.s32 @!p0 $0x2  }
0xf6: {  	_ =	swait.ge @!p0 [sflag:s0], s1  }
0xf7: {  	s1 =	ssub.s32 @!p0 $0x0, s1;
	[sflag:s0] =	ssyncset.done @!p0 $0x0  }
0xf8: {  	[sflag:s0] =	ssyncadd.s32 @!p0 s1  }
0xf9: {  	[bflag:$0x3] =	sbarrier.arrive $0xFFFF  }
0xfa: {  	_ =	shalt  }

// kernel: kernel.17.cloned.1.call-start
scs
__scs_entry_jumppad:
0x0: {  	(pc) =	sbr.rel $0x88, $3  }
0x1: {  	(tag) =	ssettag $0x0;
	lr =	simm.s32 $0x1  }
0x2: {  	[smem:$0x3F8F] =	sst lr;
	_ =	strace $0xD0000000  }
0x3: {  	_ = 	snop  }
0x4: {  	_ = 	snop  }
0x5: {  	_ = 	snop  }
0x6: {  	_ = 	snop  }
0x7: {  	_ = 	snop  }
__scs_overlays_trampoline_lowered:
0x8: {  	[smem:$0x3F9E] =	sst s0  }
0x9: {  	[smem:$0x3F9F] =	sst s1  }
0xa: {  	[smem:$0x3FA0] =	sst s2  }
0xb: {  	[smem:$0x3FA1] =	sst s3  }
0xc: {  	[smem:$0x3FA2] =	sst s4  }
0xd: {  	[smem:$0x3FA3] =	sst s5  }
0xe: {  	[smem:$0x3FA4] =	sst s6  }
0xf: {  	[smem:$0x3FA5] =	sst s7  }
0x10: {  	[smem:$0x3FA6] =	sst s8  }
0x11: {  	[smem:$0x3FA7] =	sst s9;
	s0 =	simm.s32 @!p0 $0x0  }
0x12: {  	s1 =	sld [smem:$0x3F8D];
	s0 =	simm.s32 @p0 $0x1  }
0x13: {  	[smem:$0x3FA8] =	sst s0;
	s0 =	simm.s32 @!p1 $0x0  }
0x14: {  	s2 =	sld [smem:$0x3F8C];
	s0 =	simm.s32 @p1 $0x1  }
0x15: {  	[smem:$0x3FA9] =	sst s0;
	s0 =	simm.s32 @!p2 $0x0  }
0x16: {  	s3 =	sld [smem:$0x3FDB];
	s0 =	simm.s32 @p2 $0x1  }
0x17: {  	s4 =	simm.s32 $0x1BF5;
	[smem:$0x3FAB] =	sst s0  }
0x18: {  	s0 =	sld [smem:$0x3F8E];
	_ =	swait.ge [sflag:s4], $0x0  }
0x19: {  	s7 =	sld [smem:$0x3F8F]  }
0x1a: {  	s8 =	sadd.s32 $0xFFFFE003, lr  }
0x1b: {  	s9 =	sadd.s32 $0xFFFFFEF7, lr;
	s5 =	simm.s32 $0xFFFFFFFF;
	p2 =	slt.u32 s8, $0xFFFFF086  }
0x1c: {  	p1 =	slt.u32 s9, $0xF7A;
	s5 =	simm.s32 @!p2 $0x0  }
0x1d: {  	s5 =	simm.s32 @p1 $0x1;
	p0 =	seq.s32 s7, s2  }
0x1e: {  	s7 =	smul.u32 @!p0 $0xF7A, s2;
	p2 =	seq.s32 @!p0 s5, $0x0  }
0x1f: {  	s9 =	smul.u32 $0xF7A, s1;
	s8 =	simm.s32 @!p0 $0x1BF5;
	p2 =	por !p2, p0  }
0x20: {  	[sflag:s8] =	ssyncset.s32 @!p0 $0xFFFFF086;
	s6 =	sadd.s32 @!p0 s3, s7;
	s7 =	simm.s32 @!p0 $0x108  }
0x21: {  	s3 =	sadd.s32 s3, s9;
	s6 =	sadd.s32 @!p0 $0x88, s6;
	s7 =	simm.s32 @p2 $0x1082  }
0x22: {  	[simem:s7], [sflag:s8] =	dma.local @!p0 [hbm:s6], $0xF7A  }
0x23: {  	s9 =	sor.u32 $0xD0000000, s2;
	s6 =	simm.s32 $0x108;
	_ =	swait.ge @!p0 [sflag:s8], $0x0  }
0x24: {  	s3 =	sadd.s32 $0x88, s3;
	s6 =	simm.s32 @!p1 $0x1082;
	[sflag:s4] =	ssyncset.s32 $0xFFFFF086  }
0x25: {  	[simem:s6], [sflag:s4] =	dma.local [hbm:s3], $0xF7A  }
0x26: {  	[smem:$0x3F8F] =	sst s1;
	(tag) =	ssettag s2;
	_ =	strace s9  }
0x27: {  	s1 =	sld [smem:$0x3F9F]  }
0x28: {  	s2 =	sld [smem:$0x3FA0]  }
0x29: {  	s4 =	sld [smem:$0x3FA2]  }
0x2a: {  	p0 =	seq.s32 s5, $0x0;
	s5 =	sld [smem:$0x3FA3]  }
0x2b: {  	s6 =	sld [smem:$0x3FA4]  }
0x2c: {  	s7 =	sld [smem:$0x3FA5]  }
0x2d: {  	s3 =	simm.s32 $0x108;
	s8 =	sld [smem:$0x3FA6]  }
0x2e: {  	s3 =	simm.s32 @!p0 $0x1082;
	s9 =	sld [smem:$0x3FA7]  }
0x2f: {  	lr =	sadd.s32 s0, s3;
	s0 =	sld [smem:$0x3F9E]  }
0x30: {  	s3 =	sld [smem:$0x3FA1]  }
0x31: {  	[smem:$0x3FAA] =	sst s10  }
0x32: {  	s10 =	sld [smem:$0x3FA8];
	_ =	sdelay $0x3  }
0x33: {  	p0 =	seq.s32 s10, $0x1;
	s10 =	sld [smem:$0x3FAA];
	_ =	sdelay $0x3  }
0x34: {  	[smem:$0x3FAA] =	sst s10  }
0x35: {  	s10 =	sld [smem:$0x3FA9];
	_ =	sdelay $0x3  }
0x36: {  	p1 =	seq.s32 s10, $0x1;
	s10 =	sld [smem:$0x3FAA];
	_ =	sdelay $0x3  }
0x37: {  	[smem:$0x3FAA] =	sst s10  }
0x38: {  	s10 =	sld [smem:$0x3FAB]  }
0x39: {  	_ = 	snop;
	(pc) =	sbr.ind lr, $3  }
0x3a: {  	_ = 	snop  }
0x3b: {  	_ = 	snop  }
0x3c: {  	p2 =	seq.s32 s10, $0x1;
	s10 =	sld [smem:$0x3FAA]  }
0x3d: {  	_ =	shalt  }
0x3e: {  	_ =	shalt  }
0x3f: {  	_ =	shalt  }
0x40: {  	_ =	shalt  }
0x41: {  	_ =	shalt  }
0x42: {  	_ =	shalt  }
0x43: {  	_ =	shalt  }
0x44: {  	_ =	shalt  }
0x45: {  	_ =	shalt  }
0x46: {  	_ =	shalt  }
0x47: {  	_ =	shalt  }
0x48: {  	_ =	shalt  }
0x49: {  	_ =	shalt  }
0x4a: {  	_ =	shalt  }
0x4b: {  	_ =	shalt  }
0x4c: {  	_ =	shalt  }
0x4d: {  	_ =	shalt  }
0x4e: {  	_ =	shalt  }
0x4f: {  	_ =	shalt  }
0x50: {  	_ =	shalt  }
0x51: {  	_ =	shalt  }
0x52: {  	_ =	shalt  }
0x53: {  	_ =	shalt  }
0x54: {  	_ =	shalt  }
0x55: {  	_ =	shalt  }
0x56: {  	_ =	shalt  }
0x57: {  	_ =	shalt  }
0x58: {  	_ =	shalt  }
0x59: {  	_ =	shalt  }
0x5a: {  	_ =	shalt  }
0x5b: {  	_ =	shalt  }
0x5c: {  	_ =	shalt  }
0x5d: {  	_ =	shalt  }
0x5e: {  	_ =	shalt  }
0x5f: {  	_ =	shalt  }
0x60: {  	_ =	shalt  }
0x61: {  	_ =	shalt  }
0x62: {  	_ =	shalt  }
0x63: {  	_ =	shalt  }
0x64: {  	_ =	shalt  }
0x65: {  	_ =	shalt  }
0x66: {  	_ =	shalt  }
0x67: {  	_ =	shalt  }
0x68: {  	_ =	shalt  }
0x69: {  	_ =	shalt  }
0x6a: {  	_ =	shalt  }
0x6b: {  	_ =	shalt  }
0x6c: {  	_ =	shalt  }
0x6d: {  	_ =	shalt  }
0x6e: {  	_ =	shalt  }
0x6f: {  	_ =	shalt  }
0x70: {  	_ =	shalt  }
0x71: {  	_ =	shalt  }
0x72: {  	_ =	shalt  }
0x73: {  	_ =	shalt  }
0x74: {  	_ =	shalt  }
0x75: {  	_ =	shalt  }
0x76: {  	_ =	shalt  }
0x77: {  	_ =	shalt  }
0x78: {  	_ =	shalt  }
0x79: {  	_ =	shalt  }
0x7a: {  	_ =	shalt  }
0x7b: {  	_ =	shalt  }
0x7c: {  	_ =	shalt  }
0x7d: {  	_ =	shalt  }
0x7e: {  	_ =	shalt  }
0x7f: {  	_ =	shalt  }
0x80: {  	_ =	shalt  }
0x81: {  	_ =	shalt  }
0x82: {  	_ =	shalt  }
0x83: {  	_ =	shalt  }
0x84: {  	_ =	shalt  }
0x85: {  	_ =	shalt  }
0x86: {  	_ =	shalt  }
0x87: {  	_ =	shalt  }
.Lfunc_end0:
.L_simem_size_0:
called_computation.2_lowered:
.L_overlay_start_0:
0x88: {  	s2 =	sld [smem:$0x3FD9]  }
0x89: {  	s3 =	sld [smem:$0x3FFE];
	_ =	sdelay $0x1  }
0x8a: {  	s1 =	srdreg.scid  }
0x8b: {  	s0 =	sand.u32 $0x1, s1  }
0x8c: {  	s16 =	sshll.u32 s0, $0xA;
	s2 =	sadd.s32 s3, s2  }
0x8d: {  	s2 =	sadd.s32 s2, s16  }
0x8e: {  	[smem:$0x3FB6] =	sst s2  }
0x8f: {  	_ = 	snop  }
0x90: {  	(tm) =	ssettm $0x1  }
0x91: {  	s17 =	sld [smem:$0x3FFB];
	_ =	sdelay $0x3  }
0x92: {  	_ =	strace s17  }
0x93: {  	s2 =	sld [smem:$0x3FFC];
	_ =	sdelay $0x3  }
0x94: {  	_ =	strace s2  }
0x95: {  	s2 =	sld [smem:$0x3FFD];
	_ =	sdelay $0x3  }
0x96: {  	_ =	strace s2  }
0x97: {  	_ =	strace $0x8FFFFFFF  }
0x98: {  	s18 =	sld [smem:$0x3FDB];
	_ =	sdelay $0x1  }
0x99: {  	s19 =	simm.s32 $_scs_section_size  }
0x9a: {  	s4 =	simm.s32 $_size__tile_overlayer_lowered;
	s5 =	simm.s32 $_tile_overlayer_lowered  }
0x9b: {  	s22 =	simm.s32 $0x1BFF;
	s21 =	sshll.u32 s5, $0x1;
	s2 =	sadd.s32 s19, s18  }
0x9c: {  	s6 =	simm.s32 $0x0;
	s20 =	sshll.u32 s4, $0x1;
	s4 =	sadd.s32 s21, s2  }
0x9d: {  	[timem:s6], [sflag:s22] =	dma.local [hbm:s4], s20  }
0x9e: {  	_ =	swait.ge [sflag:s22], s20  }
0x9f: {  	s3 =	ssub.s32 $0x0, s20;
	[sflag:s22] =	ssyncset.done $0x0  }
0xa0: {  	[sflag:s22] =	ssyncadd.s32 s3;
	_ =	sdelay $0x1  }
0xa1: {  	s23 =	simm.s32 $0x1B8B  }
0xa2: {  	_ =	swait.ge [sflag:s23], $0x1  }
0xa3: {  	[sflag:s23] =	ssyncset.done $0x0  }
0xa4: {  	s25 =	simm.s32 $0x1B8E;
	s24 =	sld [smem:$0x3FFE];
	[sflag:s23] =	ssyncadd.s32 $0xFFFFFFFF  }
0xa5: {  	s26 =	simm.s32 $execute0_lowered;
	[smem:$0x3FD2] =	sst s25  }
0xa6: {  	s4 =	sshll.u32 s26, $0x1;
	_ =	strace $0x8000004C;
	[dreg:$0x1] =	wrdreg $0xFFFFFFFF  }
0xa7: {  	s28 =	simm.s32 $_size_execute0_lowered;
	s2 =	sadd.s32 s2, s4;
	[dreg:$0x0] =	wrdreg $0x0  }
0xa8: {  	s4 =	sshll.u32 s28, $0x1;
	[dreg:$0x2] =	wrdreg s2  }
0xa9: {  	[dreg:$0x3] =	wrdreg s4  }
0xaa: {  	[dreg:$0x4] =	wrdreg $0xC0  }
0xab: {  	_ =	task [dreg:s6], $0x5FFFF  }
0xac: {  	[dreg:$0x1] =	wrdreg $0xFFFFFFFF  }
0xad: {  	[dreg:$0x0] =	wrdreg $0x60  }
0xae: {  	[dreg:$0x2] =	wrdreg s24  }
0xaf: {  	[dreg:$0x3] =	wrdreg $0x9  }
0xb0: {  	_ =	task.clear_ibuf [dreg:s6], $0x4FFFF;
	_ =	strace $0x9000004C  }
0xb1: {  	s29 =	simm.s32 $0x9;
	_ =	strace $0x8000004E  }
0xb2: {  	_ =	swait.ge [sflag:s29], $0x1  }
0xb3: {  	[sflag:s29] =	ssyncadd.s32 $0xFFFFFFFF  }
0xb4: {  	_ =	strace $0x9000004E  }
0xb5: {  	_ =	sfence  }
0xb6: {  	s30 =	sld [smem:$0x0];
	_ =	sdelay $0x2  }
0xb7: {  	s31 =	sshll.u32 s1, $0xD;
	s1 =	sshrl.u32 s1, $0x2  }
0xb8: {  	s3 =	sand.u32 $0x4000, s31;
	s1 =	sadd.s32 s1, s30  }
0xb9: {  	s0 =	sor.u32 s3, s0;
	s1 =	sshll.u32 s1, $0x11  }
0xba: {  	s0 =	sor.u32 s1, s0  }
0xbb: {  	s0 =	sadd.s32 $0x8F2B, s0  }
0xbc: {  	[sflag:s0] =	ssyncadd.remote.s32 $0x1  }
0xbd: {  	_ =	sfence.sel $0xFFFF  }
0xbe: {  	[dreg:$0x0] =	wrdreg $0xFFFFFFFF;
	(pc) =	sbr.abs _section_cstart, $3  }
0xbf: {  	[dreg:$0x1] =	wrdreg $0xFFFFFFFF  }
0xc0: {  	_ =	task.clear_ibuf [dreg:s6], $0x2FFFF;
	_ =	strace $0x9FFFFFFF  }
0xc1: {  	(tm) =	ssettm $0x7FFFFFFF  }
tec
execute0_lowered:
.L_overlay_start_1:
0x0: {  	(tag) =	ssettag $0x1  }
0x1: {  	s4 =	rddreg [dreg:$0x0];
	s2 =	simm.s32 $0x0  }
0x2: {  	s26 =	simm.s32 $0x80;
	[smem:$0x7FF] =	sst s2  }
0x3: {  	s30 =	simm.s32 $0x900;
	_ =	strace $0x8000004D;
	[dreg:$0x4] =	wrdreg s26  }
0x4: {  	s0 =	stileid.u32;
	s31 =	simm.s32 $0xD00;
	[dreg:$0x5] =	wrdreg s30  }
0x5: {  	s3 =	smul.u32 $0x4E20, s0;
	s0 =	simm.s32 $0x1500;
	[dreg:$0x6] =	wrdreg s31  }
0x6: {  	s8 =	simm.s32 $0x2500;
	[dreg:$0x7] =	wrdreg s0  }
0x7: {  	s9 =	simm.s32 $0x2D00;
	[dreg:$0xa] =	wrdreg s8  }
0x8: {  	s10 =	simm.s32 $0x3100;
	[dreg:$0xb] =	wrdreg s9  }
0x9: {  	s11 =	simm.s32 $0x3900;
	[dreg:$0xc] =	wrdreg s10  }
0xa: {  	s12 =	simm.s32 $0x3D00;
	[dreg:$0xd] =	wrdreg s11  }
0xb: {  	s13 =	simm.s32 $0x4500;
	[dreg:$0xe] =	wrdreg s12  }
0xc: {  	s15 =	simm.s32 $0x4900;
	[dreg:$0xf] =	wrdreg s13  }
0xd: {  	s1 =	srdreg.scid;
	s16 =	simm.s32 $0x5100;
	[dreg:$0x10] =	wrdreg s15  }
0xe: {  	s18 =	simm.s32 $0x5500;
	s19 =	simm.s32 $0x5D00;
	[dreg:$0x11] =	wrdreg s16  }
0xf: {  	s21 =	simm.s32 $0x6100;
	s22 =	simm.s32 $0x6900;
	[dreg:$0x12] =	wrdreg s18  }
0x10: {  	s23 =	simm.s32 $0x6D00;
	s28 =	simm.s32 $0x1;
	[dreg:$0x13] =	wrdreg s19  }
0x11: {  	s29 =	simm.s32 $0x0;
	s1 =	sand.u32 $0x1, s1;
	[dreg:$0x14] =	wrdreg s21  }
0x12: {  	s25 =	sadd.s32 $0x5400, s4;
	s5 =	smul.u32 $0x2710, s1;
	[dreg:$0x15] =	wrdreg s22  }
0x13: {  	s1 =	ssub.s32 $0x2, s1;
	[dreg:$0x16] =	wrdreg s23;
	s26 =	simm.s32 $0x8100  }
0x14: {  	s30 =	simm.s32 $0x8500;
	s8 =	simm.s32 $0x2;
	s31 =	simm.s32 $0x8D00  }
0x15: {  	s9 =	simm.s32 $0x100;
	s10 =	simm.s32 $0x7900;
	s11 =	simm.s32 $0x9100  }
0x16: {  	s12 =	simm.s32 $0x9900;
	s13 =	simm.s32 $0x9D00;
	s15 =	simm.s32 $0xA900  }
0x17: {  	s16 =	simm.s32 $0xB100;
	s18 =	simm.s32 $0xBD00;
	s19 =	simm.s32 $0xC100  }
0x18: {  	s21 =	simm.s32 $0xCD00;
	s22 =	simm.s32 $0xD500;
	[dreg:$0x18] =	wrdreg s26  }
0x19: {  	s23 =	simm.s32 $0xD900;
	s20 =	sshrl.u32 s1, $0x1;
	[dreg:$0x19] =	wrdreg s30  }
0x1a: {  	[dreg:$0x1a] =	wrdreg s31;
	s26 =	simm.s32 $0xED00;
	s3 =	sadd.s32 s5, s3  }
0x1b: {  	s5 =	simm.s32 $0x1900;
	s1 =	ssub.s32 s1, s20;
	s6 =	sshrl.u32 s3, $0x3  }
0x1c: {  	s3 =	sadd.s32 $0x4E200, s3;
	[dreg:$0x8] =	wrdreg s5;
	s24 =	smax.u32 s1, $0x1  }
0x1d: {  	s7 =	sadd.s32 s6, s25;
	s3 =	sshrl.u32 s3, $0x3;
	[dreg:$0x1b] =	wrdreg s24  }
0x1e: {  	s20 =	simm.s32 $0xC900;
	[dreg:$0x2] =	wrdreg s7;
	s3 =	sadd.s32 s3, s25  }
0x1f: {  	s14 =	smul.u32 $0x180, s6;
	s7 =	simm.s32 $0x2100;
	[dreg:$0x3] =	wrdreg s3  }
0x20: {  	s24 =	simm.s32 $0xE100;
	s25 =	simm.s32 $0x7500;
	[dreg:$0x9] =	wrdreg s7  }
0x21: {  	v2 =	vlaneseq.u32;
	s3 =	sadd.s32 $0x68E00, s4;
	s17 =	sadd.s32 s14, s4;
	s4 =	sadd.s32 $0x68F00, s4  }
0x22: {  	vm0 =	vmmov $0xffff;
	vm1 =	vmmov $0xff;
	v1 =	vshrl.u32 v2, $0x3;
	[dreg:$0x17] =	wrdreg s25;
	s14 =	simm.s32 $0xA500;
	s25 =	simm.s32 $0xE500  }
0x23: {  	v0 =	vand.u32 $0x7, v2;
	v2 =	vor.u32 $0x8, v2;
	v1 =	vmul.u32 $0x8, v1;
	s6 =	sadd.s32 $0xDE200, s17;
	s7 =	sadd.s32 $0xF84200, s17;
	s17 =	simm.s32 $0xB500  }
.LBB2_1:
0x24: {  	s30 =	smov.u32 s7;
	s31 =	smov.u32 s6;
	s1 =	simm.s32 $0x0  }
.LBB2_2:
0x25: {  	s0 =	rddreg [dreg:$0x2]  }
0x26: {  	s0 =	sadd.s32 s1, s0  }
0x27: {  	[tilespmem:s2], [sflag:$0x2] =	stream.linear.gather [hbm4b:s0+s2], $0x50, $0x38;
	[tilespmem:$0xF100] =	vst v63  }
0x28: {  	_ =	swait.ge [sflag:s8], $0x50  }
0x29: {  	s0 =	rddreg [dreg:$0x3];
	[sflag:s8] =	ssyncset.done $0x0  }
0x2a: {  	s5 =	rddreg [dreg:$0x4];
	[sflag:s8] =	ssyncadd.s32 $0xFFFFFFB0;
	s0 =	sadd.s32 s1, s0  }
0x2b: {  	[tilespmem:s5], [sflag:$0x2] =	stream.linear.gather [hbm4b:s0+s2], $0x50, $0x38;
	[tilespmem:$0xF100] =	vst v63  }
0x2c: {  	_ =	swait.ge [sflag:s8], $0x50  }
0x2d: {  	[sflag:s8] =	ssyncset.done $0x0  }
0x2e: {  	[sflag:s8] =	ssyncadd.s32 $0xFFFFFFB0  }
0x2f: {  	v3 =	vld [tilespmem:$0x0];
	_ =	sdelay $0x4  }
0x30: {  	v4 =	vshrl.u32 v3, $0x3  }
0x31: {  	v4 =	vmul.u32 $0x18, v4  }
0x32: {  	v3 =	vand.u32 $0x7, v3  }
0x33: {  	v3 =	vor.u32 v3, v4  }
0x34: {  	v4 =	vperm.xlane v3, v0;
	_ =	sdelay $0x1  }
0x35: {  	v4 =	vadd.s32 v1, v4;
	_ =	sdelay $0x1  }
0x36: {  	v3 =	vperm.xlane v3, v2;
	_ =	sdelay $0x1  }
0x37: {  	v3 =	vadd.s32 v1, v3  }
0x38: {  	[tilespmem:s9], [sflag:$0x1] =	stream.indirect_vreg.gather [hbm4b:s3+s2], $0x80, v4, vm0, $0xb8;
	[tilespmem:$0xF100] =	vst v63  }
0x39: {  	s0 =	rddreg [dreg:$0x5]  }
0x3a: {  	[tilespmem:s0], [sflag:$0x1] =	stream.indirect_vreg.gather [hbm4b:s4+s2], $0x80, v4, vm1, $0xb8;
	[tilespmem:$0xF100] =	vst v63  }
0x3b: {  	s5 =	rddreg [dreg:$0x6]  }
0x3c: {  	[tilespmem:s5], [sflag:$0x1] =	stream.indirect_vreg.gather [hbm4b:s3+s2], $0x80, v3, vm0, $0xb8;
	[tilespmem:$0xF100] =	vst v63  }
0x3d: {  	s0 =	rddreg [dreg:$0x7]  }
0x3e: {  	[tilespmem:s0], [sflag:$0x1] =	stream.indirect_vreg.gather [hbm4b:s4+s2], $0x80, v3, vm1, $0xb8;
	[tilespmem:$0xF100] =	vst v63  }
0x3f: {  	v3 =	vld [tilespmem:$0x10];
	_ =	sdelay $0x4  }
0x40: {  	v55 =	vshrl.u32 v3, $0x3  }
0x41: {  	v4 =	vmul.u32 $0x18, v55  }
0x42: {  	v3 =	vand.u32 $0x7, v3  }
0x43: {  	v3 =	vor.u32 v3, v4  }
0x44: {  	v4 =	vperm.xlane v3, v0;
	_ =	sdelay $0x1  }
0x45: {  	v4 =	vadd.s32 v1, v4;
	_ =	sdelay $0x1  }
0x46: {  	v3 =	vperm.xlane v3, v2;
	_ =	sdelay $0x1  }
0x47: {  	s0 =	rddreg [dreg:$0x8];
	v3 =	vadd.s32 v1, v3  }
0x48: {  	[tilespmem:s0], [sflag:$0x1] =	stream.indirect_vreg.gather [hbm4b:s3+s2], $0x80, v4, vm0, $0xb8;
	[tilespmem:$0xF100] =	vst v63  }
0x49: {  	s5 =	rddreg [dreg:$0x9]  }
0x4a: {  	[tilespmem:s5], [sflag:$0x1] =	stream.indirect_vreg.gather [hbm4b:s4+s2], $0x80, v4, vm1, $0xb8;
	[tilespmem:$0xF100] =	vst v63  }
0x4b: {  	s0 =	rddreg [dreg:$0xa]  }
0x4c: {  	[tilespmem:s0], [sflag:$0x1] =	stream.indirect_vreg.gather [hbm4b:s3+s2], $0x80, v3, vm0, $0xb8;
	[tilespmem:$0xF100] =	vst v63  }
0x4d: {  	s5 =	rddreg [dreg:$0xb]  }
0x4e: {  	[tilespmem:s5], [sflag:$0x1] =	stream.indirect_vreg.gather [hbm4b:s4+s2], $0x80, v3, vm1, $0xb8;
	[tilespmem:$0xF100] =	vst v63  }
0x4f: {  	v3 =	vld [tilespmem:$0x20];
	_ =	sdelay $0x4  }
0x50: {  	v56 =	vshrl.u32 v3, $0x3  }
0x51: {  	v4 =	vmul.u32 $0x18, v56  }
0x52: {  	v3 =	vand.u32 $0x7, v3  }
0x53: {  	v3 =	vor.u32 v3, v4  }
0x54: {  	v4 =	vperm.xlane v3, v0;
	_ =	sdelay $0x1  }
0x55: {  	v4 =	vadd.s32 v1, v4;
	_ =	sdelay $0x1  }
0x56: {  	v3 =	vperm.xlane v3, v2;
	_ =	sdelay $0x1  }
0x57: {  	s0 =	rddreg [dreg:$0xc];
	v3 =	vadd.s32 v1, v3  }
0x58: {  	[tilespmem:s0], [sflag:$0x1] =	stream.indirect_vreg.gather [hbm4b:s3+s2], $0x80, v4, vm0, $0xb8;
	[tilespmem:$0xF100] =	vst v63  }
0x59: {  	s5 =	rddreg [dreg:$0xd]  }
0x5a: {  	[tilespmem:s5], [sflag:$0x1] =	stream.indirect_vreg.gather [hbm4b:s4+s2], $0x80, v4, vm1, $0xb8;
	[tilespmem:$0xF100] =	vst v63  }
0x5b: {  	s0 =	rddreg [dreg:$0xe]  }
0x5c: {  	[tilespmem:s0], [sflag:$0x1] =	stream.indirect_vreg.gather [hbm4b:s3+s2], $0x80, v3, vm0, $0xb8;
	[tilespmem:$0xF100] =	vst v63  }
0x5d: {  	s5 =	rddreg [dreg:$0xf]  }
0x5e: {  	[tilespmem:s5], [sflag:$0x1] =	stream.indirect_vreg.gather [hbm4b:s4+s2], $0x80, v3, vm1, $0xb8;
	[tilespmem:$0xF100] =	vst v63  }
0x5f: {  	v3 =	vld [tilespmem:$0x30];
	_ =	sdelay $0x4  }
0x60: {  	v57 =	vshrl.u32 v3, $0x3  }
0x61: {  	v4 =	vmul.u32 $0x18, v57  }
0x62: {  	v3 =	vand.u32 $0x7, v3  }
0x63: {  	v3 =	vor.u32 v3, v4  }
0x64: {  	v4 =	vperm.xlane v3, v0;
	_ =	sdelay $0x1  }
0x65: {  	v4 =	vadd.s32 v1, v4;
	_ =	sdelay $0x1  }
0x66: {  	v3 =	vperm.xlane v3, v2;
	_ =	sdelay $0x1  }
0x67: {  	s0 =	rddreg [dreg:$0x10];
	v3 =	vadd.s32 v1, v3  }
0x68: {  	[tilespmem:s0], [sflag:$0x1] =	stream.indirect_vreg.gather [hbm4b:s3+s2], $0x80, v4, vm0, $0xb8;
	[tilespmem:$0xF100] =	vst v63  }
0x69: {  	s5 =	rddreg [dreg:$0x11]  }
0x6a: {  	[tilespmem:s5], [sflag:$0x1] =	stream.indirect_vreg.gather [hbm4b:s4+s2], $0x80, v4, vm1, $0xb8;
	[tilespmem:$0xF100] =	vst v63  }
0x6b: {  	s0 =	rddreg [dreg:$0x12]  }
0x6c: {  	[tilespmem:s0], [sflag:$0x1] =	stream.indirect_vreg.gather [hbm4b:s3+s2], $0x80, v3, vm0, $0xb8;
	[tilespmem:$0xF100] =	vst v63  }
0x6d: {  	s5 =	rddreg [dreg:$0x13]  }
0x6e: {  	[tilespmem:s5], [sflag:$0x1] =	stream.indirect_vreg.gather [hbm4b:s4+s2], $0x80, v3, vm1, $0xb8;
	[tilespmem:$0xF100] =	vst v63  }
0x6f: {  	v3 =	vld [tilespmem:$0x40];
	_ =	sdelay $0x4  }
0x70: {  	v58 =	vshrl.u32 v3, $0x3  }
0x71: {  	v4 =	vmul.u32 $0x18, v58  }
0x72: {  	v3 =	vand.u32 $0x7, v3  }
0x73: {  	v3 =	vor.u32 v3, v4  }
0x74: {  	v4 =	vperm.xlane v3, v0;
	_ =	sdelay $0x1  }
0x75: {  	v4 =	vadd.s32 v1, v4;
	_ =	sdelay $0x1  }
0x76: {  	v3 =	vperm.xlane v3, v2;
	_ =	sdelay $0x1  }
0x77: {  	s0 =	rddreg [dreg:$0x14];
	v3 =	vadd.s32 v1, v3  }
0x78: {  	[tilespmem:s0], [sflag:$0x1] =	stream.indirect_vreg.gather [hbm4b:s3+s2], $0x80, v4, vm0, $0xb8;
	[tilespmem:$0xF100] =	vst v63  }
0x79: {  	s5 =	rddreg [dreg:$0x15]  }
0x7a: {  	[tilespmem:s5], [sflag:$0x1] =	stream.indirect_vreg.gather [hbm4b:s4+s2], $0x80, v4, vm1, $0xb8;
	[tilespmem:$0xF100] =	vst v63  }
0x7b: {  	s0 =	rddreg [dreg:$0x16]  }
0x7c: {  	[tilespmem:s0], [sflag:$0x1] =	stream.indirect_vreg.gather [hbm4b:s3+s2], $0x80, v3, vm0, $0xb8;
	[tilespmem:$0xF100] =	vst v63  }
0x7d: {  	s5 =	rddreg [dreg:$0x17]  }
0x7e: {  	[tilespmem:s5], [sflag:$0x1] =	stream.indirect_vreg.gather [hbm4b:s4+s2], $0x80, v3, vm1, $0xb8;
	[tilespmem:$0xF100] =	vst v63  }
0x7f: {  	v3 =	vld [tilespmem:$0x80];
	_ =	sdelay $0x4  }
0x80: {  	v59 =	vshrl.u32 v3, $0x3  }
0x81: {  	v4 =	vmul.u32 $0x18, v59  }
0x82: {  	v3 =	vand.u32 $0x7, v3  }
0x83: {  	v3 =	vor.u32 v3, v4  }
0x84: {  	v4 =	vperm.xlane v3, v0;
	_ =	sdelay $0x1  }
0x85: {  	v4 =	vadd.s32 v1, v4;
	_ =	sdelay $0x1  }
0x86: {  	v3 =	vperm.xlane v3, v2;
	_ =	sdelay $0x1  }
0x87: {  	v3 =	vadd.s32 v1, v3  }
0x88: {  	[tilespmem:s10], [sflag:$0x1] =	stream.indirect_vreg.gather [hbm4b:s3+s2], $0x80, v4, vm0, $0xb8;
	[tilespmem:$0xF100] =	vst v63  }
0x89: {  	s0 =	rddreg [dreg:$0x18]  }
0x8a: {  	[tilespmem:s0], [sflag:$0x1] =	stream.indirect_vreg.gather [hbm4b:s4+s2], $0x80, v4, vm1, $0xb8;
	[tilespmem:$0xF100] =	vst v63  }
0x8b: {  	s5 =	rddreg [dreg:$0x19]  }
0x8c: {  	[tilespmem:s5], [sflag:$0x1] =	stream.indirect_vreg.gather [hbm4b:s3+s2], $0x80, v3, vm0, $0xb8;
	[tilespmem:$0xF100] =	vst v63  }
0x8d: {  	s0 =	rddreg [dreg:$0x1a]  }
0x8e: {  	[tilespmem:s0], [sflag:$0x1] =	stream.indirect_vreg.gather [hbm4b:s4+s2], $0x80, v3, vm1, $0xb8;
	[tilespmem:$0xF100] =	vst v63  }
0x8f: {  	v3 =	vld [tilespmem:$0x90];
	_ =	sdelay $0x4  }
0x90: {  	v60 =	vshrl.u32 v3, $0x3  }
0x91: {  	v4 =	vmul.u32 $0x18, v60  }
0x92: {  	v3 =	vand.u32 $0x7, v3  }
0x93: {  	v3 =	vor.u32 v3, v4  }
0x94: {  	v4 =	vperm.xlane v3, v0;
	_ =	sdelay $0x1  }
0x95: {  	v4 =	vadd.s32 v1, v4;
	_ =	sdelay $0x1  }
0x96: {  	v3 =	vperm.xlane v3, v2;
	_ =	sdelay $0x1  }
0x97: {  	v3 =	vadd.s32 v1, v3  }
0x98: {  	[tilespmem:s11], [sflag:$0x1] =	stream.indirect_vreg.gather [hbm4b:s3+s2], $0x80, v4, vm0, $0xb8;
	[tilespmem:$0xF100] =	vst v63  }
0x99: {  	_ = 	snop  }
0x9a: {  	[tilespmem:s12], [sflag:$0x1] =	stream.indirect_vreg.gather [hbm4b:s4+s2], $0x80, v4, vm1, $0xb8;
	[tilespmem:$0xF100] =	vst v63  }
0x9b: {  	_ = 	snop  }
0x9c: {  	[tilespmem:s13], [sflag:$0x1] =	stream.indirect_vreg.gather [hbm4b:s3+s2], $0x80, v3, vm0, $0xb8;
	[tilespmem:$0xF100] =	vst v63  }
0x9d: {  	_ = 	snop  }
0x9e: {  	[tilespmem:s14], [sflag:$0x1] =	stream.indirect_vreg.gather [hbm4b:s4+s2], $0x80, v3, vm1, $0xb8;
	[tilespmem:$0xF100] =	vst v63  }
0x9f: {  	v3 =	vld [tilespmem:$0xA0];
	_ =	sdelay $0x4  }
0xa0: {  	v61 =	vshrl.u32 v3, $0x3  }
0xa1: {  	v4 =	vmul.u32 $0x18, v61  }
0xa2: {  	v3 =	vand.u32 $0x7, v3  }
0xa3: {  	v3 =	vor.u32 v3, v4  }
0xa4: {  	v4 =	vperm.xlane v3, v0;
	_ =	sdelay $0x1  }
0xa5: {  	v4 =	vadd.s32 v1, v4;
	_ =	sdelay $0x1  }
0xa6: {  	v3 =	vperm.xlane v3, v2;
	_ =	sdelay $0x1  }
0xa7: {  	v3 =	vadd.s32 v1, v3  }
0xa8: {  	[tilespmem:s15], [sflag:$0x1] =	stream.indirect_vreg.gather [hbm4b:s3+s2], $0x80, v4, vm0, $0xb8;
	[tilespmem:$0xF100] =	vst v63  }
0xa9: {  	_ = 	snop  }
0xaa: {  	[tilespmem:s16], [sflag:$0x1] =	stream.indirect_vreg.gather [hbm4b:s4+s2], $0x80, v4, vm1, $0xb8;
	[tilespmem:$0xF100] =	vst v63  }
0xab: {  	_ = 	snop  }
0xac: {  	[tilespmem:s17], [sflag:$0x1] =	stream.indirect_vreg.gather [hbm4b:s3+s2], $0x80, v3, vm0, $0xb8;
	[tilespmem:$0xF100] =	vst v63  }
0xad: {  	_ = 	snop  }
0xae: {  	[tilespmem:s18], [sflag:$0x1] =	stream.indirect_vreg.gather [hbm4b:s4+s2], $0x80, v3, vm1, $0xb8;
	[tilespmem:$0xF100] =	vst v63  }
0xaf: {  	v3 =	vld [tilespmem:$0xB0];
	_ =	sdelay $0x4  }
0xb0: {  	v62 =	vshrl.u32 v3, $0x3  }
0xb1: {  	v4 =	vmul.u32 $0x18, v62  }
0xb2: {  	v3 =	vand.u32 $0x7, v3  }
0xb3: {  	v3 =	vor.u32 v3, v4  }
0xb4: {  	v4 =	vperm.xlane v3, v0;
	_ =	sdelay $0x1  }
0xb5: {  	v4 =	vadd.s32 v1, v4;
	_ =	sdelay $0x1  }
0xb6: {  	v3 =	vperm.xlane v3, v2;
	_ =	sdelay $0x1  }
0xb7: {  	v3 =	vadd.s32 v1, v3  }
0xb8: {  	[tilespmem:s19], [sflag:$0x1] =	stream.indirect_vreg.gather [hbm4b:s3+s2], $0x80, v4, vm0, $0xb8;
	[tilespmem:$0xF100] =	vst v63  }
0xb9: {  	_ = 	snop  }
0xba: {  	[tilespmem:s20], [sflag:$0x1] =	stream.indirect_vreg.gather [hbm4b:s4+s2], $0x80, v4, vm1, $0xb8;
	[tilespmem:$0xF100] =	vst v63  }
0xbb: {  	_ = 	snop  }
0xbc: {  	[tilespmem:s21], [sflag:$0x1] =	stream.indirect_vreg.gather [hbm4b:s3+s2], $0x80, v3, vm0, $0xb8;
	[tilespmem:$0xF100] =	vst v63  }
0xbd: {  	_ = 	snop  }
0xbe: {  	[tilespmem:s22], [sflag:$0x1] =	stream.indirect_vreg.gather [hbm4b:s4+s2], $0x80, v3, vm1, $0xb8;
	[tilespmem:$0xF100] =	vst v63  }
0xbf: {  	v3 =	vld [tilespmem:$0xC0];
	_ =	sdelay $0x4  }
0xc0: {  	v63 =	vshrl.u32 v3, $0x3  }
0xc1: {  	v4 =	vmul.u32 $0x18, v63  }
0xc2: {  	v3 =	vand.u32 $0x7, v3  }
0xc3: {  	v3 =	vor.u32 v3, v4  }
0xc4: {  	v4 =	vperm.xlane v3, v0;
	_ =	sdelay $0x1  }
0xc5: {  	v4 =	vadd.s32 v1, v4;
	_ =	sdelay $0x1  }
0xc6: {  	v3 =	vperm.xlane v3, v2;
	_ =	sdelay $0x1  }
0xc7: {  	v3 =	vadd.s32 v1, v3  }
0xc8: {  	[tilespmem:s23], [sflag:$0x1] =	stream.indirect_vreg.gather [hbm4b:s3+s2], $0x80, v4, vm0, $0xb8;
	[tilespmem:$0xF100] =	vst v63  }
0xc9: {  	_ = 	snop  }
0xca: {  	[tilespmem:s24], [sflag:$0x1] =	stream.indirect_vreg.gather [hbm4b:s4+s2], $0x80, v4, vm1, $0xb8;
	[tilespmem:$0xF100] =	vst v63  }
0xcb: {  	_ = 	snop  }
0xcc: {  	[tilespmem:s25], [sflag:$0x1] =	stream.indirect_vreg.gather [hbm4b:s3+s2], $0x80, v3, vm0, $0xb8;
	[tilespmem:$0xF100] =	vst v63  }
0xcd: {  	_ = 	snop  }
0xce: {  	[tilespmem:s26], [sflag:$0x1] =	stream.indirect_vreg.gather [hbm4b:s4+s2], $0x80, v3, vm1, $0xb8;
	[tilespmem:$0xF100] =	vst v63  }
0xcf: {  	_ =	swait.ge [sflag:s28], $0x7800  }
0xd0: {  	[sflag:s28] =	ssyncset.done $0x0  }
0xd1: {  	[sflag:s28] =	ssyncadd.s32 $0xFFFF8800  }
0xd2: {  	[hbm4b:s31+s2] =	stream.linear.scatter [tilespmem:s9], [sflag:$0x2], $0x7800, $0x38;
	[tilespmem:$0xF100] =	vst v63  }
0xd3: {  	_ =	swait.ge [sflag:s8], $0x7800  }
0xd4: {  	[sflag:s8] =	ssyncset.done $0x0  }
0xd5: {  	[sflag:s8] =	ssyncadd.s32 $0xFFFF8800  }
0xd6: {  	_ =	swait.ge [sflag:s28], $0x7800  }
0xd7: {  	p0 =	sne.s32 s1, $0x4D8;
	[sflag:s28] =	ssyncset.done $0x0  }
.Ltmp0:
0xd8: {  	[sflag:s28] =	ssyncadd.s32 $0xFFFF8800;
	(pc) =	sbr.rel @p0 .LBB2_2-.Ltmp0, $4  }
0xd9: {  	[hbm4b:s30+s2] =	stream.linear.scatter [tilespmem:s10], [sflag:$0x2], $0x7800, $0x38;
	[tilespmem:$0xF100] =	vst v63  }
0xda: {  	_ =	swait.ge [sflag:s8], $0x7800  }
0xdb: {  	s1 =	sadd.s32 $0xA, s1;
	[sflag:s8] =	ssyncset.done $0x0  }
0xdc: {  	s31 =	sadd.s32 $0xF00, s31;
	s30 =	sadd.s32 $0xF00, s30;
	[sflag:s8] =	ssyncadd.s32 $0xFFFF8800  }
0xdd: {  	s29 =	sadd.s32 $0x1, s29;
	s0 =	rddreg [dreg:$0x1b]  }
0xde: {  	p0 =	sne.s32 s29, s0  }
.Ltmp1:
0xdf: {  	_ = 	snop;
	(pc) =	sbr.rel @p0 .LBB2_1-.Ltmp1, $1  }
0xe0: {  	_ =	sdelay $0x3  }
0xe1: {  	_ =	sfence.sel $0x180000  }
0xe2: {  	[bflag:$0x0] =	sbarrier.arrive $0xFFFF  }
0xe3: {  	_ =	strace $0x9000004D  }
0xe4: {  	s0 =	stileid.u32;
	[bflag:$0x2] =	sbarrier.arrive $0xFFFF  }
0xe5: {  	p0 =	sne.s32 s0, $0x0;
	s0 =	rddreg [dreg:$0x1]  }
0xe6: {  	s0 =	sadd.s32 @!p0 $0x100000, s0  }
0xe7: {  	[sflag:s0] =	ssyncadd.tile.s32 @!p0 $0x1;
	_ =	shalt  }
.Lfunc_end2:
_tile_overlayer_lowered:
.L_overlay_start_2:
0xe8: {  	(tag) =	ssettag $0x2  }
0xe9: {  	s0 =	rddreg [dreg:$0x0];
	s2 =	stileid.u32  }
0xea: {  	s1 =	rddreg [dreg:$0x1];
	p0 =	sne.s32 s2, $0x0  }
0xeb: {  	s3 =	rddreg [dreg:$0x2];
	[bflag:$0x3] =	sbarrier.arrive $0xFFFF;
	s2 =	simm.s32 @!p0 $0x1C02  }
0xec: {  	[timem:s3], [sflag:s2] =	dma.local @!p0 [hbm:s0], s1  }
0xed: {  	s0 =	simm.s32 @!p0 $0x2  }
0xee: {  	_ =	swait.ge @!p0 [sflag:s0], s1  }
0xef: {  	s1 =	ssub.s32 @!p0 $0x0, s1;
	[sflag:s0] =	ssyncset.done @!p0 $0x0  }
0xf0: {  	[sflag:s0] =	ssyncadd.s32 @!p0 s1  }
0xf1: {  	[bflag:$0x3] =	sbarrier.arrive $0xFFFF  }
0xf2: {  	_ =	shalt  }

// kernel: kernel.20.cloned.1.call-start
scs
__scs_entry_jumppad:
0x0: {  	(pc) =	sbr.rel $0x88, $3  }
0x1: {  	(tag) =	ssettag $0x0;
	lr =	simm.s32 $0x1  }
0x2: {  	[smem:$0x3F8F] =	sst lr;
	_ =	strace $0xD0000000  }
0x3: {  	_ = 	snop  }
0x4: {  	_ = 	snop  }
0x5: {  	_ = 	snop  }
0x6: {  	_ = 	snop  }
0x7: {  	_ = 	snop  }
__scs_overlays_trampoline_lowered:
0x8: {  	[smem:$0x3F9E] =	sst s0  }
0x9: {  	[smem:$0x3F9F] =	sst s1  }
0xa: {  	[smem:$0x3FA0] =	sst s2  }
0xb: {  	[smem:$0x3FA1] =	sst s3  }
0xc: {  	[smem:$0x3FA2] =	sst s4  }
0xd: {  	[smem:$0x3FA3] =	sst s5  }
0xe: {  	[smem:$0x3FA4] =	sst s6  }
0xf: {  	[smem:$0x3FA5] =	sst s7  }
0x10: {  	[smem:$0x3FA6] =	sst s8  }
0x11: {  	[smem:$0x3FA7] =	sst s9;
	s0 =	simm.s32 @!p0 $0x0  }
0x12: {  	s1 =	sld [smem:$0x3F8D];
	s0 =	simm.s32 @p0 $0x1  }
0x13: {  	[smem:$0x3FA8] =	sst s0;
	s0 =	simm.s32 @!p1 $0x0  }
0x14: {  	s2 =	sld [smem:$0x3F8C];
	s0 =	simm.s32 @p1 $0x1  }
0x15: {  	[smem:$0x3FA9] =	sst s0;
	s0 =	simm.s32 @!p2 $0x0  }
0x16: {  	s3 =	sld [smem:$0x3FDB];
	s0 =	simm.s32 @p2 $0x1  }
0x17: {  	s4 =	simm.s32 $0x1BF5;
	[smem:$0x3FAB] =	sst s0  }
0x18: {  	s0 =	sld [smem:$0x3F8E];
	_ =	swait.ge [sflag:s4], $0x0  }
0x19: {  	s7 =	sld [smem:$0x3F8F]  }
0x1a: {  	s8 =	sadd.s32 $0xFFFFE003, lr  }
0x1b: {  	s9 =	sadd.s32 $0xFFFFFEF7, lr;
	s5 =	simm.s32 $0xFFFFFFFF;
	p2 =	slt.u32 s8, $0xFFFFF086  }
0x1c: {  	p1 =	slt.u32 s9, $0xF7A;
	s5 =	simm.s32 @!p2 $0x0  }
0x1d: {  	s5 =	simm.s32 @p1 $0x1;
	p0 =	seq.s32 s7, s2  }
0x1e: {  	s7 =	smul.u32 @!p0 $0xF7A, s2;
	p2 =	seq.s32 @!p0 s5, $0x0  }
0x1f: {  	s9 =	smul.u32 $0xF7A, s1;
	s8 =	simm.s32 @!p0 $0x1BF5;
	p2 =	por !p2, p0  }
0x20: {  	[sflag:s8] =	ssyncset.s32 @!p0 $0xFFFFF086;
	s6 =	sadd.s32 @!p0 s3, s7;
	s7 =	simm.s32 @!p0 $0x108  }
0x21: {  	s3 =	sadd.s32 s3, s9;
	s6 =	sadd.s32 @!p0 $0x88, s6;
	s7 =	simm.s32 @p2 $0x1082  }
0x22: {  	[simem:s7], [sflag:s8] =	dma.local @!p0 [hbm:s6], $0xF7A  }
0x23: {  	s9 =	sor.u32 $0xD0000000, s2;
	s6 =	simm.s32 $0x108;
	_ =	swait.ge @!p0 [sflag:s8], $0x0  }
0x24: {  	s3 =	sadd.s32 $0x88, s3;
	s6 =	simm.s32 @!p1 $0x1082;
	[sflag:s4] =	ssyncset.s32 $0xFFFFF086  }
0x25: {  	[simem:s6], [sflag:s4] =	dma.local [hbm:s3], $0xF7A  }
0x26: {  	[smem:$0x3F8F] =	sst s1;
	(tag) =	ssettag s2;
	_ =	strace s9  }
0x27: {  	s1 =	sld [smem:$0x3F9F]  }
0x28: {  	s2 =	sld [smem:$0x3FA0]  }
0x29: {  	s4 =	sld [smem:$0x3FA2]  }
0x2a: {  	p0 =	seq.s32 s5, $0x0;
	s5 =	sld [smem:$0x3FA3]  }
0x2b: {  	s6 =	sld [smem:$0x3FA4]  }
0x2c: {  	s7 =	sld [smem:$0x3FA5]  }
0x2d: {  	s3 =	simm.s32 $0x108;
	s8 =	sld [smem:$0x3FA6]  }
0x2e: {  	s3 =	simm.s32 @!p0 $0x1082;
	s9 =	sld [smem:$0x3FA7]  }
0x2f: {  	lr =	sadd.s32 s0, s3;
	s0 =	sld [smem:$0x3F9E]  }
0x30: {  	s3 =	sld [smem:$0x3FA1]  }
0x31: {  	[smem:$0x3FAA] =	sst s10  }
0x32: {  	s10 =	sld [smem:$0x3FA8];
	_ =	sdelay $0x3  }
0x33: {  	p0 =	seq.s32 s10, $0x1;
	s10 =	sld [smem:$0x3FAA];
	_ =	sdelay $0x3  }
0x34: {  	[smem:$0x3FAA] =	sst s10  }
0x35: {  	s10 =	sld [smem:$0x3FA9];
	_ =	sdelay $0x3  }
0x36: {  	p1 =	seq.s32 s10, $0x1;
	s10 =	sld [smem:$0x3FAA];
	_ =	sdelay $0x3  }
0x37: {  	[smem:$0x3FAA] =	sst s10  }
0x38: {  	s10 =	sld [smem:$0x3FAB]  }
0x39: {  	_ = 	snop;
	(pc) =	sbr.ind lr, $3  }
0x3a: {  	_ = 	snop  }
0x3b: {  	_ = 	snop  }
0x3c: {  	p2 =	seq.s32 s10, $0x1;
	s10 =	sld [smem:$0x3FAA]  }
0x3d: {  	_ =	shalt  }
0x3e: {  	_ =	shalt  }
0x3f: {  	_ =	shalt  }
0x40: {  	_ =	shalt  }
0x41: {  	_ =	shalt  }
0x42: {  	_ =	shalt  }
0x43: {  	_ =	shalt  }
0x44: {  	_ =	shalt  }
0x45: {  	_ =	shalt  }
0x46: {  	_ =	shalt  }
0x47: {  	_ =	shalt  }
0x48: {  	_ =	shalt  }
0x49: {  	_ =	shalt  }
0x4a: {  	_ =	shalt  }
0x4b: {  	_ =	shalt  }
0x4c: {  	_ =	shalt  }
0x4d: {  	_ =	shalt  }
0x4e: {  	_ =	shalt  }
0x4f: {  	_ =	shalt  }
0x50: {  	_ =	shalt  }
0x51: {  	_ =	shalt  }
0x52: {  	_ =	shalt  }
0x53: {  	_ =	shalt  }
0x54: {  	_ =	shalt  }
0x55: {  	_ =	shalt  }
0x56: {  	_ =	shalt  }
0x57: {  	_ =	shalt  }
0x58: {  	_ =	shalt  }
0x59: {  	_ =	shalt  }
0x5a: {  	_ =	shalt  }
0x5b: {  	_ =	shalt  }
0x5c: {  	_ =	shalt  }
0x5d: {  	_ =	shalt  }
0x5e: {  	_ =	shalt  }
0x5f: {  	_ =	shalt  }
0x60: {  	_ =	shalt  }
0x61: {  	_ =	shalt  }
0x62: {  	_ =	shalt  }
0x63: {  	_ =	shalt  }
0x64: {  	_ =	shalt  }
0x65: {  	_ =	shalt  }
0x66: {  	_ =	shalt  }
0x67: {  	_ =	shalt  }
0x68: {  	_ =	shalt  }
0x69: {  	_ =	shalt  }
0x6a: {  	_ =	shalt  }
0x6b: {  	_ =	shalt  }
0x6c: {  	_ =	shalt  }
0x6d: {  	_ =	shalt  }
0x6e: {  	_ =	shalt  }
0x6f: {  	_ =	shalt  }
0x70: {  	_ =	shalt  }
0x71: {  	_ =	shalt  }
0x72: {  	_ =	shalt  }
0x73: {  	_ =	shalt  }
0x74: {  	_ =	shalt  }
0x75: {  	_ =	shalt  }
0x76: {  	_ =	shalt  }
0x77: {  	_ =	shalt  }
0x78: {  	_ =	shalt  }
0x79: {  	_ =	shalt  }
0x7a: {  	_ =	shalt  }
0x7b: {  	_ =	shalt  }
0x7c: {  	_ =	shalt  }
0x7d: {  	_ =	shalt  }
0x7e: {  	_ =	shalt  }
0x7f: {  	_ =	shalt  }
0x80: {  	_ =	shalt  }
0x81: {  	_ =	shalt  }
0x82: {  	_ =	shalt  }
0x83: {  	_ =	shalt  }
0x84: {  	_ =	shalt  }
0x85: {  	_ =	shalt  }
0x86: {  	_ =	shalt  }
0x87: {  	_ =	shalt  }
.Lfunc_end0:
.L_simem_size_0:
called_computation.3_lowered:
.L_overlay_start_0:
0x88: {  	s2 =	sld [smem:$0x3FD9]  }
0x89: {  	s3 =	sld [smem:$0x3FFE];
	_ =	sdelay $0x1  }
0x8a: {  	s1 =	srdreg.scid  }
0x8b: {  	s0 =	sand.u32 $0x1, s1  }
0x8c: {  	s16 =	sshll.u32 s0, $0xA;
	s2 =	sadd.s32 s3, s2  }
0x8d: {  	s2 =	sadd.s32 s2, s16  }
0x8e: {  	[smem:$0x3FB6] =	sst s2  }
0x8f: {  	_ = 	snop  }
0x90: {  	(tm) =	ssettm $0x1  }
0x91: {  	s17 =	sld [smem:$0x3FFB];
	_ =	sdelay $0x3  }
0x92: {  	_ =	strace s17  }
0x93: {  	s2 =	sld [smem:$0x3FFC];
	_ =	sdelay $0x3  }
0x94: {  	_ =	strace s2  }
0x95: {  	s2 =	sld [smem:$0x3FFD];
	_ =	sdelay $0x3  }
0x96: {  	_ =	strace s2  }
0x97: {  	_ =	strace $0x8FFFFFFF  }
0x98: {  	s18 =	sld [smem:$0x3FDB];
	_ =	sdelay $0x1  }
0x99: {  	s19 =	simm.s32 $_scs_section_size  }
0x9a: {  	s4 =	simm.s32 $_size__tile_overlayer_lowered;
	s5 =	simm.s32 $_tile_overlayer_lowered  }
0x9b: {  	s22 =	simm.s32 $0x1BFF;
	s21 =	sshll.u32 s5, $0x1;
	s2 =	sadd.s32 s19, s18  }
0x9c: {  	s6 =	simm.s32 $0x0;
	s20 =	sshll.u32 s4, $0x1;
	s4 =	sadd.s32 s21, s2  }
0x9d: {  	[timem:s6], [sflag:s22] =	dma.local [hbm:s4], s20  }
0x9e: {  	_ =	swait.ge [sflag:s22], s20  }
0x9f: {  	s3 =	ssub.s32 $0x0, s20;
	[sflag:s22] =	ssyncset.done $0x0  }
0xa0: {  	[sflag:s22] =	ssyncadd.s32 s3;
	_ =	sdelay $0x1  }
0xa1: {  	s23 =	simm.s32 $0x1B8B  }
0xa2: {  	_ =	swait.ge [sflag:s23], $0x1  }
0xa3: {  	[sflag:s23] =	ssyncset.done $0x0  }
0xa4: {  	s25 =	simm.s32 $0x1B8E;
	s24 =	sld [smem:$0x3FFE];
	[sflag:s23] =	ssyncadd.s32 $0xFFFFFFFF  }
0xa5: {  	s26 =	simm.s32 $execute0_lowered;
	[smem:$0x3FD2] =	sst s25  }
0xa6: {  	s4 =	sshll.u32 s26, $0x1;
	_ =	strace $0x8000004F;
	[dreg:$0x1] =	wrdreg $0xFFFFFFFF  }
0xa7: {  	s28 =	simm.s32 $_size_execute0_lowered;
	s2 =	sadd.s32 s2, s4;
	[dreg:$0x0] =	wrdreg $0x0  }
0xa8: {  	s4 =	sshll.u32 s28, $0x1;
	[dreg:$0x2] =	wrdreg s2  }
0xa9: {  	[dreg:$0x3] =	wrdreg s4  }
0xaa: {  	[dreg:$0x4] =	wrdreg $0xC0  }
0xab: {  	_ =	task [dreg:s6], $0x5FFFF  }
0xac: {  	[dreg:$0x1] =	wrdreg $0xFFFFFFFF  }
0xad: {  	[dreg:$0x0] =	wrdreg $0x60  }
0xae: {  	[dreg:$0x2] =	wrdreg s24  }
0xaf: {  	[dreg:$0x3] =	wrdreg $0x49000  }
0xb0: {  	[dreg:$0x4] =	wrdreg $0x9  }
0xb1: {  	_ =	task.clear_ibuf [dreg:s6], $0x5FFFF;
	_ =	strace $0x9000004F  }
0xb2: {  	s29 =	simm.s32 $0x9;
	_ =	strace $0x80000051  }
0xb3: {  	_ =	swait.ge [sflag:s29], $0x1  }
0xb4: {  	[sflag:s29] =	ssyncadd.s32 $0xFFFFFFFF  }
0xb5: {  	_ =	strace $0x90000051  }
0xb6: {  	_ =	sfence  }
0xb7: {  	s30 =	sld [smem:$0x0];
	_ =	sdelay $0x2  }
0xb8: {  	s31 =	sshll.u32 s1, $0xD;
	s1 =	sshrl.u32 s1, $0x2  }
0xb9: {  	s3 =	sand.u32 $0x4000, s31;
	s1 =	sadd.s32 s1, s30  }
0xba: {  	s0 =	sor.u32 s3, s0;
	s1 =	sshll.u32 s1, $0x11  }
0xbb: {  	s0 =	sor.u32 s1, s0  }
0xbc: {  	s0 =	sadd.s32 $0x8F2B, s0  }
0xbd: {  	[sflag:s0] =	ssyncadd.remote.s32 $0x1  }
0xbe: {  	_ =	sfence.sel $0xFFFF  }
0xbf: {  	[dreg:$0x0] =	wrdreg $0xFFFFFFFF;
	(pc) =	sbr.abs _section_cstart, $3  }
0xc0: {  	[dreg:$0x1] =	wrdreg $0xFFFFFFFF  }
0xc1: {  	_ =	task.clear_ibuf [dreg:s6], $0x2FFFF;
	_ =	strace $0x9FFFFFFF  }
0xc2: {  	(tm) =	ssettm $0x7FFFFFFF  }
0xc3: {  	_ =	shalt  }
tec
execute0_lowered:
.L_overlay_start_1:
0x0: {  	(tag) =	ssettag $0x1  }
0x1: {  	s0 =	rddreg [dreg:$0x0];
	s11 =	stileid.u32  }
0x2: {  	s3 =	srdreg.scid;
	s1 =	smul.u32 $0x4E200, s11  }
0x3: {  	s2 =	rddreg [dreg:$0x1];
	s4 =	smul.u32 $0x280, s11  }
0x4: {  	s29 =	simm.s32 $0x2900;
	s30 =	simm.s32 $0x1;
	s6 =	smul.u32 $0x50000, s11  }
0x5: {  	s31 =	simm.s32 $0x80;
	s12 =	sand.u32 $0x1, s3;
	s15 =	smul.u32 $0x4E20, s11  }
0x6: {  	s3 =	simm.s32 $0x0;
	s13 =	sadd.s32 $0x5400, s0;
	s5 =	smul.u32 $0x2800, s12  }
0x7: {  	[smem:$0x7FF] =	sst s3;
	s18 =	ssub.s32 $0x2, s12;
	s17 =	smul.u32 $0x2710, s12  }
0x8: {  	s12 =	smul.u32 $0x27100, s12;
	_ =	strace $0x80000050;
	s1 =	sadd.s32 s1, s0  }
0x9: {  	s6 =	sshrl.u32 s6, $0x2;
	s8 =	sshrl.u32 s18, $0x1;
	s4 =	sadd.s32 s4, s5  }
0xa: {  	s14 =	ssub.s32 s18, s8;
	s15 =	sadd.s32 s17, s15;
	s7 =	sshll.u32 s4, $0x4  }
0xb: {  	s1 =	sadd.s32 s12, s1;
	s12 =	simm.s32 $0x0;
	s0 =	sadd.s32 s7, s0  }
0xc: {  	s4 =	sadd.s32 s6, s2;
	s25 =	sshrl.u32 s15, $0x3;
	s16 =	sadd.s32 $0x68E00, s0  }
0xd: {  	s5 =	sadd.s32 $0x2000, s4;
	s19 =	sadd.s32 $0x69200, s0;
	[dreg:$0x3] =	wrdreg s16  }
0xe: {  	s6 =	sadd.s32 $0x4000, s4;
	s20 =	sadd.s32 $0x69600, s0;
	[dreg:$0x4] =	wrdreg s19  }
0xf: {  	s7 =	sadd.s32 $0x6000, s4;
	s21 =	sadd.s32 $0x69A00, s0;
	[dreg:$0x5] =	wrdreg s20  }
0x10: {  	s8 =	sadd.s32 $0x8000, s4;
	s22 =	sadd.s32 $0x69E00, s0;
	[dreg:$0x6] =	wrdreg s21  }
0x11: {  	s9 =	sadd.s32 $0xA000, s4;
	s23 =	sadd.s32 $0x6A200, s0;
	[dreg:$0x7] =	wrdreg s22  }
0x12: {  	s10 =	sadd.s32 $0xC000, s4;
	s24 =	sadd.s32 $0x6A600, s0;
	[dreg:$0x8] =	wrdreg s23  }
0x13: {  	s11 =	sadd.s32 $0xE000, s4;
	s28 =	sadd.s32 $0x12000, s4;
	[dreg:$0x9] =	wrdreg s24  }
0x14: {  	s19 =	sadd.s32 $0x4E200, s15;
	s20 =	sadd.s32 s25, s13;
	s22 =	sadd.s32 $0x6AE00, s0  }
0x15: {  	s23 =	sadd.s32 $0x6B200, s0;
	s24 =	smax.u32 s14, $0x1;
	s25 =	sadd.s32 $0x1E2A200, s1  }
0x16: {  	s1 =	simm.s32 $0x100;
	s26 =	sshrl.u32 s19, $0x3;
	s19 =	sadd.s32 $0x6AA00, s0  }
0x17: {  	v0 =	vimm.f32 $0.0e+00;
	s0 =	simm.s32 $0x50;
	s21 =	sadd.s32 s26, s13;
	s26 =	sadd.s32 $0x10000, s4  }
.LBB2_1:
0x18: {  	s13 =	sand.u32 $0x7E00, s3  }
0x19: {  	s14 =	sand.u32 $0x70, s3;
	s15 =	sshrl.u32 s13, $0x2  }
0x1a: {  	s13 =	simm.s32 $0x40;
	s15 =	sor.u32 s14, s15;
	s14 =	simm.s32 $0x0  }
.LBB2_2:
0x1b: {  	p0 =	sne.s32 s13, $0x7FC0  }
0x1c: {  	[tilespmem:s15+$0x2900] =	vst v0;
	s14 =	sadd.s32 $0x10, s14;
	s15 =	smov.u32 s13;
	s13 =	sadd.s32 $0x40, s13  }
.Ltmp0:
0x1d: {  	(pc) =	sbr.rel @p0 .LBB2_2-.Ltmp0, $4  }
0x1e: {  	_ = 	snop  }
0x1f: {  	s15 =	sand.u32 $0x7E00, s15  }
0x20: {  	s16 =	sand.u32 $0x70, s14;
	s15 =	sshrl.u32 s15, $0x2  }
0x21: {  	s15 =	sor.u32 s16, s15  }
0x22: {  	[tilespmem:s15+$0x2900] =	vst v0  }
0x23: {  	[spmem:s4] =	stream.linear.scatter [tilespmem:s29], [sflag:$0x1], $0x2000, $0x38;
	[tilespmem:$0x18900] =	vst v63  }
0x24: {  	_ =	swait.ge [sflag:s30], $0x2000  }
0x25: {  	[sflag:s30] =	ssyncset.done $0x0  }
0x26: {  	[sflag:s30] =	ssyncadd.s32 $0xFFFFE000  }
0x27: {  	[spmem:s5] =	stream.linear.scatter [tilespmem:s29], [sflag:$0x1], $0x2000, $0x38;
	[tilespmem:$0x18900] =	vst v63  }
0x28: {  	_ =	swait.ge [sflag:s30], $0x2000  }
0x29: {  	[sflag:s30] =	ssyncset.done $0x0  }
0x2a: {  	[sflag:s30] =	ssyncadd.s32 $0xFFFFE000  }
0x2b: {  	[spmem:s6] =	stream.linear.scatter [tilespmem:s29], [sflag:$0x1], $0x2000, $0x38;
	[tilespmem:$0x18900] =	vst v63  }
0x2c: {  	_ =	swait.ge [sflag:s30], $0x2000  }
0x2d: {  	[sflag:s30] =	ssyncset.done $0x0  }
0x2e: {  	[sflag:s30] =	ssyncadd.s32 $0xFFFFE000  }
0x2f: {  	[spmem:s7] =	stream.linear.scatter [tilespmem:s29], [sflag:$0x1], $0x2000, $0x38;
	[tilespmem:$0x18900] =	vst v63  }
0x30: {  	_ =	swait.ge [sflag:s30], $0x2000  }
0x31: {  	[sflag:s30] =	ssyncset.done $0x0  }
0x32: {  	[sflag:s30] =	ssyncadd.s32 $0xFFFFE000  }
0x33: {  	[spmem:s8] =	stream.linear.scatter [tilespmem:s29], [sflag:$0x1], $0x2000, $0x38;
	[tilespmem:$0x18900] =	vst v63  }
0x34: {  	_ =	swait.ge [sflag:s30], $0x2000  }
0x35: {  	[sflag:s30] =	ssyncset.done $0x0  }
0x36: {  	[sflag:s30] =	ssyncadd.s32 $0xFFFFE000  }
0x37: {  	[spmem:s9] =	stream.linear.scatter [tilespmem:s29], [sflag:$0x1], $0x2000, $0x38;
	[tilespmem:$0x18900] =	vst v63  }
0x38: {  	_ =	swait.ge [sflag:s30], $0x2000  }
0x39: {  	[sflag:s30] =	ssyncset.done $0x0  }
0x3a: {  	[sflag:s30] =	ssyncadd.s32 $0xFFFFE000  }
0x3b: {  	[spmem:s10] =	stream.linear.scatter [tilespmem:s29], [sflag:$0x1], $0x2000, $0x38;
	[tilespmem:$0x18900] =	vst v63  }
0x3c: {  	_ =	swait.ge [sflag:s30], $0x2000  }
0x3d: {  	[sflag:s30] =	ssyncset.done $0x0  }
0x3e: {  	[sflag:s30] =	ssyncadd.s32 $0xFFFFE000  }
0x3f: {  	[spmem:s11] =	stream.linear.scatter [tilespmem:s29], [sflag:$0x1], $0x2000, $0x38;
	[tilespmem:$0x18900] =	vst v63  }
0x40: {  	_ =	swait.ge [sflag:s30], $0x2000  }
0x41: {  	[sflag:s30] =	ssyncset.done $0x0  }
0x42: {  	[sflag:s30] =	ssyncadd.s32 $0xFFFFE000  }
0x43: {  	[spmem:s26] =	stream.linear.scatter [tilespmem:s29], [sflag:$0x1], $0x2000, $0x38;
	[tilespmem:$0x18900] =	vst v63  }
0x44: {  	_ =	swait.ge [sflag:s30], $0x2000  }
0x45: {  	[sflag:s30] =	ssyncset.done $0x0  }
0x46: {  	[sflag:s30] =	ssyncadd.s32 $0xFFFFE000  }
0x47: {  	[spmem:s28] =	stream.linear.scatter [tilespmem:s29], [sflag:$0x1], $0x2000, $0x38;
	[tilespmem:$0x18900] =	vst v63  }
0x48: {  	_ =	swait.ge [sflag:s30], $0x2000  }
0x49: {  	[sflag:s30] =	ssyncset.done $0x0  }
0x4a: {  	[sflag:s30] =	ssyncadd.s32 $0xFFFFE000  }
0x4b: {  	s13 =	sadd.s32 $0x0, s20;
	[bflag:$0x0] =	sbarrier.arrive $0xFFFF  }
0x4c: {  	[tilespmem:s3], [sflag:$0x1] =	stream.linear.gather [hbm4b:s13+s3], $0x50, $0x38;
	[tilespmem:$0x18900] =	vst v63  }
0x4d: {  	_ =	swait.ge [sflag:s30], $0x50  }
0x4e: {  	[sflag:s30] =	ssyncset.done $0x0  }
0x4f: {  	s18 =	sadd.s32 $0x0, s21;
	[sflag:s30] =	ssyncadd.s32 $0xFFFFFFB0  }
0x50: {  	[tilespmem:s31], [sflag:$0x1] =	stream.linear.gather [hbm4b:s18+s3], $0x50, $0x38;
	[tilespmem:$0x18900] =	vst v63  }
0x51: {  	_ =	swait.ge [sflag:s30], $0x50  }
0x52: {  	[sflag:s30] =	ssyncset.done $0x0  }
0x53: {  	[sflag:s30] =	ssyncadd.s32 $0xFFFFFFB0  }
0x54: {  	[tilespmem:s1], [sflag:$0x1] =	stream.linear.gather [hbm4b:s25+s3], $0x2800, $0x38;
	[tilespmem:$0x18900] =	vst v63  }
0x55: {  	_ =	swait.ge [sflag:s30], $0x2800  }
0x56: {  	[sflag:s30] =	ssyncset.done $0x0  }
0x57: {  	[sflag:s30] =	ssyncadd.s32 $0xFFFFD800  }
0x58: {  	[spmem:s2] =	stream.indirect.scatter.add.f32 [tilespmem:s1], [sflag:$0x1], $0x80, s3, s0, $0xb8;
	[tilespmem:$0x18900] =	vst v63  }
0x59: {  	_ =	swait.ge [sflag:s30], $0x2800  }
0x5a: {  	[sflag:s30] =	ssyncset.done $0x0  }
0x5b: {  	[sflag:s30] =	ssyncadd.s32 $0xFFFFD800  }
0x5c: {  	[spmem:s2] =	stream.indirect.scatter.add.f32 [tilespmem:s1], [sflag:$0x1], $0x80, s31, s0, $0xb8;
	[tilespmem:$0x18900] =	vst v63  }
0x5d: {  	s14 =	simm.s32 $0xA;
	_ =	swait.ge [sflag:s30], $0x2800  }
0x5e: {  	s15 =	simm.s32 $0x14;
	s13 =	sadd.s32 $0x500, s25;
	[sflag:s30] =	ssyncset.done $0x0  }
.LBB2_4:
0x5f: {  	s16 =	sadd.s32 s14, s20  }
0x60: {  	[sflag:s30] =	ssyncadd.s32 $0xFFFFD800;
	s17 =	smov.u32 s15;
	s18 =	sadd.s32 $0xA, s15  }
0x61: {  	[tilespmem:s3], [sflag:$0x1] =	stream.linear.gather [hbm4b:s16+s3], $0x50, $0x38;
	[tilespmem:$0x18900] =	vst v63  }
0x62: {  	p0 =	sne.s32 s15, $0x4D8;
	_ =	swait.ge [sflag:s30], $0x50  }
0x63: {  	[sflag:s30] =	ssyncset.done $0x0  }
0x64: {  	s15 =	sadd.s32 s14, s21;
	s14 =	smov.u32 s17;
	[sflag:s30] =	ssyncadd.s32 $0xFFFFFFB0  }
0x65: {  	[tilespmem:s31], [sflag:$0x1] =	stream.linear.gather [hbm4b:s15+s3], $0x50, $0x38;
	[tilespmem:$0x18900] =	vst v63  }
0x66: {  	_ =	swait.ge [sflag:s30], $0x50  }
0x67: {  	[sflag:s30] =	ssyncset.done $0x0  }
0x68: {  	[sflag:s30] =	ssyncadd.s32 $0xFFFFFFB0  }
0x69: {  	[tilespmem:s1], [sflag:$0x1] =	stream.linear.gather [hbm4b:s13+s3], $0x2800, $0x38;
	[tilespmem:$0x18900] =	vst v63  }
0x6a: {  	_ =	swait.ge [sflag:s30], $0x2800  }
0x6b: {  	[sflag:s30] =	ssyncset.done $0x0  }
0x6c: {  	[sflag:s30] =	ssyncadd.s32 $0xFFFFD800  }
0x6d: {  	[spmem:s2] =	stream.indirect.scatter.add.f32 [tilespmem:s1], [sflag:$0x1], $0x80, s3, s0, $0xb8;
	[tilespmem:$0x18900] =	vst v63  }
0x6e: {  	_ =	swait.ge [sflag:s30], $0x2800  }
.Ltmp1:
0x6f: {  	[sflag:s30] =	ssyncset.done $0x0;
	(pc) =	sbr.rel @p0 .LBB2_4-.Ltmp1, $4  }
0x70: {  	[sflag:s30] =	ssyncadd.s32 $0xFFFFD800  }
0x71: {  	[spmem:s2] =	stream.indirect.scatter.add.f32 [tilespmem:s1], [sflag:$0x1], $0x80, s31, s0, $0xb8;
	[tilespmem:$0x18900] =	vst v63  }
0x72: {  	_ =	swait.ge [sflag:s30], $0x2800  }
0x73: {  	s15 =	smov.u32 s18;
	s13 =	sadd.s32 $0x500, s13;
	[sflag:s30] =	ssyncset.done $0x0  }
0x74: {  	s15 =	sadd.s32 s14, s20;
	[sflag:s30] =	ssyncadd.s32 $0xFFFFD800  }
0x75: {  	[tilespmem:s3], [sflag:$0x1] =	stream.linear.gather [hbm4b:s15+s3], $0x50, $0x38;
	[tilespmem:$0x18900] =	vst v63  }
0x76: {  	_ =	swait.ge [sflag:s30], $0x50  }
0x77: {  	[sflag:s30] =	ssyncset.done $0x0  }
0x78: {  	s16 =	sadd.s32 s14, s21;
	[sflag:s30] =	ssyncadd.s32 $0xFFFFFFB0  }
0x79: {  	[tilespmem:s31], [sflag:$0x1] =	stream.linear.gather [hbm4b:s16+s3], $0x50, $0x38;
	[tilespmem:$0x18900] =	vst v63  }
0x7a: {  	_ =	swait.ge [sflag:s30], $0x50  }
0x7b: {  	[sflag:s30] =	ssyncset.done $0x0  }
0x7c: {  	[sflag:s30] =	ssyncadd.s32 $0xFFFFFFB0  }
0x7d: {  	[tilespmem:s1], [sflag:$0x1] =	stream.linear.gather [hbm4b:s13+s3], $0x2800, $0x38;
	[tilespmem:$0x18900] =	vst v63  }
0x7e: {  	_ =	swait.ge [sflag:s30], $0x2800  }
0x7f: {  	[sflag:s30] =	ssyncset.done $0x0  }
0x80: {  	[sflag:s30] =	ssyncadd.s32 $0xFFFFD800  }
0x81: {  	[spmem:s2] =	stream.indirect.scatter.add.f32 [tilespmem:s1], [sflag:$0x1], $0x80, s3, s0, $0xb8;
	[tilespmem:$0x18900] =	vst v63  }
0x82: {  	_ =	swait.ge [sflag:s30], $0x2800  }
0x83: {  	[sflag:s30] =	ssyncset.done $0x0  }
0x84: {  	[sflag:s30] =	ssyncadd.s32 $0xFFFFD800  }
0x85: {  	[spmem:s2] =	stream.indirect.scatter.add.f32 [tilespmem:s1], [sflag:$0x1], $0x80, s31, s0, $0xb8;
	[tilespmem:$0x18900] =	vst v63  }
0x86: {  	_ =	swait.ge [sflag:s30], $0x2800  }
0x87: {  	[sflag:s30] =	ssyncset.done $0x0  }
0x88: {  	[sflag:s30] =	ssyncadd.s32 $0xFFFFD800  }
0x89: {  	[bflag:$0x0] =	sbarrier.arrive $0xFFFF  }
0x8a: {  	[tilespmem:s29], [sflag:$0x1] =	stream.linear.gather [spmem:s4], $0x2000, $0x38;
	[tilespmem:$0x18900] =	vst v63  }
0x8b: {  	_ =	swait.ge [sflag:s30], $0x2000  }
0x8c: {  	[sflag:s30] =	ssyncset.done $0x0  }
0x8d: {  	s17 =	rddreg [dreg:$0x3];
	[sflag:s30] =	ssyncadd.s32 $0xFFFFE000  }
0x8e: {  	[hbm4b:s17+s3] =	stream.linear.scatter [tilespmem:s29], [sflag:$0x1], $0x2000, $0x38;
	[tilespmem:$0x18900] =	vst v63  }
0x8f: {  	_ =	swait.ge [sflag:s30], $0x2000  }
0x90: {  	[sflag:s30] =	ssyncset.done $0x0  }
0x91: {  	[sflag:s30] =	ssyncadd.s32 $0xFFFFE000  }
0x92: {  	[tilespmem:s29], [sflag:$0x1] =	stream.linear.gather [spmem:s5], $0x2000, $0x38;
	[tilespmem:$0x18900] =	vst v63  }
0x93: {  	_ =	swait.ge [sflag:s30], $0x2000  }
0x94: {  	[sflag:s30] =	ssyncset.done $0x0  }
0x95: {  	s18 =	rddreg [dreg:$0x4];
	[sflag:s30] =	ssyncadd.s32 $0xFFFFE000  }
0x96: {  	[hbm4b:s18+s3] =	stream.linear.scatter [tilespmem:s29], [sflag:$0x1], $0x2000, $0x38;
	[tilespmem:$0x18900] =	vst v63  }
0x97: {  	_ =	swait.ge [sflag:s30], $0x2000  }
0x98: {  	[sflag:s30] =	ssyncset.done $0x0  }
0x99: {  	[sflag:s30] =	ssyncadd.s32 $0xFFFFE000  }
0x9a: {  	[tilespmem:s29], [sflag:$0x1] =	stream.linear.gather [spmem:s6], $0x2000, $0x38;
	[tilespmem:$0x18900] =	vst v63  }
0x9b: {  	_ =	swait.ge [sflag:s30], $0x2000  }
0x9c: {  	[sflag:s30] =	ssyncset.done $0x0  }
0x9d: {  	s14 =	rddreg [dreg:$0x5];
	[sflag:s30] =	ssyncadd.s32 $0xFFFFE000  }
0x9e: {  	[hbm4b:s14+s3] =	stream.linear.scatter [tilespmem:s29], [sflag:$0x1], $0x2000, $0x38;
	[tilespmem:$0x18900] =	vst v63  }
0x9f: {  	_ =	swait.ge [sflag:s30], $0x2000  }
0xa0: {  	[sflag:s30] =	ssyncset.done $0x0  }
0xa1: {  	[sflag:s30] =	ssyncadd.s32 $0xFFFFE000  }
0xa2: {  	[tilespmem:s29], [sflag:$0x1] =	stream.linear.gather [spmem:s7], $0x2000, $0x38;
	[tilespmem:$0x18900] =	vst v63  }
0xa3: {  	_ =	swait.ge [sflag:s30], $0x2000  }
0xa4: {  	[sflag:s30] =	ssyncset.done $0x0  }
0xa5: {  	s15 =	rddreg [dreg:$0x6];
	[sflag:s30] =	ssyncadd.s32 $0xFFFFE000  }
0xa6: {  	[hbm4b:s15+s3] =	stream.linear.scatter [tilespmem:s29], [sflag:$0x1], $0x2000, $0x38;
	[tilespmem:$0x18900] =	vst v63  }
0xa7: {  	_ =	swait.ge [sflag:s30], $0x2000  }
0xa8: {  	[sflag:s30] =	ssyncset.done $0x0  }
0xa9: {  	[sflag:s30] =	ssyncadd.s32 $0xFFFFE000  }
0xaa: {  	[tilespmem:s29], [sflag:$0x1] =	stream.linear.gather [spmem:s8], $0x2000, $0x38;
	[tilespmem:$0x18900] =	vst v63  }
0xab: {  	_ =	swait.ge [sflag:s30], $0x2000  }
0xac: {  	[sflag:s30] =	ssyncset.done $0x0  }
0xad: {  	s16 =	rddreg [dreg:$0x7];
	[sflag:s30] =	ssyncadd.s32 $0xFFFFE000  }
0xae: {  	[hbm4b:s16+s3] =	stream.linear.scatter [tilespmem:s29], [sflag:$0x1], $0x2000, $0x38;
	[tilespmem:$0x18900] =	vst v63  }
0xaf: {  	_ =	swait.ge [sflag:s30], $0x2000  }
0xb0: {  	[sflag:s30] =	ssyncset.done $0x0  }
0xb1: {  	[sflag:s30] =	ssyncadd.s32 $0xFFFFE000  }
0xb2: {  	[tilespmem:s29], [sflag:$0x1] =	stream.linear.gather [spmem:s9], $0x2000, $0x38;
	[tilespmem:$0x18900] =	vst v63  }
0xb3: {  	_ =	swait.ge [sflag:s30], $0x2000  }
0xb4: {  	[sflag:s30] =	ssyncset.done $0x0  }
0xb5: {  	s17 =	rddreg [dreg:$0x8];
	[sflag:s30] =	ssyncadd.s32 $0xFFFFE000  }
0xb6: {  	[hbm4b:s17+s3] =	stream.linear.scatter [tilespmem:s29], [sflag:$0x1], $0x2000, $0x38;
	[tilespmem:$0x18900] =	vst v63  }
0xb7: {  	_ =	swait.ge [sflag:s30], $0x2000  }
0xb8: {  	[sflag:s30] =	ssyncset.done $0x0  }
0xb9: {  	[sflag:s30] =	ssyncadd.s32 $0xFFFFE000  }
0xba: {  	[tilespmem:s29], [sflag:$0x1] =	stream.linear.gather [spmem:s10], $0x2000, $0x38;
	[tilespmem:$0x18900] =	vst v63  }
0xbb: {  	_ =	swait.ge [sflag:s30], $0x2000  }
0xbc: {  	[sflag:s30] =	ssyncset.done $0x0  }
0xbd: {  	s18 =	rddreg [dreg:$0x9];
	[sflag:s30] =	ssyncadd.s32 $0xFFFFE000  }
0xbe: {  	[hbm4b:s18+s3] =	stream.linear.scatter [tilespmem:s29], [sflag:$0x1], $0x2000, $0x38;
	[tilespmem:$0x18900] =	vst v63  }
0xbf: {  	_ =	swait.ge [sflag:s30], $0x2000  }
0xc0: {  	[sflag:s30] =	ssyncset.done $0x0  }
0xc1: {  	[sflag:s30] =	ssyncadd.s32 $0xFFFFE000  }
0xc2: {  	[tilespmem:s29], [sflag:$0x1] =	stream.linear.gather [spmem:s11], $0x2000, $0x38;
	[tilespmem:$0x18900] =	vst v63  }
0xc3: {  	_ =	swait.ge [sflag:s30], $0x2000  }
0xc4: {  	[sflag:s30] =	ssyncset.done $0x0  }
0xc5: {  	[sflag:s30] =	ssyncadd.s32 $0xFFFFE000  }
0xc6: {  	[hbm4b:s19+s3] =	stream.linear.scatter [tilespmem:s29], [sflag:$0x1], $0x2000, $0x38;
	[tilespmem:$0x18900] =	vst v63  }
0xc7: {  	_ =	swait.ge [sflag:s30], $0x2000  }
0xc8: {  	[sflag:s30] =	ssyncset.done $0x0  }
0xc9: {  	[sflag:s30] =	ssyncadd.s32 $0xFFFFE000  }
0xca: {  	[tilespmem:s29], [sflag:$0x1] =	stream.linear.gather [spmem:s26], $0x2000, $0x38;
	[tilespmem:$0x18900] =	vst v63  }
0xcb: {  	_ =	swait.ge [sflag:s30], $0x2000  }
0xcc: {  	[sflag:s30] =	ssyncset.done $0x0  }
0xcd: {  	[sflag:s30] =	ssyncadd.s32 $0xFFFFE000  }
0xce: {  	[hbm4b:s22+s3] =	stream.linear.scatter [tilespmem:s29], [sflag:$0x1], $0x2000, $0x38;
	[tilespmem:$0x18900] =	vst v63  }
0xcf: {  	_ =	swait.ge [sflag:s30], $0x2000  }
0xd0: {  	[sflag:s30] =	ssyncset.done $0x0  }
0xd1: {  	[sflag:s30] =	ssyncadd.s32 $0xFFFFE000  }
0xd2: {  	[tilespmem:s29], [sflag:$0x1] =	stream.linear.gather [spmem:s28], $0x2000, $0x38;
	[tilespmem:$0x18900] =	vst v63  }
0xd3: {  	s12 =	sadd.s32 $0x1, s12;
	_ =	swait.ge [sflag:s30], $0x2000  }
0xd4: {  	p0 =	sne.s32 s12, s24;
	[sflag:s30] =	ssyncset.done $0x0  }
.Ltmp2:
0xd5: {  	[sflag:s30] =	ssyncadd.s32 $0xFFFFE000;
	(pc) =	sbr.rel @p0 .LBB2_1-.Ltmp2, $4  }
0xd6: {  	[hbm4b:s23+s3] =	stream.linear.scatter [tilespmem:s29], [sflag:$0x1], $0x2000, $0x38;
	[tilespmem:$0x18900] =	vst v63  }
0xd7: {  	_ =	swait.ge [sflag:s30], $0x2000  }
0xd8: {  	[sflag:s30] =	ssyncset.done $0x0  }
0xd9: {  	[sflag:s30] =	ssyncadd.s32 $0xFFFFE000  }
0xda: {  	_ =	sfence.sel $0x180000  }
0xdb: {  	[bflag:$0x0] =	sbarrier.arrive $0xFFFF  }
0xdc: {  	_ =	strace $0x90000050  }
0xdd: {  	s0 =	stileid.u32;
	[bflag:$0x2] =	sbarrier.arrive $0xFFFF  }
0xde: {  	p0 =	sne.s32 s0, $0x0;
	s0 =	rddreg [dreg:$0x2]  }
0xdf: {  	s0 =	sadd.s32 @!p0 $0x100000, s0  }
0xe0: {  	[sflag:s0] =	ssyncadd.tile.s32 @!p0 $0x1;
	_ =	shalt  }
.Lfunc_end2:
_tile_overlayer_lowered:
.L_overlay_start_2:
0xe1: {  	(tag) =	ssettag $0x2  }
0xe2: {  	s0 =	rddreg [dreg:$0x0];
	s2 =	stileid.u32  }
0xe3: {  	s1 =	rddreg [dreg:$0x1];
	p0 =	sne.s32 s2, $0x0  }
0xe4: {  	s3 =	rddreg [dreg:$0x2];
	[bflag:$0x3] =	sbarrier.arrive $0xFFFF;
	s2 =	simm.s32 @!p0 $0x1C01  }
0xe5: {  	[timem:s3], [sflag:s2] =	dma.local @!p0 [hbm:s0], s1  }
0xe6: {  	s0 =	simm.s32 @!p0 $0x1  }
0xe7: {  	_ =	swait.ge @!p0 [sflag:s0], s1  }
0xe8: {  	s1 =	ssub.s32 @!p0 $0x0, s1;
	[sflag:s0] =	ssyncset.done @!p0 $0x0  }
0xe9: {  	[sflag:s0] =	ssyncadd.s32 @!p0 s1  }
0xea: {  	[bflag:$0x3] =	sbarrier.arrive $0xFFFF  }
0xeb: {  	_ =	shalt  }

// kernel: kernel.23.cloned.1.call-start
scs
__scs_entry_jumppad:
0x0: {  	(pc) =	sbr.rel $0x88, $3  }
0x1: {  	(tag) =	ssettag $0x0;
	lr =	simm.s32 $0x1  }
0x2: {  	[smem:$0x3F8F] =	sst lr;
	_ =	strace $0xD0000000  }
0x3: {  	_ = 	snop  }
0x4: {  	_ = 	snop  }
0x5: {  	_ = 	snop  }
0x6: {  	_ = 	snop  }
0x7: {  	_ = 	snop  }
__scs_overlays_trampoline_lowered:
0x8: {  	[smem:$0x3F9E] =	sst s0  }
0x9: {  	[smem:$0x3F9F] =	sst s1  }
0xa: {  	[smem:$0x3FA0] =	sst s2  }
0xb: {  	[smem:$0x3FA1] =	sst s3  }
0xc: {  	[smem:$0x3FA2] =	sst s4  }
0xd: {  	[smem:$0x3FA3] =	sst s5  }
0xe: {  	[smem:$0x3FA4] =	sst s6  }
0xf: {  	[smem:$0x3FA5] =	sst s7  }
0x10: {  	[smem:$0x3FA6] =	sst s8  }
0x11: {  	[smem:$0x3FA7] =	sst s9;
	s0 =	simm.s32 @!p0 $0x0  }
0x12: {  	s1 =	sld [smem:$0x3F8D];
	s0 =	simm.s32 @p0 $0x1  }
0x13: {  	[smem:$0x3FA8] =	sst s0;
	s0 =	simm.s32 @!p1 $0x0  }
0x14: {  	s2 =	sld [smem:$0x3F8C];
	s0 =	simm.s32 @p1 $0x1  }
0x15: {  	[smem:$0x3FA9] =	sst s0;
	s0 =	simm.s32 @!p2 $0x0  }
0x16: {  	s3 =	sld [smem:$0x3FDB];
	s0 =	simm.s32 @p2 $0x1  }
0x17: {  	s4 =	simm.s32 $0x1BF5;
	[smem:$0x3FAB] =	sst s0  }
0x18: {  	s0 =	sld [smem:$0x3F8E];
	_ =	swait.ge [sflag:s4], $0x0  }
0x19: {  	s7 =	sld [smem:$0x3F8F]  }
0x1a: {  	s8 =	sadd.s32 $0xFFFFE003, lr  }
0x1b: {  	s9 =	sadd.s32 $0xFFFFFEF7, lr;
	s5 =	simm.s32 $0xFFFFFFFF;
	p2 =	slt.u32 s8, $0xFFFFF086  }
0x1c: {  	p1 =	slt.u32 s9, $0xF7A;
	s5 =	simm.s32 @!p2 $0x0  }
0x1d: {  	s5 =	simm.s32 @p1 $0x1;
	p0 =	seq.s32 s7, s2  }
0x1e: {  	s7 =	smul.u32 @!p0 $0xF7A, s2;
	p2 =	seq.s32 @!p0 s5, $0x0  }
0x1f: {  	s9 =	smul.u32 $0xF7A, s1;
	s8 =	simm.s32 @!p0 $0x1BF5;
	p2 =	por !p2, p0  }
0x20: {  	[sflag:s8] =	ssyncset.s32 @!p0 $0xFFFFF086;
	s6 =	sadd.s32 @!p0 s3, s7;
	s7 =	simm.s32 @!p0 $0x108  }
0x21: {  	s3 =	sadd.s32 s3, s9;
	s6 =	sadd.s32 @!p0 $0x88, s6;
	s7 =	simm.s32 @p2 $0x1082  }
0x22: {  	[simem:s7], [sflag:s8] =	dma.local @!p0 [hbm:s6], $0xF7A  }
0x23: {  	s9 =	sor.u32 $0xD0000000, s2;
	s6 =	simm.s32 $0x108;
	_ =	swait.ge @!p0 [sflag:s8], $0x0  }
0x24: {  	s3 =	sadd.s32 $0x88, s3;
	s6 =	simm.s32 @!p1 $0x1082;
	[sflag:s4] =	ssyncset.s32 $0xFFFFF086  }
0x25: {  	[simem:s6], [sflag:s4] =	dma.local [hbm:s3], $0xF7A  }
0x26: {  	[smem:$0x3F8F] =	sst s1;
	(tag) =	ssettag s2;
	_ =	strace s9  }
0x27: {  	s1 =	sld [smem:$0x3F9F]  }
0x28: {  	s2 =	sld [smem:$0x3FA0]  }
0x29: {  	s4 =	sld [smem:$0x3FA2]  }
0x2a: {  	p0 =	seq.s32 s5, $0x0;
	s5 =	sld [smem:$0x3FA3]  }
0x2b: {  	s6 =	sld [smem:$0x3FA4]  }
0x2c: {  	s7 =	sld [smem:$0x3FA5]  }
0x2d: {  	s3 =	simm.s32 $0x108;
	s8 =	sld [smem:$0x3FA6]  }
0x2e: {  	s3 =	simm.s32 @!p0 $0x1082;
	s9 =	sld [smem:$0x3FA7]  }
0x2f: {  	lr =	sadd.s32 s0, s3;
	s0 =	sld [smem:$0x3F9E]  }
0x30: {  	s3 =	sld [smem:$0x3FA1]  }
0x31: {  	[smem:$0x3FAA] =	sst s10  }
0x32: {  	s10 =	sld [smem:$0x3FA8];
	_ =	sdelay $0x3  }
0x33: {  	p0 =	seq.s32 s10, $0x1;
	s10 =	sld [smem:$0x3FAA];
	_ =	sdelay $0x3  }
0x34: {  	[smem:$0x3FAA] =	sst s10  }
0x35: {  	s10 =	sld [smem:$0x3FA9];
	_ =	sdelay $0x3  }
0x36: {  	p1 =	seq.s32 s10, $0x1;
	s10 =	sld [smem:$0x3FAA];
	_ =	sdelay $0x3  }
0x37: {  	[smem:$0x3FAA] =	sst s10  }
0x38: {  	s10 =	sld [smem:$0x3FAB]  }
0x39: {  	_ = 	snop;
	(pc) =	sbr.ind lr, $3  }
0x3a: {  	_ = 	snop  }
0x3b: {  	_ = 	snop  }
0x3c: {  	p2 =	seq.s32 s10, $0x1;
	s10 =	sld [smem:$0x3FAA]  }
0x3d: {  	_ =	shalt  }
0x3e: {  	_ =	shalt  }
0x3f: {  	_ =	shalt  }
0x40: {  	_ =	shalt  }
0x41: {  	_ =	shalt  }
0x42: {  	_ =	shalt  }
0x43: {  	_ =	shalt  }
0x44: {  	_ =	shalt  }
0x45: {  	_ =	shalt  }
0x46: {  	_ =	shalt  }
0x47: {  	_ =	shalt  }
0x48: {  	_ =	shalt  }
0x49: {  	_ =	shalt  }
0x4a: {  	_ =	shalt  }
0x4b: {  	_ =	shalt  }
0x4c: {  	_ =	shalt  }
0x4d: {  	_ =	shalt  }
0x4e: {  	_ =	shalt  }
0x4f: {  	_ =	shalt  }
0x50: {  	_ =	shalt  }
0x51: {  	_ =	shalt  }
0x52: {  	_ =	shalt  }
0x53: {  	_ =	shalt  }
0x54: {  	_ =	shalt  }
0x55: {  	_ =	shalt  }
0x56: {  	_ =	shalt  }
0x57: {  	_ =	shalt  }
0x58: {  	_ =	shalt  }
0x59: {  	_ =	shalt  }
0x5a: {  	_ =	shalt  }
0x5b: {  	_ =	shalt  }
0x5c: {  	_ =	shalt  }
0x5d: {  	_ =	shalt  }
0x5e: {  	_ =	shalt  }
0x5f: {  	_ =	shalt  }
0x60: {  	_ =	shalt  }
0x61: {  	_ =	shalt  }
0x62: {  	_ =	shalt  }
0x63: {  	_ =	shalt  }
0x64: {  	_ =	shalt  }
0x65: {  	_ =	shalt  }
0x66: {  	_ =	shalt  }
0x67: {  	_ =	shalt  }
0x68: {  	_ =	shalt  }
0x69: {  	_ =	shalt  }
0x6a: {  	_ =	shalt  }
0x6b: {  	_ =	shalt  }
0x6c: {  	_ =	shalt  }
0x6d: {  	_ =	shalt  }
0x6e: {  	_ =	shalt  }
0x6f: {  	_ =	shalt  }
0x70: {  	_ =	shalt  }
0x71: {  	_ =	shalt  }
0x72: {  	_ =	shalt  }
0x73: {  	_ =	shalt  }
0x74: {  	_ =	shalt  }
0x75: {  	_ =	shalt  }
0x76: {  	_ =	shalt  }
0x77: {  	_ =	shalt  }
0x78: {  	_ =	shalt  }
0x79: {  	_ =	shalt  }
0x7a: {  	_ =	shalt  }
0x7b: {  	_ =	shalt  }
0x7c: {  	_ =	shalt  }
0x7d: {  	_ =	shalt  }
0x7e: {  	_ =	shalt  }
0x7f: {  	_ =	shalt  }
0x80: {  	_ =	shalt  }
0x81: {  	_ =	shalt  }
0x82: {  	_ =	shalt  }
0x83: {  	_ =	shalt  }
0x84: {  	_ =	shalt  }
0x85: {  	_ =	shalt  }
0x86: {  	_ =	shalt  }
0x87: {  	_ =	shalt  }
.Lfunc_end0:
.L_simem_size_0:
called_computation.4_lowered:
.L_overlay_start_0:
0x88: {  	s2 =	sld [smem:$0x3FD9]  }
0x89: {  	s3 =	sld [smem:$0x3FFE];
	_ =	sdelay $0x1  }
0x8a: {  	s1 =	srdreg.scid  }
0x8b: {  	s0 =	sand.u32 $0x1, s1  }
0x8c: {  	s16 =	sshll.u32 s0, $0xA;
	s2 =	sadd.s32 s3, s2  }
0x8d: {  	s2 =	sadd.s32 s2, s16  }
0x8e: {  	[smem:$0x3FB6] =	sst s2  }
0x8f: {  	_ = 	snop  }
0x90: {  	(tm) =	ssettm $0x1  }
0x91: {  	s17 =	sld [smem:$0x3FFB];
	_ =	sdelay $0x3  }
0x92: {  	_ =	strace s17  }
0x93: {  	s2 =	sld [smem:$0x3FFC];
	_ =	sdelay $0x3  }
0x94: {  	_ =	strace s2  }
0x95: {  	s2 =	sld [smem:$0x3FFD];
	_ =	sdelay $0x3  }
0x96: {  	_ =	strace s2  }
0x97: {  	_ =	strace $0x8FFFFFFF  }
0x98: {  	s18 =	sld [smem:$0x3FDB];
	_ =	sdelay $0x1  }
0x99: {  	s19 =	simm.s32 $_scs_section_size  }
0x9a: {  	s4 =	simm.s32 $_size__tile_overlayer_lowered;
	s5 =	simm.s32 $_tile_overlayer_lowered  }
0x9b: {  	s22 =	simm.s32 $0x1BFF;
	s21 =	sshll.u32 s5, $0x1;
	s2 =	sadd.s32 s19, s18  }
0x9c: {  	s6 =	simm.s32 $0x0;
	s20 =	sshll.u32 s4, $0x1;
	s4 =	sadd.s32 s21, s2  }
0x9d: {  	[timem:s6], [sflag:s22] =	dma.local [hbm:s4], s20  }
0x9e: {  	_ =	swait.ge [sflag:s22], s20  }
0x9f: {  	s3 =	ssub.s32 $0x0, s20;
	[sflag:s22] =	ssyncset.done $0x0  }
0xa0: {  	[sflag:s22] =	ssyncadd.s32 s3;
	_ =	sdelay $0x1  }
0xa1: {  	s23 =	simm.s32 $0x1B8B  }
0xa2: {  	_ =	swait.ge [sflag:s23], $0x1  }
0xa3: {  	[sflag:s23] =	ssyncset.done $0x0  }
0xa4: {  	s25 =	simm.s32 $0x1B8E;
	s24 =	sld [smem:$0x3FFE];
	[sflag:s23] =	ssyncadd.s32 $0xFFFFFFFF  }
0xa5: {  	s26 =	simm.s32 $execute0_lowered;
	[smem:$0x3FD2] =	sst s25  }
0xa6: {  	s4 =	sshll.u32 s26, $0x1;
	_ =	strace $0x80000052;
	[dreg:$0x1] =	wrdreg $0xFFFFFFFF  }
0xa7: {  	s28 =	simm.s32 $_size_execute0_lowered;
	s2 =	sadd.s32 s2, s4;
	[dreg:$0x0] =	wrdreg $0x0  }
0xa8: {  	s4 =	sshll.u32 s28, $0x1;
	[dreg:$0x2] =	wrdreg s2  }
0xa9: {  	[dreg:$0x3] =	wrdreg s4  }
0xaa: {  	[dreg:$0x4] =	wrdreg $0xC0  }
0xab: {  	_ =	task [dreg:s6], $0x5FFFF  }
0xac: {  	[dreg:$0x1] =	wrdreg $0xFFFFFFFF  }
0xad: {  	[dreg:$0x0] =	wrdreg $0x60  }
0xae: {  	[dreg:$0x2] =	wrdreg s24  }
0xaf: {  	[dreg:$0x3] =	wrdreg $0x9  }
0xb0: {  	_ =	task.clear_ibuf [dreg:s6], $0x4FFFF;
	_ =	strace $0x90000052  }
0xb1: {  	s29 =	simm.s32 $0x9;
	_ =	strace $0x80000054  }
0xb2: {  	_ =	swait.ge [sflag:s29], $0x1  }
0xb3: {  	[sflag:s29] =	ssyncadd.s32 $0xFFFFFFFF  }
0xb4: {  	_ =	strace $0x90000054  }
0xb5: {  	_ =	sfence  }
0xb6: {  	s30 =	sld [smem:$0x0];
	_ =	sdelay $0x2  }
0xb7: {  	s31 =	sshll.u32 s1, $0xD;
	s1 =	sshrl.u32 s1, $0x2  }
0xb8: {  	s3 =	sand.u32 $0x4000, s31;
	s1 =	sadd.s32 s1, s30  }
0xb9: {  	s0 =	sor.u32 s3, s0;
	s1 =	sshll.u32 s1, $0x11  }
0xba: {  	s0 =	sor.u32 s1, s0  }
0xbb: {  	s0 =	sadd.s32 $0x8F2B, s0  }
0xbc: {  	[sflag:s0] =	ssyncadd.remote.s32 $0x1  }
0xbd: {  	_ =	sfence.sel $0xFFFF  }
0xbe: {  	[dreg:$0x0] =	wrdreg $0xFFFFFFFF;
	(pc) =	sbr.abs _section_cstart, $3  }
0xbf: {  	[dreg:$0x1] =	wrdreg $0xFFFFFFFF  }
0xc0: {  	_ =	task.clear_ibuf [dreg:s6], $0x2FFFF;
	_ =	strace $0x9FFFFFFF  }
0xc1: {  	(tm) =	ssettm $0x7FFFFFFF  }
tec
execute0_lowered:
.L_overlay_start_1:
0x0: {  	(tag) =	ssettag $0x1  }
0x1: {  	s4 =	rddreg [dreg:$0x0]  }
0x2: {  	s0 =	rddreg [dreg:$0x1]  }
0x3: {  	s1 =	stileid.u32;
	s3 =	srdreg.scid;
	s2 =	simm.s32 $0x0  }
0x4: {  	s11 =	simm.s32 $0x50;
	s12 =	simm.s32 $0x100;
	s13 =	simm.s32 $0x2900  }
0x5: {  	s14 =	simm.s32 $0x1;
	s15 =	simm.s32 $0x0;
	s5 =	smul.u32 $0x4E200, s1  }
0x6: {  	s3 =	sand.u32 $0x1, s3;
	[smem:$0x7FF] =	sst s2;
	s7 =	smul.u32 $0x4E20, s1  }
0x7: {  	s8 =	sadd.s32 $0x5400, s4;
	s6 =	smul.u32 $0x27100, s3;
	s9 =	ssub.s32 $0x2, s3  }
0x8: {  	_ =	strace $0x80000053;
	s10 =	smul.u32 $0x2710, s3;
	s30 =	sshrl.u32 s9, $0x1  }
0x9: {  	s3 =	sadd.s32 $0x1E2A200, s4;
	s4 =	sadd.s32 s5, s4;
	s5 =	ssub.s32 s9, s30  }
0xa: {  	s6 =	sadd.s32 s6, s4;
	s7 =	sadd.s32 s10, s7;
	s10 =	simm.s32 $0x80  }
0xb: {  	s4 =	smax.u32 s5, $0x1;
	s5 =	sadd.s32 $0x27EE200, s6;
	s31 =	sadd.s32 $0x4E200, s7  }
0xc: {  	s6 =	sadd.s32 $0x2CD0200, s6;
	s7 =	sshrl.u32 s7, $0x3;
	s9 =	sshrl.u32 s31, $0x3  }
0xd: {  	s7 =	sadd.s32 s7, s8;
	s8 =	sadd.s32 s9, s8;
	s9 =	simm.s32 $0x2  }
.LBB2_1:
0xe: {  	s16 =	sadd.s32 $0x0, s7  }
0xf: {  	[tilespmem:s2], [sflag:$0x2] =	stream.linear.gather [hbm4b:s16+s2], $0x50, $0x38;
	[tilespmem:$0x5100] =	vst v63  }
0x10: {  	_ =	swait.ge [sflag:s9], $0x50  }
0x11: {  	[sflag:s9] =	ssyncset.done $0x0  }
0x12: {  	s31 =	sadd.s32 $0x0, s8;
	[sflag:s9] =	ssyncadd.s32 $0xFFFFFFB0  }
0x13: {  	[tilespmem:s10], [sflag:$0x2] =	stream.linear.gather [hbm4b:s31+s2], $0x50, $0x38;
	[tilespmem:$0x5100] =	vst v63  }
0x14: {  	_ =	swait.ge [sflag:s9], $0x50  }
0x15: {  	[sflag:s9] =	ssyncset.done $0x0  }
0x16: {  	[sflag:s9] =	ssyncadd.s32 $0xFFFFFFB0  }
0x17: {  	[tilespmem:s12], [sflag:$0x1] =	stream.indirect.gather [hbm4b:s3+s11], $0x80, s2, s11, $0xb8;
	[tilespmem:$0x5100] =	vst v63  }
0x18: {  	_ = 	snop  }
0x19: {  	[tilespmem:s13], [sflag:$0x1] =	stream.indirect.gather [hbm4b:s3+s11], $0x80, s10, s11, $0xb8;
	[tilespmem:$0x5100] =	vst v63  }
0x1a: {  	_ =	swait.ge [sflag:s14], $0x2800  }
0x1b: {  	[sflag:s14] =	ssyncset.done $0x0  }
0x1c: {  	[sflag:s14] =	ssyncadd.s32 $0xFFFFD800  }
0x1d: {  	[hbm4b:s5+s2] =	stream.linear.scatter [tilespmem:s12], [sflag:$0x2], $0x2800, $0x38;
	[tilespmem:$0x5100] =	vst v63  }
0x1e: {  	_ =	swait.ge [sflag:s9], $0x2800  }
0x1f: {  	[sflag:s9] =	ssyncset.done $0x0  }
0x20: {  	[sflag:s9] =	ssyncadd.s32 $0xFFFFD800  }
0x21: {  	_ =	swait.ge [sflag:s14], $0x2800  }
0x22: {  	[sflag:s14] =	ssyncset.done $0x0  }
0x23: {  	[sflag:s14] =	ssyncadd.s32 $0xFFFFD800  }
0x24: {  	[hbm4b:s6+s2] =	stream.linear.scatter [tilespmem:s13], [sflag:$0x2], $0x2800, $0x38;
	[tilespmem:$0x5100] =	vst v63  }
0x25: {  	s18 =	simm.s32 $0xA;
	s19 =	simm.s32 $0x14;
	_ =	swait.ge [sflag:s9], $0x2800  }
0x26: {  	s17 =	sadd.s32 $0x500, s5;
	s16 =	sadd.s32 $0x500, s6;
	[sflag:s9] =	ssyncset.done $0x0  }
.LBB2_2:
0x27: {  	s20 =	sadd.s32 s18, s7  }
0x28: {  	[sflag:s9] =	ssyncadd.s32 $0xFFFFD800;
	s21 =	smov.u32 s19;
	s22 =	sadd.s32 $0xA, s19  }
0x29: {  	[tilespmem:s2], [sflag:$0x2] =	stream.linear.gather [hbm4b:s20+s2], $0x50, $0x38;
	[tilespmem:$0x5100] =	vst v63  }
0x2a: {  	p0 =	sne.s32 s19, $0x4D8;
	_ =	swait.ge [sflag:s9], $0x50  }
0x2b: {  	[sflag:s9] =	ssyncset.done $0x0  }
0x2c: {  	s19 =	sadd.s32 s18, s8;
	s18 =	smov.u32 s21;
	[sflag:s9] =	ssyncadd.s32 $0xFFFFFFB0  }
0x2d: {  	[tilespmem:s10], [sflag:$0x2] =	stream.linear.gather [hbm4b:s19+s2], $0x50, $0x38;
	[tilespmem:$0x5100] =	vst v63  }
0x2e: {  	_ =	swait.ge [sflag:s9], $0x50  }
0x2f: {  	[sflag:s9] =	ssyncset.done $0x0  }
0x30: {  	[sflag:s9] =	ssyncadd.s32 $0xFFFFFFB0  }
0x31: {  	[tilespmem:s12], [sflag:$0x1] =	stream.indirect.gather [hbm4b:s3+s11], $0x80, s2, s11, $0xb8;
	[tilespmem:$0x5100] =	vst v63  }
0x32: {  	_ = 	snop  }
0x33: {  	[tilespmem:s13], [sflag:$0x1] =	stream.indirect.gather [hbm4b:s3+s11], $0x80, s10, s11, $0xb8;
	[tilespmem:$0x5100] =	vst v63  }
0x34: {  	_ =	swait.ge [sflag:s14], $0x2800  }
0x35: {  	[sflag:s14] =	ssyncset.done $0x0  }
0x36: {  	[sflag:s14] =	ssyncadd.s32 $0xFFFFD800  }
0x37: {  	[hbm4b:s17+s2] =	stream.linear.scatter [tilespmem:s12], [sflag:$0x2], $0x2800, $0x38;
	[tilespmem:$0x5100] =	vst v63  }
0x38: {  	_ =	swait.ge [sflag:s9], $0x2800  }
0x39: {  	[sflag:s9] =	ssyncset.done $0x0  }
0x3a: {  	[sflag:s9] =	ssyncadd.s32 $0xFFFFD800  }
0x3b: {  	_ =	swait.ge [sflag:s14], $0x2800  }
.Ltmp0:
0x3c: {  	[sflag:s14] =	ssyncset.done $0x0;
	(pc) =	sbr.rel @p0 .LBB2_2-.Ltmp0, $4  }
0x3d: {  	[sflag:s14] =	ssyncadd.s32 $0xFFFFD800  }
0x3e: {  	[hbm4b:s16+s2] =	stream.linear.scatter [tilespmem:s13], [sflag:$0x2], $0x2800, $0x38;
	[tilespmem:$0x5100] =	vst v63  }
0x3f: {  	s19 =	smov.u32 s22;
	_ =	swait.ge [sflag:s9], $0x2800  }
0x40: {  	s17 =	sadd.s32 $0x500, s17;
	s16 =	sadd.s32 $0x500, s16;
	[sflag:s9] =	ssyncset.done $0x0  }
0x41: {  	s19 =	sadd.s32 s18, s7;
	[sflag:s9] =	ssyncadd.s32 $0xFFFFD800  }
0x42: {  	[tilespmem:s2], [sflag:$0x2] =	stream.linear.gather [hbm4b:s19+s2], $0x50, $0x38;
	[tilespmem:$0x5100] =	vst v63  }
0x43: {  	_ =	swait.ge [sflag:s9], $0x50  }
0x44: {  	[sflag:s9] =	ssyncset.done $0x0  }
0x45: {  	s31 =	sadd.s32 s18, s8;
	[sflag:s9] =	ssyncadd.s32 $0xFFFFFFB0  }
0x46: {  	[tilespmem:s10], [sflag:$0x2] =	stream.linear.gather [hbm4b:s31+s2], $0x50, $0x38;
	[tilespmem:$0x5100] =	vst v63  }
0x47: {  	_ =	swait.ge [sflag:s9], $0x50  }
0x48: {  	[sflag:s9] =	ssyncset.done $0x0  }
0x49: {  	[sflag:s9] =	ssyncadd.s32 $0xFFFFFFB0  }
0x4a: {  	[tilespmem:s12], [sflag:$0x1] =	stream.indirect.gather [hbm4b:s3+s11], $0x80, s2, s11, $0xb8;
	[tilespmem:$0x5100] =	vst v63  }
0x4b: {  	_ = 	snop  }
0x4c: {  	[tilespmem:s13], [sflag:$0x1] =	stream.indirect.gather [hbm4b:s3+s11], $0x80, s10, s11, $0xb8;
	[tilespmem:$0x5100] =	vst v63  }
0x4d: {  	_ =	swait.ge [sflag:s14], $0x2800  }
0x4e: {  	[sflag:s14] =	ssyncset.done $0x0  }
0x4f: {  	[sflag:s14] =	ssyncadd.s32 $0xFFFFD800  }
0x50: {  	[hbm4b:s17+s2] =	stream.linear.scatter [tilespmem:s12], [sflag:$0x2], $0x2800, $0x38;
	[tilespmem:$0x5100] =	vst v63  }
0x51: {  	_ =	swait.ge [sflag:s9], $0x2800  }
0x52: {  	[sflag:s9] =	ssyncset.done $0x0  }
0x53: {  	[sflag:s9] =	ssyncadd.s32 $0xFFFFD800  }
0x54: {  	s15 =	sadd.s32 $0x1, s15;
	_ =	swait.ge [sflag:s14], $0x2800  }
0x55: {  	p0 =	sne.s32 s15, s4;
	[sflag:s14] =	ssyncset.done $0x0  }
.Ltmp1:
0x56: {  	[sflag:s14] =	ssyncadd.s32 $0xFFFFD800;
	(pc) =	sbr.rel @p0 .LBB2_1-.Ltmp1, $4  }
0x57: {  	[hbm4b:s16+s2] =	stream.linear.scatter [tilespmem:s13], [sflag:$0x2], $0x2800, $0x38;
	[tilespmem:$0x5100] =	vst v63  }
0x58: {  	_ =	swait.ge [sflag:s9], $0x2800  }
0x59: {  	[sflag:s9] =	ssyncset.done $0x0  }
0x5a: {  	[sflag:s9] =	ssyncadd.s32 $0xFFFFD800  }
0x5b: {  	_ =	sfence.sel $0x180000  }
0x5c: {  	[bflag:$0x0] =	sbarrier.arrive $0xFFFF  }
0x5d: {  	p0 =	sne.s32 s1, $0x0;
	_ =	strace $0x90000053  }
0x5e: {  	s0 =	sadd.s32 @!p0 $0x100000, s0;
	[bflag:$0x2] =	sbarrier.arrive $0xFFFF  }
0x5f: {  	[sflag:s0] =	ssyncadd.tile.s32 @!p0 $0x1;
	_ =	shalt  }
.Lfunc_end2:
_tile_overlayer_lowered:
.L_overlay_start_2:
0x60: {  	(tag) =	ssettag $0x2  }
0x61: {  	s0 =	rddreg [dreg:$0x0];
	s2 =	stileid.u32  }
0x62: {  	s1 =	rddreg [dreg:$0x1];
	p0 =	sne.s32 s2, $0x0  }
0x63: {  	s3 =	rddreg [dreg:$0x2];
	[bflag:$0x3] =	sbarrier.arrive $0xFFFF;
	s2 =	simm.s32 @!p0 $0x1C02  }
0x64: {  	[timem:s3], [sflag:s2] =	dma.local @!p0 [hbm:s0], s1  }
0x65: {  	s0 =	simm.s32 @!p0 $0x2  }
0x66: {  	_ =	swait.ge @!p0 [sflag:s0], s1  }
0x67: {  	s1 =	ssub.s32 @!p0 $0x0, s1;
	[sflag:s0] =	ssyncset.done @!p0 $0x0  }
0x68: {  	[sflag:s0] =	ssyncadd.s32 @!p0 s1  }
0x69: {  	[bflag:$0x3] =	sbarrier.arrive $0xFFFF  }
0x6a: {  	_ =	shalt  }

</sc_bundles>
